<compile_context>
chip_gen: v7x
topology: tpu7x:2x2x1
jax: 0.10.2.dev20260603
libtpu: 0.0.44.dev20260713+nightly
codegen_flags: <defaults>
</compile_context>

<pallas_src>
import functools

import jax
import jax.numpy as jnp
from jax import lax
from jax.experimental import pallas as pl
from jax.experimental.pallas import tpu as pltpu
from jax.experimental.pallas import tpu_sc as plsc

N = 10000
E = 320000
F_IN = 128
H1P = 16
H2P = 32
FC1 = 32
C = 10

N_PAD = 10240
N_SLICE = N_PAD // 16
CHUNK = 128
ECH = E // CHUNK
NCH_LO = ECH // 32
NCH_EXTRA = ECH - 32 * NCH_LO
NCH_HI = NCH_LO + 1

_MESH = plsc.VectorSubcoreMesh(core_axis_name="c", subcore_axis_name="s")
_SC_PARAMS = pltpu.CompilerParams(use_tc_tiling_on_sc=False)


_NBUF = 8


def _tile_range(tile):
    n = NCH_LO + jnp.where(tile < NCH_EXTRA, 1, 0)
    base = tile * NCH_LO + jnp.minimum(tile, NCH_EXTRA)
    return base, n


def _make_deg_kernel():

    @functools.partial(
        pl.kernel,
        out_type=jax.ShapeDtypeStruct((2, N_PAD), jnp.float32),
        mesh=_MESH,
        compiler_params=_SC_PARAMS,
        scratch_types=[
            pltpu.VMEM((NCH_HI, CHUNK), jnp.int32),
            pltpu.VMEM((CHUNK,), jnp.float32),
            pltpu.VMEM_SHARED((N_PAD,), jnp.float32),
            pltpu.SemaphoreType.DMA((_NBUF,)),
        ],
    )
    def deg_kernel(ei_hbm, ones_hbm, zeros_hbm, out_hbm, idx_d, ones_v, acc,
                   ssem):
        c = lax.axis_index("c")
        s = lax.axis_index("s")
        tile = c * 16 + s
        base, n_my = _tile_range(tile)
        pltpu.sync_copy(zeros_hbm.at[pl.ds(s * N_SLICE, N_SLICE)],
                        acc.at[pl.ds(s * N_SLICE, N_SLICE)])
        pltpu.sync_copy(ones_hbm, ones_v)
        pltpu.sync_copy(ei_hbm.at[1, pl.ds(base, NCH_LO)],
                        idx_d.at[pl.ds(0, NCH_LO)])

        @pl.when(tile < NCH_EXTRA)
        def _():
            pltpu.sync_copy(ei_hbm.at[1, base + NCH_LO], idx_d.at[NCH_LO])

        plsc.subcore_barrier()

        for b in range(_NBUF):
            pltpu.async_copy(ones_v, acc.at[idx_d.at[b]], ssem.at[b], add=True)

        @pl.loop(_NBUF, _NBUF * ((NCH_HI + _NBUF - 1) // _NBUF + 1), step=_NBUF)
        def _(g):
            for b in range(_NBUF):
                j = g + b

                @pl.when(j < n_my)
                def _():
                    pltpu.make_async_copy(
                        ones_v, acc.at[idx_d.at[0]], ssem.at[b]).wait()
                    pltpu.async_copy(ones_v, acc.at[idx_d.at[j]], ssem.at[b],
                                     add=True)

        for b in range(_NBUF):
            pltpu.make_async_copy(ones_v, acc.at[idx_d.at[0]], ssem.at[b]).wait()
        plsc.subcore_barrier()
        pltpu.sync_copy(acc.at[pl.ds(s * N_SLICE, N_SLICE)],
                        out_hbm.at[c, pl.ds(s * N_SLICE, N_SLICE)])

    return deg_kernel


def _make_agg_kernel(H):

    @functools.partial(
        pl.kernel,
        out_type=jax.ShapeDtypeStruct((2, N_PAD, H), jnp.float32),
        mesh=_MESH,
        compiler_params=_SC_PARAMS,
        scratch_types=[
            pltpu.VMEM((2, NCH_HI, CHUNK), jnp.int32),
            pltpu.VMEM((_NBUF, CHUNK, H), jnp.float32),
            pltpu.VMEM_SHARED((N_PAD, H), jnp.float32),
            pltpu.SemaphoreType.DMA((_NBUF,)),
        ],
    )
    def agg_kernel(ei_hbm, hs_hbm, zeros_hbm, out_hbm, idx, rows, acc, gsem):
        c = lax.axis_index("c")
        s = lax.axis_index("s")
        tile = c * 16 + s
        base, n_my = _tile_range(tile)
        pltpu.sync_copy(zeros_hbm.at[pl.ds(s * N_SLICE, N_SLICE)],
                        acc.at[pl.ds(s * N_SLICE, N_SLICE)])
        for h in range(2):
            pltpu.sync_copy(ei_hbm.at[h, pl.ds(base, NCH_LO)],
                            idx.at[h, pl.ds(0, NCH_LO)])

        @pl.when(tile < NCH_EXTRA)
        def _():
            for h in range(2):
                pltpu.sync_copy(ei_hbm.at[h, base + NCH_LO], idx.at[h, NCH_LO])

        plsc.subcore_barrier()

        for b in range(_NBUF):
            pltpu.async_copy(hs_hbm.at[idx.at[0, b]], rows.at[b], gsem.at[b])

        @pl.loop(0, _NBUF * ((NCH_HI + _NBUF - 1) // _NBUF), step=_NBUF)
        def _(g):
            for b in range(_NBUF):
                j = g + b

                @pl.when(j < n_my)
                def _():
                    pltpu.make_async_copy(
                        hs_hbm.at[idx.at[0, 0]], rows.at[b], gsem.at[b]).wait()
                    pltpu.sync_copy(rows.at[b], acc.at[idx.at[1, j]], add=True)

                    @pl.when(j + _NBUF < n_my)
                    def _():
                        pltpu.async_copy(hs_hbm.at[idx.at[0, j + _NBUF]],
                                         rows.at[b], gsem.at[b])

        plsc.subcore_barrier()
        pltpu.sync_copy(acc.at[pl.ds(s * N_SLICE, N_SLICE)],
                        out_hbm.at[c, pl.ds(s * N_SLICE, N_SLICE)])

    return agg_kernel


_deg_kernel = _make_deg_kernel()
_agg16 = _make_agg_kernel(H1P)
_agg32 = _make_agg_kernel(H2P)



_RB = 2048


def _tc1_body(x_ref, w_ref, deg_ref, hs_ref, dinv_ref):
    deg = deg_ref[0, :] + deg_ref[1, :] + 1.0
    dinv = lax.rsqrt(deg)
    h = jnp.dot(x_ref[...], w_ref[...], preferred_element_type=jnp.float32)
    hs_ref[...] = h * dinv[:, None]
    dinv_ref[...] = dinv


def _tc1(x, W1p, deg2):
    grid = (N_PAD // _RB,)
    return pl.pallas_call(
        _tc1_body,
        grid=grid,
        in_specs=[
            pl.BlockSpec((_RB, F_IN), lambda i: (i, 0)),
            pl.BlockSpec((F_IN, H1P), lambda i: (0, 0)),
            pl.BlockSpec((2, _RB), lambda i: (0, i)),
        ],
        out_specs=[
            pl.BlockSpec((_RB, H1P), lambda i: (i, 0)),
            pl.BlockSpec((_RB,), lambda i: (i,)),
        ],
        out_shape=[
            jax.ShapeDtypeStruct((N_PAD, H1P), jnp.float32),
            jax.ShapeDtypeStruct((N_PAD,), jnp.float32),
        ],
    )(x, W1p, deg2)


def _tc2_body(p_ref, hs_ref, dinv_ref, b_ref, w_ref, out_ref):
    dinv = dinv_ref[...]
    g = (p_ref[0] + p_ref[1] + hs_ref[...]) * dinv[:, None] + b_ref[...][None, :]
    g = jnp.maximum(g, 0.0)
    h2 = jnp.dot(g, w_ref[...], preferred_element_type=jnp.float32)
    out_ref[...] = h2 * dinv[:, None]


def _tc2(parts1, hs1, dinv, b1p, W2p):
    grid = (N_PAD // _RB,)
    return pl.pallas_call(
        _tc2_body,
        grid=grid,
        in_specs=[
            pl.BlockSpec((2, _RB, H1P), lambda i: (0, i, 0)),
            pl.BlockSpec((_RB, H1P), lambda i: (i, 0)),
            pl.BlockSpec((_RB,), lambda i: (i,)),
            pl.BlockSpec((H1P,), lambda i: (0,)),
            pl.BlockSpec((H1P, H2P), lambda i: (0, 0)),
        ],
        out_specs=pl.BlockSpec((_RB, H2P), lambda i: (i, 0)),
        out_shape=jax.ShapeDtypeStruct((N_PAD, H2P), jnp.float32),
    )(parts1, hs1, dinv, b1p, W2p)


def _tc3_body(p_ref, hs_ref, dinv_ref, b2_ref, wf1_ref, bf1_ref, wf2_ref,
              bf2_ref, out_ref):
    dinv = dinv_ref[...]
    g = (p_ref[0] + p_ref[1] + hs_ref[...]) * dinv[:, None] + b2_ref[...][None, :]
    g = jnp.maximum(g, 0.0)
    t = jnp.dot(g, wf1_ref[...], preferred_element_type=jnp.float32)
    t = jnp.maximum(t + bf1_ref[...][None, :], 0.0)
    z = jnp.dot(t, wf2_ref[...], preferred_element_type=jnp.float32)
    out_ref[...] = z + bf2_ref[...][None, :]


def _tc3(parts2, hs2, dinv, b2p, Wf1p, bf1, Wf2p, bf2p):
    grid = (N_PAD // _RB,)
    return pl.pallas_call(
        _tc3_body,
        grid=grid,
        in_specs=[
            pl.BlockSpec((2, _RB, H2P), lambda i: (0, i, 0)),
            pl.BlockSpec((_RB, H2P), lambda i: (i, 0)),
            pl.BlockSpec((_RB,), lambda i: (i,)),
            pl.BlockSpec((H2P,), lambda i: (0,)),
            pl.BlockSpec((H2P, FC1), lambda i: (0, 0)),
            pl.BlockSpec((FC1,), lambda i: (0,)),
            pl.BlockSpec((FC1, 16), lambda i: (0, 0)),
            pl.BlockSpec((16,), lambda i: (0,)),
        ],
        out_specs=pl.BlockSpec((_RB, 16), lambda i: (i, 0)),
        out_shape=jax.ShapeDtypeStruct((N_PAD, 16), jnp.float32),
    )(parts2, hs2, dinv, b2p, Wf1p, bf1, Wf2p, bf2p)


def kernel(x, edge_index, W1, b1, W2, b2, Wf1, bf1, Wf2, bf2):
    ei = edge_index.reshape(2, ECH, CHUNK)

    xp = jnp.zeros((N_PAD, F_IN), jnp.float32).at[:N].set(x)
    W1p = jnp.zeros((F_IN, H1P), jnp.float32).at[:, :W1.shape[1]].set(W1)
    b1p = jnp.zeros((H1P,), jnp.float32).at[:b1.shape[0]].set(b1)
    W2p = jnp.zeros((H1P, H2P), jnp.float32).at[:W2.shape[0], :W2.shape[1]].set(W2)
    b2p = jnp.zeros((H2P,), jnp.float32).at[:b2.shape[0]].set(b2)
    Wf1p = jnp.zeros((H2P, FC1), jnp.float32).at[:Wf1.shape[0]].set(Wf1)
    Wf2p = jnp.zeros((FC1, 16), jnp.float32).at[:, :Wf2.shape[1]].set(Wf2)
    bf2p = jnp.zeros((16,), jnp.float32).at[:bf2.shape[0]].set(bf2)

    ones128 = jnp.ones((CHUNK,), jnp.float32)
    zeros1 = jnp.zeros((N_PAD,), jnp.float32)
    zeros16 = jnp.zeros((N_PAD, H1P), jnp.float32)
    zeros32 = jnp.zeros((N_PAD, H2P), jnp.float32)

    deg2 = _deg_kernel(ei, ones128, zeros1)
    hs1, dinv = _tc1(xp, W1p, deg2)
    parts1 = _agg16(ei, hs1, zeros16)
    hs2 = _tc2(parts1, hs1, dinv, b1p, W2p)
    parts2 = _agg32(ei, hs2, zeros32)
    z = _tc3(parts2, hs2, dinv, b2p, Wf1p, bf1, Wf2p, bf2p)
    return z[:N, :C]

# --- scband reference (transcript-rebuilt; emitter-appended) ---
"""Pipeline reference for scband-less-simplified-gnn-61272003444819 (READ-ONLY COPY).

The authoritative reference and input builder live on the scoring server;
editing this copy changes nothing except your own understanding.
"""

import jax, jax.numpy as jnp
import numpy as np

N = 10000
E = 320000
F_IN = 128
H1 = 12
H2 = 24
FC1 = 32
C = 10


def setup_inputs(seed: int = 0) -> dict:
    key = jax.random.key(seed)
    ks = jax.random.split(key, 12)
    x = jax.random.normal(ks[0], (N, F_IN), dtype=jnp.float32)
    edge_index = jax.random.randint(ks[1], (2, E), 0, N, dtype=jnp.int32)
    W1 = jax.random.normal(ks[2], (F_IN, H1), dtype=jnp.float32) / np.sqrt(F_IN)
    b1 = jnp.zeros((H1,), dtype=jnp.float32)
    W2 = jax.random.normal(ks[3], (H1, H2), dtype=jnp.float32) / np.sqrt(H1)
    b2 = jnp.zeros((H2,), dtype=jnp.float32)
    Wf1 = jax.random.normal(ks[4], (H2, FC1), dtype=jnp.float32) / np.sqrt(H2)
    bf1 = jnp.zeros((FC1,), dtype=jnp.float32)
    Wf2 = jax.random.normal(ks[5], (FC1, C), dtype=jnp.float32) / np.sqrt(FC1)
    bf2 = jnp.zeros((C,), dtype=jnp.float32)
    return {"x": x, "edge_index": edge_index, "W1": W1, "b1": b1, "W2": W2, "b2": b2, "Wf1": Wf1, "bf1": bf1, "Wf2": Wf2, "bf2": bf2}


def _gcn_conv(x, src, dst, W, b):
    # PyG-style GCNConv: x' = D^{-1/2} (A + I) D^{-1/2} X W + b
    h = x @ W
    ones = jnp.ones((src.shape[0],), dtype=h.dtype)
    deg = jnp.zeros((N,), dtype=h.dtype).at[dst].add(ones)
    dinv = jnp.where(deg > 0, 1.0 / jnp.sqrt(deg), 0.0)
    norm = dinv[src] * dinv[dst]
    msg = h[src] * norm[:, None]
    out = jnp.zeros((N, h.shape[1]), dtype=h.dtype).at[dst].add(msg)
    return out + b


def reference(x, edge_index, W1, b1, W2, b2, Wf1, bf1, Wf2, bf2):
    loops = jnp.arange(N, dtype=edge_index.dtype)
    src = jnp.concatenate([edge_index[0], loops])
    dst = jnp.concatenate([edge_index[1], loops])
    h = _gcn_conv(x, src, dst, W1, b1)
    h = jax.nn.relu(h)
    h = _gcn_conv(h, src, dst, W2, b2)
    h = jax.nn.relu(h)
    h = jax.nn.relu(h @ Wf1 + bf1)
    out = h @ Wf2 + bf2
    return out

if __name__ == "__main__":
    import jax
    _d = setup_inputs()
    print(jax.jit(kernel)(*tuple(_d.values())))

</pallas_src>

<mosaic_0001>
#map = affine_map<(d0, d1) -> (0, 0, 0)>
#map1 = affine_map<(d0, d1) -> (0, 0)>
module attributes {stable_mosaic.version = 14 : i64} {
  func.func @agg_kernel(%arg0: i32, %arg1: i32, %arg2: memref<2x2500x128xi32, #tpu.memory_space<hbm>>, %arg3: memref<10240x32xf32, #tpu.memory_space<hbm>>, %arg4: memref<10240x32xf32, #tpu.memory_space<hbm>>, %arg5: memref<2x10240x32xf32, #tpu.memory_space<hbm>>, %arg6: memref<2x79x128xi32, #tpu.memory_space<vmem>>, %arg7: memref<8x128x32xf32, #tpu.memory_space<vmem>>, %arg8: memref<10240x32xf32, #tpu.memory_space<vmem_shared>>, %arg9: memref<8x!tpu.dma_semaphore, #tpu.memory_space<semaphore_mem>>) attributes {dimension_semantics = [#tpu.dimension_semantics<core_parallel>, #tpu.dimension_semantics<subcore_parallel>], iteration_bounds = array<i64: 2, 16>, scalar_prefetch = 0 : i64, scratch_operands = 4 : i64, tpu.core_type = #tpu.core_type<sc_vector_subcore>, window_params = [{transform_indices = #map}, {transform_indices = #map1}, {transform_indices = #map1}, {transform_indices = #map}]} {
    %mul3A = arith.constant 16 : i32
    %mul3A_0 = arith.muli %arg0, %mul3A : i32
    %add3A = arith.addi %mul3A_0, %arg1 : i32
    %lt3A = arith.constant 4 : i32
    %lt3A_1 = arith.cmpi slt, %add3A, %lt3A : i32
    %jit3A = arith.constant 1 : i32
    %jit3A_2 = arith.constant 0 : i32
    %select_n3A = arith.select %lt3A_1, %jit3A, %jit3A_2 : i32
    %add3A_3 = arith.constant 78 : i32
    %add3A_4 = arith.addi %add3A_3, %select_n3A : i32
    %mul3A_5 = arith.constant 78 : i32
    %mul3A_6 = arith.muli %add3A, %mul3A_5 : i32
    %min3A = arith.constant 4 : i32
    %min3A_7 = arith.minsi %add3A, %min3A : i32
    %add3A_8 = arith.addi %mul3A_6, %min3A_7 : i32
    %mul3A_9 = arith.constant 640 : i32
    %mul3A_10 = arith.muli %arg1, %mul3A_9 : i32
    %mul3A_11 = arith.constant 640 : i32
    %mul3A_12 = arith.muli %arg1, %mul3A_11 : i32
    "tpu.region"() ({
      %run_scoped3A_155 = tpu.sem_alloc : memref<!tpu.dma_semaphore, #tpu.memory_space<semaphore_mem>>
      %dma_start3A_156 = arith.constant 0 : i32
      %dma_start3A_157 = tpu.memref_slice %arg8[%mul3A_12, %dma_start3A_156] : memref<10240x32xf32, #tpu.memory_space<vmem_shared>> -> memref<640x32xf32, #tpu.memory_space<vmem_shared>>
      %dma_start3A_158 = arith.constant 0 : i32
      %dma_start3A_159 = tpu.memref_slice %arg4[%mul3A_10, %dma_start3A_158] : memref<10240x32xf32, #tpu.memory_space<hbm>> -> memref<640x32xf32, #tpu.memory_space<hbm>>
      tpu.enqueue_dma source(%dma_start3A_159 : memref<640x32xf32, #tpu.memory_space<hbm>>) target(%dma_start3A_157 : memref<640x32xf32, #tpu.memory_space<vmem_shared>>) target_semaphore(%run_scoped3A_155 : memref<!tpu.dma_semaphore, #tpu.memory_space<semaphore_mem>>)
      %dma_wait3A = arith.constant 0 : i32
      %dma_wait3A_160 = tpu.memref_slice %arg8[%mul3A_12, %dma_wait3A] : memref<10240x32xf32, #tpu.memory_space<vmem_shared>> -> memref<640x32xf32, #tpu.memory_space<vmem_shared>>
      %dma_wait3A_161 = arith.constant 0 : i32
      %dma_wait3A_162 = tpu.memref_slice %arg4[%mul3A_10, %dma_wait3A_161] : memref<10240x32xf32, #tpu.memory_space<hbm>> -> memref<640x32xf32, #tpu.memory_space<hbm>>
      tpu.wait_dma2 semaphore(%run_scoped3A_155 : memref<!tpu.dma_semaphore, #tpu.memory_space<semaphore_mem>>) src(%dma_wait3A_162 : memref<640x32xf32, #tpu.memory_space<hbm>>) dst(%dma_wait3A_160 : memref<640x32xf32, #tpu.memory_space<vmem_shared>>)
      tpu.yield
    }) : () -> ()
    %run_scoped3A = arith.constant 0 : i32
    %run_scoped3A_13 = arith.constant 0 : i32
    "tpu.region"() ({
      %run_scoped3A_155 = tpu.sem_alloc : memref<!tpu.dma_semaphore, #tpu.memory_space<semaphore_mem>>
      %dma_start3A_156 = arith.constant 0 : i32
      %dma_start3A_157 = arith.constant 0 : i32
      %dma_start3A_158 = tpu.memref_slice %arg6[%run_scoped3A_13, %dma_start3A_156, %dma_start3A_157] : memref<2x79x128xi32, #tpu.memory_space<vmem>> -> memref<1x78x128xi32, #tpu.memory_space<vmem>>
      %dma_start3A_159 = tpu.memref_squeeze %dma_start3A_158 : memref<1x78x128xi32, #tpu.memory_space<vmem>> -> memref<78x128xi32, #tpu.memory_space<vmem>>
      %dma_start3A_160 = arith.constant 0 : i32
      %dma_start3A_161 = tpu.memref_slice %arg2[%run_scoped3A, %add3A_8, %dma_start3A_160] : memref<2x2500x128xi32, #tpu.memory_space<hbm>> -> memref<1x78x128xi32, #tpu.memory_space<hbm>>
      %dma_start3A_162 = tpu.memref_squeeze %dma_start3A_161 : memref<1x78x128xi32, #tpu.memory_space<hbm>> -> memref<78x128xi32, #tpu.memory_space<hbm>>
      %dma_start3A_163 = arith.constant 0 : i32
      %dma_start3A_164 = arith.constant 0 : i32
      %dma_start3A_165 = tpu.memref_slice %arg6[%run_scoped3A_13, %dma_start3A_163, %dma_start3A_164] : memref<2x79x128xi32, #tpu.memory_space<vmem>> -> memref<1x78x128xi32, #tpu.memory_space<vmem>>
      %dma_start3A_166 = tpu.memref_squeeze %dma_start3A_165 : memref<1x78x128xi32, #tpu.memory_space<vmem>> -> memref<78x128xi32, #tpu.memory_space<vmem>>
      %dma_start3A_167 = arith.constant 0 : i32
      %dma_start3A_168 = tpu.memref_slice %arg2[%run_scoped3A, %add3A_8, %dma_start3A_167] : memref<2x2500x128xi32, #tpu.memory_space<hbm>> -> memref<1x78x128xi32, #tpu.memory_space<hbm>>
      %dma_start3A_169 = tpu.memref_squeeze %dma_start3A_168 : memref<1x78x128xi32, #tpu.memory_space<hbm>> -> memref<78x128xi32, #tpu.memory_space<hbm>>
      tpu.enqueue_dma source(%dma_start3A_169 : memref<78x128xi32, #tpu.memory_space<hbm>>) target(%dma_start3A_166 : memref<78x128xi32, #tpu.memory_space<vmem>>) target_semaphore(%run_scoped3A_155 : memref<!tpu.dma_semaphore, #tpu.memory_space<semaphore_mem>>)
      %dma_wait3A = arith.constant 0 : i32
      %dma_wait3A_170 = arith.constant 0 : i32
      %dma_wait3A_171 = tpu.memref_slice %arg6[%run_scoped3A_13, %dma_wait3A, %dma_wait3A_170] : memref<2x79x128xi32, #tpu.memory_space<vmem>> -> memref<1x78x128xi32, #tpu.memory_space<vmem>>
      %dma_wait3A_172 = tpu.memref_squeeze %dma_wait3A_171 : memref<1x78x128xi32, #tpu.memory_space<vmem>> -> memref<78x128xi32, #tpu.memory_space<vmem>>
      %dma_wait3A_173 = arith.constant 0 : i32
      %dma_wait3A_174 = tpu.memref_slice %arg2[%run_scoped3A, %add3A_8, %dma_wait3A_173] : memref<2x2500x128xi32, #tpu.memory_space<hbm>> -> memref<1x78x128xi32, #tpu.memory_space<hbm>>
      %dma_wait3A_175 = tpu.memref_squeeze %dma_wait3A_174 : memref<1x78x128xi32, #tpu.memory_space<hbm>> -> memref<78x128xi32, #tpu.memory_space<hbm>>
      %dma_wait3A_176 = arith.constant 0 : i32
      %dma_wait3A_177 = arith.constant 0 : i32
      %dma_wait3A_178 = tpu.memref_slice %arg6[%run_scoped3A_13, %dma_wait3A_176, %dma_wait3A_177] : memref<2x79x128xi32, #tpu.memory_space<vmem>> -> memref<1x78x128xi32, #tpu.memory_space<vmem>>
      %dma_wait3A_179 = tpu.memref_squeeze %dma_wait3A_178 : memref<1x78x128xi32, #tpu.memory_space<vmem>> -> memref<78x128xi32, #tpu.memory_space<vmem>>
      %dma_wait3A_180 = arith.constant 0 : i32
      %dma_wait3A_181 = tpu.memref_slice %arg2[%run_scoped3A, %add3A_8, %dma_wait3A_180] : memref<2x2500x128xi32, #tpu.memory_space<hbm>> -> memref<1x78x128xi32, #tpu.memory_space<hbm>>
      %dma_wait3A_182 = tpu.memref_squeeze %dma_wait3A_181 : memref<1x78x128xi32, #tpu.memory_space<hbm>> -> memref<78x128xi32, #tpu.memory_space<hbm>>
      tpu.wait_dma2 semaphore(%run_scoped3A_155 : memref<!tpu.dma_semaphore, #tpu.memory_space<semaphore_mem>>) src(%dma_wait3A_182 : memref<78x128xi32, #tpu.memory_space<hbm>>) dst(%dma_wait3A_179 : memref<78x128xi32, #tpu.memory_space<vmem>>)
      tpu.yield
    }) : () -> ()
    %run_scoped3A_14 = arith.constant 1 : i32
    %run_scoped3A_15 = arith.constant 1 : i32
    "tpu.region"() ({
      %run_scoped3A_155 = tpu.sem_alloc : memref<!tpu.dma_semaphore, #tpu.memory_space<semaphore_mem>>
      %dma_start3A_156 = arith.constant 0 : i32
      %dma_start3A_157 = arith.constant 0 : i32
      %dma_start3A_158 = tpu.memref_slice %arg6[%run_scoped3A_15, %dma_start3A_156, %dma_start3A_157] : memref<2x79x128xi32, #tpu.memory_space<vmem>> -> memref<1x78x128xi32, #tpu.memory_space<vmem>>
      %dma_start3A_159 = tpu.memref_squeeze %dma_start3A_158 : memref<1x78x128xi32, #tpu.memory_space<vmem>> -> memref<78x128xi32, #tpu.memory_space<vmem>>
      %dma_start3A_160 = arith.constant 0 : i32
      %dma_start3A_161 = tpu.memref_slice %arg2[%run_scoped3A_14, %add3A_8, %dma_start3A_160] : memref<2x2500x128xi32, #tpu.memory_space<hbm>> -> memref<1x78x128xi32, #tpu.memory_space<hbm>>
      %dma_start3A_162 = tpu.memref_squeeze %dma_start3A_161 : memref<1x78x128xi32, #tpu.memory_space<hbm>> -> memref<78x128xi32, #tpu.memory_space<hbm>>
      %dma_start3A_163 = arith.constant 0 : i32
      %dma_start3A_164 = arith.constant 0 : i32
      %dma_start3A_165 = tpu.memref_slice %arg6[%run_scoped3A_15, %dma_start3A_163, %dma_start3A_164] : memref<2x79x128xi32, #tpu.memory_space<vmem>> -> memref<1x78x128xi32, #tpu.memory_space<vmem>>
      %dma_start3A_166 = tpu.memref_squeeze %dma_start3A_165 : memref<1x78x128xi32, #tpu.memory_space<vmem>> -> memref<78x128xi32, #tpu.memory_space<vmem>>
      %dma_start3A_167 = arith.constant 0 : i32
      %dma_start3A_168 = tpu.memref_slice %arg2[%run_scoped3A_14, %add3A_8, %dma_start3A_167] : memref<2x2500x128xi32, #tpu.memory_space<hbm>> -> memref<1x78x128xi32, #tpu.memory_space<hbm>>
      %dma_start3A_169 = tpu.memref_squeeze %dma_start3A_168 : memref<1x78x128xi32, #tpu.memory_space<hbm>> -> memref<78x128xi32, #tpu.memory_space<hbm>>
      tpu.enqueue_dma source(%dma_start3A_169 : memref<78x128xi32, #tpu.memory_space<hbm>>) target(%dma_start3A_166 : memref<78x128xi32, #tpu.memory_space<vmem>>) target_semaphore(%run_scoped3A_155 : memref<!tpu.dma_semaphore, #tpu.memory_space<semaphore_mem>>)
      %dma_wait3A = arith.constant 0 : i32
      %dma_wait3A_170 = arith.constant 0 : i32
      %dma_wait3A_171 = tpu.memref_slice %arg6[%run_scoped3A_15, %dma_wait3A, %dma_wait3A_170] : memref<2x79x128xi32, #tpu.memory_space<vmem>> -> memref<1x78x128xi32, #tpu.memory_space<vmem>>
      %dma_wait3A_172 = tpu.memref_squeeze %dma_wait3A_171 : memref<1x78x128xi32, #tpu.memory_space<vmem>> -> memref<78x128xi32, #tpu.memory_space<vmem>>
      %dma_wait3A_173 = arith.constant 0 : i32
      %dma_wait3A_174 = tpu.memref_slice %arg2[%run_scoped3A_14, %add3A_8, %dma_wait3A_173] : memref<2x2500x128xi32, #tpu.memory_space<hbm>> -> memref<1x78x128xi32, #tpu.memory_space<hbm>>
      %dma_wait3A_175 = tpu.memref_squeeze %dma_wait3A_174 : memref<1x78x128xi32, #tpu.memory_space<hbm>> -> memref<78x128xi32, #tpu.memory_space<hbm>>
      %dma_wait3A_176 = arith.constant 0 : i32
      %dma_wait3A_177 = arith.constant 0 : i32
      %dma_wait3A_178 = tpu.memref_slice %arg6[%run_scoped3A_15, %dma_wait3A_176, %dma_wait3A_177] : memref<2x79x128xi32, #tpu.memory_space<vmem>> -> memref<1x78x128xi32, #tpu.memory_space<vmem>>
      %dma_wait3A_179 = tpu.memref_squeeze %dma_wait3A_178 : memref<1x78x128xi32, #tpu.memory_space<vmem>> -> memref<78x128xi32, #tpu.memory_space<vmem>>
      %dma_wait3A_180 = arith.constant 0 : i32
      %dma_wait3A_181 = tpu.memref_slice %arg2[%run_scoped3A_14, %add3A_8, %dma_wait3A_180] : memref<2x2500x128xi32, #tpu.memory_space<hbm>> -> memref<1x78x128xi32, #tpu.memory_space<hbm>>
      %dma_wait3A_182 = tpu.memref_squeeze %dma_wait3A_181 : memref<1x78x128xi32, #tpu.memory_space<hbm>> -> memref<78x128xi32, #tpu.memory_space<hbm>>
      tpu.wait_dma2 semaphore(%run_scoped3A_155 : memref<!tpu.dma_semaphore, #tpu.memory_space<semaphore_mem>>) src(%dma_wait3A_182 : memref<78x128xi32, #tpu.memory_space<hbm>>) dst(%dma_wait3A_179 : memref<78x128xi32, #tpu.memory_space<vmem>>)
      tpu.yield
    }) : () -> ()
    %lt3A_16 = arith.constant 4 : i32
    %lt3A_17 = arith.cmpi slt, %add3A, %lt3A_16 : i32
    %convert_element_type3A = arith.extui %lt3A_17 : i1 to i32
    %cond3A = arith.constant 0 : i32
    %cond3A_18 = arith.cmpi ne, %convert_element_type3A, %cond3A : i32
    scf.if %cond3A_18 {
      %add3A_155 = arith.constant 78 : i32
      %add3A_156 = arith.addi %add3A_8, %add3A_155 : i32
      %run_scoped3A_157 = arith.constant 0 : i32
      %run_scoped3A_158 = arith.constant 0 : i32
      %run_scoped3A_159 = arith.constant 78 : i32
      "tpu.region"() ({
        %run_scoped3A_165 = tpu.sem_alloc : memref<!tpu.dma_semaphore, #tpu.memory_space<semaphore_mem>>
        %dma_start3A_166 = arith.constant 0 : i32
        %dma_start3A_167 = tpu.memref_slice %arg6[%run_scoped3A_158, %run_scoped3A_159, %dma_start3A_166] : memref<2x79x128xi32, #tpu.memory_space<vmem>> -> memref<1x1x128xi32, #tpu.memory_space<vmem>>
        %dma_start3A_168 = tpu.memref_squeeze %dma_start3A_167 : memref<1x1x128xi32, #tpu.memory_space<vmem>> -> memref<128xi32, #tpu.memory_space<vmem>>
        %dma_start3A_169 = arith.constant 0 : i32
        %dma_start3A_170 = tpu.memref_slice %arg2[%run_scoped3A_157, %add3A_156, %dma_start3A_169] : memref<2x2500x128xi32, #tpu.memory_space<hbm>> -> memref<1x1x128xi32, #tpu.memory_space<hbm>>
        %dma_start3A_171 = tpu.memref_squeeze %dma_start3A_170 : memref<1x1x128xi32, #tpu.memory_space<hbm>> -> memref<128xi32, #tpu.memory_space<hbm>>
        %dma_start3A_172 = arith.constant 0 : i32
        %dma_start3A_173 = tpu.memref_slice %arg6[%run_scoped3A_158, %run_scoped3A_159, %dma_start3A_172] : memref<2x79x128xi32, #tpu.memory_space<vmem>> -> memref<1x1x128xi32, #tpu.memory_space<vmem>>
        %dma_start3A_174 = tpu.memref_squeeze %dma_start3A_173 : memref<1x1x128xi32, #tpu.memory_space<vmem>> -> memref<128xi32, #tpu.memory_space<vmem>>
        %dma_start3A_175 = arith.constant 0 : i32
        %dma_start3A_176 = tpu.memref_slice %arg2[%run_scoped3A_157, %add3A_156, %dma_start3A_175] : memref<2x2500x128xi32, #tpu.memory_space<hbm>> -> memref<1x1x128xi32, #tpu.memory_space<hbm>>
        %dma_start3A_177 = tpu.memref_squeeze %dma_start3A_176 : memref<1x1x128xi32, #tpu.memory_space<hbm>> -> memref<128xi32, #tpu.memory_space<hbm>>
        tpu.enqueue_dma source(%dma_start3A_177 : memref<128xi32, #tpu.memory_space<hbm>>) target(%dma_start3A_174 : memref<128xi32, #tpu.memory_space<vmem>>) target_semaphore(%run_scoped3A_165 : memref<!tpu.dma_semaphore, #tpu.memory_space<semaphore_mem>>)
        %dma_wait3A = arith.constant 0 : i32
        %dma_wait3A_178 = tpu.memref_slice %arg6[%run_scoped3A_158, %run_scoped3A_159, %dma_wait3A] : memref<2x79x128xi32, #tpu.memory_space<vmem>> -> memref<1x1x128xi32, #tpu.memory_space<vmem>>
        %dma_wait3A_179 = tpu.memref_squeeze %dma_wait3A_178 : memref<1x1x128xi32, #tpu.memory_space<vmem>> -> memref<128xi32, #tpu.memory_space<vmem>>
        %dma_wait3A_180 = arith.constant 0 : i32
        %dma_wait3A_181 = tpu.memref_slice %arg2[%run_scoped3A_157, %add3A_156, %dma_wait3A_180] : memref<2x2500x128xi32, #tpu.memory_space<hbm>> -> memref<1x1x128xi32, #tpu.memory_space<hbm>>
        %dma_wait3A_182 = tpu.memref_squeeze %dma_wait3A_181 : memref<1x1x128xi32, #tpu.memory_space<hbm>> -> memref<128xi32, #tpu.memory_space<hbm>>
        %dma_wait3A_183 = arith.constant 0 : i32
        %dma_wait3A_184 = tpu.memref_slice %arg6[%run_scoped3A_158, %run_scoped3A_159, %dma_wait3A_183] : memref<2x79x128xi32, #tpu.memory_space<vmem>> -> memref<1x1x128xi32, #tpu.memory_space<vmem>>
        %dma_wait3A_185 = tpu.memref_squeeze %dma_wait3A_184 : memref<1x1x128xi32, #tpu.memory_space<vmem>> -> memref<128xi32, #tpu.memory_space<vmem>>
        %dma_wait3A_186 = arith.constant 0 : i32
        %dma_wait3A_187 = tpu.memref_slice %arg2[%run_scoped3A_157, %add3A_156, %dma_wait3A_186] : memref<2x2500x128xi32, #tpu.memory_space<hbm>> -> memref<1x1x128xi32, #tpu.memory_space<hbm>>
        %dma_wait3A_188 = tpu.memref_squeeze %dma_wait3A_187 : memref<1x1x128xi32, #tpu.memory_space<hbm>> -> memref<128xi32, #tpu.memory_space<hbm>>
        tpu.wait_dma2 semaphore(%run_scoped3A_165 : memref<!tpu.dma_semaphore, #tpu.memory_space<semaphore_mem>>) src(%dma_wait3A_188 : memref<128xi32, #tpu.memory_space<hbm>>) dst(%dma_wait3A_185 : memref<128xi32, #tpu.memory_space<vmem>>)
        tpu.yield
      }) : () -> ()
      %add3A_160 = arith.constant 78 : i32
      %add3A_161 = arith.addi %add3A_8, %add3A_160 : i32
      %run_scoped3A_162 = arith.constant 1 : i32
      %run_scoped3A_163 = arith.constant 1 : i32
      %run_scoped3A_164 = arith.constant 78 : i32
      "tpu.region"() ({
        %run_scoped3A_165 = tpu.sem_alloc : memref<!tpu.dma_semaphore, #tpu.memory_space<semaphore_mem>>
        %dma_start3A_166 = arith.constant 0 : i32
        %dma_start3A_167 = tpu.memref_slice %arg6[%run_scoped3A_163, %run_scoped3A_164, %dma_start3A_166] : memref<2x79x128xi32, #tpu.memory_space<vmem>> -> memref<1x1x128xi32, #tpu.memory_space<vmem>>
        %dma_start3A_168 = tpu.memref_squeeze %dma_start3A_167 : memref<1x1x128xi32, #tpu.memory_space<vmem>> -> memref<128xi32, #tpu.memory_space<vmem>>
        %dma_start3A_169 = arith.constant 0 : i32
        %dma_start3A_170 = tpu.memref_slice %arg2[%run_scoped3A_162, %add3A_161, %dma_start3A_169] : memref<2x2500x128xi32, #tpu.memory_space<hbm>> -> memref<1x1x128xi32, #tpu.memory_space<hbm>>
        %dma_start3A_171 = tpu.memref_squeeze %dma_start3A_170 : memref<1x1x128xi32, #tpu.memory_space<hbm>> -> memref<128xi32, #tpu.memory_space<hbm>>
        %dma_start3A_172 = arith.constant 0 : i32
        %dma_start3A_173 = tpu.memref_slice %arg6[%run_scoped3A_163, %run_scoped3A_164, %dma_start3A_172] : memref<2x79x128xi32, #tpu.memory_space<vmem>> -> memref<1x1x128xi32, #tpu.memory_space<vmem>>
        %dma_start3A_174 = tpu.memref_squeeze %dma_start3A_173 : memref<1x1x128xi32, #tpu.memory_space<vmem>> -> memref<128xi32, #tpu.memory_space<vmem>>
        %dma_start3A_175 = arith.constant 0 : i32
        %dma_start3A_176 = tpu.memref_slice %arg2[%run_scoped3A_162, %add3A_161, %dma_start3A_175] : memref<2x2500x128xi32, #tpu.memory_space<hbm>> -> memref<1x1x128xi32, #tpu.memory_space<hbm>>
        %dma_start3A_177 = tpu.memref_squeeze %dma_start3A_176 : memref<1x1x128xi32, #tpu.memory_space<hbm>> -> memref<128xi32, #tpu.memory_space<hbm>>
        tpu.enqueue_dma source(%dma_start3A_177 : memref<128xi32, #tpu.memory_space<hbm>>) target(%dma_start3A_174 : memref<128xi32, #tpu.memory_space<vmem>>) target_semaphore(%run_scoped3A_165 : memref<!tpu.dma_semaphore, #tpu.memory_space<semaphore_mem>>)
        %dma_wait3A = arith.constant 0 : i32
        %dma_wait3A_178 = tpu.memref_slice %arg6[%run_scoped3A_163, %run_scoped3A_164, %dma_wait3A] : memref<2x79x128xi32, #tpu.memory_space<vmem>> -> memref<1x1x128xi32, #tpu.memory_space<vmem>>
        %dma_wait3A_179 = tpu.memref_squeeze %dma_wait3A_178 : memref<1x1x128xi32, #tpu.memory_space<vmem>> -> memref<128xi32, #tpu.memory_space<vmem>>
        %dma_wait3A_180 = arith.constant 0 : i32
        %dma_wait3A_181 = tpu.memref_slice %arg2[%run_scoped3A_162, %add3A_161, %dma_wait3A_180] : memref<2x2500x128xi32, #tpu.memory_space<hbm>> -> memref<1x1x128xi32, #tpu.memory_space<hbm>>
        %dma_wait3A_182 = tpu.memref_squeeze %dma_wait3A_181 : memref<1x1x128xi32, #tpu.memory_space<hbm>> -> memref<128xi32, #tpu.memory_space<hbm>>
        %dma_wait3A_183 = arith.constant 0 : i32
        %dma_wait3A_184 = tpu.memref_slice %arg6[%run_scoped3A_163, %run_scoped3A_164, %dma_wait3A_183] : memref<2x79x128xi32, #tpu.memory_space<vmem>> -> memref<1x1x128xi32, #tpu.memory_space<vmem>>
        %dma_wait3A_185 = tpu.memref_squeeze %dma_wait3A_184 : memref<1x1x128xi32, #tpu.memory_space<vmem>> -> memref<128xi32, #tpu.memory_space<vmem>>
        %dma_wait3A_186 = arith.constant 0 : i32
        %dma_wait3A_187 = tpu.memref_slice %arg2[%run_scoped3A_162, %add3A_161, %dma_wait3A_186] : memref<2x2500x128xi32, #tpu.memory_space<hbm>> -> memref<1x1x128xi32, #tpu.memory_space<hbm>>
        %dma_wait3A_188 = tpu.memref_squeeze %dma_wait3A_187 : memref<1x1x128xi32, #tpu.memory_space<hbm>> -> memref<128xi32, #tpu.memory_space<hbm>>
        tpu.wait_dma2 semaphore(%run_scoped3A_165 : memref<!tpu.dma_semaphore, #tpu.memory_space<semaphore_mem>>) src(%dma_wait3A_188 : memref<128xi32, #tpu.memory_space<hbm>>) dst(%dma_wait3A_185 : memref<128xi32, #tpu.memory_space<vmem>>)
        tpu.yield
      }) : () -> ()
    } else {
    }
    %barrier3A = arith.constant 0 : index
    tpu.barrier barrier_id(%barrier3A)
    %dma_start3A = arith.constant 0 : i32
    %dma_start3A_19 = arith.constant 0 : i32
    %dma_start3A_20 = arith.constant 0 : i32
    %dma_start3A_21 = arith.constant 0 : i32
    %dma_start3A_22 = arith.constant 0 : i32
    %dma_start3A_23 = arith.constant 0 : i32
    %dma_start3A_24 = tpu.memref_slice %arg7[%dma_start3A_20, %dma_start3A_22, %dma_start3A_23] : memref<8x128x32xf32, #tpu.memory_space<vmem>> -> memref<1x128x32xf32, #tpu.memory_space<vmem>>
    %dma_start3A_25 = tpu.memref_squeeze %dma_start3A_24 : memref<1x128x32xf32, #tpu.memory_space<vmem>> -> memref<128x32xf32, #tpu.memory_space<vmem>>
    %dma_start3A_26 = arith.constant 0 : i32
    %dma_start3A_27 = tpu.memref_slice %arg6[%dma_start3A, %dma_start3A_19, %dma_start3A_26] : memref<2x79x128xi32, #tpu.memory_space<vmem>> -> memref<1x1x128xi32, #tpu.memory_space<vmem>>
    %dma_start3A_28 = tpu.memref_squeeze %dma_start3A_27 : memref<1x1x128xi32, #tpu.memory_space<vmem>> -> memref<128xi32, #tpu.memory_space<vmem>>
    %dma_start3A_29 = arith.constant 0 : i32
    %dma_start3A_30 = arith.constant 0 : i32
    %dma_start3A_31 = tpu.memref_slice %arg3[%dma_start3A_29, %dma_start3A_30] : memref<10240x32xf32, #tpu.memory_space<hbm>> -> memref<10240x32xf32, #tpu.memory_space<hbm>>
    %dma_start3A_32 = tpu.memref_slice %arg9[%dma_start3A_21] : memref<8x!tpu.dma_semaphore, #tpu.memory_space<semaphore_mem>> -> memref<1x!tpu.dma_semaphore, #tpu.memory_space<semaphore_mem>>
    %dma_start3A_33 = tpu.memref_squeeze %dma_start3A_32 : memref<1x!tpu.dma_semaphore, #tpu.memory_space<semaphore_mem>> -> memref<!tpu.dma_semaphore, #tpu.memory_space<semaphore_mem>>
    tpu.enqueue_indirect_dma source(%dma_start3A_31 : memref<10240x32xf32, #tpu.memory_space<hbm>>) target(%dma_start3A_25 : memref<128x32xf32, #tpu.memory_space<vmem>>) offsets(%dma_start3A_28 : memref<128xi32, #tpu.memory_space<vmem>>) semaphore(%dma_start3A_33 : memref<!tpu.dma_semaphore, #tpu.memory_space<semaphore_mem>>)
    %dma_start3A_34 = arith.constant 0 : i32
    %dma_start3A_35 = arith.constant 1 : i32
    %dma_start3A_36 = arith.constant 1 : i32
    %dma_start3A_37 = arith.constant 1 : i32
    %dma_start3A_38 = arith.constant 0 : i32
    %dma_start3A_39 = arith.constant 0 : i32
    %dma_start3A_40 = tpu.memref_slice %arg7[%dma_start3A_36, %dma_start3A_38, %dma_start3A_39] : memref<8x128x32xf32, #tpu.memory_space<vmem>> -> memref<1x128x32xf32, #tpu.memory_space<vmem>>
    %dma_start3A_41 = tpu.memref_squeeze %dma_start3A_40 : memref<1x128x32xf32, #tpu.memory_space<vmem>> -> memref<128x32xf32, #tpu.memory_space<vmem>>
    %dma_start3A_42 = arith.constant 0 : i32
    %dma_start3A_43 = tpu.memref_slice %arg6[%dma_start3A_34, %dma_start3A_35, %dma_start3A_42] : memref<2x79x128xi32, #tpu.memory_space<vmem>> -> memref<1x1x128xi32, #tpu.memory_space<vmem>>
    %dma_start3A_44 = tpu.memref_squeeze %dma_start3A_43 : memref<1x1x128xi32, #tpu.memory_space<vmem>> -> memref<128xi32, #tpu.memory_space<vmem>>
    %dma_start3A_45 = arith.constant 0 : i32
    %dma_start3A_46 = arith.constant 0 : i32
    %dma_start3A_47 = tpu.memref_slice %arg3[%dma_start3A_45, %dma_start3A_46] : memref<10240x32xf32, #tpu.memory_space<hbm>> -> memref<10240x32xf32, #tpu.memory_space<hbm>>
    %dma_start3A_48 = tpu.memref_slice %arg9[%dma_start3A_37] : memref<8x!tpu.dma_semaphore, #tpu.memory_space<semaphore_mem>> -> memref<1x!tpu.dma_semaphore, #tpu.memory_space<semaphore_mem>>
    %dma_start3A_49 = tpu.memref_squeeze %dma_start3A_48 : memref<1x!tpu.dma_semaphore, #tpu.memory_space<semaphore_mem>> -> memref<!tpu.dma_semaphore, #tpu.memory_space<semaphore_mem>>
    tpu.enqueue_indirect_dma source(%dma_start3A_47 : memref<10240x32xf32, #tpu.memory_space<hbm>>) target(%dma_start3A_41 : memref<128x32xf32, #tpu.memory_space<vmem>>) offsets(%dma_start3A_44 : memref<128xi32, #tpu.memory_space<vmem>>) semaphore(%dma_start3A_49 : memref<!tpu.dma_semaphore, #tpu.memory_space<semaphore_mem>>)
    %dma_start3A_50 = arith.constant 0 : i32
    %dma_start3A_51 = arith.constant 2 : i32
    %dma_start3A_52 = arith.constant 2 : i32
    %dma_start3A_53 = arith.constant 2 : i32
    %dma_start3A_54 = arith.constant 0 : i32
    %dma_start3A_55 = arith.constant 0 : i32
    %dma_start3A_56 = tpu.memref_slice %arg7[%dma_start3A_52, %dma_start3A_54, %dma_start3A_55] : memref<8x128x32xf32, #tpu.memory_space<vmem>> -> memref<1x128x32xf32, #tpu.memory_space<vmem>>
    %dma_start3A_57 = tpu.memref_squeeze %dma_start3A_56 : memref<1x128x32xf32, #tpu.memory_space<vmem>> -> memref<128x32xf32, #tpu.memory_space<vmem>>
    %dma_start3A_58 = arith.constant 0 : i32
    %dma_start3A_59 = tpu.memref_slice %arg6[%dma_start3A_50, %dma_start3A_51, %dma_start3A_58] : memref<2x79x128xi32, #tpu.memory_space<vmem>> -> memref<1x1x128xi32, #tpu.memory_space<vmem>>
    %dma_start3A_60 = tpu.memref_squeeze %dma_start3A_59 : memref<1x1x128xi32, #tpu.memory_space<vmem>> -> memref<128xi32, #tpu.memory_space<vmem>>
    %dma_start3A_61 = arith.constant 0 : i32
    %dma_start3A_62 = arith.constant 0 : i32
    %dma_start3A_63 = tpu.memref_slice %arg3[%dma_start3A_61, %dma_start3A_62] : memref<10240x32xf32, #tpu.memory_space<hbm>> -> memref<10240x32xf32, #tpu.memory_space<hbm>>
    %dma_start3A_64 = tpu.memref_slice %arg9[%dma_start3A_53] : memref<8x!tpu.dma_semaphore, #tpu.memory_space<semaphore_mem>> -> memref<1x!tpu.dma_semaphore, #tpu.memory_space<semaphore_mem>>
    %dma_start3A_65 = tpu.memref_squeeze %dma_start3A_64 : memref<1x!tpu.dma_semaphore, #tpu.memory_space<semaphore_mem>> -> memref<!tpu.dma_semaphore, #tpu.memory_space<semaphore_mem>>
    tpu.enqueue_indirect_dma source(%dma_start3A_63 : memref<10240x32xf32, #tpu.memory_space<hbm>>) target(%dma_start3A_57 : memref<128x32xf32, #tpu.memory_space<vmem>>) offsets(%dma_start3A_60 : memref<128xi32, #tpu.memory_space<vmem>>) semaphore(%dma_start3A_65 : memref<!tpu.dma_semaphore, #tpu.memory_space<semaphore_mem>>)
    %dma_start3A_66 = arith.constant 0 : i32
    %dma_start3A_67 = arith.constant 3 : i32
    %dma_start3A_68 = arith.constant 3 : i32
    %dma_start3A_69 = arith.constant 3 : i32
    %dma_start3A_70 = arith.constant 0 : i32
    %dma_start3A_71 = arith.constant 0 : i32
    %dma_start3A_72 = tpu.memref_slice %arg7[%dma_start3A_68, %dma_start3A_70, %dma_start3A_71] : memref<8x128x32xf32, #tpu.memory_space<vmem>> -> memref<1x128x32xf32, #tpu.memory_space<vmem>>
    %dma_start3A_73 = tpu.memref_squeeze %dma_start3A_72 : memref<1x128x32xf32, #tpu.memory_space<vmem>> -> memref<128x32xf32, #tpu.memory_space<vmem>>
    %dma_start3A_74 = arith.constant 0 : i32
    %dma_start3A_75 = tpu.memref_slice %arg6[%dma_start3A_66, %dma_start3A_67, %dma_start3A_74] : memref<2x79x128xi32, #tpu.memory_space<vmem>> -> memref<1x1x128xi32, #tpu.memory_space<vmem>>
    %dma_start3A_76 = tpu.memref_squeeze %dma_start3A_75 : memref<1x1x128xi32, #tpu.memory_space<vmem>> -> memref<128xi32, #tpu.memory_space<vmem>>
    %dma_start3A_77 = arith.constant 0 : i32
    %dma_start3A_78 = arith.constant 0 : i32
    %dma_start3A_79 = tpu.memref_slice %arg3[%dma_start3A_77, %dma_start3A_78] : memref<10240x32xf32, #tpu.memory_space<hbm>> -> memref<10240x32xf32, #tpu.memory_space<hbm>>
    %dma_start3A_80 = tpu.memref_slice %arg9[%dma_start3A_69] : memref<8x!tpu.dma_semaphore, #tpu.memory_space<semaphore_mem>> -> memref<1x!tpu.dma_semaphore, #tpu.memory_space<semaphore_mem>>
    %dma_start3A_81 = tpu.memref_squeeze %dma_start3A_80 : memref<1x!tpu.dma_semaphore, #tpu.memory_space<semaphore_mem>> -> memref<!tpu.dma_semaphore, #tpu.memory_space<semaphore_mem>>
    tpu.enqueue_indirect_dma source(%dma_start3A_79 : memref<10240x32xf32, #tpu.memory_space<hbm>>) target(%dma_start3A_73 : memref<128x32xf32, #tpu.memory_space<vmem>>) offsets(%dma_start3A_76 : memref<128xi32, #tpu.memory_space<vmem>>) semaphore(%dma_start3A_81 : memref<!tpu.dma_semaphore, #tpu.memory_space<semaphore_mem>>)
    %dma_start3A_82 = arith.constant 0 : i32
    %dma_start3A_83 = arith.constant 4 : i32
    %dma_start3A_84 = arith.constant 4 : i32
    %dma_start3A_85 = arith.constant 4 : i32
    %dma_start3A_86 = arith.constant 0 : i32
    %dma_start3A_87 = arith.constant 0 : i32
    %dma_start3A_88 = tpu.memref_slice %arg7[%dma_start3A_84, %dma_start3A_86, %dma_start3A_87] : memref<8x128x32xf32, #tpu.memory_space<vmem>> -> memref<1x128x32xf32, #tpu.memory_space<vmem>>
    %dma_start3A_89 = tpu.memref_squeeze %dma_start3A_88 : memref<1x128x32xf32, #tpu.memory_space<vmem>> -> memref<128x32xf32, #tpu.memory_space<vmem>>
    %dma_start3A_90 = arith.constant 0 : i32
    %dma_start3A_91 = tpu.memref_slice %arg6[%dma_start3A_82, %dma_start3A_83, %dma_start3A_90] : memref<2x79x128xi32, #tpu.memory_space<vmem>> -> memref<1x1x128xi32, #tpu.memory_space<vmem>>
    %dma_start3A_92 = tpu.memref_squeeze %dma_start3A_91 : memref<1x1x128xi32, #tpu.memory_space<vmem>> -> memref<128xi32, #tpu.memory_space<vmem>>
    %dma_start3A_93 = arith.constant 0 : i32
    %dma_start3A_94 = arith.constant 0 : i32
    %dma_start3A_95 = tpu.memref_slice %arg3[%dma_start3A_93, %dma_start3A_94] : memref<10240x32xf32, #tpu.memory_space<hbm>> -> memref<10240x32xf32, #tpu.memory_space<hbm>>
    %dma_start3A_96 = tpu.memref_slice %arg9[%dma_start3A_85] : memref<8x!tpu.dma_semaphore, #tpu.memory_space<semaphore_mem>> -> memref<1x!tpu.dma_semaphore, #tpu.memory_space<semaphore_mem>>
    %dma_start3A_97 = tpu.memref_squeeze %dma_start3A_96 : memref<1x!tpu.dma_semaphore, #tpu.memory_space<semaphore_mem>> -> memref<!tpu.dma_semaphore, #tpu.memory_space<semaphore_mem>>
    tpu.enqueue_indirect_dma source(%dma_start3A_95 : memref<10240x32xf32, #tpu.memory_space<hbm>>) target(%dma_start3A_89 : memref<128x32xf32, #tpu.memory_space<vmem>>) offsets(%dma_start3A_92 : memref<128xi32, #tpu.memory_space<vmem>>) semaphore(%dma_start3A_97 : memref<!tpu.dma_semaphore, #tpu.memory_space<semaphore_mem>>)
    %dma_start3A_98 = arith.constant 0 : i32
    %dma_start3A_99 = arith.constant 5 : i32
    %dma_start3A_100 = arith.constant 5 : i32
    %dma_start3A_101 = arith.constant 5 : i32
    %dma_start3A_102 = arith.constant 0 : i32
    %dma_start3A_103 = arith.constant 0 : i32
    %dma_start3A_104 = tpu.memref_slice %arg7[%dma_start3A_100, %dma_start3A_102, %dma_start3A_103] : memref<8x128x32xf32, #tpu.memory_space<vmem>> -> memref<1x128x32xf32, #tpu.memory_space<vmem>>
    %dma_start3A_105 = tpu.memref_squeeze %dma_start3A_104 : memref<1x128x32xf32, #tpu.memory_space<vmem>> -> memref<128x32xf32, #tpu.memory_space<vmem>>
    %dma_start3A_106 = arith.constant 0 : i32
    %dma_start3A_107 = tpu.memref_slice %arg6[%dma_start3A_98, %dma_start3A_99, %dma_start3A_106] : memref<2x79x128xi32, #tpu.memory_space<vmem>> -> memref<1x1x128xi32, #tpu.memory_space<vmem>>
    %dma_start3A_108 = tpu.memref_squeeze %dma_start3A_107 : memref<1x1x128xi32, #tpu.memory_space<vmem>> -> memref<128xi32, #tpu.memory_space<vmem>>
    %dma_start3A_109 = arith.constant 0 : i32
    %dma_start3A_110 = arith.constant 0 : i32
    %dma_start3A_111 = tpu.memref_slice %arg3[%dma_start3A_109, %dma_start3A_110] : memref<10240x32xf32, #tpu.memory_space<hbm>> -> memref<10240x32xf32, #tpu.memory_space<hbm>>
    %dma_start3A_112 = tpu.memref_slice %arg9[%dma_start3A_101] : memref<8x!tpu.dma_semaphore, #tpu.memory_space<semaphore_mem>> -> memref<1x!tpu.dma_semaphore, #tpu.memory_space<semaphore_mem>>
    %dma_start3A_113 = tpu.memref_squeeze %dma_start3A_112 : memref<1x!tpu.dma_semaphore, #tpu.memory_space<semaphore_mem>> -> memref<!tpu.dma_semaphore, #tpu.memory_space<semaphore_mem>>
    tpu.enqueue_indirect_dma source(%dma_start3A_111 : memref<10240x32xf32, #tpu.memory_space<hbm>>) target(%dma_start3A_105 : memref<128x32xf32, #tpu.memory_space<vmem>>) offsets(%dma_start3A_108 : memref<128xi32, #tpu.memory_space<vmem>>) semaphore(%dma_start3A_113 : memref<!tpu.dma_semaphore, #tpu.memory_space<semaphore_mem>>)
    %dma_start3A_114 = arith.constant 0 : i32
    %dma_start3A_115 = arith.constant 6 : i32
    %dma_start3A_116 = arith.constant 6 : i32
    %dma_start3A_117 = arith.constant 6 : i32
    %dma_start3A_118 = arith.constant 0 : i32
    %dma_start3A_119 = arith.constant 0 : i32
    %dma_start3A_120 = tpu.memref_slice %arg7[%dma_start3A_116, %dma_start3A_118, %dma_start3A_119] : memref<8x128x32xf32, #tpu.memory_space<vmem>> -> memref<1x128x32xf32, #tpu.memory_space<vmem>>
    %dma_start3A_121 = tpu.memref_squeeze %dma_start3A_120 : memref<1x128x32xf32, #tpu.memory_space<vmem>> -> memref<128x32xf32, #tpu.memory_space<vmem>>
    %dma_start3A_122 = arith.constant 0 : i32
    %dma_start3A_123 = tpu.memref_slice %arg6[%dma_start3A_114, %dma_start3A_115, %dma_start3A_122] : memref<2x79x128xi32, #tpu.memory_space<vmem>> -> memref<1x1x128xi32, #tpu.memory_space<vmem>>
    %dma_start3A_124 = tpu.memref_squeeze %dma_start3A_123 : memref<1x1x128xi32, #tpu.memory_space<vmem>> -> memref<128xi32, #tpu.memory_space<vmem>>
    %dma_start3A_125 = arith.constant 0 : i32
    %dma_start3A_126 = arith.constant 0 : i32
    %dma_start3A_127 = tpu.memref_slice %arg3[%dma_start3A_125, %dma_start3A_126] : memref<10240x32xf32, #tpu.memory_space<hbm>> -> memref<10240x32xf32, #tpu.memory_space<hbm>>
    %dma_start3A_128 = tpu.memref_slice %arg9[%dma_start3A_117] : memref<8x!tpu.dma_semaphore, #tpu.memory_space<semaphore_mem>> -> memref<1x!tpu.dma_semaphore, #tpu.memory_space<semaphore_mem>>
    %dma_start3A_129 = tpu.memref_squeeze %dma_start3A_128 : memref<1x!tpu.dma_semaphore, #tpu.memory_space<semaphore_mem>> -> memref<!tpu.dma_semaphore, #tpu.memory_space<semaphore_mem>>
    tpu.enqueue_indirect_dma source(%dma_start3A_127 : memref<10240x32xf32, #tpu.memory_space<hbm>>) target(%dma_start3A_121 : memref<128x32xf32, #tpu.memory_space<vmem>>) offsets(%dma_start3A_124 : memref<128xi32, #tpu.memory_space<vmem>>) semaphore(%dma_start3A_129 : memref<!tpu.dma_semaphore, #tpu.memory_space<semaphore_mem>>)
    %dma_start3A_130 = arith.constant 0 : i32
    %dma_start3A_131 = arith.constant 7 : i32
    %dma_start3A_132 = arith.constant 7 : i32
    %dma_start3A_133 = arith.constant 7 : i32
    %dma_start3A_134 = arith.constant 0 : i32
    %dma_start3A_135 = arith.constant 0 : i32
    %dma_start3A_136 = tpu.memref_slice %arg7[%dma_start3A_132, %dma_start3A_134, %dma_start3A_135] : memref<8x128x32xf32, #tpu.memory_space<vmem>> -> memref<1x128x32xf32, #tpu.memory_space<vmem>>
    %dma_start3A_137 = tpu.memref_squeeze %dma_start3A_136 : memref<1x128x32xf32, #tpu.memory_space<vmem>> -> memref<128x32xf32, #tpu.memory_space<vmem>>
    %dma_start3A_138 = arith.constant 0 : i32
    %dma_start3A_139 = tpu.memref_slice %arg6[%dma_start3A_130, %dma_start3A_131, %dma_start3A_138] : memref<2x79x128xi32, #tpu.memory_space<vmem>> -> memref<1x1x128xi32, #tpu.memory_space<vmem>>
    %dma_start3A_140 = tpu.memref_squeeze %dma_start3A_139 : memref<1x1x128xi32, #tpu.memory_space<vmem>> -> memref<128xi32, #tpu.memory_space<vmem>>
    %dma_start3A_141 = arith.constant 0 : i32
    %dma_start3A_142 = arith.constant 0 : i32
    %dma_start3A_143 = tpu.memref_slice %arg3[%dma_start3A_141, %dma_start3A_142] : memref<10240x32xf32, #tpu.memory_space<hbm>> -> memref<10240x32xf32, #tpu.memory_space<hbm>>
    %dma_start3A_144 = tpu.memref_slice %arg9[%dma_start3A_133] : memref<8x!tpu.dma_semaphore, #tpu.memory_space<semaphore_mem>> -> memref<1x!tpu.dma_semaphore, #tpu.memory_space<semaphore_mem>>
    %dma_start3A_145 = tpu.memref_squeeze %dma_start3A_144 : memref<1x!tpu.dma_semaphore, #tpu.memory_space<semaphore_mem>> -> memref<!tpu.dma_semaphore, #tpu.memory_space<semaphore_mem>>
    tpu.enqueue_indirect_dma source(%dma_start3A_143 : memref<10240x32xf32, #tpu.memory_space<hbm>>) target(%dma_start3A_137 : memref<128x32xf32, #tpu.memory_space<vmem>>) offsets(%dma_start3A_140 : memref<128xi32, #tpu.memory_space<vmem>>) semaphore(%dma_start3A_145 : memref<!tpu.dma_semaphore, #tpu.memory_space<semaphore_mem>>)
    %scan3A = arith.constant 0 : i32
    %scan3A_146 = arith.constant 10 : i32
    %scan3A_147 = arith.addi %scan3A, %scan3A_146 : i32
    %scan3A_148 = arith.constant 1 : i32
    scf.for %scan3A_155 = %scan3A to %scan3A_147 step %scan3A_148  : i32 {
      %mul3A_156 = arith.constant 8 : i32
      %mul3A_157 = arith.muli %scan3A_155, %mul3A_156 : i32
      %add3A_158 = arith.constant 0 : i32
      %add3A_159 = arith.addi %add3A_158, %mul3A_157 : i32
      %add3A_160 = arith.constant 0 : i32
      %add3A_161 = arith.addi %add3A_159, %add3A_160 : i32
      %lt3A_162 = arith.cmpi slt, %add3A_161, %add3A_4 : i32
      %convert_element_type3A_163 = arith.extui %lt3A_162 : i1 to i32
      %cond3A_164 = arith.constant 0 : i32
      %cond3A_165 = arith.cmpi ne, %convert_element_type3A_163, %cond3A_164 : i32
      scf.if %cond3A_165 {
        %dma_wait3A = arith.constant 0 : i32
        %dma_wait3A_208 = arith.constant 0 : i32
        %dma_wait3A_209 = arith.constant 0 : i32
        %dma_wait3A_210 = arith.constant 0 : i32
        %dma_wait3A_211 = arith.constant 0 : i32
        %dma_wait3A_212 = arith.constant 0 : i32
        %dma_wait3A_213 = tpu.memref_slice %arg7[%dma_wait3A_209, %dma_wait3A_211, %dma_wait3A_212] : memref<8x128x32xf32, #tpu.memory_space<vmem>> -> memref<1x128x32xf32, #tpu.memory_space<vmem>>
        %dma_wait3A_214 = tpu.memref_squeeze %dma_wait3A_213 : memref<1x128x32xf32, #tpu.memory_space<vmem>> -> memref<128x32xf32, #tpu.memory_space<vmem>>
        %dma_wait3A_215 = arith.constant 0 : i32
        %dma_wait3A_216 = tpu.memref_slice %arg6[%dma_wait3A, %dma_wait3A_208, %dma_wait3A_215] : memref<2x79x128xi32, #tpu.memory_space<vmem>> -> memref<1x1x128xi32, #tpu.memory_space<vmem>>
        %dma_wait3A_217 = tpu.memref_squeeze %dma_wait3A_216 : memref<1x1x128xi32, #tpu.memory_space<vmem>> -> memref<128xi32, #tpu.memory_space<vmem>>
        %dma_wait3A_218 = arith.constant 0 : i32
        %dma_wait3A_219 = arith.constant 0 : i32
        %dma_wait3A_220 = tpu.memref_slice %arg3[%dma_wait3A_218, %dma_wait3A_219] : memref<10240x32xf32, #tpu.memory_space<hbm>> -> memref<10240x32xf32, #tpu.memory_space<hbm>>
        %dma_wait3A_221 = tpu.memref_slice %arg9[%dma_wait3A_210] : memref<8x!tpu.dma_semaphore, #tpu.memory_space<semaphore_mem>> -> memref<1x!tpu.dma_semaphore, #tpu.memory_space<semaphore_mem>>
        %dma_wait3A_222 = tpu.memref_squeeze %dma_wait3A_221 : memref<1x!tpu.dma_semaphore, #tpu.memory_space<semaphore_mem>> -> memref<!tpu.dma_semaphore, #tpu.memory_space<semaphore_mem>>
        tpu.wait_indirect_dma semaphore(%dma_wait3A_222 : memref<!tpu.dma_semaphore, #tpu.memory_space<semaphore_mem>>) src(%dma_wait3A_220 : memref<10240x32xf32, #tpu.memory_space<hbm>>) dst(%dma_wait3A_214 : memref<128x32xf32, #tpu.memory_space<vmem>>)
        %run_scoped3A_223 = arith.constant 0 : i32
        %run_scoped3A_224 = arith.constant 1 : i32
        "tpu.region"() ({
          %run_scoped3A_231 = tpu.sem_alloc : memref<!tpu.dma_semaphore, #tpu.memory_space<semaphore_mem>>
          %dma_start3A_232 = arith.constant 0 : i32
          %dma_start3A_233 = arith.constant 0 : i32
          %dma_start3A_234 = tpu.memref_slice %arg7[%run_scoped3A_223, %dma_start3A_232, %dma_start3A_233] : memref<8x128x32xf32, #tpu.memory_space<vmem>> -> memref<1x128x32xf32, #tpu.memory_space<vmem>>
          %dma_start3A_235 = tpu.memref_squeeze %dma_start3A_234 : memref<1x128x32xf32, #tpu.memory_space<vmem>> -> memref<128x32xf32, #tpu.memory_space<vmem>>
          %dma_start3A_236 = arith.constant 0 : i32
          %dma_start3A_237 = tpu.memref_slice %arg6[%run_scoped3A_224, %add3A_161, %dma_start3A_236] : memref<2x79x128xi32, #tpu.memory_space<vmem>> -> memref<1x1x128xi32, #tpu.memory_space<vmem>>
          %dma_start3A_238 = tpu.memref_squeeze %dma_start3A_237 : memref<1x1x128xi32, #tpu.memory_space<vmem>> -> memref<128xi32, #tpu.memory_space<vmem>>
          %dma_start3A_239 = arith.constant 0 : i32
          %dma_start3A_240 = arith.constant 0 : i32
          %dma_start3A_241 = tpu.memref_slice %arg8[%dma_start3A_239, %dma_start3A_240] : memref<10240x32xf32, #tpu.memory_space<vmem_shared>> -> memref<10240x32xf32, #tpu.memory_space<vmem_shared>>
          tpu.enqueue_indirect_dma source(%dma_start3A_235 : memref<128x32xf32, #tpu.memory_space<vmem>>) target(%dma_start3A_241 : memref<10240x32xf32, #tpu.memory_space<vmem_shared>>) offsets(%dma_start3A_238 : memref<128xi32, #tpu.memory_space<vmem>>) semaphore(%run_scoped3A_231 : memref<!tpu.dma_semaphore, #tpu.memory_space<semaphore_mem>>) {add = true}
          %dma_wait3A_242 = arith.constant 0 : i32
          %dma_wait3A_243 = arith.constant 0 : i32
          %dma_wait3A_244 = tpu.memref_slice %arg7[%run_scoped3A_223, %dma_wait3A_242, %dma_wait3A_243] : memref<8x128x32xf32, #tpu.memory_space<vmem>> -> memref<1x128x32xf32, #tpu.memory_space<vmem>>
          %dma_wait3A_245 = tpu.memref_squeeze %dma_wait3A_244 : memref<1x128x32xf32, #tpu.memory_space<vmem>> -> memref<128x32xf32, #tpu.memory_space<vmem>>
          %dma_wait3A_246 = arith.constant 0 : i32
          %dma_wait3A_247 = tpu.memref_slice %arg6[%run_scoped3A_224, %add3A_161, %dma_wait3A_246] : memref<2x79x128xi32, #tpu.memory_space<vmem>> -> memref<1x1x128xi32, #tpu.memory_space<vmem>>
          %dma_wait3A_248 = tpu.memref_squeeze %dma_wait3A_247 : memref<1x1x128xi32, #tpu.memory_space<vmem>> -> memref<128xi32, #tpu.memory_space<vmem>>
          %dma_wait3A_249 = arith.constant 0 : i32
          %dma_wait3A_250 = arith.constant 0 : i32
          %dma_wait3A_251 = tpu.memref_slice %arg8[%dma_wait3A_249, %dma_wait3A_250] : memref<10240x32xf32, #tpu.memory_space<vmem_shared>> -> memref<10240x32xf32, #tpu.memory_space<vmem_shared>>
          tpu.wait_indirect_dma semaphore(%run_scoped3A_231 : memref<!tpu.dma_semaphore, #tpu.memory_space<semaphore_mem>>) src(%dma_wait3A_245 : memref<128x32xf32, #tpu.memory_space<vmem>>) dst(%dma_wait3A_251 : memref<10240x32xf32, #tpu.memory_space<vmem_shared>>)
          tpu.yield
        }) : () -> ()
        %add3A_225 = arith.constant 8 : i32
        %add3A_226 = arith.addi %add3A_161, %add3A_225 : i32
        %lt3A_227 = arith.cmpi slt, %add3A_226, %add3A_4 : i32
        %convert_element_type3A_228 = arith.extui %lt3A_227 : i1 to i32
        %cond3A_229 = arith.constant 0 : i32
        %cond3A_230 = arith.cmpi ne, %convert_element_type3A_228, %cond3A_229 : i32
        scf.if %cond3A_230 {
          %add3A_231 = arith.constant 8 : i32
          %add3A_232 = arith.addi %add3A_161, %add3A_231 : i32
          %dma_start3A_233 = arith.constant 0 : i32
          %dma_start3A_234 = arith.constant 0 : i32
          %dma_start3A_235 = arith.constant 0 : i32
          %dma_start3A_236 = arith.constant 0 : i32
          %dma_start3A_237 = arith.constant 0 : i32
          %dma_start3A_238 = tpu.memref_slice %arg7[%dma_start3A_234, %dma_start3A_236, %dma_start3A_237] : memref<8x128x32xf32, #tpu.memory_space<vmem>> -> memref<1x128x32xf32, #tpu.memory_space<vmem>>
          %dma_start3A_239 = tpu.memref_squeeze %dma_start3A_238 : memref<1x128x32xf32, #tpu.memory_space<vmem>> -> memref<128x32xf32, #tpu.memory_space<vmem>>
          %dma_start3A_240 = arith.constant 0 : i32
          %dma_start3A_241 = tpu.memref_slice %arg6[%dma_start3A_233, %add3A_232, %dma_start3A_240] : memref<2x79x128xi32, #tpu.memory_space<vmem>> -> memref<1x1x128xi32, #tpu.memory_space<vmem>>
          %dma_start3A_242 = tpu.memref_squeeze %dma_start3A_241 : memref<1x1x128xi32, #tpu.memory_space<vmem>> -> memref<128xi32, #tpu.memory_space<vmem>>
          %dma_start3A_243 = arith.constant 0 : i32
          %dma_start3A_244 = arith.constant 0 : i32
          %dma_start3A_245 = tpu.memref_slice %arg3[%dma_start3A_243, %dma_start3A_244] : memref<10240x32xf32, #tpu.memory_space<hbm>> -> memref<10240x32xf32, #tpu.memory_space<hbm>>
          %dma_start3A_246 = tpu.memref_slice %arg9[%dma_start3A_235] : memref<8x!tpu.dma_semaphore, #tpu.memory_space<semaphore_mem>> -> memref<1x!tpu.dma_semaphore, #tpu.memory_space<semaphore_mem>>
          %dma_start3A_247 = tpu.memref_squeeze %dma_start3A_246 : memref<1x!tpu.dma_semaphore, #tpu.memory_space<semaphore_mem>> -> memref<!tpu.dma_semaphore, #tpu.memory_space<semaphore_mem>>
          tpu.enqueue_indirect_dma source(%dma_start3A_245 : memref<10240x32xf32, #tpu.memory_space<hbm>>) target(%dma_start3A_239 : memref<128x32xf32, #tpu.memory_space<vmem>>) offsets(%dma_start3A_242 : memref<128xi32, #tpu.memory_space<vmem>>) semaphore(%dma_start3A_247 : memref<!tpu.dma_semaphore, #tpu.memory_space<semaphore_mem>>)
        } else {
        }
      } else {
      }
      %add3A_166 = arith.constant 1 : i32
      %add3A_167 = arith.addi %add3A_159, %add3A_166 : i32
      %lt3A_168 = arith.cmpi slt, %add3A_167, %add3A_4 : i32
      %convert_element_type3A_169 = arith.extui %lt3A_168 : i1 to i32
      %cond3A_170 = arith.constant 0 : i32
      %cond3A_171 = arith.cmpi ne, %convert_element_type3A_169, %cond3A_170 : i32
      scf.if %cond3A_171 {
        %dma_wait3A = arith.constant 0 : i32
        %dma_wait3A_208 = arith.constant 0 : i32
        %dma_wait3A_209 = arith.constant 1 : i32
        %dma_wait3A_210 = arith.constant 1 : i32
        %dma_wait3A_211 = arith.constant 0 : i32
        %dma_wait3A_212 = arith.constant 0 : i32
        %dma_wait3A_213 = tpu.memref_slice %arg7[%dma_wait3A_209, %dma_wait3A_211, %dma_wait3A_212] : memref<8x128x32xf32, #tpu.memory_space<vmem>> -> memref<1x128x32xf32, #tpu.memory_space<vmem>>
        %dma_wait3A_214 = tpu.memref_squeeze %dma_wait3A_213 : memref<1x128x32xf32, #tpu.memory_space<vmem>> -> memref<128x32xf32, #tpu.memory_space<vmem>>
        %dma_wait3A_215 = arith.constant 0 : i32
        %dma_wait3A_216 = tpu.memref_slice %arg6[%dma_wait3A, %dma_wait3A_208, %dma_wait3A_215] : memref<2x79x128xi32, #tpu.memory_space<vmem>> -> memref<1x1x128xi32, #tpu.memory_space<vmem>>
        %dma_wait3A_217 = tpu.memref_squeeze %dma_wait3A_216 : memref<1x1x128xi32, #tpu.memory_space<vmem>> -> memref<128xi32, #tpu.memory_space<vmem>>
        %dma_wait3A_218 = arith.constant 0 : i32
        %dma_wait3A_219 = arith.constant 0 : i32
        %dma_wait3A_220 = tpu.memref_slice %arg3[%dma_wait3A_218, %dma_wait3A_219] : memref<10240x32xf32, #tpu.memory_space<hbm>> -> memref<10240x32xf32, #tpu.memory_space<hbm>>
        %dma_wait3A_221 = tpu.memref_slice %arg9[%dma_wait3A_210] : memref<8x!tpu.dma_semaphore, #tpu.memory_space<semaphore_mem>> -> memref<1x!tpu.dma_semaphore, #tpu.memory_space<semaphore_mem>>
        %dma_wait3A_222 = tpu.memref_squeeze %dma_wait3A_221 : memref<1x!tpu.dma_semaphore, #tpu.memory_space<semaphore_mem>> -> memref<!tpu.dma_semaphore, #tpu.memory_space<semaphore_mem>>
        tpu.wait_indirect_dma semaphore(%dma_wait3A_222 : memref<!tpu.dma_semaphore, #tpu.memory_space<semaphore_mem>>) src(%dma_wait3A_220 : memref<10240x32xf32, #tpu.memory_space<hbm>>) dst(%dma_wait3A_214 : memref<128x32xf32, #tpu.memory_space<vmem>>)
        %run_scoped3A_223 = arith.constant 1 : i32
        %run_scoped3A_224 = arith.constant 1 : i32
        "tpu.region"() ({
          %run_scoped3A_231 = tpu.sem_alloc : memref<!tpu.dma_semaphore, #tpu.memory_space<semaphore_mem>>
          %dma_start3A_232 = arith.constant 0 : i32
          %dma_start3A_233 = arith.constant 0 : i32
          %dma_start3A_234 = tpu.memref_slice %arg7[%run_scoped3A_223, %dma_start3A_232, %dma_start3A_233] : memref<8x128x32xf32, #tpu.memory_space<vmem>> -> memref<1x128x32xf32, #tpu.memory_space<vmem>>
          %dma_start3A_235 = tpu.memref_squeeze %dma_start3A_234 : memref<1x128x32xf32, #tpu.memory_space<vmem>> -> memref<128x32xf32, #tpu.memory_space<vmem>>
          %dma_start3A_236 = arith.constant 0 : i32
          %dma_start3A_237 = tpu.memref_slice %arg6[%run_scoped3A_224, %add3A_167, %dma_start3A_236] : memref<2x79x128xi32, #tpu.memory_space<vmem>> -> memref<1x1x128xi32, #tpu.memory_space<vmem>>
          %dma_start3A_238 = tpu.memref_squeeze %dma_start3A_237 : memref<1x1x128xi32, #tpu.memory_space<vmem>> -> memref<128xi32, #tpu.memory_space<vmem>>
          %dma_start3A_239 = arith.constant 0 : i32
          %dma_start3A_240 = arith.constant 0 : i32
          %dma_start3A_241 = tpu.memref_slice %arg8[%dma_start3A_239, %dma_start3A_240] : memref<10240x32xf32, #tpu.memory_space<vmem_shared>> -> memref<10240x32xf32, #tpu.memory_space<vmem_shared>>
          tpu.enqueue_indirect_dma source(%dma_start3A_235 : memref<128x32xf32, #tpu.memory_space<vmem>>) target(%dma_start3A_241 : memref<10240x32xf32, #tpu.memory_space<vmem_shared>>) offsets(%dma_start3A_238 : memref<128xi32, #tpu.memory_space<vmem>>) semaphore(%run_scoped3A_231 : memref<!tpu.dma_semaphore, #tpu.memory_space<semaphore_mem>>) {add = true}
          %dma_wait3A_242 = arith.constant 0 : i32
          %dma_wait3A_243 = arith.constant 0 : i32
          %dma_wait3A_244 = tpu.memref_slice %arg7[%run_scoped3A_223, %dma_wait3A_242, %dma_wait3A_243] : memref<8x128x32xf32, #tpu.memory_space<vmem>> -> memref<1x128x32xf32, #tpu.memory_space<vmem>>
          %dma_wait3A_245 = tpu.memref_squeeze %dma_wait3A_244 : memref<1x128x32xf32, #tpu.memory_space<vmem>> -> memref<128x32xf32, #tpu.memory_space<vmem>>
          %dma_wait3A_246 = arith.constant 0 : i32
          %dma_wait3A_247 = tpu.memref_slice %arg6[%run_scoped3A_224, %add3A_167, %dma_wait3A_246] : memref<2x79x128xi32, #tpu.memory_space<vmem>> -> memref<1x1x128xi32, #tpu.memory_space<vmem>>
          %dma_wait3A_248 = tpu.memref_squeeze %dma_wait3A_247 : memref<1x1x128xi32, #tpu.memory_space<vmem>> -> memref<128xi32, #tpu.memory_space<vmem>>
          %dma_wait3A_249 = arith.constant 0 : i32
          %dma_wait3A_250 = arith.constant 0 : i32
          %dma_wait3A_251 = tpu.memref_slice %arg8[%dma_wait3A_249, %dma_wait3A_250] : memref<10240x32xf32, #tpu.memory_space<vmem_shared>> -> memref<10240x32xf32, #tpu.memory_space<vmem_shared>>
          tpu.wait_indirect_dma semaphore(%run_scoped3A_231 : memref<!tpu.dma_semaphore, #tpu.memory_space<semaphore_mem>>) src(%dma_wait3A_245 : memref<128x32xf32, #tpu.memory_space<vmem>>) dst(%dma_wait3A_251 : memref<10240x32xf32, #tpu.memory_space<vmem_shared>>)
          tpu.yield
        }) : () -> ()
        %add3A_225 = arith.constant 8 : i32
        %add3A_226 = arith.addi %add3A_167, %add3A_225 : i32
        %lt3A_227 = arith.cmpi slt, %add3A_226, %add3A_4 : i32
        %convert_element_type3A_228 = arith.extui %lt3A_227 : i1 to i32
        %cond3A_229 = arith.constant 0 : i32
        %cond3A_230 = arith.cmpi ne, %convert_element_type3A_228, %cond3A_229 : i32
        scf.if %cond3A_230 {
          %add3A_231 = arith.constant 8 : i32
          %add3A_232 = arith.addi %add3A_167, %add3A_231 : i32
          %dma_start3A_233 = arith.constant 0 : i32
          %dma_start3A_234 = arith.constant 1 : i32
          %dma_start3A_235 = arith.constant 1 : i32
          %dma_start3A_236 = arith.constant 0 : i32
          %dma_start3A_237 = arith.constant 0 : i32
          %dma_start3A_238 = tpu.memref_slice %arg7[%dma_start3A_234, %dma_start3A_236, %dma_start3A_237] : memref<8x128x32xf32, #tpu.memory_space<vmem>> -> memref<1x128x32xf32, #tpu.memory_space<vmem>>
          %dma_start3A_239 = tpu.memref_squeeze %dma_start3A_238 : memref<1x128x32xf32, #tpu.memory_space<vmem>> -> memref<128x32xf32, #tpu.memory_space<vmem>>
          %dma_start3A_240 = arith.constant 0 : i32
          %dma_start3A_241 = tpu.memref_slice %arg6[%dma_start3A_233, %add3A_232, %dma_start3A_240] : memref<2x79x128xi32, #tpu.memory_space<vmem>> -> memref<1x1x128xi32, #tpu.memory_space<vmem>>
          %dma_start3A_242 = tpu.memref_squeeze %dma_start3A_241 : memref<1x1x128xi32, #tpu.memory_space<vmem>> -> memref<128xi32, #tpu.memory_space<vmem>>
          %dma_start3A_243 = arith.constant 0 : i32
          %dma_start3A_244 = arith.constant 0 : i32
          %dma_start3A_245 = tpu.memref_slice %arg3[%dma_start3A_243, %dma_start3A_244] : memref<10240x32xf32, #tpu.memory_space<hbm>> -> memref<10240x32xf32, #tpu.memory_space<hbm>>
          %dma_start3A_246 = tpu.memref_slice %arg9[%dma_start3A_235] : memref<8x!tpu.dma_semaphore, #tpu.memory_space<semaphore_mem>> -> memref<1x!tpu.dma_semaphore, #tpu.memory_space<semaphore_mem>>
          %dma_start3A_247 = tpu.memref_squeeze %dma_start3A_246 : memref<1x!tpu.dma_semaphore, #tpu.memory_space<semaphore_mem>> -> memref<!tpu.dma_semaphore, #tpu.memory_space<semaphore_mem>>
          tpu.enqueue_indirect_dma source(%dma_start3A_245 : memref<10240x32xf32, #tpu.memory_space<hbm>>) target(%dma_start3A_239 : memref<128x32xf32, #tpu.memory_space<vmem>>) offsets(%dma_start3A_242 : memref<128xi32, #tpu.memory_space<vmem>>) semaphore(%dma_start3A_247 : memref<!tpu.dma_semaphore, #tpu.memory_space<semaphore_mem>>)
        } else {
        }
      } else {
      }
      %add3A_172 = arith.constant 2 : i32
      %add3A_173 = arith.addi %add3A_159, %add3A_172 : i32
      %lt3A_174 = arith.cmpi slt, %add3A_173, %add3A_4 : i32
      %convert_element_type3A_175 = arith.extui %lt3A_174 : i1 to i32
      %cond3A_176 = arith.constant 0 : i32
      %cond3A_177 = arith.cmpi ne, %convert_element_type3A_175, %cond3A_176 : i32
      scf.if %cond3A_177 {
        %dma_wait3A = arith.constant 0 : i32
        %dma_wait3A_208 = arith.constant 0 : i32
        %dma_wait3A_209 = arith.constant 2 : i32
        %dma_wait3A_210 = arith.constant 2 : i32
        %dma_wait3A_211 = arith.constant 0 : i32
        %dma_wait3A_212 = arith.constant 0 : i32
        %dma_wait3A_213 = tpu.memref_slice %arg7[%dma_wait3A_209, %dma_wait3A_211, %dma_wait3A_212] : memref<8x128x32xf32, #tpu.memory_space<vmem>> -> memref<1x128x32xf32, #tpu.memory_space<vmem>>
        %dma_wait3A_214 = tpu.memref_squeeze %dma_wait3A_213 : memref<1x128x32xf32, #tpu.memory_space<vmem>> -> memref<128x32xf32, #tpu.memory_space<vmem>>
        %dma_wait3A_215 = arith.constant 0 : i32
        %dma_wait3A_216 = tpu.memref_slice %arg6[%dma_wait3A, %dma_wait3A_208, %dma_wait3A_215] : memref<2x79x128xi32, #tpu.memory_space<vmem>> -> memref<1x1x128xi32, #tpu.memory_space<vmem>>
        %dma_wait3A_217 = tpu.memref_squeeze %dma_wait3A_216 : memref<1x1x128xi32, #tpu.memory_space<vmem>> -> memref<128xi32, #tpu.memory_space<vmem>>
        %dma_wait3A_218 = arith.constant 0 : i32
        %dma_wait3A_219 = arith.constant 0 : i32
        %dma_wait3A_220 = tpu.memref_slice %arg3[%dma_wait3A_218, %dma_wait3A_219] : memref<10240x32xf32, #tpu.memory_space<hbm>> -> memref<10240x32xf32, #tpu.memory_space<hbm>>
        %dma_wait3A_221 = tpu.memref_slice %arg9[%dma_wait3A_210] : memref<8x!tpu.dma_semaphore, #tpu.memory_space<semaphore_mem>> -> memref<1x!tpu.dma_semaphore, #tpu.memory_space<semaphore_mem>>
        %dma_wait3A_222 = tpu.memref_squeeze %dma_wait3A_221 : memref<1x!tpu.dma_semaphore, #tpu.memory_space<semaphore_mem>> -> memref<!tpu.dma_semaphore, #tpu.memory_space<semaphore_mem>>
        tpu.wait_indirect_dma semaphore(%dma_wait3A_222 : memref<!tpu.dma_semaphore, #tpu.memory_space<semaphore_mem>>) src(%dma_wait3A_220 : memref<10240x32xf32, #tpu.memory_space<hbm>>) dst(%dma_wait3A_214 : memref<128x32xf32, #tpu.memory_space<vmem>>)
        %run_scoped3A_223 = arith.constant 2 : i32
        %run_scoped3A_224 = arith.constant 1 : i32
        "tpu.region"() ({
          %run_scoped3A_231 = tpu.sem_alloc : memref<!tpu.dma_semaphore, #tpu.memory_space<semaphore_mem>>
          %dma_start3A_232 = arith.constant 0 : i32
          %dma_start3A_233 = arith.constant 0 : i32
          %dma_start3A_234 = tpu.memref_slice %arg7[%run_scoped3A_223, %dma_start3A_232, %dma_start3A_233] : memref<8x128x32xf32, #tpu.memory_space<vmem>> -> memref<1x128x32xf32, #tpu.memory_space<vmem>>
          %dma_start3A_235 = tpu.memref_squeeze %dma_start3A_234 : memref<1x128x32xf32, #tpu.memory_space<vmem>> -> memref<128x32xf32, #tpu.memory_space<vmem>>
          %dma_start3A_236 = arith.constant 0 : i32
          %dma_start3A_237 = tpu.memref_slice %arg6[%run_scoped3A_224, %add3A_173, %dma_start3A_236] : memref<2x79x128xi32, #tpu.memory_space<vmem>> -> memref<1x1x128xi32, #tpu.memory_space<vmem>>
          %dma_start3A_238 = tpu.memref_squeeze %dma_start3A_237 : memref<1x1x128xi32, #tpu.memory_space<vmem>> -> memref<128xi32, #tpu.memory_space<vmem>>
          %dma_start3A_239 = arith.constant 0 : i32
          %dma_start3A_240 = arith.constant 0 : i32
          %dma_start3A_241 = tpu.memref_slice %arg8[%dma_start3A_239, %dma_start3A_240] : memref<10240x32xf32, #tpu.memory_space<vmem_shared>> -> memref<10240x32xf32, #tpu.memory_space<vmem_shared>>
          tpu.enqueue_indirect_dma source(%dma_start3A_235 : memref<128x32xf32, #tpu.memory_space<vmem>>) target(%dma_start3A_241 : memref<10240x32xf32, #tpu.memory_space<vmem_shared>>) offsets(%dma_start3A_238 : memref<128xi32, #tpu.memory_space<vmem>>) semaphore(%run_scoped3A_231 : memref<!tpu.dma_semaphore, #tpu.memory_space<semaphore_mem>>) {add = true}
          %dma_wait3A_242 = arith.constant 0 : i32
          %dma_wait3A_243 = arith.constant 0 : i32
          %dma_wait3A_244 = tpu.memref_slice %arg7[%run_scoped3A_223, %dma_wait3A_242, %dma_wait3A_243] : memref<8x128x32xf32, #tpu.memory_space<vmem>> -> memref<1x128x32xf32, #tpu.memory_space<vmem>>
          %dma_wait3A_245 = tpu.memref_squeeze %dma_wait3A_244 : memref<1x128x32xf32, #tpu.memory_space<vmem>> -> memref<128x32xf32, #tpu.memory_space<vmem>>
          %dma_wait3A_246 = arith.constant 0 : i32
          %dma_wait3A_247 = tpu.memref_slice %arg6[%run_scoped3A_224, %add3A_173, %dma_wait3A_246] : memref<2x79x128xi32, #tpu.memory_space<vmem>> -> memref<1x1x128xi32, #tpu.memory_space<vmem>>
          %dma_wait3A_248 = tpu.memref_squeeze %dma_wait3A_247 : memref<1x1x128xi32, #tpu.memory_space<vmem>> -> memref<128xi32, #tpu.memory_space<vmem>>
          %dma_wait3A_249 = arith.constant 0 : i32
          %dma_wait3A_250 = arith.constant 0 : i32
          %dma_wait3A_251 = tpu.memref_slice %arg8[%dma_wait3A_249, %dma_wait3A_250] : memref<10240x32xf32, #tpu.memory_space<vmem_shared>> -> memref<10240x32xf32, #tpu.memory_space<vmem_shared>>
          tpu.wait_indirect_dma semaphore(%run_scoped3A_231 : memref<!tpu.dma_semaphore, #tpu.memory_space<semaphore_mem>>) src(%dma_wait3A_245 : memref<128x32xf32, #tpu.memory_space<vmem>>) dst(%dma_wait3A_251 : memref<10240x32xf32, #tpu.memory_space<vmem_shared>>)
          tpu.yield
        }) : () -> ()
        %add3A_225 = arith.constant 8 : i32
        %add3A_226 = arith.addi %add3A_173, %add3A_225 : i32
        %lt3A_227 = arith.cmpi slt, %add3A_226, %add3A_4 : i32
        %convert_element_type3A_228 = arith.extui %lt3A_227 : i1 to i32
        %cond3A_229 = arith.constant 0 : i32
        %cond3A_230 = arith.cmpi ne, %convert_element_type3A_228, %cond3A_229 : i32
        scf.if %cond3A_230 {
          %add3A_231 = arith.constant 8 : i32
          %add3A_232 = arith.addi %add3A_173, %add3A_231 : i32
          %dma_start3A_233 = arith.constant 0 : i32
          %dma_start3A_234 = arith.constant 2 : i32
          %dma_start3A_235 = arith.constant 2 : i32
          %dma_start3A_236 = arith.constant 0 : i32
          %dma_start3A_237 = arith.constant 0 : i32
          %dma_start3A_238 = tpu.memref_slice %arg7[%dma_start3A_234, %dma_start3A_236, %dma_start3A_237] : memref<8x128x32xf32, #tpu.memory_space<vmem>> -> memref<1x128x32xf32, #tpu.memory_space<vmem>>
          %dma_start3A_239 = tpu.memref_squeeze %dma_start3A_238 : memref<1x128x32xf32, #tpu.memory_space<vmem>> -> memref<128x32xf32, #tpu.memory_space<vmem>>
          %dma_start3A_240 = arith.constant 0 : i32
          %dma_start3A_241 = tpu.memref_slice %arg6[%dma_start3A_233, %add3A_232, %dma_start3A_240] : memref<2x79x128xi32, #tpu.memory_space<vmem>> -> memref<1x1x128xi32, #tpu.memory_space<vmem>>
          %dma_start3A_242 = tpu.memref_squeeze %dma_start3A_241 : memref<1x1x128xi32, #tpu.memory_space<vmem>> -> memref<128xi32, #tpu.memory_space<vmem>>
          %dma_start3A_243 = arith.constant 0 : i32
          %dma_start3A_244 = arith.constant 0 : i32
          %dma_start3A_245 = tpu.memref_slice %arg3[%dma_start3A_243, %dma_start3A_244] : memref<10240x32xf32, #tpu.memory_space<hbm>> -> memref<10240x32xf32, #tpu.memory_space<hbm>>
          %dma_start3A_246 = tpu.memref_slice %arg9[%dma_start3A_235] : memref<8x!tpu.dma_semaphore, #tpu.memory_space<semaphore_mem>> -> memref<1x!tpu.dma_semaphore, #tpu.memory_space<semaphore_mem>>
          %dma_start3A_247 = tpu.memref_squeeze %dma_start3A_246 : memref<1x!tpu.dma_semaphore, #tpu.memory_space<semaphore_mem>> -> memref<!tpu.dma_semaphore, #tpu.memory_space<semaphore_mem>>
          tpu.enqueue_indirect_dma source(%dma_start3A_245 : memref<10240x32xf32, #tpu.memory_space<hbm>>) target(%dma_start3A_239 : memref<128x32xf32, #tpu.memory_space<vmem>>) offsets(%dma_start3A_242 : memref<128xi32, #tpu.memory_space<vmem>>) semaphore(%dma_start3A_247 : memref<!tpu.dma_semaphore, #tpu.memory_space<semaphore_mem>>)
        } else {
        }
      } else {
      }
      %add3A_178 = arith.constant 3 : i32
      %add3A_179 = arith.addi %add3A_159, %add3A_178 : i32
      %lt3A_180 = arith.cmpi slt, %add3A_179, %add3A_4 : i32
      %convert_element_type3A_181 = arith.extui %lt3A_180 : i1 to i32
      %cond3A_182 = arith.constant 0 : i32
      %cond3A_183 = arith.cmpi ne, %convert_element_type3A_181, %cond3A_182 : i32
      scf.if %cond3A_183 {
        %dma_wait3A = arith.constant 0 : i32
        %dma_wait3A_208 = arith.constant 0 : i32
        %dma_wait3A_209 = arith.constant 3 : i32
        %dma_wait3A_210 = arith.constant 3 : i32
        %dma_wait3A_211 = arith.constant 0 : i32
        %dma_wait3A_212 = arith.constant 0 : i32
        %dma_wait3A_213 = tpu.memref_slice %arg7[%dma_wait3A_209, %dma_wait3A_211, %dma_wait3A_212] : memref<8x128x32xf32, #tpu.memory_space<vmem>> -> memref<1x128x32xf32, #tpu.memory_space<vmem>>
        %dma_wait3A_214 = tpu.memref_squeeze %dma_wait3A_213 : memref<1x128x32xf32, #tpu.memory_space<vmem>> -> memref<128x32xf32, #tpu.memory_space<vmem>>
        %dma_wait3A_215 = arith.constant 0 : i32
        %dma_wait3A_216 = tpu.memref_slice %arg6[%dma_wait3A, %dma_wait3A_208, %dma_wait3A_215] : memref<2x79x128xi32, #tpu.memory_space<vmem>> -> memref<1x1x128xi32, #tpu.memory_space<vmem>>
        %dma_wait3A_217 = tpu.memref_squeeze %dma_wait3A_216 : memref<1x1x128xi32, #tpu.memory_space<vmem>> -> memref<128xi32, #tpu.memory_space<vmem>>
        %dma_wait3A_218 = arith.constant 0 : i32
        %dma_wait3A_219 = arith.constant 0 : i32
        %dma_wait3A_220 = tpu.memref_slice %arg3[%dma_wait3A_218, %dma_wait3A_219] : memref<10240x32xf32, #tpu.memory_space<hbm>> -> memref<10240x32xf32, #tpu.memory_space<hbm>>
        %dma_wait3A_221 = tpu.memref_slice %arg9[%dma_wait3A_210] : memref<8x!tpu.dma_semaphore, #tpu.memory_space<semaphore_mem>> -> memref<1x!tpu.dma_semaphore, #tpu.memory_space<semaphore_mem>>
        %dma_wait3A_222 = tpu.memref_squeeze %dma_wait3A_221 : memref<1x!tpu.dma_semaphore, #tpu.memory_space<semaphore_mem>> -> memref<!tpu.dma_semaphore, #tpu.memory_space<semaphore_mem>>
        tpu.wait_indirect_dma semaphore(%dma_wait3A_222 : memref<!tpu.dma_semaphore, #tpu.memory_space<semaphore_mem>>) src(%dma_wait3A_220 : memref<10240x32xf32, #tpu.memory_space<hbm>>) dst(%dma_wait3A_214 : memref<128x32xf32, #tpu.memory_space<vmem>>)
        %run_scoped3A_223 = arith.constant 3 : i32
        %run_scoped3A_224 = arith.constant 1 : i32
        "tpu.region"() ({
          %run_scoped3A_231 = tpu.sem_alloc : memref<!tpu.dma_semaphore, #tpu.memory_space<semaphore_mem>>
          %dma_start3A_232 = arith.constant 0 : i32
          %dma_start3A_233 = arith.constant 0 : i32
          %dma_start3A_234 = tpu.memref_slice %arg7[%run_scoped3A_223, %dma_start3A_232, %dma_start3A_233] : memref<8x128x32xf32, #tpu.memory_space<vmem>> -> memref<1x128x32xf32, #tpu.memory_space<vmem>>
          %dma_start3A_235 = tpu.memref_squeeze %dma_start3A_234 : memref<1x128x32xf32, #tpu.memory_space<vmem>> -> memref<128x32xf32, #tpu.memory_space<vmem>>
          %dma_start3A_236 = arith.constant 0 : i32
          %dma_start3A_237 = tpu.memref_slice %arg6[%run_scoped3A_224, %add3A_179, %dma_start3A_236] : memref<2x79x128xi32, #tpu.memory_space<vmem>> -> memref<1x1x128xi32, #tpu.memory_space<vmem>>
          %dma_start3A_238 = tpu.memref_squeeze %dma_start3A_237 : memref<1x1x128xi32, #tpu.memory_space<vmem>> -> memref<128xi32, #tpu.memory_space<vmem>>
          %dma_start3A_239 = arith.constant 0 : i32
          %dma_start3A_240 = arith.constant 0 : i32
          %dma_start3A_241 = tpu.memref_slice %arg8[%dma_start3A_239, %dma_start3A_240] : memref<10240x32xf32, #tpu.memory_space<vmem_shared>> -> memref<10240x32xf32, #tpu.memory_space<vmem_shared>>
          tpu.enqueue_indirect_dma source(%dma_start3A_235 : memref<128x32xf32, #tpu.memory_space<vmem>>) target(%dma_start3A_241 : memref<10240x32xf32, #tpu.memory_space<vmem_shared>>) offsets(%dma_start3A_238 : memref<128xi32, #tpu.memory_space<vmem>>) semaphore(%run_scoped3A_231 : memref<!tpu.dma_semaphore, #tpu.memory_space<semaphore_mem>>) {add = true}
          %dma_wait3A_242 = arith.constant 0 : i32
          %dma_wait3A_243 = arith.constant 0 : i32
          %dma_wait3A_244 = tpu.memref_slice %arg7[%run_scoped3A_223, %dma_wait3A_242, %dma_wait3A_243] : memref<8x128x32xf32, #tpu.memory_space<vmem>> -> memref<1x128x32xf32, #tpu.memory_space<vmem>>
          %dma_wait3A_245 = tpu.memref_squeeze %dma_wait3A_244 : memref<1x128x32xf32, #tpu.memory_space<vmem>> -> memref<128x32xf32, #tpu.memory_space<vmem>>
          %dma_wait3A_246 = arith.constant 0 : i32
          %dma_wait3A_247 = tpu.memref_slice %arg6[%run_scoped3A_224, %add3A_179, %dma_wait3A_246] : memref<2x79x128xi32, #tpu.memory_space<vmem>> -> memref<1x1x128xi32, #tpu.memory_space<vmem>>
          %dma_wait3A_248 = tpu.memref_squeeze %dma_wait3A_247 : memref<1x1x128xi32, #tpu.memory_space<vmem>> -> memref<128xi32, #tpu.memory_space<vmem>>
          %dma_wait3A_249 = arith.constant 0 : i32
          %dma_wait3A_250 = arith.constant 0 : i32
          %dma_wait3A_251 = tpu.memref_slice %arg8[%dma_wait3A_249, %dma_wait3A_250] : memref<10240x32xf32, #tpu.memory_space<vmem_shared>> -> memref<10240x32xf32, #tpu.memory_space<vmem_shared>>
          tpu.wait_indirect_dma semaphore(%run_scoped3A_231 : memref<!tpu.dma_semaphore, #tpu.memory_space<semaphore_mem>>) src(%dma_wait3A_245 : memref<128x32xf32, #tpu.memory_space<vmem>>) dst(%dma_wait3A_251 : memref<10240x32xf32, #tpu.memory_space<vmem_shared>>)
          tpu.yield
        }) : () -> ()
        %add3A_225 = arith.constant 8 : i32
        %add3A_226 = arith.addi %add3A_179, %add3A_225 : i32
        %lt3A_227 = arith.cmpi slt, %add3A_226, %add3A_4 : i32
        %convert_element_type3A_228 = arith.extui %lt3A_227 : i1 to i32
        %cond3A_229 = arith.constant 0 : i32
        %cond3A_230 = arith.cmpi ne, %convert_element_type3A_228, %cond3A_229 : i32
        scf.if %cond3A_230 {
          %add3A_231 = arith.constant 8 : i32
          %add3A_232 = arith.addi %add3A_179, %add3A_231 : i32
          %dma_start3A_233 = arith.constant 0 : i32
          %dma_start3A_234 = arith.constant 3 : i32
          %dma_start3A_235 = arith.constant 3 : i32
          %dma_start3A_236 = arith.constant 0 : i32
          %dma_start3A_237 = arith.constant 0 : i32
          %dma_start3A_238 = tpu.memref_slice %arg7[%dma_start3A_234, %dma_start3A_236, %dma_start3A_237] : memref<8x128x32xf32, #tpu.memory_space<vmem>> -> memref<1x128x32xf32, #tpu.memory_space<vmem>>
          %dma_start3A_239 = tpu.memref_squeeze %dma_start3A_238 : memref<1x128x32xf32, #tpu.memory_space<vmem>> -> memref<128x32xf32, #tpu.memory_space<vmem>>
          %dma_start3A_240 = arith.constant 0 : i32
          %dma_start3A_241 = tpu.memref_slice %arg6[%dma_start3A_233, %add3A_232, %dma_start3A_240] : memref<2x79x128xi32, #tpu.memory_space<vmem>> -> memref<1x1x128xi32, #tpu.memory_space<vmem>>
          %dma_start3A_242 = tpu.memref_squeeze %dma_start3A_241 : memref<1x1x128xi32, #tpu.memory_space<vmem>> -> memref<128xi32, #tpu.memory_space<vmem>>
          %dma_start3A_243 = arith.constant 0 : i32
          %dma_start3A_244 = arith.constant 0 : i32
          %dma_start3A_245 = tpu.memref_slice %arg3[%dma_start3A_243, %dma_start3A_244] : memref<10240x32xf32, #tpu.memory_space<hbm>> -> memref<10240x32xf32, #tpu.memory_space<hbm>>
          %dma_start3A_246 = tpu.memref_slice %arg9[%dma_start3A_235] : memref<8x!tpu.dma_semaphore, #tpu.memory_space<semaphore_mem>> -> memref<1x!tpu.dma_semaphore, #tpu.memory_space<semaphore_mem>>
          %dma_start3A_247 = tpu.memref_squeeze %dma_start3A_246 : memref<1x!tpu.dma_semaphore, #tpu.memory_space<semaphore_mem>> -> memref<!tpu.dma_semaphore, #tpu.memory_space<semaphore_mem>>
          tpu.enqueue_indirect_dma source(%dma_start3A_245 : memref<10240x32xf32, #tpu.memory_space<hbm>>) target(%dma_start3A_239 : memref<128x32xf32, #tpu.memory_space<vmem>>) offsets(%dma_start3A_242 : memref<128xi32, #tpu.memory_space<vmem>>) semaphore(%dma_start3A_247 : memref<!tpu.dma_semaphore, #tpu.memory_space<semaphore_mem>>)
        } else {
        }
      } else {
      }
      %add3A_184 = arith.constant 4 : i32
      %add3A_185 = arith.addi %add3A_159, %add3A_184 : i32
      %lt3A_186 = arith.cmpi slt, %add3A_185, %add3A_4 : i32
      %convert_element_type3A_187 = arith.extui %lt3A_186 : i1 to i32
      %cond3A_188 = arith.constant 0 : i32
      %cond3A_189 = arith.cmpi ne, %convert_element_type3A_187, %cond3A_188 : i32
      scf.if %cond3A_189 {
        %dma_wait3A = arith.constant 0 : i32
        %dma_wait3A_208 = arith.constant 0 : i32
        %dma_wait3A_209 = arith.constant 4 : i32
        %dma_wait3A_210 = arith.constant 4 : i32
        %dma_wait3A_211 = arith.constant 0 : i32
        %dma_wait3A_212 = arith.constant 0 : i32
        %dma_wait3A_213 = tpu.memref_slice %arg7[%dma_wait3A_209, %dma_wait3A_211, %dma_wait3A_212] : memref<8x128x32xf32, #tpu.memory_space<vmem>> -> memref<1x128x32xf32, #tpu.memory_space<vmem>>
        %dma_wait3A_214 = tpu.memref_squeeze %dma_wait3A_213 : memref<1x128x32xf32, #tpu.memory_space<vmem>> -> memref<128x32xf32, #tpu.memory_space<vmem>>
        %dma_wait3A_215 = arith.constant 0 : i32
        %dma_wait3A_216 = tpu.memref_slice %arg6[%dma_wait3A, %dma_wait3A_208, %dma_wait3A_215] : memref<2x79x128xi32, #tpu.memory_space<vmem>> -> memref<1x1x128xi32, #tpu.memory_space<vmem>>
        %dma_wait3A_217 = tpu.memref_squeeze %dma_wait3A_216 : memref<1x1x128xi32, #tpu.memory_space<vmem>> -> memref<128xi32, #tpu.memory_space<vmem>>
        %dma_wait3A_218 = arith.constant 0 : i32
        %dma_wait3A_219 = arith.constant 0 : i32
        %dma_wait3A_220 = tpu.memref_slice %arg3[%dma_wait3A_218, %dma_wait3A_219] : memref<10240x32xf32, #tpu.memory_space<hbm>> -> memref<10240x32xf32, #tpu.memory_space<hbm>>
        %dma_wait3A_221 = tpu.memref_slice %arg9[%dma_wait3A_210] : memref<8x!tpu.dma_semaphore, #tpu.memory_space<semaphore_mem>> -> memref<1x!tpu.dma_semaphore, #tpu.memory_space<semaphore_mem>>
        %dma_wait3A_222 = tpu.memref_squeeze %dma_wait3A_221 : memref<1x!tpu.dma_semaphore, #tpu.memory_space<semaphore_mem>> -> memref<!tpu.dma_semaphore, #tpu.memory_space<semaphore_mem>>
        tpu.wait_indirect_dma semaphore(%dma_wait3A_222 : memref<!tpu.dma_semaphore, #tpu.memory_space<semaphore_mem>>) src(%dma_wait3A_220 : memref<10240x32xf32, #tpu.memory_space<hbm>>) dst(%dma_wait3A_214 : memref<128x32xf32, #tpu.memory_space<vmem>>)
        %run_scoped3A_223 = arith.constant 4 : i32
        %run_scoped3A_224 = arith.constant 1 : i32
        "tpu.region"() ({
          %run_scoped3A_231 = tpu.sem_alloc : memref<!tpu.dma_semaphore, #tpu.memory_space<semaphore_mem>>
          %dma_start3A_232 = arith.constant 0 : i32
          %dma_start3A_233 = arith.constant 0 : i32
          %dma_start3A_234 = tpu.memref_slice %arg7[%run_scoped3A_223, %dma_start3A_232, %dma_start3A_233] : memref<8x128x32xf32, #tpu.memory_space<vmem>> -> memref<1x128x32xf32, #tpu.memory_space<vmem>>
          %dma_start3A_235 = tpu.memref_squeeze %dma_start3A_234 : memref<1x128x32xf32, #tpu.memory_space<vmem>> -> memref<128x32xf32, #tpu.memory_space<vmem>>
          %dma_start3A_236 = arith.constant 0 : i32
          %dma_start3A_237 = tpu.memref_slice %arg6[%run_scoped3A_224, %add3A_185, %dma_start3A_236] : memref<2x79x128xi32, #tpu.memory_space<vmem>> -> memref<1x1x128xi32, #tpu.memory_space<vmem>>
          %dma_start3A_238 = tpu.memref_squeeze %dma_start3A_237 : memref<1x1x128xi32, #tpu.memory_space<vmem>> -> memref<128xi32, #tpu.memory_space<vmem>>
          %dma_start3A_239 = arith.constant 0 : i32
          %dma_start3A_240 = arith.constant 0 : i32
          %dma_start3A_241 = tpu.memref_slice %arg8[%dma_start3A_239, %dma_start3A_240] : memref<10240x32xf32, #tpu.memory_space<vmem_shared>> -> memref<10240x32xf32, #tpu.memory_space<vmem_shared>>
          tpu.enqueue_indirect_dma source(%dma_start3A_235 : memref<128x32xf32, #tpu.memory_space<vmem>>) target(%dma_start3A_241 : memref<10240x32xf32, #tpu.memory_space<vmem_shared>>) offsets(%dma_start3A_238 : memref<128xi32, #tpu.memory_space<vmem>>) semaphore(%run_scoped3A_231 : memref<!tpu.dma_semaphore, #tpu.memory_space<semaphore_mem>>) {add = true}
          %dma_wait3A_242 = arith.constant 0 : i32
          %dma_wait3A_243 = arith.constant 0 : i32
          %dma_wait3A_244 = tpu.memref_slice %arg7[%run_scoped3A_223, %dma_wait3A_242, %dma_wait3A_243] : memref<8x128x32xf32, #tpu.memory_space<vmem>> -> memref<1x128x32xf32, #tpu.memory_space<vmem>>
          %dma_wait3A_245 = tpu.memref_squeeze %dma_wait3A_244 : memref<1x128x32xf32, #tpu.memory_space<vmem>> -> memref<128x32xf32, #tpu.memory_space<vmem>>
          %dma_wait3A_246 = arith.constant 0 : i32
          %dma_wait3A_247 = tpu.memref_slice %arg6[%run_scoped3A_224, %add3A_185, %dma_wait3A_246] : memref<2x79x128xi32, #tpu.memory_space<vmem>> -> memref<1x1x128xi32, #tpu.memory_space<vmem>>
          %dma_wait3A_248 = tpu.memref_squeeze %dma_wait3A_247 : memref<1x1x128xi32, #tpu.memory_space<vmem>> -> memref<128xi32, #tpu.memory_space<vmem>>
          %dma_wait3A_249 = arith.constant 0 : i32
          %dma_wait3A_250 = arith.constant 0 : i32
          %dma_wait3A_251 = tpu.memref_slice %arg8[%dma_wait3A_249, %dma_wait3A_250] : memref<10240x32xf32, #tpu.memory_space<vmem_shared>> -> memref<10240x32xf32, #tpu.memory_space<vmem_shared>>
          tpu.wait_indirect_dma semaphore(%run_scoped3A_231 : memref<!tpu.dma_semaphore, #tpu.memory_space<semaphore_mem>>) src(%dma_wait3A_245 : memref<128x32xf32, #tpu.memory_space<vmem>>) dst(%dma_wait3A_251 : memref<10240x32xf32, #tpu.memory_space<vmem_shared>>)
          tpu.yield
        }) : () -> ()
        %add3A_225 = arith.constant 8 : i32
        %add3A_226 = arith.addi %add3A_185, %add3A_225 : i32
        %lt3A_227 = arith.cmpi slt, %add3A_226, %add3A_4 : i32
        %convert_element_type3A_228 = arith.extui %lt3A_227 : i1 to i32
        %cond3A_229 = arith.constant 0 : i32
        %cond3A_230 = arith.cmpi ne, %convert_element_type3A_228, %cond3A_229 : i32
        scf.if %cond3A_230 {
          %add3A_231 = arith.constant 8 : i32
          %add3A_232 = arith.addi %add3A_185, %add3A_231 : i32
          %dma_start3A_233 = arith.constant 0 : i32
          %dma_start3A_234 = arith.constant 4 : i32
          %dma_start3A_235 = arith.constant 4 : i32
          %dma_start3A_236 = arith.constant 0 : i32
          %dma_start3A_237 = arith.constant 0 : i32
          %dma_start3A_238 = tpu.memref_slice %arg7[%dma_start3A_234, %dma_start3A_236, %dma_start3A_237] : memref<8x128x32xf32, #tpu.memory_space<vmem>> -> memref<1x128x32xf32, #tpu.memory_space<vmem>>
          %dma_start3A_239 = tpu.memref_squeeze %dma_start3A_238 : memref<1x128x32xf32, #tpu.memory_space<vmem>> -> memref<128x32xf32, #tpu.memory_space<vmem>>
          %dma_start3A_240 = arith.constant 0 : i32
          %dma_start3A_241 = tpu.memref_slice %arg6[%dma_start3A_233, %add3A_232, %dma_start3A_240] : memref<2x79x128xi32, #tpu.memory_space<vmem>> -> memref<1x1x128xi32, #tpu.memory_space<vmem>>
          %dma_start3A_242 = tpu.memref_squeeze %dma_start3A_241 : memref<1x1x128xi32, #tpu.memory_space<vmem>> -> memref<128xi32, #tpu.memory_space<vmem>>
          %dma_start3A_243 = arith.constant 0 : i32
          %dma_start3A_244 = arith.constant 0 : i32
          %dma_start3A_245 = tpu.memref_slice %arg3[%dma_start3A_243, %dma_start3A_244] : memref<10240x32xf32, #tpu.memory_space<hbm>> -> memref<10240x32xf32, #tpu.memory_space<hbm>>
          %dma_start3A_246 = tpu.memref_slice %arg9[%dma_start3A_235] : memref<8x!tpu.dma_semaphore, #tpu.memory_space<semaphore_mem>> -> memref<1x!tpu.dma_semaphore, #tpu.memory_space<semaphore_mem>>
          %dma_start3A_247 = tpu.memref_squeeze %dma_start3A_246 : memref<1x!tpu.dma_semaphore, #tpu.memory_space<semaphore_mem>> -> memref<!tpu.dma_semaphore, #tpu.memory_space<semaphore_mem>>
          tpu.enqueue_indirect_dma source(%dma_start3A_245 : memref<10240x32xf32, #tpu.memory_space<hbm>>) target(%dma_start3A_239 : memref<128x32xf32, #tpu.memory_space<vmem>>) offsets(%dma_start3A_242 : memref<128xi32, #tpu.memory_space<vmem>>) semaphore(%dma_start3A_247 : memref<!tpu.dma_semaphore, #tpu.memory_space<semaphore_mem>>)
        } else {
        }
      } else {
      }
      %add3A_190 = arith.constant 5 : i32
      %add3A_191 = arith.addi %add3A_159, %add3A_190 : i32
      %lt3A_192 = arith.cmpi slt, %add3A_191, %add3A_4 : i32
      %convert_element_type3A_193 = arith.extui %lt3A_192 : i1 to i32
      %cond3A_194 = arith.constant 0 : i32
      %cond3A_195 = arith.cmpi ne, %convert_element_type3A_193, %cond3A_194 : i32
      scf.if %cond3A_195 {
        %dma_wait3A = arith.constant 0 : i32
        %dma_wait3A_208 = arith.constant 0 : i32
        %dma_wait3A_209 = arith.constant 5 : i32
        %dma_wait3A_210 = arith.constant 5 : i32
        %dma_wait3A_211 = arith.constant 0 : i32
        %dma_wait3A_212 = arith.constant 0 : i32
        %dma_wait3A_213 = tpu.memref_slice %arg7[%dma_wait3A_209, %dma_wait3A_211, %dma_wait3A_212] : memref<8x128x32xf32, #tpu.memory_space<vmem>> -> memref<1x128x32xf32, #tpu.memory_space<vmem>>
        %dma_wait3A_214 = tpu.memref_squeeze %dma_wait3A_213 : memref<1x128x32xf32, #tpu.memory_space<vmem>> -> memref<128x32xf32, #tpu.memory_space<vmem>>
        %dma_wait3A_215 = arith.constant 0 : i32
        %dma_wait3A_216 = tpu.memref_slice %arg6[%dma_wait3A, %dma_wait3A_208, %dma_wait3A_215] : memref<2x79x128xi32, #tpu.memory_space<vmem>> -> memref<1x1x128xi32, #tpu.memory_space<vmem>>
        %dma_wait3A_217 = tpu.memref_squeeze %dma_wait3A_216 : memref<1x1x128xi32, #tpu.memory_space<vmem>> -> memref<128xi32, #tpu.memory_space<vmem>>
        %dma_wait3A_218 = arith.constant 0 : i32
        %dma_wait3A_219 = arith.constant 0 : i32
        %dma_wait3A_220 = tpu.memref_slice %arg3[%dma_wait3A_218, %dma_wait3A_219] : memref<10240x32xf32, #tpu.memory_space<hbm>> -> memref<10240x32xf32, #tpu.memory_space<hbm>>
        %dma_wait3A_221 = tpu.memref_slice %arg9[%dma_wait3A_210] : memref<8x!tpu.dma_semaphore, #tpu.memory_space<semaphore_mem>> -> memref<1x!tpu.dma_semaphore, #tpu.memory_space<semaphore_mem>>
        %dma_wait3A_222 = tpu.memref_squeeze %dma_wait3A_221 : memref<1x!tpu.dma_semaphore, #tpu.memory_space<semaphore_mem>> -> memref<!tpu.dma_semaphore, #tpu.memory_space<semaphore_mem>>
        tpu.wait_indirect_dma semaphore(%dma_wait3A_222 : memref<!tpu.dma_semaphore, #tpu.memory_space<semaphore_mem>>) src(%dma_wait3A_220 : memref<10240x32xf32, #tpu.memory_space<hbm>>) dst(%dma_wait3A_214 : memref<128x32xf32, #tpu.memory_space<vmem>>)
        %run_scoped3A_223 = arith.constant 5 : i32
        %run_scoped3A_224 = arith.constant 1 : i32
        "tpu.region"() ({
          %run_scoped3A_231 = tpu.sem_alloc : memref<!tpu.dma_semaphore, #tpu.memory_space<semaphore_mem>>
          %dma_start3A_232 = arith.constant 0 : i32
          %dma_start3A_233 = arith.constant 0 : i32
          %dma_start3A_234 = tpu.memref_slice %arg7[%run_scoped3A_223, %dma_start3A_232, %dma_start3A_233] : memref<8x128x32xf32, #tpu.memory_space<vmem>> -> memref<1x128x32xf32, #tpu.memory_space<vmem>>
          %dma_start3A_235 = tpu.memref_squeeze %dma_start3A_234 : memref<1x128x32xf32, #tpu.memory_space<vmem>> -> memref<128x32xf32, #tpu.memory_space<vmem>>
          %dma_start3A_236 = arith.constant 0 : i32
          %dma_start3A_237 = tpu.memref_slice %arg6[%run_scoped3A_224, %add3A_191, %dma_start3A_236] : memref<2x79x128xi32, #tpu.memory_space<vmem>> -> memref<1x1x128xi32, #tpu.memory_space<vmem>>
          %dma_start3A_238 = tpu.memref_squeeze %dma_start3A_237 : memref<1x1x128xi32, #tpu.memory_space<vmem>> -> memref<128xi32, #tpu.memory_space<vmem>>
          %dma_start3A_239 = arith.constant 0 : i32
          %dma_start3A_240 = arith.constant 0 : i32
          %dma_start3A_241 = tpu.memref_slice %arg8[%dma_start3A_239, %dma_start3A_240] : memref<10240x32xf32, #tpu.memory_space<vmem_shared>> -> memref<10240x32xf32, #tpu.memory_space<vmem_shared>>
          tpu.enqueue_indirect_dma source(%dma_start3A_235 : memref<128x32xf32, #tpu.memory_space<vmem>>) target(%dma_start3A_241 : memref<10240x32xf32, #tpu.memory_space<vmem_shared>>) offsets(%dma_start3A_238 : memref<128xi32, #tpu.memory_space<vmem>>) semaphore(%run_scoped3A_231 : memref<!tpu.dma_semaphore, #tpu.memory_space<semaphore_mem>>) {add = true}
          %dma_wait3A_242 = arith.constant 0 : i32
          %dma_wait3A_243 = arith.constant 0 : i32
          %dma_wait3A_244 = tpu.memref_slice %arg7[%run_scoped3A_223, %dma_wait3A_242, %dma_wait3A_243] : memref<8x128x32xf32, #tpu.memory_space<vmem>> -> memref<1x128x32xf32, #tpu.memory_space<vmem>>
          %dma_wait3A_245 = tpu.memref_squeeze %dma_wait3A_244 : memref<1x128x32xf32, #tpu.memory_space<vmem>> -> memref<128x32xf32, #tpu.memory_space<vmem>>
          %dma_wait3A_246 = arith.constant 0 : i32
          %dma_wait3A_247 = tpu.memref_slice %arg6[%run_scoped3A_224, %add3A_191, %dma_wait3A_246] : memref<2x79x128xi32, #tpu.memory_space<vmem>> -> memref<1x1x128xi32, #tpu.memory_space<vmem>>
          %dma_wait3A_248 = tpu.memref_squeeze %dma_wait3A_247 : memref<1x1x128xi32, #tpu.memory_space<vmem>> -> memref<128xi32, #tpu.memory_space<vmem>>
          %dma_wait3A_249 = arith.constant 0 : i32
          %dma_wait3A_250 = arith.constant 0 : i32
          %dma_wait3A_251 = tpu.memref_slice %arg8[%dma_wait3A_249, %dma_wait3A_250] : memref<10240x32xf32, #tpu.memory_space<vmem_shared>> -> memref<10240x32xf32, #tpu.memory_space<vmem_shared>>
          tpu.wait_indirect_dma semaphore(%run_scoped3A_231 : memref<!tpu.dma_semaphore, #tpu.memory_space<semaphore_mem>>) src(%dma_wait3A_245 : memref<128x32xf32, #tpu.memory_space<vmem>>) dst(%dma_wait3A_251 : memref<10240x32xf32, #tpu.memory_space<vmem_shared>>)
          tpu.yield
        }) : () -> ()
        %add3A_225 = arith.constant 8 : i32
        %add3A_226 = arith.addi %add3A_191, %add3A_225 : i32
        %lt3A_227 = arith.cmpi slt, %add3A_226, %add3A_4 : i32
        %convert_element_type3A_228 = arith.extui %lt3A_227 : i1 to i32
        %cond3A_229 = arith.constant 0 : i32
        %cond3A_230 = arith.cmpi ne, %convert_element_type3A_228, %cond3A_229 : i32
        scf.if %cond3A_230 {
          %add3A_231 = arith.constant 8 : i32
          %add3A_232 = arith.addi %add3A_191, %add3A_231 : i32
          %dma_start3A_233 = arith.constant 0 : i32
          %dma_start3A_234 = arith.constant 5 : i32
          %dma_start3A_235 = arith.constant 5 : i32
          %dma_start3A_236 = arith.constant 0 : i32
          %dma_start3A_237 = arith.constant 0 : i32
          %dma_start3A_238 = tpu.memref_slice %arg7[%dma_start3A_234, %dma_start3A_236, %dma_start3A_237] : memref<8x128x32xf32, #tpu.memory_space<vmem>> -> memref<1x128x32xf32, #tpu.memory_space<vmem>>
          %dma_start3A_239 = tpu.memref_squeeze %dma_start3A_238 : memref<1x128x32xf32, #tpu.memory_space<vmem>> -> memref<128x32xf32, #tpu.memory_space<vmem>>
          %dma_start3A_240 = arith.constant 0 : i32
          %dma_start3A_241 = tpu.memref_slice %arg6[%dma_start3A_233, %add3A_232, %dma_start3A_240] : memref<2x79x128xi32, #tpu.memory_space<vmem>> -> memref<1x1x128xi32, #tpu.memory_space<vmem>>
          %dma_start3A_242 = tpu.memref_squeeze %dma_start3A_241 : memref<1x1x128xi32, #tpu.memory_space<vmem>> -> memref<128xi32, #tpu.memory_space<vmem>>
          %dma_start3A_243 = arith.constant 0 : i32
          %dma_start3A_244 = arith.constant 0 : i32
          %dma_start3A_245 = tpu.memref_slice %arg3[%dma_start3A_243, %dma_start3A_244] : memref<10240x32xf32, #tpu.memory_space<hbm>> -> memref<10240x32xf32, #tpu.memory_space<hbm>>
          %dma_start3A_246 = tpu.memref_slice %arg9[%dma_start3A_235] : memref<8x!tpu.dma_semaphore, #tpu.memory_space<semaphore_mem>> -> memref<1x!tpu.dma_semaphore, #tpu.memory_space<semaphore_mem>>
          %dma_start3A_247 = tpu.memref_squeeze %dma_start3A_246 : memref<1x!tpu.dma_semaphore, #tpu.memory_space<semaphore_mem>> -> memref<!tpu.dma_semaphore, #tpu.memory_space<semaphore_mem>>
          tpu.enqueue_indirect_dma source(%dma_start3A_245 : memref<10240x32xf32, #tpu.memory_space<hbm>>) target(%dma_start3A_239 : memref<128x32xf32, #tpu.memory_space<vmem>>) offsets(%dma_start3A_242 : memref<128xi32, #tpu.memory_space<vmem>>) semaphore(%dma_start3A_247 : memref<!tpu.dma_semaphore, #tpu.memory_space<semaphore_mem>>)
        } else {
        }
      } else {
      }
      %add3A_196 = arith.constant 6 : i32
      %add3A_197 = arith.addi %add3A_159, %add3A_196 : i32
      %lt3A_198 = arith.cmpi slt, %add3A_197, %add3A_4 : i32
      %convert_element_type3A_199 = arith.extui %lt3A_198 : i1 to i32
      %cond3A_200 = arith.constant 0 : i32
      %cond3A_201 = arith.cmpi ne, %convert_element_type3A_199, %cond3A_200 : i32
      scf.if %cond3A_201 {
        %dma_wait3A = arith.constant 0 : i32
        %dma_wait3A_208 = arith.constant 0 : i32
        %dma_wait3A_209 = arith.constant 6 : i32
        %dma_wait3A_210 = arith.constant 6 : i32
        %dma_wait3A_211 = arith.constant 0 : i32
        %dma_wait3A_212 = arith.constant 0 : i32
        %dma_wait3A_213 = tpu.memref_slice %arg7[%dma_wait3A_209, %dma_wait3A_211, %dma_wait3A_212] : memref<8x128x32xf32, #tpu.memory_space<vmem>> -> memref<1x128x32xf32, #tpu.memory_space<vmem>>
        %dma_wait3A_214 = tpu.memref_squeeze %dma_wait3A_213 : memref<1x128x32xf32, #tpu.memory_space<vmem>> -> memref<128x32xf32, #tpu.memory_space<vmem>>
        %dma_wait3A_215 = arith.constant 0 : i32
        %dma_wait3A_216 = tpu.memref_slice %arg6[%dma_wait3A, %dma_wait3A_208, %dma_wait3A_215] : memref<2x79x128xi32, #tpu.memory_space<vmem>> -> memref<1x1x128xi32, #tpu.memory_space<vmem>>
        %dma_wait3A_217 = tpu.memref_squeeze %dma_wait3A_216 : memref<1x1x128xi32, #tpu.memory_space<vmem>> -> memref<128xi32, #tpu.memory_space<vmem>>
        %dma_wait3A_218 = arith.constant 0 : i32
        %dma_wait3A_219 = arith.constant 0 : i32
        %dma_wait3A_220 = tpu.memref_slice %arg3[%dma_wait3A_218, %dma_wait3A_219] : memref<10240x32xf32, #tpu.memory_space<hbm>> -> memref<10240x32xf32, #tpu.memory_space<hbm>>
        %dma_wait3A_221 = tpu.memref_slice %arg9[%dma_wait3A_210] : memref<8x!tpu.dma_semaphore, #tpu.memory_space<semaphore_mem>> -> memref<1x!tpu.dma_semaphore, #tpu.memory_space<semaphore_mem>>
        %dma_wait3A_222 = tpu.memref_squeeze %dma_wait3A_221 : memref<1x!tpu.dma_semaphore, #tpu.memory_space<semaphore_mem>> -> memref<!tpu.dma_semaphore, #tpu.memory_space<semaphore_mem>>
        tpu.wait_indirect_dma semaphore(%dma_wait3A_222 : memref<!tpu.dma_semaphore, #tpu.memory_space<semaphore_mem>>) src(%dma_wait3A_220 : memref<10240x32xf32, #tpu.memory_space<hbm>>) dst(%dma_wait3A_214 : memref<128x32xf32, #tpu.memory_space<vmem>>)
        %run_scoped3A_223 = arith.constant 6 : i32
        %run_scoped3A_224 = arith.constant 1 : i32
        "tpu.region"() ({
          %run_scoped3A_231 = tpu.sem_alloc : memref<!tpu.dma_semaphore, #tpu.memory_space<semaphore_mem>>
          %dma_start3A_232 = arith.constant 0 : i32
          %dma_start3A_233 = arith.constant 0 : i32
          %dma_start3A_234 = tpu.memref_slice %arg7[%run_scoped3A_223, %dma_start3A_232, %dma_start3A_233] : memref<8x128x32xf32, #tpu.memory_space<vmem>> -> memref<1x128x32xf32, #tpu.memory_space<vmem>>
          %dma_start3A_235 = tpu.memref_squeeze %dma_start3A_234 : memref<1x128x32xf32, #tpu.memory_space<vmem>> -> memref<128x32xf32, #tpu.memory_space<vmem>>
          %dma_start3A_236 = arith.constant 0 : i32
          %dma_start3A_237 = tpu.memref_slice %arg6[%run_scoped3A_224, %add3A_197, %dma_start3A_236] : memref<2x79x128xi32, #tpu.memory_space<vmem>> -> memref<1x1x128xi32, #tpu.memory_space<vmem>>
          %dma_start3A_238 = tpu.memref_squeeze %dma_start3A_237 : memref<1x1x128xi32, #tpu.memory_space<vmem>> -> memref<128xi32, #tpu.memory_space<vmem>>
          %dma_start3A_239 = arith.constant 0 : i32
          %dma_start3A_240 = arith.constant 0 : i32
          %dma_start3A_241 = tpu.memref_slice %arg8[%dma_start3A_239, %dma_start3A_240] : memref<10240x32xf32, #tpu.memory_space<vmem_shared>> -> memref<10240x32xf32, #tpu.memory_space<vmem_shared>>
          tpu.enqueue_indirect_dma source(%dma_start3A_235 : memref<128x32xf32, #tpu.memory_space<vmem>>) target(%dma_start3A_241 : memref<10240x32xf32, #tpu.memory_space<vmem_shared>>) offsets(%dma_start3A_238 : memref<128xi32, #tpu.memory_space<vmem>>) semaphore(%run_scoped3A_231 : memref<!tpu.dma_semaphore, #tpu.memory_space<semaphore_mem>>) {add = true}
          %dma_wait3A_242 = arith.constant 0 : i32
          %dma_wait3A_243 = arith.constant 0 : i32
          %dma_wait3A_244 = tpu.memref_slice %arg7[%run_scoped3A_223, %dma_wait3A_242, %dma_wait3A_243] : memref<8x128x32xf32, #tpu.memory_space<vmem>> -> memref<1x128x32xf32, #tpu.memory_space<vmem>>
          %dma_wait3A_245 = tpu.memref_squeeze %dma_wait3A_244 : memref<1x128x32xf32, #tpu.memory_space<vmem>> -> memref<128x32xf32, #tpu.memory_space<vmem>>
          %dma_wait3A_246 = arith.constant 0 : i32
          %dma_wait3A_247 = tpu.memref_slice %arg6[%run_scoped3A_224, %add3A_197, %dma_wait3A_246] : memref<2x79x128xi32, #tpu.memory_space<vmem>> -> memref<1x1x128xi32, #tpu.memory_space<vmem>>
          %dma_wait3A_248 = tpu.memref_squeeze %dma_wait3A_247 : memref<1x1x128xi32, #tpu.memory_space<vmem>> -> memref<128xi32, #tpu.memory_space<vmem>>
          %dma_wait3A_249 = arith.constant 0 : i32
          %dma_wait3A_250 = arith.constant 0 : i32
          %dma_wait3A_251 = tpu.memref_slice %arg8[%dma_wait3A_249, %dma_wait3A_250] : memref<10240x32xf32, #tpu.memory_space<vmem_shared>> -> memref<10240x32xf32, #tpu.memory_space<vmem_shared>>
          tpu.wait_indirect_dma semaphore(%run_scoped3A_231 : memref<!tpu.dma_semaphore, #tpu.memory_space<semaphore_mem>>) src(%dma_wait3A_245 : memref<128x32xf32, #tpu.memory_space<vmem>>) dst(%dma_wait3A_251 : memref<10240x32xf32, #tpu.memory_space<vmem_shared>>)
          tpu.yield
        }) : () -> ()
        %add3A_225 = arith.constant 8 : i32
        %add3A_226 = arith.addi %add3A_197, %add3A_225 : i32
        %lt3A_227 = arith.cmpi slt, %add3A_226, %add3A_4 : i32
        %convert_element_type3A_228 = arith.extui %lt3A_227 : i1 to i32
        %cond3A_229 = arith.constant 0 : i32
        %cond3A_230 = arith.cmpi ne, %convert_element_type3A_228, %cond3A_229 : i32
        scf.if %cond3A_230 {
          %add3A_231 = arith.constant 8 : i32
          %add3A_232 = arith.addi %add3A_197, %add3A_231 : i32
          %dma_start3A_233 = arith.constant 0 : i32
          %dma_start3A_234 = arith.constant 6 : i32
          %dma_start3A_235 = arith.constant 6 : i32
          %dma_start3A_236 = arith.constant 0 : i32
          %dma_start3A_237 = arith.constant 0 : i32
          %dma_start3A_238 = tpu.memref_slice %arg7[%dma_start3A_234, %dma_start3A_236, %dma_start3A_237] : memref<8x128x32xf32, #tpu.memory_space<vmem>> -> memref<1x128x32xf32, #tpu.memory_space<vmem>>
          %dma_start3A_239 = tpu.memref_squeeze %dma_start3A_238 : memref<1x128x32xf32, #tpu.memory_space<vmem>> -> memref<128x32xf32, #tpu.memory_space<vmem>>
          %dma_start3A_240 = arith.constant 0 : i32
          %dma_start3A_241 = tpu.memref_slice %arg6[%dma_start3A_233, %add3A_232, %dma_start3A_240] : memref<2x79x128xi32, #tpu.memory_space<vmem>> -> memref<1x1x128xi32, #tpu.memory_space<vmem>>
          %dma_start3A_242 = tpu.memref_squeeze %dma_start3A_241 : memref<1x1x128xi32, #tpu.memory_space<vmem>> -> memref<128xi32, #tpu.memory_space<vmem>>
          %dma_start3A_243 = arith.constant 0 : i32
          %dma_start3A_244 = arith.constant 0 : i32
          %dma_start3A_245 = tpu.memref_slice %arg3[%dma_start3A_243, %dma_start3A_244] : memref<10240x32xf32, #tpu.memory_space<hbm>> -> memref<10240x32xf32, #tpu.memory_space<hbm>>
          %dma_start3A_246 = tpu.memref_slice %arg9[%dma_start3A_235] : memref<8x!tpu.dma_semaphore, #tpu.memory_space<semaphore_mem>> -> memref<1x!tpu.dma_semaphore, #tpu.memory_space<semaphore_mem>>
          %dma_start3A_247 = tpu.memref_squeeze %dma_start3A_246 : memref<1x!tpu.dma_semaphore, #tpu.memory_space<semaphore_mem>> -> memref<!tpu.dma_semaphore, #tpu.memory_space<semaphore_mem>>
          tpu.enqueue_indirect_dma source(%dma_start3A_245 : memref<10240x32xf32, #tpu.memory_space<hbm>>) target(%dma_start3A_239 : memref<128x32xf32, #tpu.memory_space<vmem>>) offsets(%dma_start3A_242 : memref<128xi32, #tpu.memory_space<vmem>>) semaphore(%dma_start3A_247 : memref<!tpu.dma_semaphore, #tpu.memory_space<semaphore_mem>>)
        } else {
        }
      } else {
      }
      %add3A_202 = arith.constant 7 : i32
      %add3A_203 = arith.addi %add3A_159, %add3A_202 : i32
      %lt3A_204 = arith.cmpi slt, %add3A_203, %add3A_4 : i32
      %convert_element_type3A_205 = arith.extui %lt3A_204 : i1 to i32
      %cond3A_206 = arith.constant 0 : i32
      %cond3A_207 = arith.cmpi ne, %convert_element_type3A_205, %cond3A_206 : i32
      scf.if %cond3A_207 {
        %dma_wait3A = arith.constant 0 : i32
        %dma_wait3A_208 = arith.constant 0 : i32
        %dma_wait3A_209 = arith.constant 7 : i32
        %dma_wait3A_210 = arith.constant 7 : i32
        %dma_wait3A_211 = arith.constant 0 : i32
        %dma_wait3A_212 = arith.constant 0 : i32
        %dma_wait3A_213 = tpu.memref_slice %arg7[%dma_wait3A_209, %dma_wait3A_211, %dma_wait3A_212] : memref<8x128x32xf32, #tpu.memory_space<vmem>> -> memref<1x128x32xf32, #tpu.memory_space<vmem>>
        %dma_wait3A_214 = tpu.memref_squeeze %dma_wait3A_213 : memref<1x128x32xf32, #tpu.memory_space<vmem>> -> memref<128x32xf32, #tpu.memory_space<vmem>>
        %dma_wait3A_215 = arith.constant 0 : i32
        %dma_wait3A_216 = tpu.memref_slice %arg6[%dma_wait3A, %dma_wait3A_208, %dma_wait3A_215] : memref<2x79x128xi32, #tpu.memory_space<vmem>> -> memref<1x1x128xi32, #tpu.memory_space<vmem>>
        %dma_wait3A_217 = tpu.memref_squeeze %dma_wait3A_216 : memref<1x1x128xi32, #tpu.memory_space<vmem>> -> memref<128xi32, #tpu.memory_space<vmem>>
        %dma_wait3A_218 = arith.constant 0 : i32
        %dma_wait3A_219 = arith.constant 0 : i32
        %dma_wait3A_220 = tpu.memref_slice %arg3[%dma_wait3A_218, %dma_wait3A_219] : memref<10240x32xf32, #tpu.memory_space<hbm>> -> memref<10240x32xf32, #tpu.memory_space<hbm>>
        %dma_wait3A_221 = tpu.memref_slice %arg9[%dma_wait3A_210] : memref<8x!tpu.dma_semaphore, #tpu.memory_space<semaphore_mem>> -> memref<1x!tpu.dma_semaphore, #tpu.memory_space<semaphore_mem>>
        %dma_wait3A_222 = tpu.memref_squeeze %dma_wait3A_221 : memref<1x!tpu.dma_semaphore, #tpu.memory_space<semaphore_mem>> -> memref<!tpu.dma_semaphore, #tpu.memory_space<semaphore_mem>>
        tpu.wait_indirect_dma semaphore(%dma_wait3A_222 : memref<!tpu.dma_semaphore, #tpu.memory_space<semaphore_mem>>) src(%dma_wait3A_220 : memref<10240x32xf32, #tpu.memory_space<hbm>>) dst(%dma_wait3A_214 : memref<128x32xf32, #tpu.memory_space<vmem>>)
        %run_scoped3A_223 = arith.constant 7 : i32
        %run_scoped3A_224 = arith.constant 1 : i32
        "tpu.region"() ({
          %run_scoped3A_231 = tpu.sem_alloc : memref<!tpu.dma_semaphore, #tpu.memory_space<semaphore_mem>>
          %dma_start3A_232 = arith.constant 0 : i32
          %dma_start3A_233 = arith.constant 0 : i32
          %dma_start3A_234 = tpu.memref_slice %arg7[%run_scoped3A_223, %dma_start3A_232, %dma_start3A_233] : memref<8x128x32xf32, #tpu.memory_space<vmem>> -> memref<1x128x32xf32, #tpu.memory_space<vmem>>
          %dma_start3A_235 = tpu.memref_squeeze %dma_start3A_234 : memref<1x128x32xf32, #tpu.memory_space<vmem>> -> memref<128x32xf32, #tpu.memory_space<vmem>>
          %dma_start3A_236 = arith.constant 0 : i32
          %dma_start3A_237 = tpu.memref_slice %arg6[%run_scoped3A_224, %add3A_203, %dma_start3A_236] : memref<2x79x128xi32, #tpu.memory_space<vmem>> -> memref<1x1x128xi32, #tpu.memory_space<vmem>>
          %dma_start3A_238 = tpu.memref_squeeze %dma_start3A_237 : memref<1x1x128xi32, #tpu.memory_space<vmem>> -> memref<128xi32, #tpu.memory_space<vmem>>
          %dma_start3A_239 = arith.constant 0 : i32
          %dma_start3A_240 = arith.constant 0 : i32
          %dma_start3A_241 = tpu.memref_slice %arg8[%dma_start3A_239, %dma_start3A_240] : memref<10240x32xf32, #tpu.memory_space<vmem_shared>> -> memref<10240x32xf32, #tpu.memory_space<vmem_shared>>
          tpu.enqueue_indirect_dma source(%dma_start3A_235 : memref<128x32xf32, #tpu.memory_space<vmem>>) target(%dma_start3A_241 : memref<10240x32xf32, #tpu.memory_space<vmem_shared>>) offsets(%dma_start3A_238 : memref<128xi32, #tpu.memory_space<vmem>>) semaphore(%run_scoped3A_231 : memref<!tpu.dma_semaphore, #tpu.memory_space<semaphore_mem>>) {add = true}
          %dma_wait3A_242 = arith.constant 0 : i32
          %dma_wait3A_243 = arith.constant 0 : i32
          %dma_wait3A_244 = tpu.memref_slice %arg7[%run_scoped3A_223, %dma_wait3A_242, %dma_wait3A_243] : memref<8x128x32xf32, #tpu.memory_space<vmem>> -> memref<1x128x32xf32, #tpu.memory_space<vmem>>
          %dma_wait3A_245 = tpu.memref_squeeze %dma_wait3A_244 : memref<1x128x32xf32, #tpu.memory_space<vmem>> -> memref<128x32xf32, #tpu.memory_space<vmem>>
          %dma_wait3A_246 = arith.constant 0 : i32
          %dma_wait3A_247 = tpu.memref_slice %arg6[%run_scoped3A_224, %add3A_203, %dma_wait3A_246] : memref<2x79x128xi32, #tpu.memory_space<vmem>> -> memref<1x1x128xi32, #tpu.memory_space<vmem>>
          %dma_wait3A_248 = tpu.memref_squeeze %dma_wait3A_247 : memref<1x1x128xi32, #tpu.memory_space<vmem>> -> memref<128xi32, #tpu.memory_space<vmem>>
          %dma_wait3A_249 = arith.constant 0 : i32
          %dma_wait3A_250 = arith.constant 0 : i32
          %dma_wait3A_251 = tpu.memref_slice %arg8[%dma_wait3A_249, %dma_wait3A_250] : memref<10240x32xf32, #tpu.memory_space<vmem_shared>> -> memref<10240x32xf32, #tpu.memory_space<vmem_shared>>
          tpu.wait_indirect_dma semaphore(%run_scoped3A_231 : memref<!tpu.dma_semaphore, #tpu.memory_space<semaphore_mem>>) src(%dma_wait3A_245 : memref<128x32xf32, #tpu.memory_space<vmem>>) dst(%dma_wait3A_251 : memref<10240x32xf32, #tpu.memory_space<vmem_shared>>)
          tpu.yield
        }) : () -> ()
        %add3A_225 = arith.constant 8 : i32
        %add3A_226 = arith.addi %add3A_203, %add3A_225 : i32
        %lt3A_227 = arith.cmpi slt, %add3A_226, %add3A_4 : i32
        %convert_element_type3A_228 = arith.extui %lt3A_227 : i1 to i32
        %cond3A_229 = arith.constant 0 : i32
        %cond3A_230 = arith.cmpi ne, %convert_element_type3A_228, %cond3A_229 : i32
        scf.if %cond3A_230 {
          %add3A_231 = arith.constant 8 : i32
          %add3A_232 = arith.addi %add3A_203, %add3A_231 : i32
          %dma_start3A_233 = arith.constant 0 : i32
          %dma_start3A_234 = arith.constant 7 : i32
          %dma_start3A_235 = arith.constant 7 : i32
          %dma_start3A_236 = arith.constant 0 : i32
          %dma_start3A_237 = arith.constant 0 : i32
          %dma_start3A_238 = tpu.memref_slice %arg7[%dma_start3A_234, %dma_start3A_236, %dma_start3A_237] : memref<8x128x32xf32, #tpu.memory_space<vmem>> -> memref<1x128x32xf32, #tpu.memory_space<vmem>>
          %dma_start3A_239 = tpu.memref_squeeze %dma_start3A_238 : memref<1x128x32xf32, #tpu.memory_space<vmem>> -> memref<128x32xf32, #tpu.memory_space<vmem>>
          %dma_start3A_240 = arith.constant 0 : i32
          %dma_start3A_241 = tpu.memref_slice %arg6[%dma_start3A_233, %add3A_232, %dma_start3A_240] : memref<2x79x128xi32, #tpu.memory_space<vmem>> -> memref<1x1x128xi32, #tpu.memory_space<vmem>>
          %dma_start3A_242 = tpu.memref_squeeze %dma_start3A_241 : memref<1x1x128xi32, #tpu.memory_space<vmem>> -> memref<128xi32, #tpu.memory_space<vmem>>
          %dma_start3A_243 = arith.constant 0 : i32
          %dma_start3A_244 = arith.constant 0 : i32
          %dma_start3A_245 = tpu.memref_slice %arg3[%dma_start3A_243, %dma_start3A_244] : memref<10240x32xf32, #tpu.memory_space<hbm>> -> memref<10240x32xf32, #tpu.memory_space<hbm>>
          %dma_start3A_246 = tpu.memref_slice %arg9[%dma_start3A_235] : memref<8x!tpu.dma_semaphore, #tpu.memory_space<semaphore_mem>> -> memref<1x!tpu.dma_semaphore, #tpu.memory_space<semaphore_mem>>
          %dma_start3A_247 = tpu.memref_squeeze %dma_start3A_246 : memref<1x!tpu.dma_semaphore, #tpu.memory_space<semaphore_mem>> -> memref<!tpu.dma_semaphore, #tpu.memory_space<semaphore_mem>>
          tpu.enqueue_indirect_dma source(%dma_start3A_245 : memref<10240x32xf32, #tpu.memory_space<hbm>>) target(%dma_start3A_239 : memref<128x32xf32, #tpu.memory_space<vmem>>) offsets(%dma_start3A_242 : memref<128xi32, #tpu.memory_space<vmem>>) semaphore(%dma_start3A_247 : memref<!tpu.dma_semaphore, #tpu.memory_space<semaphore_mem>>)
        } else {
        }
      } else {
      }
    }
    %scan3A_149 = arith.constant 10 : i32
    %barrier3A_150 = arith.constant 0 : index
    tpu.barrier barrier_id(%barrier3A_150)
    %mul3A_151 = arith.constant 640 : i32
    %mul3A_152 = arith.muli %arg1, %mul3A_151 : i32
    %mul3A_153 = arith.constant 640 : i32
    %mul3A_154 = arith.muli %arg1, %mul3A_153 : i32
    "tpu.region"() ({
      %run_scoped3A_155 = tpu.sem_alloc : memref<!tpu.dma_semaphore, #tpu.memory_space<semaphore_mem>>
      %dma_start3A_156 = arith.constant 0 : i32
      %dma_start3A_157 = tpu.memref_slice %arg5[%arg0, %mul3A_154, %dma_start3A_156] : memref<2x10240x32xf32, #tpu.memory_space<hbm>> -> memref<1x640x32xf32, #tpu.memory_space<hbm>>
      %dma_start3A_158 = tpu.memref_squeeze %dma_start3A_157 : memref<1x640x32xf32, #tpu.memory_space<hbm>> -> memref<640x32xf32, #tpu.memory_space<hbm>>
      %dma_start3A_159 = arith.constant 0 : i32
      %dma_start3A_160 = tpu.memref_slice %arg8[%mul3A_152, %dma_start3A_159] : memref<10240x32xf32, #tpu.memory_space<vmem_shared>> -> memref<640x32xf32, #tpu.memory_space<vmem_shared>>
      tpu.enqueue_dma source(%dma_start3A_160 : memref<640x32xf32, #tpu.memory_space<vmem_shared>>) target(%dma_start3A_158 : memref<640x32xf32, #tpu.memory_space<hbm>>) target_semaphore(%run_scoped3A_155 : memref<!tpu.dma_semaphore, #tpu.memory_space<semaphore_mem>>)
      %dma_wait3A = arith.constant 0 : i32
      %dma_wait3A_161 = tpu.memref_slice %arg5[%arg0, %mul3A_154, %dma_wait3A] : memref<2x10240x32xf32, #tpu.memory_space<hbm>> -> memref<1x640x32xf32, #tpu.memory_space<hbm>>
      %dma_wait3A_162 = tpu.memref_squeeze %dma_wait3A_161 : memref<1x640x32xf32, #tpu.memory_space<hbm>> -> memref<640x32xf32, #tpu.memory_space<hbm>>
      %dma_wait3A_163 = arith.constant 0 : i32
      %dma_wait3A_164 = tpu.memref_slice %arg8[%mul3A_152, %dma_wait3A_163] : memref<10240x32xf32, #tpu.memory_space<vmem_shared>> -> memref<640x32xf32, #tpu.memory_space<vmem_shared>>
      tpu.wait_dma2 semaphore(%run_scoped3A_155 : memref<!tpu.dma_semaphore, #tpu.memory_space<semaphore_mem>>) src(%dma_wait3A_164 : memref<640x32xf32, #tpu.memory_space<vmem_shared>>) dst(%dma_wait3A_162 : memref<640x32xf32, #tpu.memory_space<hbm>>)
      tpu.yield
    }) : () -> ()
    return
  }
}

#map = affine_map<(d0, d1) -> (0, 0, 0)>
#map1 = affine_map<(d0, d1) -> (0)>
#map2 = affine_map<(d0, d1) -> (0, 0)>
module attributes {stable_mosaic.version = 14 : i64} {
  func.func @deg_kernel(%arg0: i32, %arg1: i32, %arg2: memref<2x2500x128xi32, #tpu.memory_space<hbm>>, %arg3: memref<128xf32, #tpu.memory_space<hbm>>, %arg4: memref<10240xf32, #tpu.memory_space<hbm>>, %arg5: memref<2x10240xf32, #tpu.memory_space<hbm>>, %arg6: memref<79x128xi32, #tpu.memory_space<vmem>>, %arg7: memref<128xf32, #tpu.memory_space<vmem>>, %arg8: memref<10240xf32, #tpu.memory_space<vmem_shared>>, %arg9: memref<8x!tpu.dma_semaphore, #tpu.memory_space<semaphore_mem>>) attributes {dimension_semantics = [#tpu.dimension_semantics<core_parallel>, #tpu.dimension_semantics<subcore_parallel>], iteration_bounds = array<i64: 2, 16>, scalar_prefetch = 0 : i64, scratch_operands = 4 : i64, tpu.core_type = #tpu.core_type<sc_vector_subcore>, window_params = [{transform_indices = #map}, {transform_indices = #map1}, {transform_indices = #map1}, {transform_indices = #map2}]} {
    %mul3A = arith.constant 16 : i32
    %mul3A_0 = arith.muli %arg0, %mul3A : i32
    %add3A = arith.addi %mul3A_0, %arg1 : i32
    %lt3A = arith.constant 4 : i32
    %lt3A_1 = arith.cmpi slt, %add3A, %lt3A : i32
    %jit3A = arith.constant 1 : i32
    %jit3A_2 = arith.constant 0 : i32
    %select_n3A = arith.select %lt3A_1, %jit3A, %jit3A_2 : i32
    %add3A_3 = arith.constant 78 : i32
    %add3A_4 = arith.addi %add3A_3, %select_n3A : i32
    %mul3A_5 = arith.constant 78 : i32
    %mul3A_6 = arith.muli %add3A, %mul3A_5 : i32
    %min3A = arith.constant 4 : i32
    %min3A_7 = arith.minsi %add3A, %min3A : i32
    %add3A_8 = arith.addi %mul3A_6, %min3A_7 : i32
    %mul3A_9 = arith.constant 640 : i32
    %mul3A_10 = arith.muli %arg1, %mul3A_9 : i32
    %mul3A_11 = arith.constant 640 : i32
    %mul3A_12 = arith.muli %arg1, %mul3A_11 : i32
    "tpu.region"() ({
      %run_scoped3A_167 = tpu.sem_alloc : memref<!tpu.dma_semaphore, #tpu.memory_space<semaphore_mem>>
      %dma_start3A_168 = tpu.memref_slice %arg8[%mul3A_12] : memref<10240xf32, #tpu.memory_space<vmem_shared>> -> memref<640xf32, #tpu.memory_space<vmem_shared>>
      %dma_start3A_169 = tpu.memref_slice %arg4[%mul3A_10] : memref<10240xf32, #tpu.memory_space<hbm>> -> memref<640xf32, #tpu.memory_space<hbm>>
      tpu.enqueue_dma source(%dma_start3A_169 : memref<640xf32, #tpu.memory_space<hbm>>) target(%dma_start3A_168 : memref<640xf32, #tpu.memory_space<vmem_shared>>) target_semaphore(%run_scoped3A_167 : memref<!tpu.dma_semaphore, #tpu.memory_space<semaphore_mem>>)
      %dma_wait3A_170 = tpu.memref_slice %arg8[%mul3A_12] : memref<10240xf32, #tpu.memory_space<vmem_shared>> -> memref<640xf32, #tpu.memory_space<vmem_shared>>
      %dma_wait3A_171 = tpu.memref_slice %arg4[%mul3A_10] : memref<10240xf32, #tpu.memory_space<hbm>> -> memref<640xf32, #tpu.memory_space<hbm>>
      tpu.wait_dma2 semaphore(%run_scoped3A_167 : memref<!tpu.dma_semaphore, #tpu.memory_space<semaphore_mem>>) src(%dma_wait3A_171 : memref<640xf32, #tpu.memory_space<hbm>>) dst(%dma_wait3A_170 : memref<640xf32, #tpu.memory_space<vmem_shared>>)
      tpu.yield
    }) : () -> ()
    "tpu.region"() ({
      %run_scoped3A_167 = tpu.sem_alloc : memref<!tpu.dma_semaphore, #tpu.memory_space<semaphore_mem>>
      tpu.enqueue_dma source(%arg3 : memref<128xf32, #tpu.memory_space<hbm>>) target(%arg7 : memref<128xf32, #tpu.memory_space<vmem>>) target_semaphore(%run_scoped3A_167 : memref<!tpu.dma_semaphore, #tpu.memory_space<semaphore_mem>>)
      tpu.wait_dma2 semaphore(%run_scoped3A_167 : memref<!tpu.dma_semaphore, #tpu.memory_space<semaphore_mem>>) src(%arg3 : memref<128xf32, #tpu.memory_space<hbm>>) dst(%arg7 : memref<128xf32, #tpu.memory_space<vmem>>)
      tpu.yield
    }) : () -> ()
    %run_scoped3A = arith.constant 1 : i32
    "tpu.region"() ({
      %run_scoped3A_167 = tpu.sem_alloc : memref<!tpu.dma_semaphore, #tpu.memory_space<semaphore_mem>>
      %dma_start3A_168 = arith.constant 0 : i32
      %dma_start3A_169 = arith.constant 0 : i32
      %dma_start3A_170 = tpu.memref_slice %arg6[%dma_start3A_168, %dma_start3A_169] : memref<79x128xi32, #tpu.memory_space<vmem>> -> memref<78x128xi32, #tpu.memory_space<vmem>>
      %dma_start3A_171 = arith.constant 0 : i32
      %dma_start3A_172 = tpu.memref_slice %arg2[%run_scoped3A, %add3A_8, %dma_start3A_171] : memref<2x2500x128xi32, #tpu.memory_space<hbm>> -> memref<1x78x128xi32, #tpu.memory_space<hbm>>
      %dma_start3A_173 = tpu.memref_squeeze %dma_start3A_172 : memref<1x78x128xi32, #tpu.memory_space<hbm>> -> memref<78x128xi32, #tpu.memory_space<hbm>>
      %dma_start3A_174 = arith.constant 0 : i32
      %dma_start3A_175 = arith.constant 0 : i32
      %dma_start3A_176 = tpu.memref_slice %arg6[%dma_start3A_174, %dma_start3A_175] : memref<79x128xi32, #tpu.memory_space<vmem>> -> memref<78x128xi32, #tpu.memory_space<vmem>>
      %dma_start3A_177 = arith.constant 0 : i32
      %dma_start3A_178 = tpu.memref_slice %arg2[%run_scoped3A, %add3A_8, %dma_start3A_177] : memref<2x2500x128xi32, #tpu.memory_space<hbm>> -> memref<1x78x128xi32, #tpu.memory_space<hbm>>
      %dma_start3A_179 = tpu.memref_squeeze %dma_start3A_178 : memref<1x78x128xi32, #tpu.memory_space<hbm>> -> memref<78x128xi32, #tpu.memory_space<hbm>>
      tpu.enqueue_dma source(%dma_start3A_179 : memref<78x128xi32, #tpu.memory_space<hbm>>) target(%dma_start3A_176 : memref<78x128xi32, #tpu.memory_space<vmem>>) target_semaphore(%run_scoped3A_167 : memref<!tpu.dma_semaphore, #tpu.memory_space<semaphore_mem>>)
      %dma_wait3A_180 = arith.constant 0 : i32
      %dma_wait3A_181 = arith.constant 0 : i32
      %dma_wait3A_182 = tpu.memref_slice %arg6[%dma_wait3A_180, %dma_wait3A_181] : memref<79x128xi32, #tpu.memory_space<vmem>> -> memref<78x128xi32, #tpu.memory_space<vmem>>
      %dma_wait3A_183 = arith.constant 0 : i32
      %dma_wait3A_184 = tpu.memref_slice %arg2[%run_scoped3A, %add3A_8, %dma_wait3A_183] : memref<2x2500x128xi32, #tpu.memory_space<hbm>> -> memref<1x78x128xi32, #tpu.memory_space<hbm>>
      %dma_wait3A_185 = tpu.memref_squeeze %dma_wait3A_184 : memref<1x78x128xi32, #tpu.memory_space<hbm>> -> memref<78x128xi32, #tpu.memory_space<hbm>>
      %dma_wait3A_186 = arith.constant 0 : i32
      %dma_wait3A_187 = arith.constant 0 : i32
      %dma_wait3A_188 = tpu.memref_slice %arg6[%dma_wait3A_186, %dma_wait3A_187] : memref<79x128xi32, #tpu.memory_space<vmem>> -> memref<78x128xi32, #tpu.memory_space<vmem>>
      %dma_wait3A_189 = arith.constant 0 : i32
      %dma_wait3A_190 = tpu.memref_slice %arg2[%run_scoped3A, %add3A_8, %dma_wait3A_189] : memref<2x2500x128xi32, #tpu.memory_space<hbm>> -> memref<1x78x128xi32, #tpu.memory_space<hbm>>
      %dma_wait3A_191 = tpu.memref_squeeze %dma_wait3A_190 : memref<1x78x128xi32, #tpu.memory_space<hbm>> -> memref<78x128xi32, #tpu.memory_space<hbm>>
      tpu.wait_dma2 semaphore(%run_scoped3A_167 : memref<!tpu.dma_semaphore, #tpu.memory_space<semaphore_mem>>) src(%dma_wait3A_191 : memref<78x128xi32, #tpu.memory_space<hbm>>) dst(%dma_wait3A_188 : memref<78x128xi32, #tpu.memory_space<vmem>>)
      tpu.yield
    }) : () -> ()
    %lt3A_13 = arith.constant 4 : i32
    %lt3A_14 = arith.cmpi slt, %add3A, %lt3A_13 : i32
    %convert_element_type3A = arith.extui %lt3A_14 : i1 to i32
    %cond3A = arith.constant 0 : i32
    %cond3A_15 = arith.cmpi ne, %convert_element_type3A, %cond3A : i32
    scf.if %cond3A_15 {
      %add3A_167 = arith.constant 78 : i32
      %add3A_168 = arith.addi %add3A_8, %add3A_167 : i32
      %run_scoped3A_169 = arith.constant 1 : i32
      %run_scoped3A_170 = arith.constant 78 : i32
      "tpu.region"() ({
        %run_scoped3A_171 = tpu.sem_alloc : memref<!tpu.dma_semaphore, #tpu.memory_space<semaphore_mem>>
        %dma_start3A_172 = arith.constant 0 : i32
        %dma_start3A_173 = tpu.memref_slice %arg6[%run_scoped3A_170, %dma_start3A_172] : memref<79x128xi32, #tpu.memory_space<vmem>> -> memref<1x128xi32, #tpu.memory_space<vmem>>
        %dma_start3A_174 = tpu.memref_squeeze %dma_start3A_173 : memref<1x128xi32, #tpu.memory_space<vmem>> -> memref<128xi32, #tpu.memory_space<vmem>>
        %dma_start3A_175 = arith.constant 0 : i32
        %dma_start3A_176 = tpu.memref_slice %arg2[%run_scoped3A_169, %add3A_168, %dma_start3A_175] : memref<2x2500x128xi32, #tpu.memory_space<hbm>> -> memref<1x1x128xi32, #tpu.memory_space<hbm>>
        %dma_start3A_177 = tpu.memref_squeeze %dma_start3A_176 : memref<1x1x128xi32, #tpu.memory_space<hbm>> -> memref<128xi32, #tpu.memory_space<hbm>>
        %dma_start3A_178 = arith.constant 0 : i32
        %dma_start3A_179 = tpu.memref_slice %arg6[%run_scoped3A_170, %dma_start3A_178] : memref<79x128xi32, #tpu.memory_space<vmem>> -> memref<1x128xi32, #tpu.memory_space<vmem>>
        %dma_start3A_180 = tpu.memref_squeeze %dma_start3A_179 : memref<1x128xi32, #tpu.memory_space<vmem>> -> memref<128xi32, #tpu.memory_space<vmem>>
        %dma_start3A_181 = arith.constant 0 : i32
        %dma_start3A_182 = tpu.memref_slice %arg2[%run_scoped3A_169, %add3A_168, %dma_start3A_181] : memref<2x2500x128xi32, #tpu.memory_space<hbm>> -> memref<1x1x128xi32, #tpu.memory_space<hbm>>
        %dma_start3A_183 = tpu.memref_squeeze %dma_start3A_182 : memref<1x1x128xi32, #tpu.memory_space<hbm>> -> memref<128xi32, #tpu.memory_space<hbm>>
        tpu.enqueue_dma source(%dma_start3A_183 : memref<128xi32, #tpu.memory_space<hbm>>) target(%dma_start3A_180 : memref<128xi32, #tpu.memory_space<vmem>>) target_semaphore(%run_scoped3A_171 : memref<!tpu.dma_semaphore, #tpu.memory_space<semaphore_mem>>)
        %dma_wait3A_184 = arith.constant 0 : i32
        %dma_wait3A_185 = tpu.memref_slice %arg6[%run_scoped3A_170, %dma_wait3A_184] : memref<79x128xi32, #tpu.memory_space<vmem>> -> memref<1x128xi32, #tpu.memory_space<vmem>>
        %dma_wait3A_186 = tpu.memref_squeeze %dma_wait3A_185 : memref<1x128xi32, #tpu.memory_space<vmem>> -> memref<128xi32, #tpu.memory_space<vmem>>
        %dma_wait3A_187 = arith.constant 0 : i32
        %dma_wait3A_188 = tpu.memref_slice %arg2[%run_scoped3A_169, %add3A_168, %dma_wait3A_187] : memref<2x2500x128xi32, #tpu.memory_space<hbm>> -> memref<1x1x128xi32, #tpu.memory_space<hbm>>
        %dma_wait3A_189 = tpu.memref_squeeze %dma_wait3A_188 : memref<1x1x128xi32, #tpu.memory_space<hbm>> -> memref<128xi32, #tpu.memory_space<hbm>>
        %dma_wait3A_190 = arith.constant 0 : i32
        %dma_wait3A_191 = tpu.memref_slice %arg6[%run_scoped3A_170, %dma_wait3A_190] : memref<79x128xi32, #tpu.memory_space<vmem>> -> memref<1x128xi32, #tpu.memory_space<vmem>>
        %dma_wait3A_192 = tpu.memref_squeeze %dma_wait3A_191 : memref<1x128xi32, #tpu.memory_space<vmem>> -> memref<128xi32, #tpu.memory_space<vmem>>
        %dma_wait3A_193 = arith.constant 0 : i32
        %dma_wait3A_194 = tpu.memref_slice %arg2[%run_scoped3A_169, %add3A_168, %dma_wait3A_193] : memref<2x2500x128xi32, #tpu.memory_space<hbm>> -> memref<1x1x128xi32, #tpu.memory_space<hbm>>
        %dma_wait3A_195 = tpu.memref_squeeze %dma_wait3A_194 : memref<1x1x128xi32, #tpu.memory_space<hbm>> -> memref<128xi32, #tpu.memory_space<hbm>>
        tpu.wait_dma2 semaphore(%run_scoped3A_171 : memref<!tpu.dma_semaphore, #tpu.memory_space<semaphore_mem>>) src(%dma_wait3A_195 : memref<128xi32, #tpu.memory_space<hbm>>) dst(%dma_wait3A_192 : memref<128xi32, #tpu.memory_space<vmem>>)
        tpu.yield
      }) : () -> ()
    } else {
    }
    %barrier3A = arith.constant 0 : index
    tpu.barrier barrier_id(%barrier3A)
    %dma_start3A = arith.constant 0 : i32
    %dma_start3A_16 = arith.constant 0 : i32
    %dma_start3A_17 = arith.constant 0 : i32
    %dma_start3A_18 = tpu.memref_slice %arg6[%dma_start3A, %dma_start3A_17] : memref<79x128xi32, #tpu.memory_space<vmem>> -> memref<1x128xi32, #tpu.memory_space<vmem>>
    %dma_start3A_19 = tpu.memref_squeeze %dma_start3A_18 : memref<1x128xi32, #tpu.memory_space<vmem>> -> memref<128xi32, #tpu.memory_space<vmem>>
    %dma_start3A_20 = arith.constant 0 : i32
    %dma_start3A_21 = tpu.memref_slice %arg8[%dma_start3A_20] : memref<10240xf32, #tpu.memory_space<vmem_shared>> -> memref<10240xf32, #tpu.memory_space<vmem_shared>>
    %dma_start3A_22 = tpu.memref_slice %arg9[%dma_start3A_16] : memref<8x!tpu.dma_semaphore, #tpu.memory_space<semaphore_mem>> -> memref<1x!tpu.dma_semaphore, #tpu.memory_space<semaphore_mem>>
    %dma_start3A_23 = tpu.memref_squeeze %dma_start3A_22 : memref<1x!tpu.dma_semaphore, #tpu.memory_space<semaphore_mem>> -> memref<!tpu.dma_semaphore, #tpu.memory_space<semaphore_mem>>
    tpu.enqueue_indirect_dma source(%arg7 : memref<128xf32, #tpu.memory_space<vmem>>) target(%dma_start3A_21 : memref<10240xf32, #tpu.memory_space<vmem_shared>>) offsets(%dma_start3A_19 : memref<128xi32, #tpu.memory_space<vmem>>) semaphore(%dma_start3A_23 : memref<!tpu.dma_semaphore, #tpu.memory_space<semaphore_mem>>) {add = true}
    %dma_start3A_24 = arith.constant 1 : i32
    %dma_start3A_25 = arith.constant 1 : i32
    %dma_start3A_26 = arith.constant 0 : i32
    %dma_start3A_27 = tpu.memref_slice %arg6[%dma_start3A_24, %dma_start3A_26] : memref<79x128xi32, #tpu.memory_space<vmem>> -> memref<1x128xi32, #tpu.memory_space<vmem>>
    %dma_start3A_28 = tpu.memref_squeeze %dma_start3A_27 : memref<1x128xi32, #tpu.memory_space<vmem>> -> memref<128xi32, #tpu.memory_space<vmem>>
    %dma_start3A_29 = arith.constant 0 : i32
    %dma_start3A_30 = tpu.memref_slice %arg8[%dma_start3A_29] : memref<10240xf32, #tpu.memory_space<vmem_shared>> -> memref<10240xf32, #tpu.memory_space<vmem_shared>>
    %dma_start3A_31 = tpu.memref_slice %arg9[%dma_start3A_25] : memref<8x!tpu.dma_semaphore, #tpu.memory_space<semaphore_mem>> -> memref<1x!tpu.dma_semaphore, #tpu.memory_space<semaphore_mem>>
    %dma_start3A_32 = tpu.memref_squeeze %dma_start3A_31 : memref<1x!tpu.dma_semaphore, #tpu.memory_space<semaphore_mem>> -> memref<!tpu.dma_semaphore, #tpu.memory_space<semaphore_mem>>
    tpu.enqueue_indirect_dma source(%arg7 : memref<128xf32, #tpu.memory_space<vmem>>) target(%dma_start3A_30 : memref<10240xf32, #tpu.memory_space<vmem_shared>>) offsets(%dma_start3A_28 : memref<128xi32, #tpu.memory_space<vmem>>) semaphore(%dma_start3A_32 : memref<!tpu.dma_semaphore, #tpu.memory_space<semaphore_mem>>) {add = true}
    %dma_start3A_33 = arith.constant 2 : i32
    %dma_start3A_34 = arith.constant 2 : i32
    %dma_start3A_35 = arith.constant 0 : i32
    %dma_start3A_36 = tpu.memref_slice %arg6[%dma_start3A_33, %dma_start3A_35] : memref<79x128xi32, #tpu.memory_space<vmem>> -> memref<1x128xi32, #tpu.memory_space<vmem>>
    %dma_start3A_37 = tpu.memref_squeeze %dma_start3A_36 : memref<1x128xi32, #tpu.memory_space<vmem>> -> memref<128xi32, #tpu.memory_space<vmem>>
    %dma_start3A_38 = arith.constant 0 : i32
    %dma_start3A_39 = tpu.memref_slice %arg8[%dma_start3A_38] : memref<10240xf32, #tpu.memory_space<vmem_shared>> -> memref<10240xf32, #tpu.memory_space<vmem_shared>>
    %dma_start3A_40 = tpu.memref_slice %arg9[%dma_start3A_34] : memref<8x!tpu.dma_semaphore, #tpu.memory_space<semaphore_mem>> -> memref<1x!tpu.dma_semaphore, #tpu.memory_space<semaphore_mem>>
    %dma_start3A_41 = tpu.memref_squeeze %dma_start3A_40 : memref<1x!tpu.dma_semaphore, #tpu.memory_space<semaphore_mem>> -> memref<!tpu.dma_semaphore, #tpu.memory_space<semaphore_mem>>
    tpu.enqueue_indirect_dma source(%arg7 : memref<128xf32, #tpu.memory_space<vmem>>) target(%dma_start3A_39 : memref<10240xf32, #tpu.memory_space<vmem_shared>>) offsets(%dma_start3A_37 : memref<128xi32, #tpu.memory_space<vmem>>) semaphore(%dma_start3A_41 : memref<!tpu.dma_semaphore, #tpu.memory_space<semaphore_mem>>) {add = true}
    %dma_start3A_42 = arith.constant 3 : i32
    %dma_start3A_43 = arith.constant 3 : i32
    %dma_start3A_44 = arith.constant 0 : i32
    %dma_start3A_45 = tpu.memref_slice %arg6[%dma_start3A_42, %dma_start3A_44] : memref<79x128xi32, #tpu.memory_space<vmem>> -> memref<1x128xi32, #tpu.memory_space<vmem>>
    %dma_start3A_46 = tpu.memref_squeeze %dma_start3A_45 : memref<1x128xi32, #tpu.memory_space<vmem>> -> memref<128xi32, #tpu.memory_space<vmem>>
    %dma_start3A_47 = arith.constant 0 : i32
    %dma_start3A_48 = tpu.memref_slice %arg8[%dma_start3A_47] : memref<10240xf32, #tpu.memory_space<vmem_shared>> -> memref<10240xf32, #tpu.memory_space<vmem_shared>>
    %dma_start3A_49 = tpu.memref_slice %arg9[%dma_start3A_43] : memref<8x!tpu.dma_semaphore, #tpu.memory_space<semaphore_mem>> -> memref<1x!tpu.dma_semaphore, #tpu.memory_space<semaphore_mem>>
    %dma_start3A_50 = tpu.memref_squeeze %dma_start3A_49 : memref<1x!tpu.dma_semaphore, #tpu.memory_space<semaphore_mem>> -> memref<!tpu.dma_semaphore, #tpu.memory_space<semaphore_mem>>
    tpu.enqueue_indirect_dma source(%arg7 : memref<128xf32, #tpu.memory_space<vmem>>) target(%dma_start3A_48 : memref<10240xf32, #tpu.memory_space<vmem_shared>>) offsets(%dma_start3A_46 : memref<128xi32, #tpu.memory_space<vmem>>) semaphore(%dma_start3A_50 : memref<!tpu.dma_semaphore, #tpu.memory_space<semaphore_mem>>) {add = true}
    %dma_start3A_51 = arith.constant 4 : i32
    %dma_start3A_52 = arith.constant 4 : i32
    %dma_start3A_53 = arith.constant 0 : i32
    %dma_start3A_54 = tpu.memref_slice %arg6[%dma_start3A_51, %dma_start3A_53] : memref<79x128xi32, #tpu.memory_space<vmem>> -> memref<1x128xi32, #tpu.memory_space<vmem>>
    %dma_start3A_55 = tpu.memref_squeeze %dma_start3A_54 : memref<1x128xi32, #tpu.memory_space<vmem>> -> memref<128xi32, #tpu.memory_space<vmem>>
    %dma_start3A_56 = arith.constant 0 : i32
    %dma_start3A_57 = tpu.memref_slice %arg8[%dma_start3A_56] : memref<10240xf32, #tpu.memory_space<vmem_shared>> -> memref<10240xf32, #tpu.memory_space<vmem_shared>>
    %dma_start3A_58 = tpu.memref_slice %arg9[%dma_start3A_52] : memref<8x!tpu.dma_semaphore, #tpu.memory_space<semaphore_mem>> -> memref<1x!tpu.dma_semaphore, #tpu.memory_space<semaphore_mem>>
    %dma_start3A_59 = tpu.memref_squeeze %dma_start3A_58 : memref<1x!tpu.dma_semaphore, #tpu.memory_space<semaphore_mem>> -> memref<!tpu.dma_semaphore, #tpu.memory_space<semaphore_mem>>
    tpu.enqueue_indirect_dma source(%arg7 : memref<128xf32, #tpu.memory_space<vmem>>) target(%dma_start3A_57 : memref<10240xf32, #tpu.memory_space<vmem_shared>>) offsets(%dma_start3A_55 : memref<128xi32, #tpu.memory_space<vmem>>) semaphore(%dma_start3A_59 : memref<!tpu.dma_semaphore, #tpu.memory_space<semaphore_mem>>) {add = true}
    %dma_start3A_60 = arith.constant 5 : i32
    %dma_start3A_61 = arith.constant 5 : i32
    %dma_start3A_62 = arith.constant 0 : i32
    %dma_start3A_63 = tpu.memref_slice %arg6[%dma_start3A_60, %dma_start3A_62] : memref<79x128xi32, #tpu.memory_space<vmem>> -> memref<1x128xi32, #tpu.memory_space<vmem>>
    %dma_start3A_64 = tpu.memref_squeeze %dma_start3A_63 : memref<1x128xi32, #tpu.memory_space<vmem>> -> memref<128xi32, #tpu.memory_space<vmem>>
    %dma_start3A_65 = arith.constant 0 : i32
    %dma_start3A_66 = tpu.memref_slice %arg8[%dma_start3A_65] : memref<10240xf32, #tpu.memory_space<vmem_shared>> -> memref<10240xf32, #tpu.memory_space<vmem_shared>>
    %dma_start3A_67 = tpu.memref_slice %arg9[%dma_start3A_61] : memref<8x!tpu.dma_semaphore, #tpu.memory_space<semaphore_mem>> -> memref<1x!tpu.dma_semaphore, #tpu.memory_space<semaphore_mem>>
    %dma_start3A_68 = tpu.memref_squeeze %dma_start3A_67 : memref<1x!tpu.dma_semaphore, #tpu.memory_space<semaphore_mem>> -> memref<!tpu.dma_semaphore, #tpu.memory_space<semaphore_mem>>
    tpu.enqueue_indirect_dma source(%arg7 : memref<128xf32, #tpu.memory_space<vmem>>) target(%dma_start3A_66 : memref<10240xf32, #tpu.memory_space<vmem_shared>>) offsets(%dma_start3A_64 : memref<128xi32, #tpu.memory_space<vmem>>) semaphore(%dma_start3A_68 : memref<!tpu.dma_semaphore, #tpu.memory_space<semaphore_mem>>) {add = true}
    %dma_start3A_69 = arith.constant 6 : i32
    %dma_start3A_70 = arith.constant 6 : i32
    %dma_start3A_71 = arith.constant 0 : i32
    %dma_start3A_72 = tpu.memref_slice %arg6[%dma_start3A_69, %dma_start3A_71] : memref<79x128xi32, #tpu.memory_space<vmem>> -> memref<1x128xi32, #tpu.memory_space<vmem>>
    %dma_start3A_73 = tpu.memref_squeeze %dma_start3A_72 : memref<1x128xi32, #tpu.memory_space<vmem>> -> memref<128xi32, #tpu.memory_space<vmem>>
    %dma_start3A_74 = arith.constant 0 : i32
    %dma_start3A_75 = tpu.memref_slice %arg8[%dma_start3A_74] : memref<10240xf32, #tpu.memory_space<vmem_shared>> -> memref<10240xf32, #tpu.memory_space<vmem_shared>>
    %dma_start3A_76 = tpu.memref_slice %arg9[%dma_start3A_70] : memref<8x!tpu.dma_semaphore, #tpu.memory_space<semaphore_mem>> -> memref<1x!tpu.dma_semaphore, #tpu.memory_space<semaphore_mem>>
    %dma_start3A_77 = tpu.memref_squeeze %dma_start3A_76 : memref<1x!tpu.dma_semaphore, #tpu.memory_space<semaphore_mem>> -> memref<!tpu.dma_semaphore, #tpu.memory_space<semaphore_mem>>
    tpu.enqueue_indirect_dma source(%arg7 : memref<128xf32, #tpu.memory_space<vmem>>) target(%dma_start3A_75 : memref<10240xf32, #tpu.memory_space<vmem_shared>>) offsets(%dma_start3A_73 : memref<128xi32, #tpu.memory_space<vmem>>) semaphore(%dma_start3A_77 : memref<!tpu.dma_semaphore, #tpu.memory_space<semaphore_mem>>) {add = true}
    %dma_start3A_78 = arith.constant 7 : i32
    %dma_start3A_79 = arith.constant 7 : i32
    %dma_start3A_80 = arith.constant 0 : i32
    %dma_start3A_81 = tpu.memref_slice %arg6[%dma_start3A_78, %dma_start3A_80] : memref<79x128xi32, #tpu.memory_space<vmem>> -> memref<1x128xi32, #tpu.memory_space<vmem>>
    %dma_start3A_82 = tpu.memref_squeeze %dma_start3A_81 : memref<1x128xi32, #tpu.memory_space<vmem>> -> memref<128xi32, #tpu.memory_space<vmem>>
    %dma_start3A_83 = arith.constant 0 : i32
    %dma_start3A_84 = tpu.memref_slice %arg8[%dma_start3A_83] : memref<10240xf32, #tpu.memory_space<vmem_shared>> -> memref<10240xf32, #tpu.memory_space<vmem_shared>>
    %dma_start3A_85 = tpu.memref_slice %arg9[%dma_start3A_79] : memref<8x!tpu.dma_semaphore, #tpu.memory_space<semaphore_mem>> -> memref<1x!tpu.dma_semaphore, #tpu.memory_space<semaphore_mem>>
    %dma_start3A_86 = tpu.memref_squeeze %dma_start3A_85 : memref<1x!tpu.dma_semaphore, #tpu.memory_space<semaphore_mem>> -> memref<!tpu.dma_semaphore, #tpu.memory_space<semaphore_mem>>
    tpu.enqueue_indirect_dma source(%arg7 : memref<128xf32, #tpu.memory_space<vmem>>) target(%dma_start3A_84 : memref<10240xf32, #tpu.memory_space<vmem_shared>>) offsets(%dma_start3A_82 : memref<128xi32, #tpu.memory_space<vmem>>) semaphore(%dma_start3A_86 : memref<!tpu.dma_semaphore, #tpu.memory_space<semaphore_mem>>) {add = true}
    %scan3A = arith.constant 0 : i32
    %scan3A_87 = arith.constant 10 : i32
    %scan3A_88 = arith.addi %scan3A, %scan3A_87 : i32
    %scan3A_89 = arith.constant 1 : i32
    scf.for %scan3A_167 = %scan3A to %scan3A_88 step %scan3A_89  : i32 {
      %mul3A_168 = arith.constant 8 : i32
      %mul3A_169 = arith.muli %scan3A_167, %mul3A_168 : i32
      %add3A_170 = arith.constant 8 : i32
      %add3A_171 = arith.addi %add3A_170, %mul3A_169 : i32
      %add3A_172 = arith.constant 0 : i32
      %add3A_173 = arith.addi %add3A_171, %add3A_172 : i32
      %lt3A_174 = arith.cmpi slt, %add3A_173, %add3A_4 : i32
      %convert_element_type3A_175 = arith.extui %lt3A_174 : i1 to i32
      %cond3A_176 = arith.constant 0 : i32
      %cond3A_177 = arith.cmpi ne, %convert_element_type3A_175, %cond3A_176 : i32
      scf.if %cond3A_177 {
        %dma_wait3A_220 = arith.constant 0 : i32
        %dma_wait3A_221 = arith.constant 0 : i32
        %dma_wait3A_222 = arith.constant 0 : i32
        %dma_wait3A_223 = tpu.memref_slice %arg6[%dma_wait3A_220, %dma_wait3A_222] : memref<79x128xi32, #tpu.memory_space<vmem>> -> memref<1x128xi32, #tpu.memory_space<vmem>>
        %dma_wait3A_224 = tpu.memref_squeeze %dma_wait3A_223 : memref<1x128xi32, #tpu.memory_space<vmem>> -> memref<128xi32, #tpu.memory_space<vmem>>
        %dma_wait3A_225 = arith.constant 0 : i32
        %dma_wait3A_226 = tpu.memref_slice %arg8[%dma_wait3A_225] : memref<10240xf32, #tpu.memory_space<vmem_shared>> -> memref<10240xf32, #tpu.memory_space<vmem_shared>>
        %dma_wait3A_227 = tpu.memref_slice %arg9[%dma_wait3A_221] : memref<8x!tpu.dma_semaphore, #tpu.memory_space<semaphore_mem>> -> memref<1x!tpu.dma_semaphore, #tpu.memory_space<semaphore_mem>>
        %dma_wait3A_228 = tpu.memref_squeeze %dma_wait3A_227 : memref<1x!tpu.dma_semaphore, #tpu.memory_space<semaphore_mem>> -> memref<!tpu.dma_semaphore, #tpu.memory_space<semaphore_mem>>
        tpu.wait_indirect_dma semaphore(%dma_wait3A_228 : memref<!tpu.dma_semaphore, #tpu.memory_space<semaphore_mem>>) src(%arg7 : memref<128xf32, #tpu.memory_space<vmem>>) dst(%dma_wait3A_226 : memref<10240xf32, #tpu.memory_space<vmem_shared>>)
        %dma_start3A_229 = arith.constant 0 : i32
        %dma_start3A_230 = arith.constant 0 : i32
        %dma_start3A_231 = tpu.memref_slice %arg6[%add3A_173, %dma_start3A_230] : memref<79x128xi32, #tpu.memory_space<vmem>> -> memref<1x128xi32, #tpu.memory_space<vmem>>
        %dma_start3A_232 = tpu.memref_squeeze %dma_start3A_231 : memref<1x128xi32, #tpu.memory_space<vmem>> -> memref<128xi32, #tpu.memory_space<vmem>>
        %dma_start3A_233 = arith.constant 0 : i32
        %dma_start3A_234 = tpu.memref_slice %arg8[%dma_start3A_233] : memref<10240xf32, #tpu.memory_space<vmem_shared>> -> memref<10240xf32, #tpu.memory_space<vmem_shared>>
        %dma_start3A_235 = tpu.memref_slice %arg9[%dma_start3A_229] : memref<8x!tpu.dma_semaphore, #tpu.memory_space<semaphore_mem>> -> memref<1x!tpu.dma_semaphore, #tpu.memory_space<semaphore_mem>>
        %dma_start3A_236 = tpu.memref_squeeze %dma_start3A_235 : memref<1x!tpu.dma_semaphore, #tpu.memory_space<semaphore_mem>> -> memref<!tpu.dma_semaphore, #tpu.memory_space<semaphore_mem>>
        tpu.enqueue_indirect_dma source(%arg7 : memref<128xf32, #tpu.memory_space<vmem>>) target(%dma_start3A_234 : memref<10240xf32, #tpu.memory_space<vmem_shared>>) offsets(%dma_start3A_232 : memref<128xi32, #tpu.memory_space<vmem>>) semaphore(%dma_start3A_236 : memref<!tpu.dma_semaphore, #tpu.memory_space<semaphore_mem>>) {add = true}
      } else {
      }
      %add3A_178 = arith.constant 1 : i32
      %add3A_179 = arith.addi %add3A_171, %add3A_178 : i32
      %lt3A_180 = arith.cmpi slt, %add3A_179, %add3A_4 : i32
      %convert_element_type3A_181 = arith.extui %lt3A_180 : i1 to i32
      %cond3A_182 = arith.constant 0 : i32
      %cond3A_183 = arith.cmpi ne, %convert_element_type3A_181, %cond3A_182 : i32
      scf.if %cond3A_183 {
        %dma_wait3A_220 = arith.constant 0 : i32
        %dma_wait3A_221 = arith.constant 1 : i32
        %dma_wait3A_222 = arith.constant 0 : i32
        %dma_wait3A_223 = tpu.memref_slice %arg6[%dma_wait3A_220, %dma_wait3A_222] : memref<79x128xi32, #tpu.memory_space<vmem>> -> memref<1x128xi32, #tpu.memory_space<vmem>>
        %dma_wait3A_224 = tpu.memref_squeeze %dma_wait3A_223 : memref<1x128xi32, #tpu.memory_space<vmem>> -> memref<128xi32, #tpu.memory_space<vmem>>
        %dma_wait3A_225 = arith.constant 0 : i32
        %dma_wait3A_226 = tpu.memref_slice %arg8[%dma_wait3A_225] : memref<10240xf32, #tpu.memory_space<vmem_shared>> -> memref<10240xf32, #tpu.memory_space<vmem_shared>>
        %dma_wait3A_227 = tpu.memref_slice %arg9[%dma_wait3A_221] : memref<8x!tpu.dma_semaphore, #tpu.memory_space<semaphore_mem>> -> memref<1x!tpu.dma_semaphore, #tpu.memory_space<semaphore_mem>>
        %dma_wait3A_228 = tpu.memref_squeeze %dma_wait3A_227 : memref<1x!tpu.dma_semaphore, #tpu.memory_space<semaphore_mem>> -> memref<!tpu.dma_semaphore, #tpu.memory_space<semaphore_mem>>
        tpu.wait_indirect_dma semaphore(%dma_wait3A_228 : memref<!tpu.dma_semaphore, #tpu.memory_space<semaphore_mem>>) src(%arg7 : memref<128xf32, #tpu.memory_space<vmem>>) dst(%dma_wait3A_226 : memref<10240xf32, #tpu.memory_space<vmem_shared>>)
        %dma_start3A_229 = arith.constant 1 : i32
        %dma_start3A_230 = arith.constant 0 : i32
        %dma_start3A_231 = tpu.memref_slice %arg6[%add3A_179, %dma_start3A_230] : memref<79x128xi32, #tpu.memory_space<vmem>> -> memref<1x128xi32, #tpu.memory_space<vmem>>
        %dma_start3A_232 = tpu.memref_squeeze %dma_start3A_231 : memref<1x128xi32, #tpu.memory_space<vmem>> -> memref<128xi32, #tpu.memory_space<vmem>>
        %dma_start3A_233 = arith.constant 0 : i32
        %dma_start3A_234 = tpu.memref_slice %arg8[%dma_start3A_233] : memref<10240xf32, #tpu.memory_space<vmem_shared>> -> memref<10240xf32, #tpu.memory_space<vmem_shared>>
        %dma_start3A_235 = tpu.memref_slice %arg9[%dma_start3A_229] : memref<8x!tpu.dma_semaphore, #tpu.memory_space<semaphore_mem>> -> memref<1x!tpu.dma_semaphore, #tpu.memory_space<semaphore_mem>>
        %dma_start3A_236 = tpu.memref_squeeze %dma_start3A_235 : memref<1x!tpu.dma_semaphore, #tpu.memory_space<semaphore_mem>> -> memref<!tpu.dma_semaphore, #tpu.memory_space<semaphore_mem>>
        tpu.enqueue_indirect_dma source(%arg7 : memref<128xf32, #tpu.memory_space<vmem>>) target(%dma_start3A_234 : memref<10240xf32, #tpu.memory_space<vmem_shared>>) offsets(%dma_start3A_232 : memref<128xi32, #tpu.memory_space<vmem>>) semaphore(%dma_start3A_236 : memref<!tpu.dma_semaphore, #tpu.memory_space<semaphore_mem>>) {add = true}
      } else {
      }
      %add3A_184 = arith.constant 2 : i32
      %add3A_185 = arith.addi %add3A_171, %add3A_184 : i32
      %lt3A_186 = arith.cmpi slt, %add3A_185, %add3A_4 : i32
      %convert_element_type3A_187 = arith.extui %lt3A_186 : i1 to i32
      %cond3A_188 = arith.constant 0 : i32
      %cond3A_189 = arith.cmpi ne, %convert_element_type3A_187, %cond3A_188 : i32
      scf.if %cond3A_189 {
        %dma_wait3A_220 = arith.constant 0 : i32
        %dma_wait3A_221 = arith.constant 2 : i32
        %dma_wait3A_222 = arith.constant 0 : i32
        %dma_wait3A_223 = tpu.memref_slice %arg6[%dma_wait3A_220, %dma_wait3A_222] : memref<79x128xi32, #tpu.memory_space<vmem>> -> memref<1x128xi32, #tpu.memory_space<vmem>>
        %dma_wait3A_224 = tpu.memref_squeeze %dma_wait3A_223 : memref<1x128xi32, #tpu.memory_space<vmem>> -> memref<128xi32, #tpu.memory_space<vmem>>
        %dma_wait3A_225 = arith.constant 0 : i32
        %dma_wait3A_226 = tpu.memref_slice %arg8[%dma_wait3A_225] : memref<10240xf32, #tpu.memory_space<vmem_shared>> -> memref<10240xf32, #tpu.memory_space<vmem_shared>>
        %dma_wait3A_227 = tpu.memref_slice %arg9[%dma_wait3A_221] : memref<8x!tpu.dma_semaphore, #tpu.memory_space<semaphore_mem>> -> memref<1x!tpu.dma_semaphore, #tpu.memory_space<semaphore_mem>>
        %dma_wait3A_228 = tpu.memref_squeeze %dma_wait3A_227 : memref<1x!tpu.dma_semaphore, #tpu.memory_space<semaphore_mem>> -> memref<!tpu.dma_semaphore, #tpu.memory_space<semaphore_mem>>
        tpu.wait_indirect_dma semaphore(%dma_wait3A_228 : memref<!tpu.dma_semaphore, #tpu.memory_space<semaphore_mem>>) src(%arg7 : memref<128xf32, #tpu.memory_space<vmem>>) dst(%dma_wait3A_226 : memref<10240xf32, #tpu.memory_space<vmem_shared>>)
        %dma_start3A_229 = arith.constant 2 : i32
        %dma_start3A_230 = arith.constant 0 : i32
        %dma_start3A_231 = tpu.memref_slice %arg6[%add3A_185, %dma_start3A_230] : memref<79x128xi32, #tpu.memory_space<vmem>> -> memref<1x128xi32, #tpu.memory_space<vmem>>
        %dma_start3A_232 = tpu.memref_squeeze %dma_start3A_231 : memref<1x128xi32, #tpu.memory_space<vmem>> -> memref<128xi32, #tpu.memory_space<vmem>>
        %dma_start3A_233 = arith.constant 0 : i32
        %dma_start3A_234 = tpu.memref_slice %arg8[%dma_start3A_233] : memref<10240xf32, #tpu.memory_space<vmem_shared>> -> memref<10240xf32, #tpu.memory_space<vmem_shared>>
        %dma_start3A_235 = tpu.memref_slice %arg9[%dma_start3A_229] : memref<8x!tpu.dma_semaphore, #tpu.memory_space<semaphore_mem>> -> memref<1x!tpu.dma_semaphore, #tpu.memory_space<semaphore_mem>>
        %dma_start3A_236 = tpu.memref_squeeze %dma_start3A_235 : memref<1x!tpu.dma_semaphore, #tpu.memory_space<semaphore_mem>> -> memref<!tpu.dma_semaphore, #tpu.memory_space<semaphore_mem>>
        tpu.enqueue_indirect_dma source(%arg7 : memref<128xf32, #tpu.memory_space<vmem>>) target(%dma_start3A_234 : memref<10240xf32, #tpu.memory_space<vmem_shared>>) offsets(%dma_start3A_232 : memref<128xi32, #tpu.memory_space<vmem>>) semaphore(%dma_start3A_236 : memref<!tpu.dma_semaphore, #tpu.memory_space<semaphore_mem>>) {add = true}
      } else {
      }
      %add3A_190 = arith.constant 3 : i32
      %add3A_191 = arith.addi %add3A_171, %add3A_190 : i32
      %lt3A_192 = arith.cmpi slt, %add3A_191, %add3A_4 : i32
      %convert_element_type3A_193 = arith.extui %lt3A_192 : i1 to i32
      %cond3A_194 = arith.constant 0 : i32
      %cond3A_195 = arith.cmpi ne, %convert_element_type3A_193, %cond3A_194 : i32
      scf.if %cond3A_195 {
        %dma_wait3A_220 = arith.constant 0 : i32
        %dma_wait3A_221 = arith.constant 3 : i32
        %dma_wait3A_222 = arith.constant 0 : i32
        %dma_wait3A_223 = tpu.memref_slice %arg6[%dma_wait3A_220, %dma_wait3A_222] : memref<79x128xi32, #tpu.memory_space<vmem>> -> memref<1x128xi32, #tpu.memory_space<vmem>>
        %dma_wait3A_224 = tpu.memref_squeeze %dma_wait3A_223 : memref<1x128xi32, #tpu.memory_space<vmem>> -> memref<128xi32, #tpu.memory_space<vmem>>
        %dma_wait3A_225 = arith.constant 0 : i32
        %dma_wait3A_226 = tpu.memref_slice %arg8[%dma_wait3A_225] : memref<10240xf32, #tpu.memory_space<vmem_shared>> -> memref<10240xf32, #tpu.memory_space<vmem_shared>>
        %dma_wait3A_227 = tpu.memref_slice %arg9[%dma_wait3A_221] : memref<8x!tpu.dma_semaphore, #tpu.memory_space<semaphore_mem>> -> memref<1x!tpu.dma_semaphore, #tpu.memory_space<semaphore_mem>>
        %dma_wait3A_228 = tpu.memref_squeeze %dma_wait3A_227 : memref<1x!tpu.dma_semaphore, #tpu.memory_space<semaphore_mem>> -> memref<!tpu.dma_semaphore, #tpu.memory_space<semaphore_mem>>
        tpu.wait_indirect_dma semaphore(%dma_wait3A_228 : memref<!tpu.dma_semaphore, #tpu.memory_space<semaphore_mem>>) src(%arg7 : memref<128xf32, #tpu.memory_space<vmem>>) dst(%dma_wait3A_226 : memref<10240xf32, #tpu.memory_space<vmem_shared>>)
        %dma_start3A_229 = arith.constant 3 : i32
        %dma_start3A_230 = arith.constant 0 : i32
        %dma_start3A_231 = tpu.memref_slice %arg6[%add3A_191, %dma_start3A_230] : memref<79x128xi32, #tpu.memory_space<vmem>> -> memref<1x128xi32, #tpu.memory_space<vmem>>
        %dma_start3A_232 = tpu.memref_squeeze %dma_start3A_231 : memref<1x128xi32, #tpu.memory_space<vmem>> -> memref<128xi32, #tpu.memory_space<vmem>>
        %dma_start3A_233 = arith.constant 0 : i32
        %dma_start3A_234 = tpu.memref_slice %arg8[%dma_start3A_233] : memref<10240xf32, #tpu.memory_space<vmem_shared>> -> memref<10240xf32, #tpu.memory_space<vmem_shared>>
        %dma_start3A_235 = tpu.memref_slice %arg9[%dma_start3A_229] : memref<8x!tpu.dma_semaphore, #tpu.memory_space<semaphore_mem>> -> memref<1x!tpu.dma_semaphore, #tpu.memory_space<semaphore_mem>>
        %dma_start3A_236 = tpu.memref_squeeze %dma_start3A_235 : memref<1x!tpu.dma_semaphore, #tpu.memory_space<semaphore_mem>> -> memref<!tpu.dma_semaphore, #tpu.memory_space<semaphore_mem>>
        tpu.enqueue_indirect_dma source(%arg7 : memref<128xf32, #tpu.memory_space<vmem>>) target(%dma_start3A_234 : memref<10240xf32, #tpu.memory_space<vmem_shared>>) offsets(%dma_start3A_232 : memref<128xi32, #tpu.memory_space<vmem>>) semaphore(%dma_start3A_236 : memref<!tpu.dma_semaphore, #tpu.memory_space<semaphore_mem>>) {add = true}
      } else {
      }
      %add3A_196 = arith.constant 4 : i32
      %add3A_197 = arith.addi %add3A_171, %add3A_196 : i32
      %lt3A_198 = arith.cmpi slt, %add3A_197, %add3A_4 : i32
      %convert_element_type3A_199 = arith.extui %lt3A_198 : i1 to i32
      %cond3A_200 = arith.constant 0 : i32
      %cond3A_201 = arith.cmpi ne, %convert_element_type3A_199, %cond3A_200 : i32
      scf.if %cond3A_201 {
        %dma_wait3A_220 = arith.constant 0 : i32
        %dma_wait3A_221 = arith.constant 4 : i32
        %dma_wait3A_222 = arith.constant 0 : i32
        %dma_wait3A_223 = tpu.memref_slice %arg6[%dma_wait3A_220, %dma_wait3A_222] : memref<79x128xi32, #tpu.memory_space<vmem>> -> memref<1x128xi32, #tpu.memory_space<vmem>>
        %dma_wait3A_224 = tpu.memref_squeeze %dma_wait3A_223 : memref<1x128xi32, #tpu.memory_space<vmem>> -> memref<128xi32, #tpu.memory_space<vmem>>
        %dma_wait3A_225 = arith.constant 0 : i32
        %dma_wait3A_226 = tpu.memref_slice %arg8[%dma_wait3A_225] : memref<10240xf32, #tpu.memory_space<vmem_shared>> -> memref<10240xf32, #tpu.memory_space<vmem_shared>>
        %dma_wait3A_227 = tpu.memref_slice %arg9[%dma_wait3A_221] : memref<8x!tpu.dma_semaphore, #tpu.memory_space<semaphore_mem>> -> memref<1x!tpu.dma_semaphore, #tpu.memory_space<semaphore_mem>>
        %dma_wait3A_228 = tpu.memref_squeeze %dma_wait3A_227 : memref<1x!tpu.dma_semaphore, #tpu.memory_space<semaphore_mem>> -> memref<!tpu.dma_semaphore, #tpu.memory_space<semaphore_mem>>
        tpu.wait_indirect_dma semaphore(%dma_wait3A_228 : memref<!tpu.dma_semaphore, #tpu.memory_space<semaphore_mem>>) src(%arg7 : memref<128xf32, #tpu.memory_space<vmem>>) dst(%dma_wait3A_226 : memref<10240xf32, #tpu.memory_space<vmem_shared>>)
        %dma_start3A_229 = arith.constant 4 : i32
        %dma_start3A_230 = arith.constant 0 : i32
        %dma_start3A_231 = tpu.memref_slice %arg6[%add3A_197, %dma_start3A_230] : memref<79x128xi32, #tpu.memory_space<vmem>> -> memref<1x128xi32, #tpu.memory_space<vmem>>
        %dma_start3A_232 = tpu.memref_squeeze %dma_start3A_231 : memref<1x128xi32, #tpu.memory_space<vmem>> -> memref<128xi32, #tpu.memory_space<vmem>>
        %dma_start3A_233 = arith.constant 0 : i32
        %dma_start3A_234 = tpu.memref_slice %arg8[%dma_start3A_233] : memref<10240xf32, #tpu.memory_space<vmem_shared>> -> memref<10240xf32, #tpu.memory_space<vmem_shared>>
        %dma_start3A_235 = tpu.memref_slice %arg9[%dma_start3A_229] : memref<8x!tpu.dma_semaphore, #tpu.memory_space<semaphore_mem>> -> memref<1x!tpu.dma_semaphore, #tpu.memory_space<semaphore_mem>>
        %dma_start3A_236 = tpu.memref_squeeze %dma_start3A_235 : memref<1x!tpu.dma_semaphore, #tpu.memory_space<semaphore_mem>> -> memref<!tpu.dma_semaphore, #tpu.memory_space<semaphore_mem>>
        tpu.enqueue_indirect_dma source(%arg7 : memref<128xf32, #tpu.memory_space<vmem>>) target(%dma_start3A_234 : memref<10240xf32, #tpu.memory_space<vmem_shared>>) offsets(%dma_start3A_232 : memref<128xi32, #tpu.memory_space<vmem>>) semaphore(%dma_start3A_236 : memref<!tpu.dma_semaphore, #tpu.memory_space<semaphore_mem>>) {add = true}
      } else {
      }
      %add3A_202 = arith.constant 5 : i32
      %add3A_203 = arith.addi %add3A_171, %add3A_202 : i32
      %lt3A_204 = arith.cmpi slt, %add3A_203, %add3A_4 : i32
      %convert_element_type3A_205 = arith.extui %lt3A_204 : i1 to i32
      %cond3A_206 = arith.constant 0 : i32
      %cond3A_207 = arith.cmpi ne, %convert_element_type3A_205, %cond3A_206 : i32
      scf.if %cond3A_207 {
        %dma_wait3A_220 = arith.constant 0 : i32
        %dma_wait3A_221 = arith.constant 5 : i32
        %dma_wait3A_222 = arith.constant 0 : i32
        %dma_wait3A_223 = tpu.memref_slice %arg6[%dma_wait3A_220, %dma_wait3A_222] : memref<79x128xi32, #tpu.memory_space<vmem>> -> memref<1x128xi32, #tpu.memory_space<vmem>>
        %dma_wait3A_224 = tpu.memref_squeeze %dma_wait3A_223 : memref<1x128xi32, #tpu.memory_space<vmem>> -> memref<128xi32, #tpu.memory_space<vmem>>
        %dma_wait3A_225 = arith.constant 0 : i32
        %dma_wait3A_226 = tpu.memref_slice %arg8[%dma_wait3A_225] : memref<10240xf32, #tpu.memory_space<vmem_shared>> -> memref<10240xf32, #tpu.memory_space<vmem_shared>>
        %dma_wait3A_227 = tpu.memref_slice %arg9[%dma_wait3A_221] : memref<8x!tpu.dma_semaphore, #tpu.memory_space<semaphore_mem>> -> memref<1x!tpu.dma_semaphore, #tpu.memory_space<semaphore_mem>>
        %dma_wait3A_228 = tpu.memref_squeeze %dma_wait3A_227 : memref<1x!tpu.dma_semaphore, #tpu.memory_space<semaphore_mem>> -> memref<!tpu.dma_semaphore, #tpu.memory_space<semaphore_mem>>
        tpu.wait_indirect_dma semaphore(%dma_wait3A_228 : memref<!tpu.dma_semaphore, #tpu.memory_space<semaphore_mem>>) src(%arg7 : memref<128xf32, #tpu.memory_space<vmem>>) dst(%dma_wait3A_226 : memref<10240xf32, #tpu.memory_space<vmem_shared>>)
        %dma_start3A_229 = arith.constant 5 : i32
        %dma_start3A_230 = arith.constant 0 : i32
        %dma_start3A_231 = tpu.memref_slice %arg6[%add3A_203, %dma_start3A_230] : memref<79x128xi32, #tpu.memory_space<vmem>> -> memref<1x128xi32, #tpu.memory_space<vmem>>
        %dma_start3A_232 = tpu.memref_squeeze %dma_start3A_231 : memref<1x128xi32, #tpu.memory_space<vmem>> -> memref<128xi32, #tpu.memory_space<vmem>>
        %dma_start3A_233 = arith.constant 0 : i32
        %dma_start3A_234 = tpu.memref_slice %arg8[%dma_start3A_233] : memref<10240xf32, #tpu.memory_space<vmem_shared>> -> memref<10240xf32, #tpu.memory_space<vmem_shared>>
        %dma_start3A_235 = tpu.memref_slice %arg9[%dma_start3A_229] : memref<8x!tpu.dma_semaphore, #tpu.memory_space<semaphore_mem>> -> memref<1x!tpu.dma_semaphore, #tpu.memory_space<semaphore_mem>>
        %dma_start3A_236 = tpu.memref_squeeze %dma_start3A_235 : memref<1x!tpu.dma_semaphore, #tpu.memory_space<semaphore_mem>> -> memref<!tpu.dma_semaphore, #tpu.memory_space<semaphore_mem>>
        tpu.enqueue_indirect_dma source(%arg7 : memref<128xf32, #tpu.memory_space<vmem>>) target(%dma_start3A_234 : memref<10240xf32, #tpu.memory_space<vmem_shared>>) offsets(%dma_start3A_232 : memref<128xi32, #tpu.memory_space<vmem>>) semaphore(%dma_start3A_236 : memref<!tpu.dma_semaphore, #tpu.memory_space<semaphore_mem>>) {add = true}
      } else {
      }
      %add3A_208 = arith.constant 6 : i32
      %add3A_209 = arith.addi %add3A_171, %add3A_208 : i32
      %lt3A_210 = arith.cmpi slt, %add3A_209, %add3A_4 : i32
      %convert_element_type3A_211 = arith.extui %lt3A_210 : i1 to i32
      %cond3A_212 = arith.constant 0 : i32
      %cond3A_213 = arith.cmpi ne, %convert_element_type3A_211, %cond3A_212 : i32
      scf.if %cond3A_213 {
        %dma_wait3A_220 = arith.constant 0 : i32
        %dma_wait3A_221 = arith.constant 6 : i32
        %dma_wait3A_222 = arith.constant 0 : i32
        %dma_wait3A_223 = tpu.memref_slice %arg6[%dma_wait3A_220, %dma_wait3A_222] : memref<79x128xi32, #tpu.memory_space<vmem>> -> memref<1x128xi32, #tpu.memory_space<vmem>>
        %dma_wait3A_224 = tpu.memref_squeeze %dma_wait3A_223 : memref<1x128xi32, #tpu.memory_space<vmem>> -> memref<128xi32, #tpu.memory_space<vmem>>
        %dma_wait3A_225 = arith.constant 0 : i32
        %dma_wait3A_226 = tpu.memref_slice %arg8[%dma_wait3A_225] : memref<10240xf32, #tpu.memory_space<vmem_shared>> -> memref<10240xf32, #tpu.memory_space<vmem_shared>>
        %dma_wait3A_227 = tpu.memref_slice %arg9[%dma_wait3A_221] : memref<8x!tpu.dma_semaphore, #tpu.memory_space<semaphore_mem>> -> memref<1x!tpu.dma_semaphore, #tpu.memory_space<semaphore_mem>>
        %dma_wait3A_228 = tpu.memref_squeeze %dma_wait3A_227 : memref<1x!tpu.dma_semaphore, #tpu.memory_space<semaphore_mem>> -> memref<!tpu.dma_semaphore, #tpu.memory_space<semaphore_mem>>
        tpu.wait_indirect_dma semaphore(%dma_wait3A_228 : memref<!tpu.dma_semaphore, #tpu.memory_space<semaphore_mem>>) src(%arg7 : memref<128xf32, #tpu.memory_space<vmem>>) dst(%dma_wait3A_226 : memref<10240xf32, #tpu.memory_space<vmem_shared>>)
        %dma_start3A_229 = arith.constant 6 : i32
        %dma_start3A_230 = arith.constant 0 : i32
        %dma_start3A_231 = tpu.memref_slice %arg6[%add3A_209, %dma_start3A_230] : memref<79x128xi32, #tpu.memory_space<vmem>> -> memref<1x128xi32, #tpu.memory_space<vmem>>
        %dma_start3A_232 = tpu.memref_squeeze %dma_start3A_231 : memref<1x128xi32, #tpu.memory_space<vmem>> -> memref<128xi32, #tpu.memory_space<vmem>>
        %dma_start3A_233 = arith.constant 0 : i32
        %dma_start3A_234 = tpu.memref_slice %arg8[%dma_start3A_233] : memref<10240xf32, #tpu.memory_space<vmem_shared>> -> memref<10240xf32, #tpu.memory_space<vmem_shared>>
        %dma_start3A_235 = tpu.memref_slice %arg9[%dma_start3A_229] : memref<8x!tpu.dma_semaphore, #tpu.memory_space<semaphore_mem>> -> memref<1x!tpu.dma_semaphore, #tpu.memory_space<semaphore_mem>>
        %dma_start3A_236 = tpu.memref_squeeze %dma_start3A_235 : memref<1x!tpu.dma_semaphore, #tpu.memory_space<semaphore_mem>> -> memref<!tpu.dma_semaphore, #tpu.memory_space<semaphore_mem>>
        tpu.enqueue_indirect_dma source(%arg7 : memref<128xf32, #tpu.memory_space<vmem>>) target(%dma_start3A_234 : memref<10240xf32, #tpu.memory_space<vmem_shared>>) offsets(%dma_start3A_232 : memref<128xi32, #tpu.memory_space<vmem>>) semaphore(%dma_start3A_236 : memref<!tpu.dma_semaphore, #tpu.memory_space<semaphore_mem>>) {add = true}
      } else {
      }
      %add3A_214 = arith.constant 7 : i32
      %add3A_215 = arith.addi %add3A_171, %add3A_214 : i32
      %lt3A_216 = arith.cmpi slt, %add3A_215, %add3A_4 : i32
      %convert_element_type3A_217 = arith.extui %lt3A_216 : i1 to i32
      %cond3A_218 = arith.constant 0 : i32
      %cond3A_219 = arith.cmpi ne, %convert_element_type3A_217, %cond3A_218 : i32
      scf.if %cond3A_219 {
        %dma_wait3A_220 = arith.constant 0 : i32
        %dma_wait3A_221 = arith.constant 7 : i32
        %dma_wait3A_222 = arith.constant 0 : i32
        %dma_wait3A_223 = tpu.memref_slice %arg6[%dma_wait3A_220, %dma_wait3A_222] : memref<79x128xi32, #tpu.memory_space<vmem>> -> memref<1x128xi32, #tpu.memory_space<vmem>>
        %dma_wait3A_224 = tpu.memref_squeeze %dma_wait3A_223 : memref<1x128xi32, #tpu.memory_space<vmem>> -> memref<128xi32, #tpu.memory_space<vmem>>
        %dma_wait3A_225 = arith.constant 0 : i32
        %dma_wait3A_226 = tpu.memref_slice %arg8[%dma_wait3A_225] : memref<10240xf32, #tpu.memory_space<vmem_shared>> -> memref<10240xf32, #tpu.memory_space<vmem_shared>>
        %dma_wait3A_227 = tpu.memref_slice %arg9[%dma_wait3A_221] : memref<8x!tpu.dma_semaphore, #tpu.memory_space<semaphore_mem>> -> memref<1x!tpu.dma_semaphore, #tpu.memory_space<semaphore_mem>>
        %dma_wait3A_228 = tpu.memref_squeeze %dma_wait3A_227 : memref<1x!tpu.dma_semaphore, #tpu.memory_space<semaphore_mem>> -> memref<!tpu.dma_semaphore, #tpu.memory_space<semaphore_mem>>
        tpu.wait_indirect_dma semaphore(%dma_wait3A_228 : memref<!tpu.dma_semaphore, #tpu.memory_space<semaphore_mem>>) src(%arg7 : memref<128xf32, #tpu.memory_space<vmem>>) dst(%dma_wait3A_226 : memref<10240xf32, #tpu.memory_space<vmem_shared>>)
        %dma_start3A_229 = arith.constant 7 : i32
        %dma_start3A_230 = arith.constant 0 : i32
        %dma_start3A_231 = tpu.memref_slice %arg6[%add3A_215, %dma_start3A_230] : memref<79x128xi32, #tpu.memory_space<vmem>> -> memref<1x128xi32, #tpu.memory_space<vmem>>
        %dma_start3A_232 = tpu.memref_squeeze %dma_start3A_231 : memref<1x128xi32, #tpu.memory_space<vmem>> -> memref<128xi32, #tpu.memory_space<vmem>>
        %dma_start3A_233 = arith.constant 0 : i32
        %dma_start3A_234 = tpu.memref_slice %arg8[%dma_start3A_233] : memref<10240xf32, #tpu.memory_space<vmem_shared>> -> memref<10240xf32, #tpu.memory_space<vmem_shared>>
        %dma_start3A_235 = tpu.memref_slice %arg9[%dma_start3A_229] : memref<8x!tpu.dma_semaphore, #tpu.memory_space<semaphore_mem>> -> memref<1x!tpu.dma_semaphore, #tpu.memory_space<semaphore_mem>>
        %dma_start3A_236 = tpu.memref_squeeze %dma_start3A_235 : memref<1x!tpu.dma_semaphore, #tpu.memory_space<semaphore_mem>> -> memref<!tpu.dma_semaphore, #tpu.memory_space<semaphore_mem>>
        tpu.enqueue_indirect_dma source(%arg7 : memref<128xf32, #tpu.memory_space<vmem>>) target(%dma_start3A_234 : memref<10240xf32, #tpu.memory_space<vmem_shared>>) offsets(%dma_start3A_232 : memref<128xi32, #tpu.memory_space<vmem>>) semaphore(%dma_start3A_236 : memref<!tpu.dma_semaphore, #tpu.memory_space<semaphore_mem>>) {add = true}
      } else {
      }
    }
    %scan3A_90 = arith.constant 10 : i32
    %dma_wait3A = arith.constant 0 : i32
    %dma_wait3A_91 = arith.constant 0 : i32
    %dma_wait3A_92 = arith.constant 0 : i32
    %dma_wait3A_93 = tpu.memref_slice %arg6[%dma_wait3A, %dma_wait3A_92] : memref<79x128xi32, #tpu.memory_space<vmem>> -> memref<1x128xi32, #tpu.memory_space<vmem>>
    %dma_wait3A_94 = tpu.memref_squeeze %dma_wait3A_93 : memref<1x128xi32, #tpu.memory_space<vmem>> -> memref<128xi32, #tpu.memory_space<vmem>>
    %dma_wait3A_95 = arith.constant 0 : i32
    %dma_wait3A_96 = tpu.memref_slice %arg8[%dma_wait3A_95] : memref<10240xf32, #tpu.memory_space<vmem_shared>> -> memref<10240xf32, #tpu.memory_space<vmem_shared>>
    %dma_wait3A_97 = tpu.memref_slice %arg9[%dma_wait3A_91] : memref<8x!tpu.dma_semaphore, #tpu.memory_space<semaphore_mem>> -> memref<1x!tpu.dma_semaphore, #tpu.memory_space<semaphore_mem>>
    %dma_wait3A_98 = tpu.memref_squeeze %dma_wait3A_97 : memref<1x!tpu.dma_semaphore, #tpu.memory_space<semaphore_mem>> -> memref<!tpu.dma_semaphore, #tpu.memory_space<semaphore_mem>>
    tpu.wait_indirect_dma semaphore(%dma_wait3A_98 : memref<!tpu.dma_semaphore, #tpu.memory_space<semaphore_mem>>) src(%arg7 : memref<128xf32, #tpu.memory_space<vmem>>) dst(%dma_wait3A_96 : memref<10240xf32, #tpu.memory_space<vmem_shared>>)
    %dma_wait3A_99 = arith.constant 0 : i32
    %dma_wait3A_100 = arith.constant 1 : i32
    %dma_wait3A_101 = arith.constant 0 : i32
    %dma_wait3A_102 = tpu.memref_slice %arg6[%dma_wait3A_99, %dma_wait3A_101] : memref<79x128xi32, #tpu.memory_space<vmem>> -> memref<1x128xi32, #tpu.memory_space<vmem>>
    %dma_wait3A_103 = tpu.memref_squeeze %dma_wait3A_102 : memref<1x128xi32, #tpu.memory_space<vmem>> -> memref<128xi32, #tpu.memory_space<vmem>>
    %dma_wait3A_104 = arith.constant 0 : i32
    %dma_wait3A_105 = tpu.memref_slice %arg8[%dma_wait3A_104] : memref<10240xf32, #tpu.memory_space<vmem_shared>> -> memref<10240xf32, #tpu.memory_space<vmem_shared>>
    %dma_wait3A_106 = tpu.memref_slice %arg9[%dma_wait3A_100] : memref<8x!tpu.dma_semaphore, #tpu.memory_space<semaphore_mem>> -> memref<1x!tpu.dma_semaphore, #tpu.memory_space<semaphore_mem>>
    %dma_wait3A_107 = tpu.memref_squeeze %dma_wait3A_106 : memref<1x!tpu.dma_semaphore, #tpu.memory_space<semaphore_mem>> -> memref<!tpu.dma_semaphore, #tpu.memory_space<semaphore_mem>>
    tpu.wait_indirect_dma semaphore(%dma_wait3A_107 : memref<!tpu.dma_semaphore, #tpu.memory_space<semaphore_mem>>) src(%arg7 : memref<128xf32, #tpu.memory_space<vmem>>) dst(%dma_wait3A_105 : memref<10240xf32, #tpu.memory_space<vmem_shared>>)
    %dma_wait3A_108 = arith.constant 0 : i32
    %dma_wait3A_109 = arith.constant 2 : i32
    %dma_wait3A_110 = arith.constant 0 : i32
    %dma_wait3A_111 = tpu.memref_slice %arg6[%dma_wait3A_108, %dma_wait3A_110] : memref<79x128xi32, #tpu.memory_space<vmem>> -> memref<1x128xi32, #tpu.memory_space<vmem>>
    %dma_wait3A_112 = tpu.memref_squeeze %dma_wait3A_111 : memref<1x128xi32, #tpu.memory_space<vmem>> -> memref<128xi32, #tpu.memory_space<vmem>>
    %dma_wait3A_113 = arith.constant 0 : i32
    %dma_wait3A_114 = tpu.memref_slice %arg8[%dma_wait3A_113] : memref<10240xf32, #tpu.memory_space<vmem_shared>> -> memref<10240xf32, #tpu.memory_space<vmem_shared>>
    %dma_wait3A_115 = tpu.memref_slice %arg9[%dma_wait3A_109] : memref<8x!tpu.dma_semaphore, #tpu.memory_space<semaphore_mem>> -> memref<1x!tpu.dma_semaphore, #tpu.memory_space<semaphore_mem>>
    %dma_wait3A_116 = tpu.memref_squeeze %dma_wait3A_115 : memref<1x!tpu.dma_semaphore, #tpu.memory_space<semaphore_mem>> -> memref<!tpu.dma_semaphore, #tpu.memory_space<semaphore_mem>>
    tpu.wait_indirect_dma semaphore(%dma_wait3A_116 : memref<!tpu.dma_semaphore, #tpu.memory_space<semaphore_mem>>) src(%arg7 : memref<128xf32, #tpu.memory_space<vmem>>) dst(%dma_wait3A_114 : memref<10240xf32, #tpu.memory_space<vmem_shared>>)
    %dma_wait3A_117 = arith.constant 0 : i32
    %dma_wait3A_118 = arith.constant 3 : i32
    %dma_wait3A_119 = arith.constant 0 : i32
    %dma_wait3A_120 = tpu.memref_slice %arg6[%dma_wait3A_117, %dma_wait3A_119] : memref<79x128xi32, #tpu.memory_space<vmem>> -> memref<1x128xi32, #tpu.memory_space<vmem>>
    %dma_wait3A_121 = tpu.memref_squeeze %dma_wait3A_120 : memref<1x128xi32, #tpu.memory_space<vmem>> -> memref<128xi32, #tpu.memory_space<vmem>>
    %dma_wait3A_122 = arith.constant 0 : i32
    %dma_wait3A_123 = tpu.memref_slice %arg8[%dma_wait3A_122] : memref<10240xf32, #tpu.memory_space<vmem_shared>> -> memref<10240xf32, #tpu.memory_space<vmem_shared>>
    %dma_wait3A_124 = tpu.memref_slice %arg9[%dma_wait3A_118] : memref<8x!tpu.dma_semaphore, #tpu.memory_space<semaphore_mem>> -> memref<1x!tpu.dma_semaphore, #tpu.memory_space<semaphore_mem>>
    %dma_wait3A_125 = tpu.memref_squeeze %dma_wait3A_124 : memref<1x!tpu.dma_semaphore, #tpu.memory_space<semaphore_mem>> -> memref<!tpu.dma_semaphore, #tpu.memory_space<semaphore_mem>>
    tpu.wait_indirect_dma semaphore(%dma_wait3A_125 : memref<!tpu.dma_semaphore, #tpu.memory_space<semaphore_mem>>) src(%arg7 : memref<128xf32, #tpu.memory_space<vmem>>) dst(%dma_wait3A_123 : memref<10240xf32, #tpu.memory_space<vmem_shared>>)
    %dma_wait3A_126 = arith.constant 0 : i32
    %dma_wait3A_127 = arith.constant 4 : i32
    %dma_wait3A_128 = arith.constant 0 : i32
    %dma_wait3A_129 = tpu.memref_slice %arg6[%dma_wait3A_126, %dma_wait3A_128] : memref<79x128xi32, #tpu.memory_space<vmem>> -> memref<1x128xi32, #tpu.memory_space<vmem>>
    %dma_wait3A_130 = tpu.memref_squeeze %dma_wait3A_129 : memref<1x128xi32, #tpu.memory_space<vmem>> -> memref<128xi32, #tpu.memory_space<vmem>>
    %dma_wait3A_131 = arith.constant 0 : i32
    %dma_wait3A_132 = tpu.memref_slice %arg8[%dma_wait3A_131] : memref<10240xf32, #tpu.memory_space<vmem_shared>> -> memref<10240xf32, #tpu.memory_space<vmem_shared>>
    %dma_wait3A_133 = tpu.memref_slice %arg9[%dma_wait3A_127] : memref<8x!tpu.dma_semaphore, #tpu.memory_space<semaphore_mem>> -> memref<1x!tpu.dma_semaphore, #tpu.memory_space<semaphore_mem>>
    %dma_wait3A_134 = tpu.memref_squeeze %dma_wait3A_133 : memref<1x!tpu.dma_semaphore, #tpu.memory_space<semaphore_mem>> -> memref<!tpu.dma_semaphore, #tpu.memory_space<semaphore_mem>>
    tpu.wait_indirect_dma semaphore(%dma_wait3A_134 : memref<!tpu.dma_semaphore, #tpu.memory_space<semaphore_mem>>) src(%arg7 : memref<128xf32, #tpu.memory_space<vmem>>) dst(%dma_wait3A_132 : memref<10240xf32, #tpu.memory_space<vmem_shared>>)
    %dma_wait3A_135 = arith.constant 0 : i32
    %dma_wait3A_136 = arith.constant 5 : i32
    %dma_wait3A_137 = arith.constant 0 : i32
    %dma_wait3A_138 = tpu.memref_slice %arg6[%dma_wait3A_135, %dma_wait3A_137] : memref<79x128xi32, #tpu.memory_space<vmem>> -> memref<1x128xi32, #tpu.memory_space<vmem>>
    %dma_wait3A_139 = tpu.memref_squeeze %dma_wait3A_138 : memref<1x128xi32, #tpu.memory_space<vmem>> -> memref<128xi32, #tpu.memory_space<vmem>>
    %dma_wait3A_140 = arith.constant 0 : i32
    %dma_wait3A_141 = tpu.memref_slice %arg8[%dma_wait3A_140] : memref<10240xf32, #tpu.memory_space<vmem_shared>> -> memref<10240xf32, #tpu.memory_space<vmem_shared>>
    %dma_wait3A_142 = tpu.memref_slice %arg9[%dma_wait3A_136] : memref<8x!tpu.dma_semaphore, #tpu.memory_space<semaphore_mem>> -> memref<1x!tpu.dma_semaphore, #tpu.memory_space<semaphore_mem>>
    %dma_wait3A_143 = tpu.memref_squeeze %dma_wait3A_142 : memref<1x!tpu.dma_semaphore, #tpu.memory_space<semaphore_mem>> -> memref<!tpu.dma_semaphore, #tpu.memory_space<semaphore_mem>>
    tpu.wait_indirect_dma semaphore(%dma_wait3A_143 : memref<!tpu.dma_semaphore, #tpu.memory_space<semaphore_mem>>) src(%arg7 : memref<128xf32, #tpu.memory_space<vmem>>) dst(%dma_wait3A_141 : memref<10240xf32, #tpu.memory_space<vmem_shared>>)
    %dma_wait3A_144 = arith.constant 0 : i32
    %dma_wait3A_145 = arith.constant 6 : i32
    %dma_wait3A_146 = arith.constant 0 : i32
    %dma_wait3A_147 = tpu.memref_slice %arg6[%dma_wait3A_144, %dma_wait3A_146] : memref<79x128xi32, #tpu.memory_space<vmem>> -> memref<1x128xi32, #tpu.memory_space<vmem>>
    %dma_wait3A_148 = tpu.memref_squeeze %dma_wait3A_147 : memref<1x128xi32, #tpu.memory_space<vmem>> -> memref<128xi32, #tpu.memory_space<vmem>>
    %dma_wait3A_149 = arith.constant 0 : i32
    %dma_wait3A_150 = tpu.memref_slice %arg8[%dma_wait3A_149] : memref<10240xf32, #tpu.memory_space<vmem_shared>> -> memref<10240xf32, #tpu.memory_space<vmem_shared>>
    %dma_wait3A_151 = tpu.memref_slice %arg9[%dma_wait3A_145] : memref<8x!tpu.dma_semaphore, #tpu.memory_space<semaphore_mem>> -> memref<1x!tpu.dma_semaphore, #tpu.memory_space<semaphore_mem>>
    %dma_wait3A_152 = tpu.memref_squeeze %dma_wait3A_151 : memref<1x!tpu.dma_semaphore, #tpu.memory_space<semaphore_mem>> -> memref<!tpu.dma_semaphore, #tpu.memory_space<semaphore_mem>>
    tpu.wait_indirect_dma semaphore(%dma_wait3A_152 : memref<!tpu.dma_semaphore, #tpu.memory_space<semaphore_mem>>) src(%arg7 : memref<128xf32, #tpu.memory_space<vmem>>) dst(%dma_wait3A_150 : memref<10240xf32, #tpu.memory_space<vmem_shared>>)
    %dma_wait3A_153 = arith.constant 0 : i32
    %dma_wait3A_154 = arith.constant 7 : i32
    %dma_wait3A_155 = arith.constant 0 : i32
    %dma_wait3A_156 = tpu.memref_slice %arg6[%dma_wait3A_153, %dma_wait3A_155] : memref<79x128xi32, #tpu.memory_space<vmem>> -> memref<1x128xi32, #tpu.memory_space<vmem>>
    %dma_wait3A_157 = tpu.memref_squeeze %dma_wait3A_156 : memref<1x128xi32, #tpu.memory_space<vmem>> -> memref<128xi32, #tpu.memory_space<vmem>>
    %dma_wait3A_158 = arith.constant 0 : i32
    %dma_wait3A_159 = tpu.memref_slice %arg8[%dma_wait3A_158] : memref<10240xf32, #tpu.memory_space<vmem_shared>> -> memref<10240xf32, #tpu.memory_space<vmem_shared>>
    %dma_wait3A_160 = tpu.memref_slice %arg9[%dma_wait3A_154] : memref<8x!tpu.dma_semaphore, #tpu.memory_space<semaphore_mem>> -> memref<1x!tpu.dma_semaphore, #tpu.memory_space<semaphore_mem>>
    %dma_wait3A_161 = tpu.memref_squeeze %dma_wait3A_160 : memref<1x!tpu.dma_semaphore, #tpu.memory_space<semaphore_mem>> -> memref<!tpu.dma_semaphore, #tpu.memory_space<semaphore_mem>>
    tpu.wait_indirect_dma semaphore(%dma_wait3A_161 : memref<!tpu.dma_semaphore, #tpu.memory_space<semaphore_mem>>) src(%arg7 : memref<128xf32, #tpu.memory_space<vmem>>) dst(%dma_wait3A_159 : memref<10240xf32, #tpu.memory_space<vmem_shared>>)
    %barrier3A_162 = arith.constant 0 : index
    tpu.barrier barrier_id(%barrier3A_162)
    %mul3A_163 = arith.constant 640 : i32
    %mul3A_164 = arith.muli %arg1, %mul3A_163 : i32
    %mul3A_165 = arith.constant 640 : i32
    %mul3A_166 = arith.muli %arg1, %mul3A_165 : i32
    "tpu.region"() ({
      %run_scoped3A_167 = tpu.sem_alloc : memref<!tpu.dma_semaphore, #tpu.memory_space<semaphore_mem>>
      %dma_start3A_168 = tpu.memref_slice %arg5[%arg0, %mul3A_166] : memref<2x10240xf32, #tpu.memory_space<hbm>> -> memref<1x640xf32, #tpu.memory_space<hbm>>
      %dma_start3A_169 = tpu.memref_squeeze %dma_start3A_168 : memref<1x640xf32, #tpu.memory_space<hbm>> -> memref<640xf32, #tpu.memory_space<hbm>>
      %dma_start3A_170 = tpu.memref_slice %arg8[%mul3A_164] : memref<10240xf32, #tpu.memory_space<vmem_shared>> -> memref<640xf32, #tpu.memory_space<vmem_shared>>
      tpu.enqueue_dma source(%dma_start3A_170 : memref<640xf32, #tpu.memory_space<vmem_shared>>) target(%dma_start3A_169 : memref<640xf32, #tpu.memory_space<hbm>>) target_semaphore(%run_scoped3A_167 : memref<!tpu.dma_semaphore, #tpu.memory_space<semaphore_mem>>)
      %dma_wait3A_171 = tpu.memref_slice %arg5[%arg0, %mul3A_166] : memref<2x10240xf32, #tpu.memory_space<hbm>> -> memref<1x640xf32, #tpu.memory_space<hbm>>
      %dma_wait3A_172 = tpu.memref_squeeze %dma_wait3A_171 : memref<1x640xf32, #tpu.memory_space<hbm>> -> memref<640xf32, #tpu.memory_space<hbm>>
      %dma_wait3A_173 = tpu.memref_slice %arg8[%mul3A_164] : memref<10240xf32, #tpu.memory_space<vmem_shared>> -> memref<640xf32, #tpu.memory_space<vmem_shared>>
      tpu.wait_dma2 semaphore(%run_scoped3A_167 : memref<!tpu.dma_semaphore, #tpu.memory_space<semaphore_mem>>) src(%dma_wait3A_173 : memref<640xf32, #tpu.memory_space<vmem_shared>>) dst(%dma_wait3A_172 : memref<640xf32, #tpu.memory_space<hbm>>)
      tpu.yield
    }) : () -> ()
    return
  }
}

#map = affine_map<(d0, d1) -> (0, 0, 0)>
#map1 = affine_map<(d0, d1) -> (0, 0)>
module attributes {stable_mosaic.version = 14 : i64} {
  func.func @agg_kernel(%arg0: i32, %arg1: i32, %arg2: memref<2x2500x128xi32, #tpu.memory_space<hbm>>, %arg3: memref<10240x16xf32, #tpu.memory_space<hbm>>, %arg4: memref<10240x16xf32, #tpu.memory_space<hbm>>, %arg5: memref<2x10240x16xf32, #tpu.memory_space<hbm>>, %arg6: memref<2x79x128xi32, #tpu.memory_space<vmem>>, %arg7: memref<8x128x16xf32, #tpu.memory_space<vmem>>, %arg8: memref<10240x16xf32, #tpu.memory_space<vmem_shared>>, %arg9: memref<8x!tpu.dma_semaphore, #tpu.memory_space<semaphore_mem>>) attributes {dimension_semantics = [#tpu.dimension_semantics<core_parallel>, #tpu.dimension_semantics<subcore_parallel>], iteration_bounds = array<i64: 2, 16>, scalar_prefetch = 0 : i64, scratch_operands = 4 : i64, tpu.core_type = #tpu.core_type<sc_vector_subcore>, window_params = [{transform_indices = #map}, {transform_indices = #map1}, {transform_indices = #map1}, {transform_indices = #map}]} {
    %mul3A = arith.constant 16 : i32
    %mul3A_0 = arith.muli %arg0, %mul3A : i32
    %add3A = arith.addi %mul3A_0, %arg1 : i32
    %lt3A = arith.constant 4 : i32
    %lt3A_1 = arith.cmpi slt, %add3A, %lt3A : i32
    %jit3A = arith.constant 1 : i32
    %jit3A_2 = arith.constant 0 : i32
    %select_n3A = arith.select %lt3A_1, %jit3A, %jit3A_2 : i32
    %add3A_3 = arith.constant 78 : i32
    %add3A_4 = arith.addi %add3A_3, %select_n3A : i32
    %mul3A_5 = arith.constant 78 : i32
    %mul3A_6 = arith.muli %add3A, %mul3A_5 : i32
    %min3A = arith.constant 4 : i32
    %min3A_7 = arith.minsi %add3A, %min3A : i32
    %add3A_8 = arith.addi %mul3A_6, %min3A_7 : i32
    %mul3A_9 = arith.constant 640 : i32
    %mul3A_10 = arith.muli %arg1, %mul3A_9 : i32
    %mul3A_11 = arith.constant 640 : i32
    %mul3A_12 = arith.muli %arg1, %mul3A_11 : i32
    "tpu.region"() ({
      %run_scoped3A_155 = tpu.sem_alloc : memref<!tpu.dma_semaphore, #tpu.memory_space<semaphore_mem>>
      %dma_start3A_156 = arith.constant 0 : i32
      %dma_start3A_157 = tpu.memref_slice %arg8[%mul3A_12, %dma_start3A_156] : memref<10240x16xf32, #tpu.memory_space<vmem_shared>> -> memref<640x16xf32, #tpu.memory_space<vmem_shared>>
      %dma_start3A_158 = arith.constant 0 : i32
      %dma_start3A_159 = tpu.memref_slice %arg4[%mul3A_10, %dma_start3A_158] : memref<10240x16xf32, #tpu.memory_space<hbm>> -> memref<640x16xf32, #tpu.memory_space<hbm>>
      tpu.enqueue_dma source(%dma_start3A_159 : memref<640x16xf32, #tpu.memory_space<hbm>>) target(%dma_start3A_157 : memref<640x16xf32, #tpu.memory_space<vmem_shared>>) target_semaphore(%run_scoped3A_155 : memref<!tpu.dma_semaphore, #tpu.memory_space<semaphore_mem>>)
      %dma_wait3A = arith.constant 0 : i32
      %dma_wait3A_160 = tpu.memref_slice %arg8[%mul3A_12, %dma_wait3A] : memref<10240x16xf32, #tpu.memory_space<vmem_shared>> -> memref<640x16xf32, #tpu.memory_space<vmem_shared>>
      %dma_wait3A_161 = arith.constant 0 : i32
      %dma_wait3A_162 = tpu.memref_slice %arg4[%mul3A_10, %dma_wait3A_161] : memref<10240x16xf32, #tpu.memory_space<hbm>> -> memref<640x16xf32, #tpu.memory_space<hbm>>
      tpu.wait_dma2 semaphore(%run_scoped3A_155 : memref<!tpu.dma_semaphore, #tpu.memory_space<semaphore_mem>>) src(%dma_wait3A_162 : memref<640x16xf32, #tpu.memory_space<hbm>>) dst(%dma_wait3A_160 : memref<640x16xf32, #tpu.memory_space<vmem_shared>>)
      tpu.yield
    }) : () -> ()
    %run_scoped3A = arith.constant 0 : i32
    %run_scoped3A_13 = arith.constant 0 : i32
    "tpu.region"() ({
      %run_scoped3A_155 = tpu.sem_alloc : memref<!tpu.dma_semaphore, #tpu.memory_space<semaphore_mem>>
      %dma_start3A_156 = arith.constant 0 : i32
      %dma_start3A_157 = arith.constant 0 : i32
      %dma_start3A_158 = tpu.memref_slice %arg6[%run_scoped3A_13, %dma_start3A_156, %dma_start3A_157] : memref<2x79x128xi32, #tpu.memory_space<vmem>> -> memref<1x78x128xi32, #tpu.memory_space<vmem>>
      %dma_start3A_159 = tpu.memref_squeeze %dma_start3A_158 : memref<1x78x128xi32, #tpu.memory_space<vmem>> -> memref<78x128xi32, #tpu.memory_space<vmem>>
      %dma_start3A_160 = arith.constant 0 : i32
      %dma_start3A_161 = tpu.memref_slice %arg2[%run_scoped3A, %add3A_8, %dma_start3A_160] : memref<2x2500x128xi32, #tpu.memory_space<hbm>> -> memref<1x78x128xi32, #tpu.memory_space<hbm>>
      %dma_start3A_162 = tpu.memref_squeeze %dma_start3A_161 : memref<1x78x128xi32, #tpu.memory_space<hbm>> -> memref<78x128xi32, #tpu.memory_space<hbm>>
      %dma_start3A_163 = arith.constant 0 : i32
      %dma_start3A_164 = arith.constant 0 : i32
      %dma_start3A_165 = tpu.memref_slice %arg6[%run_scoped3A_13, %dma_start3A_163, %dma_start3A_164] : memref<2x79x128xi32, #tpu.memory_space<vmem>> -> memref<1x78x128xi32, #tpu.memory_space<vmem>>
      %dma_start3A_166 = tpu.memref_squeeze %dma_start3A_165 : memref<1x78x128xi32, #tpu.memory_space<vmem>> -> memref<78x128xi32, #tpu.memory_space<vmem>>
      %dma_start3A_167 = arith.constant 0 : i32
      %dma_start3A_168 = tpu.memref_slice %arg2[%run_scoped3A, %add3A_8, %dma_start3A_167] : memref<2x2500x128xi32, #tpu.memory_space<hbm>> -> memref<1x78x128xi32, #tpu.memory_space<hbm>>
      %dma_start3A_169 = tpu.memref_squeeze %dma_start3A_168 : memref<1x78x128xi32, #tpu.memory_space<hbm>> -> memref<78x128xi32, #tpu.memory_space<hbm>>
      tpu.enqueue_dma source(%dma_start3A_169 : memref<78x128xi32, #tpu.memory_space<hbm>>) target(%dma_start3A_166 : memref<78x128xi32, #tpu.memory_space<vmem>>) target_semaphore(%run_scoped3A_155 : memref<!tpu.dma_semaphore, #tpu.memory_space<semaphore_mem>>)
      %dma_wait3A = arith.constant 0 : i32
      %dma_wait3A_170 = arith.constant 0 : i32
      %dma_wait3A_171 = tpu.memref_slice %arg6[%run_scoped3A_13, %dma_wait3A, %dma_wait3A_170] : memref<2x79x128xi32, #tpu.memory_space<vmem>> -> memref<1x78x128xi32, #tpu.memory_space<vmem>>
      %dma_wait3A_172 = tpu.memref_squeeze %dma_wait3A_171 : memref<1x78x128xi32, #tpu.memory_space<vmem>> -> memref<78x128xi32, #tpu.memory_space<vmem>>
      %dma_wait3A_173 = arith.constant 0 : i32
      %dma_wait3A_174 = tpu.memref_slice %arg2[%run_scoped3A, %add3A_8, %dma_wait3A_173] : memref<2x2500x128xi32, #tpu.memory_space<hbm>> -> memref<1x78x128xi32, #tpu.memory_space<hbm>>
      %dma_wait3A_175 = tpu.memref_squeeze %dma_wait3A_174 : memref<1x78x128xi32, #tpu.memory_space<hbm>> -> memref<78x128xi32, #tpu.memory_space<hbm>>
      %dma_wait3A_176 = arith.constant 0 : i32
      %dma_wait3A_177 = arith.constant 0 : i32
      %dma_wait3A_178 = tpu.memref_slice %arg6[%run_scoped3A_13, %dma_wait3A_176, %dma_wait3A_177] : memref<2x79x128xi32, #tpu.memory_space<vmem>> -> memref<1x78x128xi32, #tpu.memory_space<vmem>>
      %dma_wait3A_179 = tpu.memref_squeeze %dma_wait3A_178 : memref<1x78x128xi32, #tpu.memory_space<vmem>> -> memref<78x128xi32, #tpu.memory_space<vmem>>
      %dma_wait3A_180 = arith.constant 0 : i32
      %dma_wait3A_181 = tpu.memref_slice %arg2[%run_scoped3A, %add3A_8, %dma_wait3A_180] : memref<2x2500x128xi32, #tpu.memory_space<hbm>> -> memref<1x78x128xi32, #tpu.memory_space<hbm>>
      %dma_wait3A_182 = tpu.memref_squeeze %dma_wait3A_181 : memref<1x78x128xi32, #tpu.memory_space<hbm>> -> memref<78x128xi32, #tpu.memory_space<hbm>>
      tpu.wait_dma2 semaphore(%run_scoped3A_155 : memref<!tpu.dma_semaphore, #tpu.memory_space<semaphore_mem>>) src(%dma_wait3A_182 : memref<78x128xi32, #tpu.memory_space<hbm>>) dst(%dma_wait3A_179 : memref<78x128xi32, #tpu.memory_space<vmem>>)
      tpu.yield
    }) : () -> ()
    %run_scoped3A_14 = arith.constant 1 : i32
    %run_scoped3A_15 = arith.constant 1 : i32
    "tpu.region"() ({
      %run_scoped3A_155 = tpu.sem_alloc : memref<!tpu.dma_semaphore, #tpu.memory_space<semaphore_mem>>
      %dma_start3A_156 = arith.constant 0 : i32
      %dma_start3A_157 = arith.constant 0 : i32
      %dma_start3A_158 = tpu.memref_slice %arg6[%run_scoped3A_15, %dma_start3A_156, %dma_start3A_157] : memref<2x79x128xi32, #tpu.memory_space<vmem>> -> memref<1x78x128xi32, #tpu.memory_space<vmem>>
      %dma_start3A_159 = tpu.memref_squeeze %dma_start3A_158 : memref<1x78x128xi32, #tpu.memory_space<vmem>> -> memref<78x128xi32, #tpu.memory_space<vmem>>
      %dma_start3A_160 = arith.constant 0 : i32
      %dma_start3A_161 = tpu.memref_slice %arg2[%run_scoped3A_14, %add3A_8, %dma_start3A_160] : memref<2x2500x128xi32, #tpu.memory_space<hbm>> -> memref<1x78x128xi32, #tpu.memory_space<hbm>>
      %dma_start3A_162 = tpu.memref_squeeze %dma_start3A_161 : memref<1x78x128xi32, #tpu.memory_space<hbm>> -> memref<78x128xi32, #tpu.memory_space<hbm>>
      %dma_start3A_163 = arith.constant 0 : i32
      %dma_start3A_164 = arith.constant 0 : i32
      %dma_start3A_165 = tpu.memref_slice %arg6[%run_scoped3A_15, %dma_start3A_163, %dma_start3A_164] : memref<2x79x128xi32, #tpu.memory_space<vmem>> -> memref<1x78x128xi32, #tpu.memory_space<vmem>>
      %dma_start3A_166 = tpu.memref_squeeze %dma_start3A_165 : memref<1x78x128xi32, #tpu.memory_space<vmem>> -> memref<78x128xi32, #tpu.memory_space<vmem>>
      %dma_start3A_167 = arith.constant 0 : i32
      %dma_start3A_168 = tpu.memref_slice %arg2[%run_scoped3A_14, %add3A_8, %dma_start3A_167] : memref<2x2500x128xi32, #tpu.memory_space<hbm>> -> memref<1x78x128xi32, #tpu.memory_space<hbm>>
      %dma_start3A_169 = tpu.memref_squeeze %dma_start3A_168 : memref<1x78x128xi32, #tpu.memory_space<hbm>> -> memref<78x128xi32, #tpu.memory_space<hbm>>
      tpu.enqueue_dma source(%dma_start3A_169 : memref<78x128xi32, #tpu.memory_space<hbm>>) target(%dma_start3A_166 : memref<78x128xi32, #tpu.memory_space<vmem>>) target_semaphore(%run_scoped3A_155 : memref<!tpu.dma_semaphore, #tpu.memory_space<semaphore_mem>>)
      %dma_wait3A = arith.constant 0 : i32
      %dma_wait3A_170 = arith.constant 0 : i32
      %dma_wait3A_171 = tpu.memref_slice %arg6[%run_scoped3A_15, %dma_wait3A, %dma_wait3A_170] : memref<2x79x128xi32, #tpu.memory_space<vmem>> -> memref<1x78x128xi32, #tpu.memory_space<vmem>>
      %dma_wait3A_172 = tpu.memref_squeeze %dma_wait3A_171 : memref<1x78x128xi32, #tpu.memory_space<vmem>> -> memref<78x128xi32, #tpu.memory_space<vmem>>
      %dma_wait3A_173 = arith.constant 0 : i32
      %dma_wait3A_174 = tpu.memref_slice %arg2[%run_scoped3A_14, %add3A_8, %dma_wait3A_173] : memref<2x2500x128xi32, #tpu.memory_space<hbm>> -> memref<1x78x128xi32, #tpu.memory_space<hbm>>
      %dma_wait3A_175 = tpu.memref_squeeze %dma_wait3A_174 : memref<1x78x128xi32, #tpu.memory_space<hbm>> -> memref<78x128xi32, #tpu.memory_space<hbm>>
      %dma_wait3A_176 = arith.constant 0 : i32
      %dma_wait3A_177 = arith.constant 0 : i32
      %dma_wait3A_178 = tpu.memref_slice %arg6[%run_scoped3A_15, %dma_wait3A_176, %dma_wait3A_177] : memref<2x79x128xi32, #tpu.memory_space<vmem>> -> memref<1x78x128xi32, #tpu.memory_space<vmem>>
      %dma_wait3A_179 = tpu.memref_squeeze %dma_wait3A_178 : memref<1x78x128xi32, #tpu.memory_space<vmem>> -> memref<78x128xi32, #tpu.memory_space<vmem>>
      %dma_wait3A_180 = arith.constant 0 : i32
      %dma_wait3A_181 = tpu.memref_slice %arg2[%run_scoped3A_14, %add3A_8, %dma_wait3A_180] : memref<2x2500x128xi32, #tpu.memory_space<hbm>> -> memref<1x78x128xi32, #tpu.memory_space<hbm>>
      %dma_wait3A_182 = tpu.memref_squeeze %dma_wait3A_181 : memref<1x78x128xi32, #tpu.memory_space<hbm>> -> memref<78x128xi32, #tpu.memory_space<hbm>>
      tpu.wait_dma2 semaphore(%run_scoped3A_155 : memref<!tpu.dma_semaphore, #tpu.memory_space<semaphore_mem>>) src(%dma_wait3A_182 : memref<78x128xi32, #tpu.memory_space<hbm>>) dst(%dma_wait3A_179 : memref<78x128xi32, #tpu.memory_space<vmem>>)
      tpu.yield
    }) : () -> ()
    %lt3A_16 = arith.constant 4 : i32
    %lt3A_17 = arith.cmpi slt, %add3A, %lt3A_16 : i32
    %convert_element_type3A = arith.extui %lt3A_17 : i1 to i32
    %cond3A = arith.constant 0 : i32
    %cond3A_18 = arith.cmpi ne, %convert_element_type3A, %cond3A : i32
    scf.if %cond3A_18 {
      %add3A_155 = arith.constant 78 : i32
      %add3A_156 = arith.addi %add3A_8, %add3A_155 : i32
      %run_scoped3A_157 = arith.constant 0 : i32
      %run_scoped3A_158 = arith.constant 0 : i32
      %run_scoped3A_159 = arith.constant 78 : i32
      "tpu.region"() ({
        %run_scoped3A_165 = tpu.sem_alloc : memref<!tpu.dma_semaphore, #tpu.memory_space<semaphore_mem>>
        %dma_start3A_166 = arith.constant 0 : i32
        %dma_start3A_167 = tpu.memref_slice %arg6[%run_scoped3A_158, %run_scoped3A_159, %dma_start3A_166] : memref<2x79x128xi32, #tpu.memory_space<vmem>> -> memref<1x1x128xi32, #tpu.memory_space<vmem>>
        %dma_start3A_168 = tpu.memref_squeeze %dma_start3A_167 : memref<1x1x128xi32, #tpu.memory_space<vmem>> -> memref<128xi32, #tpu.memory_space<vmem>>
        %dma_start3A_169 = arith.constant 0 : i32
        %dma_start3A_170 = tpu.memref_slice %arg2[%run_scoped3A_157, %add3A_156, %dma_start3A_169] : memref<2x2500x128xi32, #tpu.memory_space<hbm>> -> memref<1x1x128xi32, #tpu.memory_space<hbm>>
        %dma_start3A_171 = tpu.memref_squeeze %dma_start3A_170 : memref<1x1x128xi32, #tpu.memory_space<hbm>> -> memref<128xi32, #tpu.memory_space<hbm>>
        %dma_start3A_172 = arith.constant 0 : i32
        %dma_start3A_173 = tpu.memref_slice %arg6[%run_scoped3A_158, %run_scoped3A_159, %dma_start3A_172] : memref<2x79x128xi32, #tpu.memory_space<vmem>> -> memref<1x1x128xi32, #tpu.memory_space<vmem>>
        %dma_start3A_174 = tpu.memref_squeeze %dma_start3A_173 : memref<1x1x128xi32, #tpu.memory_space<vmem>> -> memref<128xi32, #tpu.memory_space<vmem>>
        %dma_start3A_175 = arith.constant 0 : i32
        %dma_start3A_176 = tpu.memref_slice %arg2[%run_scoped3A_157, %add3A_156, %dma_start3A_175] : memref<2x2500x128xi32, #tpu.memory_space<hbm>> -> memref<1x1x128xi32, #tpu.memory_space<hbm>>
        %dma_start3A_177 = tpu.memref_squeeze %dma_start3A_176 : memref<1x1x128xi32, #tpu.memory_space<hbm>> -> memref<128xi32, #tpu.memory_space<hbm>>
        tpu.enqueue_dma source(%dma_start3A_177 : memref<128xi32, #tpu.memory_space<hbm>>) target(%dma_start3A_174 : memref<128xi32, #tpu.memory_space<vmem>>) target_semaphore(%run_scoped3A_165 : memref<!tpu.dma_semaphore, #tpu.memory_space<semaphore_mem>>)
        %dma_wait3A = arith.constant 0 : i32
        %dma_wait3A_178 = tpu.memref_slice %arg6[%run_scoped3A_158, %run_scoped3A_159, %dma_wait3A] : memref<2x79x128xi32, #tpu.memory_space<vmem>> -> memref<1x1x128xi32, #tpu.memory_space<vmem>>
        %dma_wait3A_179 = tpu.memref_squeeze %dma_wait3A_178 : memref<1x1x128xi32, #tpu.memory_space<vmem>> -> memref<128xi32, #tpu.memory_space<vmem>>
        %dma_wait3A_180 = arith.constant 0 : i32
        %dma_wait3A_181 = tpu.memref_slice %arg2[%run_scoped3A_157, %add3A_156, %dma_wait3A_180] : memref<2x2500x128xi32, #tpu.memory_space<hbm>> -> memref<1x1x128xi32, #tpu.memory_space<hbm>>
        %dma_wait3A_182 = tpu.memref_squeeze %dma_wait3A_181 : memref<1x1x128xi32, #tpu.memory_space<hbm>> -> memref<128xi32, #tpu.memory_space<hbm>>
        %dma_wait3A_183 = arith.constant 0 : i32
        %dma_wait3A_184 = tpu.memref_slice %arg6[%run_scoped3A_158, %run_scoped3A_159, %dma_wait3A_183] : memref<2x79x128xi32, #tpu.memory_space<vmem>> -> memref<1x1x128xi32, #tpu.memory_space<vmem>>
        %dma_wait3A_185 = tpu.memref_squeeze %dma_wait3A_184 : memref<1x1x128xi32, #tpu.memory_space<vmem>> -> memref<128xi32, #tpu.memory_space<vmem>>
        %dma_wait3A_186 = arith.constant 0 : i32
        %dma_wait3A_187 = tpu.memref_slice %arg2[%run_scoped3A_157, %add3A_156, %dma_wait3A_186] : memref<2x2500x128xi32, #tpu.memory_space<hbm>> -> memref<1x1x128xi32, #tpu.memory_space<hbm>>
        %dma_wait3A_188 = tpu.memref_squeeze %dma_wait3A_187 : memref<1x1x128xi32, #tpu.memory_space<hbm>> -> memref<128xi32, #tpu.memory_space<hbm>>
        tpu.wait_dma2 semaphore(%run_scoped3A_165 : memref<!tpu.dma_semaphore, #tpu.memory_space<semaphore_mem>>) src(%dma_wait3A_188 : memref<128xi32, #tpu.memory_space<hbm>>) dst(%dma_wait3A_185 : memref<128xi32, #tpu.memory_space<vmem>>)
        tpu.yield
      }) : () -> ()
      %add3A_160 = arith.constant 78 : i32
      %add3A_161 = arith.addi %add3A_8, %add3A_160 : i32
      %run_scoped3A_162 = arith.constant 1 : i32
      %run_scoped3A_163 = arith.constant 1 : i32
      %run_scoped3A_164 = arith.constant 78 : i32
      "tpu.region"() ({
        %run_scoped3A_165 = tpu.sem_alloc : memref<!tpu.dma_semaphore, #tpu.memory_space<semaphore_mem>>
        %dma_start3A_166 = arith.constant 0 : i32
        %dma_start3A_167 = tpu.memref_slice %arg6[%run_scoped3A_163, %run_scoped3A_164, %dma_start3A_166] : memref<2x79x128xi32, #tpu.memory_space<vmem>> -> memref<1x1x128xi32, #tpu.memory_space<vmem>>
        %dma_start3A_168 = tpu.memref_squeeze %dma_start3A_167 : memref<1x1x128xi32, #tpu.memory_space<vmem>> -> memref<128xi32, #tpu.memory_space<vmem>>
        %dma_start3A_169 = arith.constant 0 : i32
        %dma_start3A_170 = tpu.memref_slice %arg2[%run_scoped3A_162, %add3A_161, %dma_start3A_169] : memref<2x2500x128xi32, #tpu.memory_space<hbm>> -> memref<1x1x128xi32, #tpu.memory_space<hbm>>
        %dma_start3A_171 = tpu.memref_squeeze %dma_start3A_170 : memref<1x1x128xi32, #tpu.memory_space<hbm>> -> memref<128xi32, #tpu.memory_space<hbm>>
        %dma_start3A_172 = arith.constant 0 : i32
        %dma_start3A_173 = tpu.memref_slice %arg6[%run_scoped3A_163, %run_scoped3A_164, %dma_start3A_172] : memref<2x79x128xi32, #tpu.memory_space<vmem>> -> memref<1x1x128xi32, #tpu.memory_space<vmem>>
        %dma_start3A_174 = tpu.memref_squeeze %dma_start3A_173 : memref<1x1x128xi32, #tpu.memory_space<vmem>> -> memref<128xi32, #tpu.memory_space<vmem>>
        %dma_start3A_175 = arith.constant 0 : i32
        %dma_start3A_176 = tpu.memref_slice %arg2[%run_scoped3A_162, %add3A_161, %dma_start3A_175] : memref<2x2500x128xi32, #tpu.memory_space<hbm>> -> memref<1x1x128xi32, #tpu.memory_space<hbm>>
        %dma_start3A_177 = tpu.memref_squeeze %dma_start3A_176 : memref<1x1x128xi32, #tpu.memory_space<hbm>> -> memref<128xi32, #tpu.memory_space<hbm>>
        tpu.enqueue_dma source(%dma_start3A_177 : memref<128xi32, #tpu.memory_space<hbm>>) target(%dma_start3A_174 : memref<128xi32, #tpu.memory_space<vmem>>) target_semaphore(%run_scoped3A_165 : memref<!tpu.dma_semaphore, #tpu.memory_space<semaphore_mem>>)
        %dma_wait3A = arith.constant 0 : i32
        %dma_wait3A_178 = tpu.memref_slice %arg6[%run_scoped3A_163, %run_scoped3A_164, %dma_wait3A] : memref<2x79x128xi32, #tpu.memory_space<vmem>> -> memref<1x1x128xi32, #tpu.memory_space<vmem>>
        %dma_wait3A_179 = tpu.memref_squeeze %dma_wait3A_178 : memref<1x1x128xi32, #tpu.memory_space<vmem>> -> memref<128xi32, #tpu.memory_space<vmem>>
        %dma_wait3A_180 = arith.constant 0 : i32
        %dma_wait3A_181 = tpu.memref_slice %arg2[%run_scoped3A_162, %add3A_161, %dma_wait3A_180] : memref<2x2500x128xi32, #tpu.memory_space<hbm>> -> memref<1x1x128xi32, #tpu.memory_space<hbm>>
        %dma_wait3A_182 = tpu.memref_squeeze %dma_wait3A_181 : memref<1x1x128xi32, #tpu.memory_space<hbm>> -> memref<128xi32, #tpu.memory_space<hbm>>
        %dma_wait3A_183 = arith.constant 0 : i32
        %dma_wait3A_184 = tpu.memref_slice %arg6[%run_scoped3A_163, %run_scoped3A_164, %dma_wait3A_183] : memref<2x79x128xi32, #tpu.memory_space<vmem>> -> memref<1x1x128xi32, #tpu.memory_space<vmem>>
        %dma_wait3A_185 = tpu.memref_squeeze %dma_wait3A_184 : memref<1x1x128xi32, #tpu.memory_space<vmem>> -> memref<128xi32, #tpu.memory_space<vmem>>
        %dma_wait3A_186 = arith.constant 0 : i32
        %dma_wait3A_187 = tpu.memref_slice %arg2[%run_scoped3A_162, %add3A_161, %dma_wait3A_186] : memref<2x2500x128xi32, #tpu.memory_space<hbm>> -> memref<1x1x128xi32, #tpu.memory_space<hbm>>
        %dma_wait3A_188 = tpu.memref_squeeze %dma_wait3A_187 : memref<1x1x128xi32, #tpu.memory_space<hbm>> -> memref<128xi32, #tpu.memory_space<hbm>>
        tpu.wait_dma2 semaphore(%run_scoped3A_165 : memref<!tpu.dma_semaphore, #tpu.memory_space<semaphore_mem>>) src(%dma_wait3A_188 : memref<128xi32, #tpu.memory_space<hbm>>) dst(%dma_wait3A_185 : memref<128xi32, #tpu.memory_space<vmem>>)
        tpu.yield
      }) : () -> ()
    } else {
    }
    %barrier3A = arith.constant 0 : index
    tpu.barrier barrier_id(%barrier3A)
    %dma_start3A = arith.constant 0 : i32
    %dma_start3A_19 = arith.constant 0 : i32
    %dma_start3A_20 = arith.constant 0 : i32
    %dma_start3A_21 = arith.constant 0 : i32
    %dma_start3A_22 = arith.constant 0 : i32
    %dma_start3A_23 = arith.constant 0 : i32
    %dma_start3A_24 = tpu.memref_slice %arg7[%dma_start3A_20, %dma_start3A_22, %dma_start3A_23] : memref<8x128x16xf32, #tpu.memory_space<vmem>> -> memref<1x128x16xf32, #tpu.memory_space<vmem>>
    %dma_start3A_25 = tpu.memref_squeeze %dma_start3A_24 : memref<1x128x16xf32, #tpu.memory_space<vmem>> -> memref<128x16xf32, #tpu.memory_space<vmem>>
    %dma_start3A_26 = arith.constant 0 : i32
    %dma_start3A_27 = tpu.memref_slice %arg6[%dma_start3A, %dma_start3A_19, %dma_start3A_26] : memref<2x79x128xi32, #tpu.memory_space<vmem>> -> memref<1x1x128xi32, #tpu.memory_space<vmem>>
    %dma_start3A_28 = tpu.memref_squeeze %dma_start3A_27 : memref<1x1x128xi32, #tpu.memory_space<vmem>> -> memref<128xi32, #tpu.memory_space<vmem>>
    %dma_start3A_29 = arith.constant 0 : i32
    %dma_start3A_30 = arith.constant 0 : i32
    %dma_start3A_31 = tpu.memref_slice %arg3[%dma_start3A_29, %dma_start3A_30] : memref<10240x16xf32, #tpu.memory_space<hbm>> -> memref<10240x16xf32, #tpu.memory_space<hbm>>
    %dma_start3A_32 = tpu.memref_slice %arg9[%dma_start3A_21] : memref<8x!tpu.dma_semaphore, #tpu.memory_space<semaphore_mem>> -> memref<1x!tpu.dma_semaphore, #tpu.memory_space<semaphore_mem>>
    %dma_start3A_33 = tpu.memref_squeeze %dma_start3A_32 : memref<1x!tpu.dma_semaphore, #tpu.memory_space<semaphore_mem>> -> memref<!tpu.dma_semaphore, #tpu.memory_space<semaphore_mem>>
    tpu.enqueue_indirect_dma source(%dma_start3A_31 : memref<10240x16xf32, #tpu.memory_space<hbm>>) target(%dma_start3A_25 : memref<128x16xf32, #tpu.memory_space<vmem>>) offsets(%dma_start3A_28 : memref<128xi32, #tpu.memory_space<vmem>>) semaphore(%dma_start3A_33 : memref<!tpu.dma_semaphore, #tpu.memory_space<semaphore_mem>>)
    %dma_start3A_34 = arith.constant 0 : i32
    %dma_start3A_35 = arith.constant 1 : i32
    %dma_start3A_36 = arith.constant 1 : i32
    %dma_start3A_37 = arith.constant 1 : i32
    %dma_start3A_38 = arith.constant 0 : i32
    %dma_start3A_39 = arith.constant 0 : i32
    %dma_start3A_40 = tpu.memref_slice %arg7[%dma_start3A_36, %dma_start3A_38, %dma_start3A_39] : memref<8x128x16xf32, #tpu.memory_space<vmem>> -> memref<1x128x16xf32, #tpu.memory_space<vmem>>
    %dma_start3A_41 = tpu.memref_squeeze %dma_start3A_40 : memref<1x128x16xf32, #tpu.memory_space<vmem>> -> memref<128x16xf32, #tpu.memory_space<vmem>>
    %dma_start3A_42 = arith.constant 0 : i32
    %dma_start3A_43 = tpu.memref_slice %arg6[%dma_start3A_34, %dma_start3A_35, %dma_start3A_42] : memref<2x79x128xi32, #tpu.memory_space<vmem>> -> memref<1x1x128xi32, #tpu.memory_space<vmem>>
    %dma_start3A_44 = tpu.memref_squeeze %dma_start3A_43 : memref<1x1x128xi32, #tpu.memory_space<vmem>> -> memref<128xi32, #tpu.memory_space<vmem>>
    %dma_start3A_45 = arith.constant 0 : i32
    %dma_start3A_46 = arith.constant 0 : i32
    %dma_start3A_47 = tpu.memref_slice %arg3[%dma_start3A_45, %dma_start3A_46] : memref<10240x16xf32, #tpu.memory_space<hbm>> -> memref<10240x16xf32, #tpu.memory_space<hbm>>
    %dma_start3A_48 = tpu.memref_slice %arg9[%dma_start3A_37] : memref<8x!tpu.dma_semaphore, #tpu.memory_space<semaphore_mem>> -> memref<1x!tpu.dma_semaphore, #tpu.memory_space<semaphore_mem>>
    %dma_start3A_49 = tpu.memref_squeeze %dma_start3A_48 : memref<1x!tpu.dma_semaphore, #tpu.memory_space<semaphore_mem>> -> memref<!tpu.dma_semaphore, #tpu.memory_space<semaphore_mem>>
    tpu.enqueue_indirect_dma source(%dma_start3A_47 : memref<10240x16xf32, #tpu.memory_space<hbm>>) target(%dma_start3A_41 : memref<128x16xf32, #tpu.memory_space<vmem>>) offsets(%dma_start3A_44 : memref<128xi32, #tpu.memory_space<vmem>>) semaphore(%dma_start3A_49 : memref<!tpu.dma_semaphore, #tpu.memory_space<semaphore_mem>>)
    %dma_start3A_50 = arith.constant 0 : i32
    %dma_start3A_51 = arith.constant 2 : i32
    %dma_start3A_52 = arith.constant 2 : i32
    %dma_start3A_53 = arith.constant 2 : i32
    %dma_start3A_54 = arith.constant 0 : i32
    %dma_start3A_55 = arith.constant 0 : i32
    %dma_start3A_56 = tpu.memref_slice %arg7[%dma_start3A_52, %dma_start3A_54, %dma_start3A_55] : memref<8x128x16xf32, #tpu.memory_space<vmem>> -> memref<1x128x16xf32, #tpu.memory_space<vmem>>
    %dma_start3A_57 = tpu.memref_squeeze %dma_start3A_56 : memref<1x128x16xf32, #tpu.memory_space<vmem>> -> memref<128x16xf32, #tpu.memory_space<vmem>>
    %dma_start3A_58 = arith.constant 0 : i32
    %dma_start3A_59 = tpu.memref_slice %arg6[%dma_start3A_50, %dma_start3A_51, %dma_start3A_58] : memref<2x79x128xi32, #tpu.memory_space<vmem>> -> memref<1x1x128xi32, #tpu.memory_space<vmem>>
    %dma_start3A_60 = tpu.memref_squeeze %dma_start3A_59 : memref<1x1x128xi32, #tpu.memory_space<vmem>> -> memref<128xi32, #tpu.memory_space<vmem>>
    %dma_start3A_61 = arith.constant 0 : i32
    %dma_start3A_62 = arith.constant 0 : i32
    %dma_start3A_63 = tpu.memref_slice %arg3[%dma_start3A_61, %dma_start3A_62] : memref<10240x16xf32, #tpu.memory_space<hbm>> -> memref<10240x16xf32, #tpu.memory_space<hbm>>
    %dma_start3A_64 = tpu.memref_slice %arg9[%dma_start3A_53] : memref<8x!tpu.dma_semaphore, #tpu.memory_space<semaphore_mem>> -> memref<1x!tpu.dma_semaphore, #tpu.memory_space<semaphore_mem>>
    %dma_start3A_65 = tpu.memref_squeeze %dma_start3A_64 : memref<1x!tpu.dma_semaphore, #tpu.memory_space<semaphore_mem>> -> memref<!tpu.dma_semaphore, #tpu.memory_space<semaphore_mem>>
    tpu.enqueue_indirect_dma source(%dma_start3A_63 : memref<10240x16xf32, #tpu.memory_space<hbm>>) target(%dma_start3A_57 : memref<128x16xf32, #tpu.memory_space<vmem>>) offsets(%dma_start3A_60 : memref<128xi32, #tpu.memory_space<vmem>>) semaphore(%dma_start3A_65 : memref<!tpu.dma_semaphore, #tpu.memory_space<semaphore_mem>>)
    %dma_start3A_66 = arith.constant 0 : i32
    %dma_start3A_67 = arith.constant 3 : i32
    %dma_start3A_68 = arith.constant 3 : i32
    %dma_start3A_69 = arith.constant 3 : i32
    %dma_start3A_70 = arith.constant 0 : i32
    %dma_start3A_71 = arith.constant 0 : i32
    %dma_start3A_72 = tpu.memref_slice %arg7[%dma_start3A_68, %dma_start3A_70, %dma_start3A_71] : memref<8x128x16xf32, #tpu.memory_space<vmem>> -> memref<1x128x16xf32, #tpu.memory_space<vmem>>
    %dma_start3A_73 = tpu.memref_squeeze %dma_start3A_72 : memref<1x128x16xf32, #tpu.memory_space<vmem>> -> memref<128x16xf32, #tpu.memory_space<vmem>>
    %dma_start3A_74 = arith.constant 0 : i32
    %dma_start3A_75 = tpu.memref_slice %arg6[%dma_start3A_66, %dma_start3A_67, %dma_start3A_74] : memref<2x79x128xi32, #tpu.memory_space<vmem>> -> memref<1x1x128xi32, #tpu.memory_space<vmem>>
    %dma_start3A_76 = tpu.memref_squeeze %dma_start3A_75 : memref<1x1x128xi32, #tpu.memory_space<vmem>> -> memref<128xi32, #tpu.memory_space<vmem>>
    %dma_start3A_77 = arith.constant 0 : i32
    %dma_start3A_78 = arith.constant 0 : i32
    %dma_start3A_79 = tpu.memref_slice %arg3[%dma_start3A_77, %dma_start3A_78] : memref<10240x16xf32, #tpu.memory_space<hbm>> -> memref<10240x16xf32, #tpu.memory_space<hbm>>
    %dma_start3A_80 = tpu.memref_slice %arg9[%dma_start3A_69] : memref<8x!tpu.dma_semaphore, #tpu.memory_space<semaphore_mem>> -> memref<1x!tpu.dma_semaphore, #tpu.memory_space<semaphore_mem>>
    %dma_start3A_81 = tpu.memref_squeeze %dma_start3A_80 : memref<1x!tpu.dma_semaphore, #tpu.memory_space<semaphore_mem>> -> memref<!tpu.dma_semaphore, #tpu.memory_space<semaphore_mem>>
    tpu.enqueue_indirect_dma source(%dma_start3A_79 : memref<10240x16xf32, #tpu.memory_space<hbm>>) target(%dma_start3A_73 : memref<128x16xf32, #tpu.memory_space<vmem>>) offsets(%dma_start3A_76 : memref<128xi32, #tpu.memory_space<vmem>>) semaphore(%dma_start3A_81 : memref<!tpu.dma_semaphore, #tpu.memory_space<semaphore_mem>>)
    %dma_start3A_82 = arith.constant 0 : i32
    %dma_start3A_83 = arith.constant 4 : i32
    %dma_start3A_84 = arith.constant 4 : i32
    %dma_start3A_85 = arith.constant 4 : i32
    %dma_start3A_86 = arith.constant 0 : i32
    %dma_start3A_87 = arith.constant 0 : i32
    %dma_start3A_88 = tpu.memref_slice %arg7[%dma_start3A_84, %dma_start3A_86, %dma_start3A_87] : memref<8x128x16xf32, #tpu.memory_space<vmem>> -> memref<1x128x16xf32, #tpu.memory_space<vmem>>
    %dma_start3A_89 = tpu.memref_squeeze %dma_start3A_88 : memref<1x128x16xf32, #tpu.memory_space<vmem>> -> memref<128x16xf32, #tpu.memory_space<vmem>>
    %dma_start3A_90 = arith.constant 0 : i32
    %dma_start3A_91 = tpu.memref_slice %arg6[%dma_start3A_82, %dma_start3A_83, %dma_start3A_90] : memref<2x79x128xi32, #tpu.memory_space<vmem>> -> memref<1x1x128xi32, #tpu.memory_space<vmem>>
    %dma_start3A_92 = tpu.memref_squeeze %dma_start3A_91 : memref<1x1x128xi32, #tpu.memory_space<vmem>> -> memref<128xi32, #tpu.memory_space<vmem>>
    %dma_start3A_93 = arith.constant 0 : i32
    %dma_start3A_94 = arith.constant 0 : i32
    %dma_start3A_95 = tpu.memref_slice %arg3[%dma_start3A_93, %dma_start3A_94] : memref<10240x16xf32, #tpu.memory_space<hbm>> -> memref<10240x16xf32, #tpu.memory_space<hbm>>
    %dma_start3A_96 = tpu.memref_slice %arg9[%dma_start3A_85] : memref<8x!tpu.dma_semaphore, #tpu.memory_space<semaphore_mem>> -> memref<1x!tpu.dma_semaphore, #tpu.memory_space<semaphore_mem>>
    %dma_start3A_97 = tpu.memref_squeeze %dma_start3A_96 : memref<1x!tpu.dma_semaphore, #tpu.memory_space<semaphore_mem>> -> memref<!tpu.dma_semaphore, #tpu.memory_space<semaphore_mem>>
    tpu.enqueue_indirect_dma source(%dma_start3A_95 : memref<10240x16xf32, #tpu.memory_space<hbm>>) target(%dma_start3A_89 : memref<128x16xf32, #tpu.memory_space<vmem>>) offsets(%dma_start3A_92 : memref<128xi32, #tpu.memory_space<vmem>>) semaphore(%dma_start3A_97 : memref<!tpu.dma_semaphore, #tpu.memory_space<semaphore_mem>>)
    %dma_start3A_98 = arith.constant 0 : i32
    %dma_start3A_99 = arith.constant 5 : i32
    %dma_start3A_100 = arith.constant 5 : i32
    %dma_start3A_101 = arith.constant 5 : i32
    %dma_start3A_102 = arith.constant 0 : i32
    %dma_start3A_103 = arith.constant 0 : i32
    %dma_start3A_104 = tpu.memref_slice %arg7[%dma_start3A_100, %dma_start3A_102, %dma_start3A_103] : memref<8x128x16xf32, #tpu.memory_space<vmem>> -> memref<1x128x16xf32, #tpu.memory_space<vmem>>
    %dma_start3A_105 = tpu.memref_squeeze %dma_start3A_104 : memref<1x128x16xf32, #tpu.memory_space<vmem>> -> memref<128x16xf32, #tpu.memory_space<vmem>>
    %dma_start3A_106 = arith.constant 0 : i32
    %dma_start3A_107 = tpu.memref_slice %arg6[%dma_start3A_98, %dma_start3A_99, %dma_start3A_106] : memref<2x79x128xi32, #tpu.memory_space<vmem>> -> memref<1x1x128xi32, #tpu.memory_space<vmem>>
    %dma_start3A_108 = tpu.memref_squeeze %dma_start3A_107 : memref<1x1x128xi32, #tpu.memory_space<vmem>> -> memref<128xi32, #tpu.memory_space<vmem>>
    %dma_start3A_109 = arith.constant 0 : i32
    %dma_start3A_110 = arith.constant 0 : i32
    %dma_start3A_111 = tpu.memref_slice %arg3[%dma_start3A_109, %dma_start3A_110] : memref<10240x16xf32, #tpu.memory_space<hbm>> -> memref<10240x16xf32, #tpu.memory_space<hbm>>
    %dma_start3A_112 = tpu.memref_slice %arg9[%dma_start3A_101] : memref<8x!tpu.dma_semaphore, #tpu.memory_space<semaphore_mem>> -> memref<1x!tpu.dma_semaphore, #tpu.memory_space<semaphore_mem>>
    %dma_start3A_113 = tpu.memref_squeeze %dma_start3A_112 : memref<1x!tpu.dma_semaphore, #tpu.memory_space<semaphore_mem>> -> memref<!tpu.dma_semaphore, #tpu.memory_space<semaphore_mem>>
    tpu.enqueue_indirect_dma source(%dma_start3A_111 : memref<10240x16xf32, #tpu.memory_space<hbm>>) target(%dma_start3A_105 : memref<128x16xf32, #tpu.memory_space<vmem>>) offsets(%dma_start3A_108 : memref<128xi32, #tpu.memory_space<vmem>>) semaphore(%dma_start3A_113 : memref<!tpu.dma_semaphore, #tpu.memory_space<semaphore_mem>>)
    %dma_start3A_114 = arith.constant 0 : i32
    %dma_start3A_115 = arith.constant 6 : i32
    %dma_start3A_116 = arith.constant 6 : i32
    %dma_start3A_117 = arith.constant 6 : i32
    %dma_start3A_118 = arith.constant 0 : i32
    %dma_start3A_119 = arith.constant 0 : i32
    %dma_start3A_120 = tpu.memref_slice %arg7[%dma_start3A_116, %dma_start3A_118, %dma_start3A_119] : memref<8x128x16xf32, #tpu.memory_space<vmem>> -> memref<1x128x16xf32, #tpu.memory_space<vmem>>
    %dma_start3A_121 = tpu.memref_squeeze %dma_start3A_120 : memref<1x128x16xf32, #tpu.memory_space<vmem>> -> memref<128x16xf32, #tpu.memory_space<vmem>>
    %dma_start3A_122 = arith.constant 0 : i32
    %dma_start3A_123 = tpu.memref_slice %arg6[%dma_start3A_114, %dma_start3A_115, %dma_start3A_122] : memref<2x79x128xi32, #tpu.memory_space<vmem>> -> memref<1x1x128xi32, #tpu.memory_space<vmem>>
    %dma_start3A_124 = tpu.memref_squeeze %dma_start3A_123 : memref<1x1x128xi32, #tpu.memory_space<vmem>> -> memref<128xi32, #tpu.memory_space<vmem>>
    %dma_start3A_125 = arith.constant 0 : i32
    %dma_start3A_126 = arith.constant 0 : i32
    %dma_start3A_127 = tpu.memref_slice %arg3[%dma_start3A_125, %dma_start3A_126] : memref<10240x16xf32, #tpu.memory_space<hbm>> -> memref<10240x16xf32, #tpu.memory_space<hbm>>
    %dma_start3A_128 = tpu.memref_slice %arg9[%dma_start3A_117] : memref<8x!tpu.dma_semaphore, #tpu.memory_space<semaphore_mem>> -> memref<1x!tpu.dma_semaphore, #tpu.memory_space<semaphore_mem>>
    %dma_start3A_129 = tpu.memref_squeeze %dma_start3A_128 : memref<1x!tpu.dma_semaphore, #tpu.memory_space<semaphore_mem>> -> memref<!tpu.dma_semaphore, #tpu.memory_space<semaphore_mem>>
    tpu.enqueue_indirect_dma source(%dma_start3A_127 : memref<10240x16xf32, #tpu.memory_space<hbm>>) target(%dma_start3A_121 : memref<128x16xf32, #tpu.memory_space<vmem>>) offsets(%dma_start3A_124 : memref<128xi32, #tpu.memory_space<vmem>>) semaphore(%dma_start3A_129 : memref<!tpu.dma_semaphore, #tpu.memory_space<semaphore_mem>>)
    %dma_start3A_130 = arith.constant 0 : i32
    %dma_start3A_131 = arith.constant 7 : i32
    %dma_start3A_132 = arith.constant 7 : i32
    %dma_start3A_133 = arith.constant 7 : i32
    %dma_start3A_134 = arith.constant 0 : i32
    %dma_start3A_135 = arith.constant 0 : i32
    %dma_start3A_136 = tpu.memref_slice %arg7[%dma_start3A_132, %dma_start3A_134, %dma_start3A_135] : memref<8x128x16xf32, #tpu.memory_space<vmem>> -> memref<1x128x16xf32, #tpu.memory_space<vmem>>
    %dma_start3A_137 = tpu.memref_squeeze %dma_start3A_136 : memref<1x128x16xf32, #tpu.memory_space<vmem>> -> memref<128x16xf32, #tpu.memory_space<vmem>>
    %dma_start3A_138 = arith.constant 0 : i32
    %dma_start3A_139 = tpu.memref_slice %arg6[%dma_start3A_130, %dma_start3A_131, %dma_start3A_138] : memref<2x79x128xi32, #tpu.memory_space<vmem>> -> memref<1x1x128xi32, #tpu.memory_space<vmem>>
    %dma_start3A_140 = tpu.memref_squeeze %dma_start3A_139 : memref<1x1x128xi32, #tpu.memory_space<vmem>> -> memref<128xi32, #tpu.memory_space<vmem>>
    %dma_start3A_141 = arith.constant 0 : i32
    %dma_start3A_142 = arith.constant 0 : i32
    %dma_start3A_143 = tpu.memref_slice %arg3[%dma_start3A_141, %dma_start3A_142] : memref<10240x16xf32, #tpu.memory_space<hbm>> -> memref<10240x16xf32, #tpu.memory_space<hbm>>
    %dma_start3A_144 = tpu.memref_slice %arg9[%dma_start3A_133] : memref<8x!tpu.dma_semaphore, #tpu.memory_space<semaphore_mem>> -> memref<1x!tpu.dma_semaphore, #tpu.memory_space<semaphore_mem>>
    %dma_start3A_145 = tpu.memref_squeeze %dma_start3A_144 : memref<1x!tpu.dma_semaphore, #tpu.memory_space<semaphore_mem>> -> memref<!tpu.dma_semaphore, #tpu.memory_space<semaphore_mem>>
    tpu.enqueue_indirect_dma source(%dma_start3A_143 : memref<10240x16xf32, #tpu.memory_space<hbm>>) target(%dma_start3A_137 : memref<128x16xf32, #tpu.memory_space<vmem>>) offsets(%dma_start3A_140 : memref<128xi32, #tpu.memory_space<vmem>>) semaphore(%dma_start3A_145 : memref<!tpu.dma_semaphore, #tpu.memory_space<semaphore_mem>>)
    %scan3A = arith.constant 0 : i32
    %scan3A_146 = arith.constant 10 : i32
    %scan3A_147 = arith.addi %scan3A, %scan3A_146 : i32
    %scan3A_148 = arith.constant 1 : i32
    scf.for %scan3A_155 = %scan3A to %scan3A_147 step %scan3A_148  : i32 {
      %mul3A_156 = arith.constant 8 : i32
      %mul3A_157 = arith.muli %scan3A_155, %mul3A_156 : i32
      %add3A_158 = arith.constant 0 : i32
      %add3A_159 = arith.addi %add3A_158, %mul3A_157 : i32
      %add3A_160 = arith.constant 0 : i32
      %add3A_161 = arith.addi %add3A_159, %add3A_160 : i32
      %lt3A_162 = arith.cmpi slt, %add3A_161, %add3A_4 : i32
      %convert_element_type3A_163 = arith.extui %lt3A_162 : i1 to i32
      %cond3A_164 = arith.constant 0 : i32
      %cond3A_165 = arith.cmpi ne, %convert_element_type3A_163, %cond3A_164 : i32
      scf.if %cond3A_165 {
        %dma_wait3A = arith.constant 0 : i32
        %dma_wait3A_208 = arith.constant 0 : i32
        %dma_wait3A_209 = arith.constant 0 : i32
        %dma_wait3A_210 = arith.constant 0 : i32
        %dma_wait3A_211 = arith.constant 0 : i32
        %dma_wait3A_212 = arith.constant 0 : i32
        %dma_wait3A_213 = tpu.memref_slice %arg7[%dma_wait3A_209, %dma_wait3A_211, %dma_wait3A_212] : memref<8x128x16xf32, #tpu.memory_space<vmem>> -> memref<1x128x16xf32, #tpu.memory_space<vmem>>
        %dma_wait3A_214 = tpu.memref_squeeze %dma_wait3A_213 : memref<1x128x16xf32, #tpu.memory_space<vmem>> -> memref<128x16xf32, #tpu.memory_space<vmem>>
        %dma_wait3A_215 = arith.constant 0 : i32
        %dma_wait3A_216 = tpu.memref_slice %arg6[%dma_wait3A, %dma_wait3A_208, %dma_wait3A_215] : memref<2x79x128xi32, #tpu.memory_space<vmem>> -> memref<1x1x128xi32, #tpu.memory_space<vmem>>
        %dma_wait3A_217 = tpu.memref_squeeze %dma_wait3A_216 : memref<1x1x128xi32, #tpu.memory_space<vmem>> -> memref<128xi32, #tpu.memory_space<vmem>>
        %dma_wait3A_218 = arith.constant 0 : i32
        %dma_wait3A_219 = arith.constant 0 : i32
        %dma_wait3A_220 = tpu.memref_slice %arg3[%dma_wait3A_218, %dma_wait3A_219] : memref<10240x16xf32, #tpu.memory_space<hbm>> -> memref<10240x16xf32, #tpu.memory_space<hbm>>
        %dma_wait3A_221 = tpu.memref_slice %arg9[%dma_wait3A_210] : memref<8x!tpu.dma_semaphore, #tpu.memory_space<semaphore_mem>> -> memref<1x!tpu.dma_semaphore, #tpu.memory_space<semaphore_mem>>
        %dma_wait3A_222 = tpu.memref_squeeze %dma_wait3A_221 : memref<1x!tpu.dma_semaphore, #tpu.memory_space<semaphore_mem>> -> memref<!tpu.dma_semaphore, #tpu.memory_space<semaphore_mem>>
        tpu.wait_indirect_dma semaphore(%dma_wait3A_222 : memref<!tpu.dma_semaphore, #tpu.memory_space<semaphore_mem>>) src(%dma_wait3A_220 : memref<10240x16xf32, #tpu.memory_space<hbm>>) dst(%dma_wait3A_214 : memref<128x16xf32, #tpu.memory_space<vmem>>)
        %run_scoped3A_223 = arith.constant 0 : i32
        %run_scoped3A_224 = arith.constant 1 : i32
        "tpu.region"() ({
          %run_scoped3A_231 = tpu.sem_alloc : memref<!tpu.dma_semaphore, #tpu.memory_space<semaphore_mem>>
          %dma_start3A_232 = arith.constant 0 : i32
          %dma_start3A_233 = arith.constant 0 : i32
          %dma_start3A_234 = tpu.memref_slice %arg7[%run_scoped3A_223, %dma_start3A_232, %dma_start3A_233] : memref<8x128x16xf32, #tpu.memory_space<vmem>> -> memref<1x128x16xf32, #tpu.memory_space<vmem>>
          %dma_start3A_235 = tpu.memref_squeeze %dma_start3A_234 : memref<1x128x16xf32, #tpu.memory_space<vmem>> -> memref<128x16xf32, #tpu.memory_space<vmem>>
          %dma_start3A_236 = arith.constant 0 : i32
          %dma_start3A_237 = tpu.memref_slice %arg6[%run_scoped3A_224, %add3A_161, %dma_start3A_236] : memref<2x79x128xi32, #tpu.memory_space<vmem>> -> memref<1x1x128xi32, #tpu.memory_space<vmem>>
          %dma_start3A_238 = tpu.memref_squeeze %dma_start3A_237 : memref<1x1x128xi32, #tpu.memory_space<vmem>> -> memref<128xi32, #tpu.memory_space<vmem>>
          %dma_start3A_239 = arith.constant 0 : i32
          %dma_start3A_240 = arith.constant 0 : i32
          %dma_start3A_241 = tpu.memref_slice %arg8[%dma_start3A_239, %dma_start3A_240] : memref<10240x16xf32, #tpu.memory_space<vmem_shared>> -> memref<10240x16xf32, #tpu.memory_space<vmem_shared>>
          tpu.enqueue_indirect_dma source(%dma_start3A_235 : memref<128x16xf32, #tpu.memory_space<vmem>>) target(%dma_start3A_241 : memref<10240x16xf32, #tpu.memory_space<vmem_shared>>) offsets(%dma_start3A_238 : memref<128xi32, #tpu.memory_space<vmem>>) semaphore(%run_scoped3A_231 : memref<!tpu.dma_semaphore, #tpu.memory_space<semaphore_mem>>) {add = true}
          %dma_wait3A_242 = arith.constant 0 : i32
          %dma_wait3A_243 = arith.constant 0 : i32
          %dma_wait3A_244 = tpu.memref_slice %arg7[%run_scoped3A_223, %dma_wait3A_242, %dma_wait3A_243] : memref<8x128x16xf32, #tpu.memory_space<vmem>> -> memref<1x128x16xf32, #tpu.memory_space<vmem>>
          %dma_wait3A_245 = tpu.memref_squeeze %dma_wait3A_244 : memref<1x128x16xf32, #tpu.memory_space<vmem>> -> memref<128x16xf32, #tpu.memory_space<vmem>>
          %dma_wait3A_246 = arith.constant 0 : i32
          %dma_wait3A_247 = tpu.memref_slice %arg6[%run_scoped3A_224, %add3A_161, %dma_wait3A_246] : memref<2x79x128xi32, #tpu.memory_space<vmem>> -> memref<1x1x128xi32, #tpu.memory_space<vmem>>
          %dma_wait3A_248 = tpu.memref_squeeze %dma_wait3A_247 : memref<1x1x128xi32, #tpu.memory_space<vmem>> -> memref<128xi32, #tpu.memory_space<vmem>>
          %dma_wait3A_249 = arith.constant 0 : i32
          %dma_wait3A_250 = arith.constant 0 : i32
          %dma_wait3A_251 = tpu.memref_slice %arg8[%dma_wait3A_249, %dma_wait3A_250] : memref<10240x16xf32, #tpu.memory_space<vmem_shared>> -> memref<10240x16xf32, #tpu.memory_space<vmem_shared>>
          tpu.wait_indirect_dma semaphore(%run_scoped3A_231 : memref<!tpu.dma_semaphore, #tpu.memory_space<semaphore_mem>>) src(%dma_wait3A_245 : memref<128x16xf32, #tpu.memory_space<vmem>>) dst(%dma_wait3A_251 : memref<10240x16xf32, #tpu.memory_space<vmem_shared>>)
          tpu.yield
        }) : () -> ()
        %add3A_225 = arith.constant 8 : i32
        %add3A_226 = arith.addi %add3A_161, %add3A_225 : i32
        %lt3A_227 = arith.cmpi slt, %add3A_226, %add3A_4 : i32
        %convert_element_type3A_228 = arith.extui %lt3A_227 : i1 to i32
        %cond3A_229 = arith.constant 0 : i32
        %cond3A_230 = arith.cmpi ne, %convert_element_type3A_228, %cond3A_229 : i32
        scf.if %cond3A_230 {
          %add3A_231 = arith.constant 8 : i32
          %add3A_232 = arith.addi %add3A_161, %add3A_231 : i32
          %dma_start3A_233 = arith.constant 0 : i32
          %dma_start3A_234 = arith.constant 0 : i32
          %dma_start3A_235 = arith.constant 0 : i32
          %dma_start3A_236 = arith.constant 0 : i32
          %dma_start3A_237 = arith.constant 0 : i32
          %dma_start3A_238 = tpu.memref_slice %arg7[%dma_start3A_234, %dma_start3A_236, %dma_start3A_237] : memref<8x128x16xf32, #tpu.memory_space<vmem>> -> memref<1x128x16xf32, #tpu.memory_space<vmem>>
          %dma_start3A_239 = tpu.memref_squeeze %dma_start3A_238 : memref<1x128x16xf32, #tpu.memory_space<vmem>> -> memref<128x16xf32, #tpu.memory_space<vmem>>
          %dma_start3A_240 = arith.constant 0 : i32
          %dma_start3A_241 = tpu.memref_slice %arg6[%dma_start3A_233, %add3A_232, %dma_start3A_240] : memref<2x79x128xi32, #tpu.memory_space<vmem>> -> memref<1x1x128xi32, #tpu.memory_space<vmem>>
          %dma_start3A_242 = tpu.memref_squeeze %dma_start3A_241 : memref<1x1x128xi32, #tpu.memory_space<vmem>> -> memref<128xi32, #tpu.memory_space<vmem>>
          %dma_start3A_243 = arith.constant 0 : i32
          %dma_start3A_244 = arith.constant 0 : i32
          %dma_start3A_245 = tpu.memref_slice %arg3[%dma_start3A_243, %dma_start3A_244] : memref<10240x16xf32, #tpu.memory_space<hbm>> -> memref<10240x16xf32, #tpu.memory_space<hbm>>
          %dma_start3A_246 = tpu.memref_slice %arg9[%dma_start3A_235] : memref<8x!tpu.dma_semaphore, #tpu.memory_space<semaphore_mem>> -> memref<1x!tpu.dma_semaphore, #tpu.memory_space<semaphore_mem>>
          %dma_start3A_247 = tpu.memref_squeeze %dma_start3A_246 : memref<1x!tpu.dma_semaphore, #tpu.memory_space<semaphore_mem>> -> memref<!tpu.dma_semaphore, #tpu.memory_space<semaphore_mem>>
          tpu.enqueue_indirect_dma source(%dma_start3A_245 : memref<10240x16xf32, #tpu.memory_space<hbm>>) target(%dma_start3A_239 : memref<128x16xf32, #tpu.memory_space<vmem>>) offsets(%dma_start3A_242 : memref<128xi32, #tpu.memory_space<vmem>>) semaphore(%dma_start3A_247 : memref<!tpu.dma_semaphore, #tpu.memory_space<semaphore_mem>>)
        } else {
        }
      } else {
      }
      %add3A_166 = arith.constant 1 : i32
      %add3A_167 = arith.addi %add3A_159, %add3A_166 : i32
      %lt3A_168 = arith.cmpi slt, %add3A_167, %add3A_4 : i32
      %convert_element_type3A_169 = arith.extui %lt3A_168 : i1 to i32
      %cond3A_170 = arith.constant 0 : i32
      %cond3A_171 = arith.cmpi ne, %convert_element_type3A_169, %cond3A_170 : i32
      scf.if %cond3A_171 {
        %dma_wait3A = arith.constant 0 : i32
        %dma_wait3A_208 = arith.constant 0 : i32
        %dma_wait3A_209 = arith.constant 1 : i32
        %dma_wait3A_210 = arith.constant 1 : i32
        %dma_wait3A_211 = arith.constant 0 : i32
        %dma_wait3A_212 = arith.constant 0 : i32
        %dma_wait3A_213 = tpu.memref_slice %arg7[%dma_wait3A_209, %dma_wait3A_211, %dma_wait3A_212] : memref<8x128x16xf32, #tpu.memory_space<vmem>> -> memref<1x128x16xf32, #tpu.memory_space<vmem>>
        %dma_wait3A_214 = tpu.memref_squeeze %dma_wait3A_213 : memref<1x128x16xf32, #tpu.memory_space<vmem>> -> memref<128x16xf32, #tpu.memory_space<vmem>>
        %dma_wait3A_215 = arith.constant 0 : i32
        %dma_wait3A_216 = tpu.memref_slice %arg6[%dma_wait3A, %dma_wait3A_208, %dma_wait3A_215] : memref<2x79x128xi32, #tpu.memory_space<vmem>> -> memref<1x1x128xi32, #tpu.memory_space<vmem>>
        %dma_wait3A_217 = tpu.memref_squeeze %dma_wait3A_216 : memref<1x1x128xi32, #tpu.memory_space<vmem>> -> memref<128xi32, #tpu.memory_space<vmem>>
        %dma_wait3A_218 = arith.constant 0 : i32
        %dma_wait3A_219 = arith.constant 0 : i32
        %dma_wait3A_220 = tpu.memref_slice %arg3[%dma_wait3A_218, %dma_wait3A_219] : memref<10240x16xf32, #tpu.memory_space<hbm>> -> memref<10240x16xf32, #tpu.memory_space<hbm>>
        %dma_wait3A_221 = tpu.memref_slice %arg9[%dma_wait3A_210] : memref<8x!tpu.dma_semaphore, #tpu.memory_space<semaphore_mem>> -> memref<1x!tpu.dma_semaphore, #tpu.memory_space<semaphore_mem>>
        %dma_wait3A_222 = tpu.memref_squeeze %dma_wait3A_221 : memref<1x!tpu.dma_semaphore, #tpu.memory_space<semaphore_mem>> -> memref<!tpu.dma_semaphore, #tpu.memory_space<semaphore_mem>>
        tpu.wait_indirect_dma semaphore(%dma_wait3A_222 : memref<!tpu.dma_semaphore, #tpu.memory_space<semaphore_mem>>) src(%dma_wait3A_220 : memref<10240x16xf32, #tpu.memory_space<hbm>>) dst(%dma_wait3A_214 : memref<128x16xf32, #tpu.memory_space<vmem>>)
        %run_scoped3A_223 = arith.constant 1 : i32
        %run_scoped3A_224 = arith.constant 1 : i32
        "tpu.region"() ({
          %run_scoped3A_231 = tpu.sem_alloc : memref<!tpu.dma_semaphore, #tpu.memory_space<semaphore_mem>>
          %dma_start3A_232 = arith.constant 0 : i32
          %dma_start3A_233 = arith.constant 0 : i32
          %dma_start3A_234 = tpu.memref_slice %arg7[%run_scoped3A_223, %dma_start3A_232, %dma_start3A_233] : memref<8x128x16xf32, #tpu.memory_space<vmem>> -> memref<1x128x16xf32, #tpu.memory_space<vmem>>
          %dma_start3A_235 = tpu.memref_squeeze %dma_start3A_234 : memref<1x128x16xf32, #tpu.memory_space<vmem>> -> memref<128x16xf32, #tpu.memory_space<vmem>>
          %dma_start3A_236 = arith.constant 0 : i32
          %dma_start3A_237 = tpu.memref_slice %arg6[%run_scoped3A_224, %add3A_167, %dma_start3A_236] : memref<2x79x128xi32, #tpu.memory_space<vmem>> -> memref<1x1x128xi32, #tpu.memory_space<vmem>>
          %dma_start3A_238 = tpu.memref_squeeze %dma_start3A_237 : memref<1x1x128xi32, #tpu.memory_space<vmem>> -> memref<128xi32, #tpu.memory_space<vmem>>
          %dma_start3A_239 = arith.constant 0 : i32
          %dma_start3A_240 = arith.constant 0 : i32
          %dma_start3A_241 = tpu.memref_slice %arg8[%dma_start3A_239, %dma_start3A_240] : memref<10240x16xf32, #tpu.memory_space<vmem_shared>> -> memref<10240x16xf32, #tpu.memory_space<vmem_shared>>
          tpu.enqueue_indirect_dma source(%dma_start3A_235 : memref<128x16xf32, #tpu.memory_space<vmem>>) target(%dma_start3A_241 : memref<10240x16xf32, #tpu.memory_space<vmem_shared>>) offsets(%dma_start3A_238 : memref<128xi32, #tpu.memory_space<vmem>>) semaphore(%run_scoped3A_231 : memref<!tpu.dma_semaphore, #tpu.memory_space<semaphore_mem>>) {add = true}
          %dma_wait3A_242 = arith.constant 0 : i32
          %dma_wait3A_243 = arith.constant 0 : i32
          %dma_wait3A_244 = tpu.memref_slice %arg7[%run_scoped3A_223, %dma_wait3A_242, %dma_wait3A_243] : memref<8x128x16xf32, #tpu.memory_space<vmem>> -> memref<1x128x16xf32, #tpu.memory_space<vmem>>
          %dma_wait3A_245 = tpu.memref_squeeze %dma_wait3A_244 : memref<1x128x16xf32, #tpu.memory_space<vmem>> -> memref<128x16xf32, #tpu.memory_space<vmem>>
          %dma_wait3A_246 = arith.constant 0 : i32
          %dma_wait3A_247 = tpu.memref_slice %arg6[%run_scoped3A_224, %add3A_167, %dma_wait3A_246] : memref<2x79x128xi32, #tpu.memory_space<vmem>> -> memref<1x1x128xi32, #tpu.memory_space<vmem>>
          %dma_wait3A_248 = tpu.memref_squeeze %dma_wait3A_247 : memref<1x1x128xi32, #tpu.memory_space<vmem>> -> memref<128xi32, #tpu.memory_space<vmem>>
          %dma_wait3A_249 = arith.constant 0 : i32
          %dma_wait3A_250 = arith.constant 0 : i32
          %dma_wait3A_251 = tpu.memref_slice %arg8[%dma_wait3A_249, %dma_wait3A_250] : memref<10240x16xf32, #tpu.memory_space<vmem_shared>> -> memref<10240x16xf32, #tpu.memory_space<vmem_shared>>
          tpu.wait_indirect_dma semaphore(%run_scoped3A_231 : memref<!tpu.dma_semaphore, #tpu.memory_space<semaphore_mem>>) src(%dma_wait3A_245 : memref<128x16xf32, #tpu.memory_space<vmem>>) dst(%dma_wait3A_251 : memref<10240x16xf32, #tpu.memory_space<vmem_shared>>)
          tpu.yield
        }) : () -> ()
        %add3A_225 = arith.constant 8 : i32
        %add3A_226 = arith.addi %add3A_167, %add3A_225 : i32
        %lt3A_227 = arith.cmpi slt, %add3A_226, %add3A_4 : i32
        %convert_element_type3A_228 = arith.extui %lt3A_227 : i1 to i32
        %cond3A_229 = arith.constant 0 : i32
        %cond3A_230 = arith.cmpi ne, %convert_element_type3A_228, %cond3A_229 : i32
        scf.if %cond3A_230 {
          %add3A_231 = arith.constant 8 : i32
          %add3A_232 = arith.addi %add3A_167, %add3A_231 : i32
          %dma_start3A_233 = arith.constant 0 : i32
          %dma_start3A_234 = arith.constant 1 : i32
          %dma_start3A_235 = arith.constant 1 : i32
          %dma_start3A_236 = arith.constant 0 : i32
          %dma_start3A_237 = arith.constant 0 : i32
          %dma_start3A_238 = tpu.memref_slice %arg7[%dma_start3A_234, %dma_start3A_236, %dma_start3A_237] : memref<8x128x16xf32, #tpu.memory_space<vmem>> -> memref<1x128x16xf32, #tpu.memory_space<vmem>>
          %dma_start3A_239 = tpu.memref_squeeze %dma_start3A_238 : memref<1x128x16xf32, #tpu.memory_space<vmem>> -> memref<128x16xf32, #tpu.memory_space<vmem>>
          %dma_start3A_240 = arith.constant 0 : i32
          %dma_start3A_241 = tpu.memref_slice %arg6[%dma_start3A_233, %add3A_232, %dma_start3A_240] : memref<2x79x128xi32, #tpu.memory_space<vmem>> -> memref<1x1x128xi32, #tpu.memory_space<vmem>>
          %dma_start3A_242 = tpu.memref_squeeze %dma_start3A_241 : memref<1x1x128xi32, #tpu.memory_space<vmem>> -> memref<128xi32, #tpu.memory_space<vmem>>
          %dma_start3A_243 = arith.constant 0 : i32
          %dma_start3A_244 = arith.constant 0 : i32
          %dma_start3A_245 = tpu.memref_slice %arg3[%dma_start3A_243, %dma_start3A_244] : memref<10240x16xf32, #tpu.memory_space<hbm>> -> memref<10240x16xf32, #tpu.memory_space<hbm>>
          %dma_start3A_246 = tpu.memref_slice %arg9[%dma_start3A_235] : memref<8x!tpu.dma_semaphore, #tpu.memory_space<semaphore_mem>> -> memref<1x!tpu.dma_semaphore, #tpu.memory_space<semaphore_mem>>
          %dma_start3A_247 = tpu.memref_squeeze %dma_start3A_246 : memref<1x!tpu.dma_semaphore, #tpu.memory_space<semaphore_mem>> -> memref<!tpu.dma_semaphore, #tpu.memory_space<semaphore_mem>>
          tpu.enqueue_indirect_dma source(%dma_start3A_245 : memref<10240x16xf32, #tpu.memory_space<hbm>>) target(%dma_start3A_239 : memref<128x16xf32, #tpu.memory_space<vmem>>) offsets(%dma_start3A_242 : memref<128xi32, #tpu.memory_space<vmem>>) semaphore(%dma_start3A_247 : memref<!tpu.dma_semaphore, #tpu.memory_space<semaphore_mem>>)
        } else {
        }
      } else {
      }
      %add3A_172 = arith.constant 2 : i32
      %add3A_173 = arith.addi %add3A_159, %add3A_172 : i32
      %lt3A_174 = arith.cmpi slt, %add3A_173, %add3A_4 : i32
      %convert_element_type3A_175 = arith.extui %lt3A_174 : i1 to i32
      %cond3A_176 = arith.constant 0 : i32
      %cond3A_177 = arith.cmpi ne, %convert_element_type3A_175, %cond3A_176 : i32
      scf.if %cond3A_177 {
        %dma_wait3A = arith.constant 0 : i32
        %dma_wait3A_208 = arith.constant 0 : i32
        %dma_wait3A_209 = arith.constant 2 : i32
        %dma_wait3A_210 = arith.constant 2 : i32
        %dma_wait3A_211 = arith.constant 0 : i32
        %dma_wait3A_212 = arith.constant 0 : i32
        %dma_wait3A_213 = tpu.memref_slice %arg7[%dma_wait3A_209, %dma_wait3A_211, %dma_wait3A_212] : memref<8x128x16xf32, #tpu.memory_space<vmem>> -> memref<1x128x16xf32, #tpu.memory_space<vmem>>
        %dma_wait3A_214 = tpu.memref_squeeze %dma_wait3A_213 : memref<1x128x16xf32, #tpu.memory_space<vmem>> -> memref<128x16xf32, #tpu.memory_space<vmem>>
        %dma_wait3A_215 = arith.constant 0 : i32
        %dma_wait3A_216 = tpu.memref_slice %arg6[%dma_wait3A, %dma_wait3A_208, %dma_wait3A_215] : memref<2x79x128xi32, #tpu.memory_space<vmem>> -> memref<1x1x128xi32, #tpu.memory_space<vmem>>
        %dma_wait3A_217 = tpu.memref_squeeze %dma_wait3A_216 : memref<1x1x128xi32, #tpu.memory_space<vmem>> -> memref<128xi32, #tpu.memory_space<vmem>>
        %dma_wait3A_218 = arith.constant 0 : i32
        %dma_wait3A_219 = arith.constant 0 : i32
        %dma_wait3A_220 = tpu.memref_slice %arg3[%dma_wait3A_218, %dma_wait3A_219] : memref<10240x16xf32, #tpu.memory_space<hbm>> -> memref<10240x16xf32, #tpu.memory_space<hbm>>
        %dma_wait3A_221 = tpu.memref_slice %arg9[%dma_wait3A_210] : memref<8x!tpu.dma_semaphore, #tpu.memory_space<semaphore_mem>> -> memref<1x!tpu.dma_semaphore, #tpu.memory_space<semaphore_mem>>
        %dma_wait3A_222 = tpu.memref_squeeze %dma_wait3A_221 : memref<1x!tpu.dma_semaphore, #tpu.memory_space<semaphore_mem>> -> memref<!tpu.dma_semaphore, #tpu.memory_space<semaphore_mem>>
        tpu.wait_indirect_dma semaphore(%dma_wait3A_222 : memref<!tpu.dma_semaphore, #tpu.memory_space<semaphore_mem>>) src(%dma_wait3A_220 : memref<10240x16xf32, #tpu.memory_space<hbm>>) dst(%dma_wait3A_214 : memref<128x16xf32, #tpu.memory_space<vmem>>)
        %run_scoped3A_223 = arith.constant 2 : i32
        %run_scoped3A_224 = arith.constant 1 : i32
        "tpu.region"() ({
          %run_scoped3A_231 = tpu.sem_alloc : memref<!tpu.dma_semaphore, #tpu.memory_space<semaphore_mem>>
          %dma_start3A_232 = arith.constant 0 : i32
          %dma_start3A_233 = arith.constant 0 : i32
          %dma_start3A_234 = tpu.memref_slice %arg7[%run_scoped3A_223, %dma_start3A_232, %dma_start3A_233] : memref<8x128x16xf32, #tpu.memory_space<vmem>> -> memref<1x128x16xf32, #tpu.memory_space<vmem>>
          %dma_start3A_235 = tpu.memref_squeeze %dma_start3A_234 : memref<1x128x16xf32, #tpu.memory_space<vmem>> -> memref<128x16xf32, #tpu.memory_space<vmem>>
          %dma_start3A_236 = arith.constant 0 : i32
          %dma_start3A_237 = tpu.memref_slice %arg6[%run_scoped3A_224, %add3A_173, %dma_start3A_236] : memref<2x79x128xi32, #tpu.memory_space<vmem>> -> memref<1x1x128xi32, #tpu.memory_space<vmem>>
          %dma_start3A_238 = tpu.memref_squeeze %dma_start3A_237 : memref<1x1x128xi32, #tpu.memory_space<vmem>> -> memref<128xi32, #tpu.memory_space<vmem>>
          %dma_start3A_239 = arith.constant 0 : i32
          %dma_start3A_240 = arith.constant 0 : i32
          %dma_start3A_241 = tpu.memref_slice %arg8[%dma_start3A_239, %dma_start3A_240] : memref<10240x16xf32, #tpu.memory_space<vmem_shared>> -> memref<10240x16xf32, #tpu.memory_space<vmem_shared>>
          tpu.enqueue_indirect_dma source(%dma_start3A_235 : memref<128x16xf32, #tpu.memory_space<vmem>>) target(%dma_start3A_241 : memref<10240x16xf32, #tpu.memory_space<vmem_shared>>) offsets(%dma_start3A_238 : memref<128xi32, #tpu.memory_space<vmem>>) semaphore(%run_scoped3A_231 : memref<!tpu.dma_semaphore, #tpu.memory_space<semaphore_mem>>) {add = true}
          %dma_wait3A_242 = arith.constant 0 : i32
          %dma_wait3A_243 = arith.constant 0 : i32
          %dma_wait3A_244 = tpu.memref_slice %arg7[%run_scoped3A_223, %dma_wait3A_242, %dma_wait3A_243] : memref<8x128x16xf32, #tpu.memory_space<vmem>> -> memref<1x128x16xf32, #tpu.memory_space<vmem>>
          %dma_wait3A_245 = tpu.memref_squeeze %dma_wait3A_244 : memref<1x128x16xf32, #tpu.memory_space<vmem>> -> memref<128x16xf32, #tpu.memory_space<vmem>>
          %dma_wait3A_246 = arith.constant 0 : i32
          %dma_wait3A_247 = tpu.memref_slice %arg6[%run_scoped3A_224, %add3A_173, %dma_wait3A_246] : memref<2x79x128xi32, #tpu.memory_space<vmem>> -> memref<1x1x128xi32, #tpu.memory_space<vmem>>
          %dma_wait3A_248 = tpu.memref_squeeze %dma_wait3A_247 : memref<1x1x128xi32, #tpu.memory_space<vmem>> -> memref<128xi32, #tpu.memory_space<vmem>>
          %dma_wait3A_249 = arith.constant 0 : i32
          %dma_wait3A_250 = arith.constant 0 : i32
          %dma_wait3A_251 = tpu.memref_slice %arg8[%dma_wait3A_249, %dma_wait3A_250] : memref<10240x16xf32, #tpu.memory_space<vmem_shared>> -> memref<10240x16xf32, #tpu.memory_space<vmem_shared>>
          tpu.wait_indirect_dma semaphore(%run_scoped3A_231 : memref<!tpu.dma_semaphore, #tpu.memory_space<semaphore_mem>>) src(%dma_wait3A_245 : memref<128x16xf32, #tpu.memory_space<vmem>>) dst(%dma_wait3A_251 : memref<10240x16xf32, #tpu.memory_space<vmem_shared>>)
          tpu.yield
        }) : () -> ()
        %add3A_225 = arith.constant 8 : i32
        %add3A_226 = arith.addi %add3A_173, %add3A_225 : i32
        %lt3A_227 = arith.cmpi slt, %add3A_226, %add3A_4 : i32
        %convert_element_type3A_228 = arith.extui %lt3A_227 : i1 to i32
        %cond3A_229 = arith.constant 0 : i32
        %cond3A_230 = arith.cmpi ne, %convert_element_type3A_228, %cond3A_229 : i32
        scf.if %cond3A_230 {
          %add3A_231 = arith.constant 8 : i32
          %add3A_232 = arith.addi %add3A_173, %add3A_231 : i32
          %dma_start3A_233 = arith.constant 0 : i32
          %dma_start3A_234 = arith.constant 2 : i32
          %dma_start3A_235 = arith.constant 2 : i32
          %dma_start3A_236 = arith.constant 0 : i32
          %dma_start3A_237 = arith.constant 0 : i32
          %dma_start3A_238 = tpu.memref_slice %arg7[%dma_start3A_234, %dma_start3A_236, %dma_start3A_237] : memref<8x128x16xf32, #tpu.memory_space<vmem>> -> memref<1x128x16xf32, #tpu.memory_space<vmem>>
          %dma_start3A_239 = tpu.memref_squeeze %dma_start3A_238 : memref<1x128x16xf32, #tpu.memory_space<vmem>> -> memref<128x16xf32, #tpu.memory_space<vmem>>
          %dma_start3A_240 = arith.constant 0 : i32
          %dma_start3A_241 = tpu.memref_slice %arg6[%dma_start3A_233, %add3A_232, %dma_start3A_240] : memref<2x79x128xi32, #tpu.memory_space<vmem>> -> memref<1x1x128xi32, #tpu.memory_space<vmem>>
          %dma_start3A_242 = tpu.memref_squeeze %dma_start3A_241 : memref<1x1x128xi32, #tpu.memory_space<vmem>> -> memref<128xi32, #tpu.memory_space<vmem>>
          %dma_start3A_243 = arith.constant 0 : i32
          %dma_start3A_244 = arith.constant 0 : i32
          %dma_start3A_245 = tpu.memref_slice %arg3[%dma_start3A_243, %dma_start3A_244] : memref<10240x16xf32, #tpu.memory_space<hbm>> -> memref<10240x16xf32, #tpu.memory_space<hbm>>
          %dma_start3A_246 = tpu.memref_slice %arg9[%dma_start3A_235] : memref<8x!tpu.dma_semaphore, #tpu.memory_space<semaphore_mem>> -> memref<1x!tpu.dma_semaphore, #tpu.memory_space<semaphore_mem>>
          %dma_start3A_247 = tpu.memref_squeeze %dma_start3A_246 : memref<1x!tpu.dma_semaphore, #tpu.memory_space<semaphore_mem>> -> memref<!tpu.dma_semaphore, #tpu.memory_space<semaphore_mem>>
          tpu.enqueue_indirect_dma source(%dma_start3A_245 : memref<10240x16xf32, #tpu.memory_space<hbm>>) target(%dma_start3A_239 : memref<128x16xf32, #tpu.memory_space<vmem>>) offsets(%dma_start3A_242 : memref<128xi32, #tpu.memory_space<vmem>>) semaphore(%dma_start3A_247 : memref<!tpu.dma_semaphore, #tpu.memory_space<semaphore_mem>>)
        } else {
        }
      } else {
      }
      %add3A_178 = arith.constant 3 : i32
      %add3A_179 = arith.addi %add3A_159, %add3A_178 : i32
      %lt3A_180 = arith.cmpi slt, %add3A_179, %add3A_4 : i32
      %convert_element_type3A_181 = arith.extui %lt3A_180 : i1 to i32
      %cond3A_182 = arith.constant 0 : i32
      %cond3A_183 = arith.cmpi ne, %convert_element_type3A_181, %cond3A_182 : i32
      scf.if %cond3A_183 {
        %dma_wait3A = arith.constant 0 : i32
        %dma_wait3A_208 = arith.constant 0 : i32
        %dma_wait3A_209 = arith.constant 3 : i32
        %dma_wait3A_210 = arith.constant 3 : i32
        %dma_wait3A_211 = arith.constant 0 : i32
        %dma_wait3A_212 = arith.constant 0 : i32
        %dma_wait3A_213 = tpu.memref_slice %arg7[%dma_wait3A_209, %dma_wait3A_211, %dma_wait3A_212] : memref<8x128x16xf32, #tpu.memory_space<vmem>> -> memref<1x128x16xf32, #tpu.memory_space<vmem>>
        %dma_wait3A_214 = tpu.memref_squeeze %dma_wait3A_213 : memref<1x128x16xf32, #tpu.memory_space<vmem>> -> memref<128x16xf32, #tpu.memory_space<vmem>>
        %dma_wait3A_215 = arith.constant 0 : i32
        %dma_wait3A_216 = tpu.memref_slice %arg6[%dma_wait3A, %dma_wait3A_208, %dma_wait3A_215] : memref<2x79x128xi32, #tpu.memory_space<vmem>> -> memref<1x1x128xi32, #tpu.memory_space<vmem>>
        %dma_wait3A_217 = tpu.memref_squeeze %dma_wait3A_216 : memref<1x1x128xi32, #tpu.memory_space<vmem>> -> memref<128xi32, #tpu.memory_space<vmem>>
        %dma_wait3A_218 = arith.constant 0 : i32
        %dma_wait3A_219 = arith.constant 0 : i32
        %dma_wait3A_220 = tpu.memref_slice %arg3[%dma_wait3A_218, %dma_wait3A_219] : memref<10240x16xf32, #tpu.memory_space<hbm>> -> memref<10240x16xf32, #tpu.memory_space<hbm>>
        %dma_wait3A_221 = tpu.memref_slice %arg9[%dma_wait3A_210] : memref<8x!tpu.dma_semaphore, #tpu.memory_space<semaphore_mem>> -> memref<1x!tpu.dma_semaphore, #tpu.memory_space<semaphore_mem>>
        %dma_wait3A_222 = tpu.memref_squeeze %dma_wait3A_221 : memref<1x!tpu.dma_semaphore, #tpu.memory_space<semaphore_mem>> -> memref<!tpu.dma_semaphore, #tpu.memory_space<semaphore_mem>>
        tpu.wait_indirect_dma semaphore(%dma_wait3A_222 : memref<!tpu.dma_semaphore, #tpu.memory_space<semaphore_mem>>) src(%dma_wait3A_220 : memref<10240x16xf32, #tpu.memory_space<hbm>>) dst(%dma_wait3A_214 : memref<128x16xf32, #tpu.memory_space<vmem>>)
        %run_scoped3A_223 = arith.constant 3 : i32
        %run_scoped3A_224 = arith.constant 1 : i32
        "tpu.region"() ({
          %run_scoped3A_231 = tpu.sem_alloc : memref<!tpu.dma_semaphore, #tpu.memory_space<semaphore_mem>>
          %dma_start3A_232 = arith.constant 0 : i32
          %dma_start3A_233 = arith.constant 0 : i32
          %dma_start3A_234 = tpu.memref_slice %arg7[%run_scoped3A_223, %dma_start3A_232, %dma_start3A_233] : memref<8x128x16xf32, #tpu.memory_space<vmem>> -> memref<1x128x16xf32, #tpu.memory_space<vmem>>
          %dma_start3A_235 = tpu.memref_squeeze %dma_start3A_234 : memref<1x128x16xf32, #tpu.memory_space<vmem>> -> memref<128x16xf32, #tpu.memory_space<vmem>>
          %dma_start3A_236 = arith.constant 0 : i32
          %dma_start3A_237 = tpu.memref_slice %arg6[%run_scoped3A_224, %add3A_179, %dma_start3A_236] : memref<2x79x128xi32, #tpu.memory_space<vmem>> -> memref<1x1x128xi32, #tpu.memory_space<vmem>>
          %dma_start3A_238 = tpu.memref_squeeze %dma_start3A_237 : memref<1x1x128xi32, #tpu.memory_space<vmem>> -> memref<128xi32, #tpu.memory_space<vmem>>
          %dma_start3A_239 = arith.constant 0 : i32
          %dma_start3A_240 = arith.constant 0 : i32
          %dma_start3A_241 = tpu.memref_slice %arg8[%dma_start3A_239, %dma_start3A_240] : memref<10240x16xf32, #tpu.memory_space<vmem_shared>> -> memref<10240x16xf32, #tpu.memory_space<vmem_shared>>
          tpu.enqueue_indirect_dma source(%dma_start3A_235 : memref<128x16xf32, #tpu.memory_space<vmem>>) target(%dma_start3A_241 : memref<10240x16xf32, #tpu.memory_space<vmem_shared>>) offsets(%dma_start3A_238 : memref<128xi32, #tpu.memory_space<vmem>>) semaphore(%run_scoped3A_231 : memref<!tpu.dma_semaphore, #tpu.memory_space<semaphore_mem>>) {add = true}
          %dma_wait3A_242 = arith.constant 0 : i32
          %dma_wait3A_243 = arith.constant 0 : i32
          %dma_wait3A_244 = tpu.memref_slice %arg7[%run_scoped3A_223, %dma_wait3A_242, %dma_wait3A_243] : memref<8x128x16xf32, #tpu.memory_space<vmem>> -> memref<1x128x16xf32, #tpu.memory_space<vmem>>
          %dma_wait3A_245 = tpu.memref_squeeze %dma_wait3A_244 : memref<1x128x16xf32, #tpu.memory_space<vmem>> -> memref<128x16xf32, #tpu.memory_space<vmem>>
          %dma_wait3A_246 = arith.constant 0 : i32
          %dma_wait3A_247 = tpu.memref_slice %arg6[%run_scoped3A_224, %add3A_179, %dma_wait3A_246] : memref<2x79x128xi32, #tpu.memory_space<vmem>> -> memref<1x1x128xi32, #tpu.memory_space<vmem>>
          %dma_wait3A_248 = tpu.memref_squeeze %dma_wait3A_247 : memref<1x1x128xi32, #tpu.memory_space<vmem>> -> memref<128xi32, #tpu.memory_space<vmem>>
          %dma_wait3A_249 = arith.constant 0 : i32
          %dma_wait3A_250 = arith.constant 0 : i32
          %dma_wait3A_251 = tpu.memref_slice %arg8[%dma_wait3A_249, %dma_wait3A_250] : memref<10240x16xf32, #tpu.memory_space<vmem_shared>> -> memref<10240x16xf32, #tpu.memory_space<vmem_shared>>
          tpu.wait_indirect_dma semaphore(%run_scoped3A_231 : memref<!tpu.dma_semaphore, #tpu.memory_space<semaphore_mem>>) src(%dma_wait3A_245 : memref<128x16xf32, #tpu.memory_space<vmem>>) dst(%dma_wait3A_251 : memref<10240x16xf32, #tpu.memory_space<vmem_shared>>)
          tpu.yield
        }) : () -> ()
        %add3A_225 = arith.constant 8 : i32
        %add3A_226 = arith.addi %add3A_179, %add3A_225 : i32
        %lt3A_227 = arith.cmpi slt, %add3A_226, %add3A_4 : i32
        %convert_element_type3A_228 = arith.extui %lt3A_227 : i1 to i32
        %cond3A_229 = arith.constant 0 : i32
        %cond3A_230 = arith.cmpi ne, %convert_element_type3A_228, %cond3A_229 : i32
        scf.if %cond3A_230 {
          %add3A_231 = arith.constant 8 : i32
          %add3A_232 = arith.addi %add3A_179, %add3A_231 : i32
          %dma_start3A_233 = arith.constant 0 : i32
          %dma_start3A_234 = arith.constant 3 : i32
          %dma_start3A_235 = arith.constant 3 : i32
          %dma_start3A_236 = arith.constant 0 : i32
          %dma_start3A_237 = arith.constant 0 : i32
          %dma_start3A_238 = tpu.memref_slice %arg7[%dma_start3A_234, %dma_start3A_236, %dma_start3A_237] : memref<8x128x16xf32, #tpu.memory_space<vmem>> -> memref<1x128x16xf32, #tpu.memory_space<vmem>>
          %dma_start3A_239 = tpu.memref_squeeze %dma_start3A_238 : memref<1x128x16xf32, #tpu.memory_space<vmem>> -> memref<128x16xf32, #tpu.memory_space<vmem>>
          %dma_start3A_240 = arith.constant 0 : i32
          %dma_start3A_241 = tpu.memref_slice %arg6[%dma_start3A_233, %add3A_232, %dma_start3A_240] : memref<2x79x128xi32, #tpu.memory_space<vmem>> -> memref<1x1x128xi32, #tpu.memory_space<vmem>>
          %dma_start3A_242 = tpu.memref_squeeze %dma_start3A_241 : memref<1x1x128xi32, #tpu.memory_space<vmem>> -> memref<128xi32, #tpu.memory_space<vmem>>
          %dma_start3A_243 = arith.constant 0 : i32
          %dma_start3A_244 = arith.constant 0 : i32
          %dma_start3A_245 = tpu.memref_slice %arg3[%dma_start3A_243, %dma_start3A_244] : memref<10240x16xf32, #tpu.memory_space<hbm>> -> memref<10240x16xf32, #tpu.memory_space<hbm>>
          %dma_start3A_246 = tpu.memref_slice %arg9[%dma_start3A_235] : memref<8x!tpu.dma_semaphore, #tpu.memory_space<semaphore_mem>> -> memref<1x!tpu.dma_semaphore, #tpu.memory_space<semaphore_mem>>
          %dma_start3A_247 = tpu.memref_squeeze %dma_start3A_246 : memref<1x!tpu.dma_semaphore, #tpu.memory_space<semaphore_mem>> -> memref<!tpu.dma_semaphore, #tpu.memory_space<semaphore_mem>>
          tpu.enqueue_indirect_dma source(%dma_start3A_245 : memref<10240x16xf32, #tpu.memory_space<hbm>>) target(%dma_start3A_239 : memref<128x16xf32, #tpu.memory_space<vmem>>) offsets(%dma_start3A_242 : memref<128xi32, #tpu.memory_space<vmem>>) semaphore(%dma_start3A_247 : memref<!tpu.dma_semaphore, #tpu.memory_space<semaphore_mem>>)
        } else {
        }
      } else {
      }
      %add3A_184 = arith.constant 4 : i32
      %add3A_185 = arith.addi %add3A_159, %add3A_184 : i32
      %lt3A_186 = arith.cmpi slt, %add3A_185, %add3A_4 : i32
      %convert_element_type3A_187 = arith.extui %lt3A_186 : i1 to i32
      %cond3A_188 = arith.constant 0 : i32
      %cond3A_189 = arith.cmpi ne, %convert_element_type3A_187, %cond3A_188 : i32
      scf.if %cond3A_189 {
        %dma_wait3A = arith.constant 0 : i32
        %dma_wait3A_208 = arith.constant 0 : i32
        %dma_wait3A_209 = arith.constant 4 : i32
        %dma_wait3A_210 = arith.constant 4 : i32
        %dma_wait3A_211 = arith.constant 0 : i32
        %dma_wait3A_212 = arith.constant 0 : i32
        %dma_wait3A_213 = tpu.memref_slice %arg7[%dma_wait3A_209, %dma_wait3A_211, %dma_wait3A_212] : memref<8x128x16xf32, #tpu.memory_space<vmem>> -> memref<1x128x16xf32, #tpu.memory_space<vmem>>
        %dma_wait3A_214 = tpu.memref_squeeze %dma_wait3A_213 : memref<1x128x16xf32, #tpu.memory_space<vmem>> -> memref<128x16xf32, #tpu.memory_space<vmem>>
        %dma_wait3A_215 = arith.constant 0 : i32
        %dma_wait3A_216 = tpu.memref_slice %arg6[%dma_wait3A, %dma_wait3A_208, %dma_wait3A_215] : memref<2x79x128xi32, #tpu.memory_space<vmem>> -> memref<1x1x128xi32, #tpu.memory_space<vmem>>
        %dma_wait3A_217 = tpu.memref_squeeze %dma_wait3A_216 : memref<1x1x128xi32, #tpu.memory_space<vmem>> -> memref<128xi32, #tpu.memory_space<vmem>>
        %dma_wait3A_218 = arith.constant 0 : i32
        %dma_wait3A_219 = arith.constant 0 : i32
        %dma_wait3A_220 = tpu.memref_slice %arg3[%dma_wait3A_218, %dma_wait3A_219] : memref<10240x16xf32, #tpu.memory_space<hbm>> -> memref<10240x16xf32, #tpu.memory_space<hbm>>
        %dma_wait3A_221 = tpu.memref_slice %arg9[%dma_wait3A_210] : memref<8x!tpu.dma_semaphore, #tpu.memory_space<semaphore_mem>> -> memref<1x!tpu.dma_semaphore, #tpu.memory_space<semaphore_mem>>
        %dma_wait3A_222 = tpu.memref_squeeze %dma_wait3A_221 : memref<1x!tpu.dma_semaphore, #tpu.memory_space<semaphore_mem>> -> memref<!tpu.dma_semaphore, #tpu.memory_space<semaphore_mem>>
        tpu.wait_indirect_dma semaphore(%dma_wait3A_222 : memref<!tpu.dma_semaphore, #tpu.memory_space<semaphore_mem>>) src(%dma_wait3A_220 : memref<10240x16xf32, #tpu.memory_space<hbm>>) dst(%dma_wait3A_214 : memref<128x16xf32, #tpu.memory_space<vmem>>)
        %run_scoped3A_223 = arith.constant 4 : i32
        %run_scoped3A_224 = arith.constant 1 : i32
        "tpu.region"() ({
          %run_scoped3A_231 = tpu.sem_alloc : memref<!tpu.dma_semaphore, #tpu.memory_space<semaphore_mem>>
          %dma_start3A_232 = arith.constant 0 : i32
          %dma_start3A_233 = arith.constant 0 : i32
          %dma_start3A_234 = tpu.memref_slice %arg7[%run_scoped3A_223, %dma_start3A_232, %dma_start3A_233] : memref<8x128x16xf32, #tpu.memory_space<vmem>> -> memref<1x128x16xf32, #tpu.memory_space<vmem>>
          %dma_start3A_235 = tpu.memref_squeeze %dma_start3A_234 : memref<1x128x16xf32, #tpu.memory_space<vmem>> -> memref<128x16xf32, #tpu.memory_space<vmem>>
          %dma_start3A_236 = arith.constant 0 : i32
          %dma_start3A_237 = tpu.memref_slice %arg6[%run_scoped3A_224, %add3A_185, %dma_start3A_236] : memref<2x79x128xi32, #tpu.memory_space<vmem>> -> memref<1x1x128xi32, #tpu.memory_space<vmem>>
          %dma_start3A_238 = tpu.memref_squeeze %dma_start3A_237 : memref<1x1x128xi32, #tpu.memory_space<vmem>> -> memref<128xi32, #tpu.memory_space<vmem>>
          %dma_start3A_239 = arith.constant 0 : i32
          %dma_start3A_240 = arith.constant 0 : i32
          %dma_start3A_241 = tpu.memref_slice %arg8[%dma_start3A_239, %dma_start3A_240] : memref<10240x16xf32, #tpu.memory_space<vmem_shared>> -> memref<10240x16xf32, #tpu.memory_space<vmem_shared>>
          tpu.enqueue_indirect_dma source(%dma_start3A_235 : memref<128x16xf32, #tpu.memory_space<vmem>>) target(%dma_start3A_241 : memref<10240x16xf32, #tpu.memory_space<vmem_shared>>) offsets(%dma_start3A_238 : memref<128xi32, #tpu.memory_space<vmem>>) semaphore(%run_scoped3A_231 : memref<!tpu.dma_semaphore, #tpu.memory_space<semaphore_mem>>) {add = true}
          %dma_wait3A_242 = arith.constant 0 : i32
          %dma_wait3A_243 = arith.constant 0 : i32
          %dma_wait3A_244 = tpu.memref_slice %arg7[%run_scoped3A_223, %dma_wait3A_242, %dma_wait3A_243] : memref<8x128x16xf32, #tpu.memory_space<vmem>> -> memref<1x128x16xf32, #tpu.memory_space<vmem>>
          %dma_wait3A_245 = tpu.memref_squeeze %dma_wait3A_244 : memref<1x128x16xf32, #tpu.memory_space<vmem>> -> memref<128x16xf32, #tpu.memory_space<vmem>>
          %dma_wait3A_246 = arith.constant 0 : i32
          %dma_wait3A_247 = tpu.memref_slice %arg6[%run_scoped3A_224, %add3A_185, %dma_wait3A_246] : memref<2x79x128xi32, #tpu.memory_space<vmem>> -> memref<1x1x128xi32, #tpu.memory_space<vmem>>
          %dma_wait3A_248 = tpu.memref_squeeze %dma_wait3A_247 : memref<1x1x128xi32, #tpu.memory_space<vmem>> -> memref<128xi32, #tpu.memory_space<vmem>>
          %dma_wait3A_249 = arith.constant 0 : i32
          %dma_wait3A_250 = arith.constant 0 : i32
          %dma_wait3A_251 = tpu.memref_slice %arg8[%dma_wait3A_249, %dma_wait3A_250] : memref<10240x16xf32, #tpu.memory_space<vmem_shared>> -> memref<10240x16xf32, #tpu.memory_space<vmem_shared>>
          tpu.wait_indirect_dma semaphore(%run_scoped3A_231 : memref<!tpu.dma_semaphore, #tpu.memory_space<semaphore_mem>>) src(%dma_wait3A_245 : memref<128x16xf32, #tpu.memory_space<vmem>>) dst(%dma_wait3A_251 : memref<10240x16xf32, #tpu.memory_space<vmem_shared>>)
          tpu.yield
        }) : () -> ()
        %add3A_225 = arith.constant 8 : i32
        %add3A_226 = arith.addi %add3A_185, %add3A_225 : i32
        %lt3A_227 = arith.cmpi slt, %add3A_226, %add3A_4 : i32
        %convert_element_type3A_228 = arith.extui %lt3A_227 : i1 to i32
        %cond3A_229 = arith.constant 0 : i32
        %cond3A_230 = arith.cmpi ne, %convert_element_type3A_228, %cond3A_229 : i32
        scf.if %cond3A_230 {
          %add3A_231 = arith.constant 8 : i32
          %add3A_232 = arith.addi %add3A_185, %add3A_231 : i32
          %dma_start3A_233 = arith.constant 0 : i32
          %dma_start3A_234 = arith.constant 4 : i32
          %dma_start3A_235 = arith.constant 4 : i32
          %dma_start3A_236 = arith.constant 0 : i32
          %dma_start3A_237 = arith.constant 0 : i32
          %dma_start3A_238 = tpu.memref_slice %arg7[%dma_start3A_234, %dma_start3A_236, %dma_start3A_237] : memref<8x128x16xf32, #tpu.memory_space<vmem>> -> memref<1x128x16xf32, #tpu.memory_space<vmem>>
          %dma_start3A_239 = tpu.memref_squeeze %dma_start3A_238 : memref<1x128x16xf32, #tpu.memory_space<vmem>> -> memref<128x16xf32, #tpu.memory_space<vmem>>
          %dma_start3A_240 = arith.constant 0 : i32
          %dma_start3A_241 = tpu.memref_slice %arg6[%dma_start3A_233, %add3A_232, %dma_start3A_240] : memref<2x79x128xi32, #tpu.memory_space<vmem>> -> memref<1x1x128xi32, #tpu.memory_space<vmem>>
          %dma_start3A_242 = tpu.memref_squeeze %dma_start3A_241 : memref<1x1x128xi32, #tpu.memory_space<vmem>> -> memref<128xi32, #tpu.memory_space<vmem>>
          %dma_start3A_243 = arith.constant 0 : i32
          %dma_start3A_244 = arith.constant 0 : i32
          %dma_start3A_245 = tpu.memref_slice %arg3[%dma_start3A_243, %dma_start3A_244] : memref<10240x16xf32, #tpu.memory_space<hbm>> -> memref<10240x16xf32, #tpu.memory_space<hbm>>
          %dma_start3A_246 = tpu.memref_slice %arg9[%dma_start3A_235] : memref<8x!tpu.dma_semaphore, #tpu.memory_space<semaphore_mem>> -> memref<1x!tpu.dma_semaphore, #tpu.memory_space<semaphore_mem>>
          %dma_start3A_247 = tpu.memref_squeeze %dma_start3A_246 : memref<1x!tpu.dma_semaphore, #tpu.memory_space<semaphore_mem>> -> memref<!tpu.dma_semaphore, #tpu.memory_space<semaphore_mem>>
          tpu.enqueue_indirect_dma source(%dma_start3A_245 : memref<10240x16xf32, #tpu.memory_space<hbm>>) target(%dma_start3A_239 : memref<128x16xf32, #tpu.memory_space<vmem>>) offsets(%dma_start3A_242 : memref<128xi32, #tpu.memory_space<vmem>>) semaphore(%dma_start3A_247 : memref<!tpu.dma_semaphore, #tpu.memory_space<semaphore_mem>>)
        } else {
        }
      } else {
      }
      %add3A_190 = arith.constant 5 : i32
      %add3A_191 = arith.addi %add3A_159, %add3A_190 : i32
      %lt3A_192 = arith.cmpi slt, %add3A_191, %add3A_4 : i32
      %convert_element_type3A_193 = arith.extui %lt3A_192 : i1 to i32
      %cond3A_194 = arith.constant 0 : i32
      %cond3A_195 = arith.cmpi ne, %convert_element_type3A_193, %cond3A_194 : i32
      scf.if %cond3A_195 {
        %dma_wait3A = arith.constant 0 : i32
        %dma_wait3A_208 = arith.constant 0 : i32
        %dma_wait3A_209 = arith.constant 5 : i32
        %dma_wait3A_210 = arith.constant 5 : i32
        %dma_wait3A_211 = arith.constant 0 : i32
        %dma_wait3A_212 = arith.constant 0 : i32
        %dma_wait3A_213 = tpu.memref_slice %arg7[%dma_wait3A_209, %dma_wait3A_211, %dma_wait3A_212] : memref<8x128x16xf32, #tpu.memory_space<vmem>> -> memref<1x128x16xf32, #tpu.memory_space<vmem>>
        %dma_wait3A_214 = tpu.memref_squeeze %dma_wait3A_213 : memref<1x128x16xf32, #tpu.memory_space<vmem>> -> memref<128x16xf32, #tpu.memory_space<vmem>>
        %dma_wait3A_215 = arith.constant 0 : i32
        %dma_wait3A_216 = tpu.memref_slice %arg6[%dma_wait3A, %dma_wait3A_208, %dma_wait3A_215] : memref<2x79x128xi32, #tpu.memory_space<vmem>> -> memref<1x1x128xi32, #tpu.memory_space<vmem>>
        %dma_wait3A_217 = tpu.memref_squeeze %dma_wait3A_216 : memref<1x1x128xi32, #tpu.memory_space<vmem>> -> memref<128xi32, #tpu.memory_space<vmem>>
        %dma_wait3A_218 = arith.constant 0 : i32
        %dma_wait3A_219 = arith.constant 0 : i32
        %dma_wait3A_220 = tpu.memref_slice %arg3[%dma_wait3A_218, %dma_wait3A_219] : memref<10240x16xf32, #tpu.memory_space<hbm>> -> memref<10240x16xf32, #tpu.memory_space<hbm>>
        %dma_wait3A_221 = tpu.memref_slice %arg9[%dma_wait3A_210] : memref<8x!tpu.dma_semaphore, #tpu.memory_space<semaphore_mem>> -> memref<1x!tpu.dma_semaphore, #tpu.memory_space<semaphore_mem>>
        %dma_wait3A_222 = tpu.memref_squeeze %dma_wait3A_221 : memref<1x!tpu.dma_semaphore, #tpu.memory_space<semaphore_mem>> -> memref<!tpu.dma_semaphore, #tpu.memory_space<semaphore_mem>>
        tpu.wait_indirect_dma semaphore(%dma_wait3A_222 : memref<!tpu.dma_semaphore, #tpu.memory_space<semaphore_mem>>) src(%dma_wait3A_220 : memref<10240x16xf32, #tpu.memory_space<hbm>>) dst(%dma_wait3A_214 : memref<128x16xf32, #tpu.memory_space<vmem>>)
        %run_scoped3A_223 = arith.constant 5 : i32
        %run_scoped3A_224 = arith.constant 1 : i32
        "tpu.region"() ({
          %run_scoped3A_231 = tpu.sem_alloc : memref<!tpu.dma_semaphore, #tpu.memory_space<semaphore_mem>>
          %dma_start3A_232 = arith.constant 0 : i32
          %dma_start3A_233 = arith.constant 0 : i32
          %dma_start3A_234 = tpu.memref_slice %arg7[%run_scoped3A_223, %dma_start3A_232, %dma_start3A_233] : memref<8x128x16xf32, #tpu.memory_space<vmem>> -> memref<1x128x16xf32, #tpu.memory_space<vmem>>
          %dma_start3A_235 = tpu.memref_squeeze %dma_start3A_234 : memref<1x128x16xf32, #tpu.memory_space<vmem>> -> memref<128x16xf32, #tpu.memory_space<vmem>>
          %dma_start3A_236 = arith.constant 0 : i32
          %dma_start3A_237 = tpu.memref_slice %arg6[%run_scoped3A_224, %add3A_191, %dma_start3A_236] : memref<2x79x128xi32, #tpu.memory_space<vmem>> -> memref<1x1x128xi32, #tpu.memory_space<vmem>>
          %dma_start3A_238 = tpu.memref_squeeze %dma_start3A_237 : memref<1x1x128xi32, #tpu.memory_space<vmem>> -> memref<128xi32, #tpu.memory_space<vmem>>
          %dma_start3A_239 = arith.constant 0 : i32
          %dma_start3A_240 = arith.constant 0 : i32
          %dma_start3A_241 = tpu.memref_slice %arg8[%dma_start3A_239, %dma_start3A_240] : memref<10240x16xf32, #tpu.memory_space<vmem_shared>> -> memref<10240x16xf32, #tpu.memory_space<vmem_shared>>
          tpu.enqueue_indirect_dma source(%dma_start3A_235 : memref<128x16xf32, #tpu.memory_space<vmem>>) target(%dma_start3A_241 : memref<10240x16xf32, #tpu.memory_space<vmem_shared>>) offsets(%dma_start3A_238 : memref<128xi32, #tpu.memory_space<vmem>>) semaphore(%run_scoped3A_231 : memref<!tpu.dma_semaphore, #tpu.memory_space<semaphore_mem>>) {add = true}
          %dma_wait3A_242 = arith.constant 0 : i32
          %dma_wait3A_243 = arith.constant 0 : i32
          %dma_wait3A_244 = tpu.memref_slice %arg7[%run_scoped3A_223, %dma_wait3A_242, %dma_wait3A_243] : memref<8x128x16xf32, #tpu.memory_space<vmem>> -> memref<1x128x16xf32, #tpu.memory_space<vmem>>
          %dma_wait3A_245 = tpu.memref_squeeze %dma_wait3A_244 : memref<1x128x16xf32, #tpu.memory_space<vmem>> -> memref<128x16xf32, #tpu.memory_space<vmem>>
          %dma_wait3A_246 = arith.constant 0 : i32
          %dma_wait3A_247 = tpu.memref_slice %arg6[%run_scoped3A_224, %add3A_191, %dma_wait3A_246] : memref<2x79x128xi32, #tpu.memory_space<vmem>> -> memref<1x1x128xi32, #tpu.memory_space<vmem>>
          %dma_wait3A_248 = tpu.memref_squeeze %dma_wait3A_247 : memref<1x1x128xi32, #tpu.memory_space<vmem>> -> memref<128xi32, #tpu.memory_space<vmem>>
          %dma_wait3A_249 = arith.constant 0 : i32
          %dma_wait3A_250 = arith.constant 0 : i32
          %dma_wait3A_251 = tpu.memref_slice %arg8[%dma_wait3A_249, %dma_wait3A_250] : memref<10240x16xf32, #tpu.memory_space<vmem_shared>> -> memref<10240x16xf32, #tpu.memory_space<vmem_shared>>
          tpu.wait_indirect_dma semaphore(%run_scoped3A_231 : memref<!tpu.dma_semaphore, #tpu.memory_space<semaphore_mem>>) src(%dma_wait3A_245 : memref<128x16xf32, #tpu.memory_space<vmem>>) dst(%dma_wait3A_251 : memref<10240x16xf32, #tpu.memory_space<vmem_shared>>)
          tpu.yield
        }) : () -> ()
        %add3A_225 = arith.constant 8 : i32
        %add3A_226 = arith.addi %add3A_191, %add3A_225 : i32
        %lt3A_227 = arith.cmpi slt, %add3A_226, %add3A_4 : i32
        %convert_element_type3A_228 = arith.extui %lt3A_227 : i1 to i32
        %cond3A_229 = arith.constant 0 : i32
        %cond3A_230 = arith.cmpi ne, %convert_element_type3A_228, %cond3A_229 : i32
        scf.if %cond3A_230 {
          %add3A_231 = arith.constant 8 : i32
          %add3A_232 = arith.addi %add3A_191, %add3A_231 : i32
          %dma_start3A_233 = arith.constant 0 : i32
          %dma_start3A_234 = arith.constant 5 : i32
          %dma_start3A_235 = arith.constant 5 : i32
          %dma_start3A_236 = arith.constant 0 : i32
          %dma_start3A_237 = arith.constant 0 : i32
          %dma_start3A_238 = tpu.memref_slice %arg7[%dma_start3A_234, %dma_start3A_236, %dma_start3A_237] : memref<8x128x16xf32, #tpu.memory_space<vmem>> -> memref<1x128x16xf32, #tpu.memory_space<vmem>>
          %dma_start3A_239 = tpu.memref_squeeze %dma_start3A_238 : memref<1x128x16xf32, #tpu.memory_space<vmem>> -> memref<128x16xf32, #tpu.memory_space<vmem>>
          %dma_start3A_240 = arith.constant 0 : i32
          %dma_start3A_241 = tpu.memref_slice %arg6[%dma_start3A_233, %add3A_232, %dma_start3A_240] : memref<2x79x128xi32, #tpu.memory_space<vmem>> -> memref<1x1x128xi32, #tpu.memory_space<vmem>>
          %dma_start3A_242 = tpu.memref_squeeze %dma_start3A_241 : memref<1x1x128xi32, #tpu.memory_space<vmem>> -> memref<128xi32, #tpu.memory_space<vmem>>
          %dma_start3A_243 = arith.constant 0 : i32
          %dma_start3A_244 = arith.constant 0 : i32
          %dma_start3A_245 = tpu.memref_slice %arg3[%dma_start3A_243, %dma_start3A_244] : memref<10240x16xf32, #tpu.memory_space<hbm>> -> memref<10240x16xf32, #tpu.memory_space<hbm>>
          %dma_start3A_246 = tpu.memref_slice %arg9[%dma_start3A_235] : memref<8x!tpu.dma_semaphore, #tpu.memory_space<semaphore_mem>> -> memref<1x!tpu.dma_semaphore, #tpu.memory_space<semaphore_mem>>
          %dma_start3A_247 = tpu.memref_squeeze %dma_start3A_246 : memref<1x!tpu.dma_semaphore, #tpu.memory_space<semaphore_mem>> -> memref<!tpu.dma_semaphore, #tpu.memory_space<semaphore_mem>>
          tpu.enqueue_indirect_dma source(%dma_start3A_245 : memref<10240x16xf32, #tpu.memory_space<hbm>>) target(%dma_start3A_239 : memref<128x16xf32, #tpu.memory_space<vmem>>) offsets(%dma_start3A_242 : memref<128xi32, #tpu.memory_space<vmem>>) semaphore(%dma_start3A_247 : memref<!tpu.dma_semaphore, #tpu.memory_space<semaphore_mem>>)
        } else {
        }
      } else {
      }
      %add3A_196 = arith.constant 6 : i32
      %add3A_197 = arith.addi %add3A_159, %add3A_196 : i32
      %lt3A_198 = arith.cmpi slt, %add3A_197, %add3A_4 : i32
      %convert_element_type3A_199 = arith.extui %lt3A_198 : i1 to i32
      %cond3A_200 = arith.constant 0 : i32
      %cond3A_201 = arith.cmpi ne, %convert_element_type3A_199, %cond3A_200 : i32
      scf.if %cond3A_201 {
        %dma_wait3A = arith.constant 0 : i32
        %dma_wait3A_208 = arith.constant 0 : i32
        %dma_wait3A_209 = arith.constant 6 : i32
        %dma_wait3A_210 = arith.constant 6 : i32
        %dma_wait3A_211 = arith.constant 0 : i32
        %dma_wait3A_212 = arith.constant 0 : i32
        %dma_wait3A_213 = tpu.memref_slice %arg7[%dma_wait3A_209, %dma_wait3A_211, %dma_wait3A_212] : memref<8x128x16xf32, #tpu.memory_space<vmem>> -> memref<1x128x16xf32, #tpu.memory_space<vmem>>
        %dma_wait3A_214 = tpu.memref_squeeze %dma_wait3A_213 : memref<1x128x16xf32, #tpu.memory_space<vmem>> -> memref<128x16xf32, #tpu.memory_space<vmem>>
        %dma_wait3A_215 = arith.constant 0 : i32
        %dma_wait3A_216 = tpu.memref_slice %arg6[%dma_wait3A, %dma_wait3A_208, %dma_wait3A_215] : memref<2x79x128xi32, #tpu.memory_space<vmem>> -> memref<1x1x128xi32, #tpu.memory_space<vmem>>
        %dma_wait3A_217 = tpu.memref_squeeze %dma_wait3A_216 : memref<1x1x128xi32, #tpu.memory_space<vmem>> -> memref<128xi32, #tpu.memory_space<vmem>>
        %dma_wait3A_218 = arith.constant 0 : i32
        %dma_wait3A_219 = arith.constant 0 : i32
        %dma_wait3A_220 = tpu.memref_slice %arg3[%dma_wait3A_218, %dma_wait3A_219] : memref<10240x16xf32, #tpu.memory_space<hbm>> -> memref<10240x16xf32, #tpu.memory_space<hbm>>
        %dma_wait3A_221 = tpu.memref_slice %arg9[%dma_wait3A_210] : memref<8x!tpu.dma_semaphore, #tpu.memory_space<semaphore_mem>> -> memref<1x!tpu.dma_semaphore, #tpu.memory_space<semaphore_mem>>
        %dma_wait3A_222 = tpu.memref_squeeze %dma_wait3A_221 : memref<1x!tpu.dma_semaphore, #tpu.memory_space<semaphore_mem>> -> memref<!tpu.dma_semaphore, #tpu.memory_space<semaphore_mem>>
        tpu.wait_indirect_dma semaphore(%dma_wait3A_222 : memref<!tpu.dma_semaphore, #tpu.memory_space<semaphore_mem>>) src(%dma_wait3A_220 : memref<10240x16xf32, #tpu.memory_space<hbm>>) dst(%dma_wait3A_214 : memref<128x16xf32, #tpu.memory_space<vmem>>)
        %run_scoped3A_223 = arith.constant 6 : i32
        %run_scoped3A_224 = arith.constant 1 : i32
        "tpu.region"() ({
          %run_scoped3A_231 = tpu.sem_alloc : memref<!tpu.dma_semaphore, #tpu.memory_space<semaphore_mem>>
          %dma_start3A_232 = arith.constant 0 : i32
          %dma_start3A_233 = arith.constant 0 : i32
          %dma_start3A_234 = tpu.memref_slice %arg7[%run_scoped3A_223, %dma_start3A_232, %dma_start3A_233] : memref<8x128x16xf32, #tpu.memory_space<vmem>> -> memref<1x128x16xf32, #tpu.memory_space<vmem>>
          %dma_start3A_235 = tpu.memref_squeeze %dma_start3A_234 : memref<1x128x16xf32, #tpu.memory_space<vmem>> -> memref<128x16xf32, #tpu.memory_space<vmem>>
          %dma_start3A_236 = arith.constant 0 : i32
          %dma_start3A_237 = tpu.memref_slice %arg6[%run_scoped3A_224, %add3A_197, %dma_start3A_236] : memref<2x79x128xi32, #tpu.memory_space<vmem>> -> memref<1x1x128xi32, #tpu.memory_space<vmem>>
          %dma_start3A_238 = tpu.memref_squeeze %dma_start3A_237 : memref<1x1x128xi32, #tpu.memory_space<vmem>> -> memref<128xi32, #tpu.memory_space<vmem>>
          %dma_start3A_239 = arith.constant 0 : i32
          %dma_start3A_240 = arith.constant 0 : i32
          %dma_start3A_241 = tpu.memref_slice %arg8[%dma_start3A_239, %dma_start3A_240] : memref<10240x16xf32, #tpu.memory_space<vmem_shared>> -> memref<10240x16xf32, #tpu.memory_space<vmem_shared>>
          tpu.enqueue_indirect_dma source(%dma_start3A_235 : memref<128x16xf32, #tpu.memory_space<vmem>>) target(%dma_start3A_241 : memref<10240x16xf32, #tpu.memory_space<vmem_shared>>) offsets(%dma_start3A_238 : memref<128xi32, #tpu.memory_space<vmem>>) semaphore(%run_scoped3A_231 : memref<!tpu.dma_semaphore, #tpu.memory_space<semaphore_mem>>) {add = true}
          %dma_wait3A_242 = arith.constant 0 : i32
          %dma_wait3A_243 = arith.constant 0 : i32
          %dma_wait3A_244 = tpu.memref_slice %arg7[%run_scoped3A_223, %dma_wait3A_242, %dma_wait3A_243] : memref<8x128x16xf32, #tpu.memory_space<vmem>> -> memref<1x128x16xf32, #tpu.memory_space<vmem>>
          %dma_wait3A_245 = tpu.memref_squeeze %dma_wait3A_244 : memref<1x128x16xf32, #tpu.memory_space<vmem>> -> memref<128x16xf32, #tpu.memory_space<vmem>>
          %dma_wait3A_246 = arith.constant 0 : i32
          %dma_wait3A_247 = tpu.memref_slice %arg6[%run_scoped3A_224, %add3A_197, %dma_wait3A_246] : memref<2x79x128xi32, #tpu.memory_space<vmem>> -> memref<1x1x128xi32, #tpu.memory_space<vmem>>
          %dma_wait3A_248 = tpu.memref_squeeze %dma_wait3A_247 : memref<1x1x128xi32, #tpu.memory_space<vmem>> -> memref<128xi32, #tpu.memory_space<vmem>>
          %dma_wait3A_249 = arith.constant 0 : i32
          %dma_wait3A_250 = arith.constant 0 : i32
          %dma_wait3A_251 = tpu.memref_slice %arg8[%dma_wait3A_249, %dma_wait3A_250] : memref<10240x16xf32, #tpu.memory_space<vmem_shared>> -> memref<10240x16xf32, #tpu.memory_space<vmem_shared>>
          tpu.wait_indirect_dma semaphore(%run_scoped3A_231 : memref<!tpu.dma_semaphore, #tpu.memory_space<semaphore_mem>>) src(%dma_wait3A_245 : memref<128x16xf32, #tpu.memory_space<vmem>>) dst(%dma_wait3A_251 : memref<10240x16xf32, #tpu.memory_space<vmem_shared>>)
          tpu.yield
        }) : () -> ()
        %add3A_225 = arith.constant 8 : i32
        %add3A_226 = arith.addi %add3A_197, %add3A_225 : i32
        %lt3A_227 = arith.cmpi slt, %add3A_226, %add3A_4 : i32
        %convert_element_type3A_228 = arith.extui %lt3A_227 : i1 to i32
        %cond3A_229 = arith.constant 0 : i32
        %cond3A_230 = arith.cmpi ne, %convert_element_type3A_228, %cond3A_229 : i32
        scf.if %cond3A_230 {
          %add3A_231 = arith.constant 8 : i32
          %add3A_232 = arith.addi %add3A_197, %add3A_231 : i32
          %dma_start3A_233 = arith.constant 0 : i32
          %dma_start3A_234 = arith.constant 6 : i32
          %dma_start3A_235 = arith.constant 6 : i32
          %dma_start3A_236 = arith.constant 0 : i32
          %dma_start3A_237 = arith.constant 0 : i32
          %dma_start3A_238 = tpu.memref_slice %arg7[%dma_start3A_234, %dma_start3A_236, %dma_start3A_237] : memref<8x128x16xf32, #tpu.memory_space<vmem>> -> memref<1x128x16xf32, #tpu.memory_space<vmem>>
          %dma_start3A_239 = tpu.memref_squeeze %dma_start3A_238 : memref<1x128x16xf32, #tpu.memory_space<vmem>> -> memref<128x16xf32, #tpu.memory_space<vmem>>
          %dma_start3A_240 = arith.constant 0 : i32
          %dma_start3A_241 = tpu.memref_slice %arg6[%dma_start3A_233, %add3A_232, %dma_start3A_240] : memref<2x79x128xi32, #tpu.memory_space<vmem>> -> memref<1x1x128xi32, #tpu.memory_space<vmem>>
          %dma_start3A_242 = tpu.memref_squeeze %dma_start3A_241 : memref<1x1x128xi32, #tpu.memory_space<vmem>> -> memref<128xi32, #tpu.memory_space<vmem>>
          %dma_start3A_243 = arith.constant 0 : i32
          %dma_start3A_244 = arith.constant 0 : i32
          %dma_start3A_245 = tpu.memref_slice %arg3[%dma_start3A_243, %dma_start3A_244] : memref<10240x16xf32, #tpu.memory_space<hbm>> -> memref<10240x16xf32, #tpu.memory_space<hbm>>
          %dma_start3A_246 = tpu.memref_slice %arg9[%dma_start3A_235] : memref<8x!tpu.dma_semaphore, #tpu.memory_space<semaphore_mem>> -> memref<1x!tpu.dma_semaphore, #tpu.memory_space<semaphore_mem>>
          %dma_start3A_247 = tpu.memref_squeeze %dma_start3A_246 : memref<1x!tpu.dma_semaphore, #tpu.memory_space<semaphore_mem>> -> memref<!tpu.dma_semaphore, #tpu.memory_space<semaphore_mem>>
          tpu.enqueue_indirect_dma source(%dma_start3A_245 : memref<10240x16xf32, #tpu.memory_space<hbm>>) target(%dma_start3A_239 : memref<128x16xf32, #tpu.memory_space<vmem>>) offsets(%dma_start3A_242 : memref<128xi32, #tpu.memory_space<vmem>>) semaphore(%dma_start3A_247 : memref<!tpu.dma_semaphore, #tpu.memory_space<semaphore_mem>>)
        } else {
        }
      } else {
      }
      %add3A_202 = arith.constant 7 : i32
      %add3A_203 = arith.addi %add3A_159, %add3A_202 : i32
      %lt3A_204 = arith.cmpi slt, %add3A_203, %add3A_4 : i32
      %convert_element_type3A_205 = arith.extui %lt3A_204 : i1 to i32
      %cond3A_206 = arith.constant 0 : i32
      %cond3A_207 = arith.cmpi ne, %convert_element_type3A_205, %cond3A_206 : i32
      scf.if %cond3A_207 {
        %dma_wait3A = arith.constant 0 : i32
        %dma_wait3A_208 = arith.constant 0 : i32
        %dma_wait3A_209 = arith.constant 7 : i32
        %dma_wait3A_210 = arith.constant 7 : i32
        %dma_wait3A_211 = arith.constant 0 : i32
        %dma_wait3A_212 = arith.constant 0 : i32
        %dma_wait3A_213 = tpu.memref_slice %arg7[%dma_wait3A_209, %dma_wait3A_211, %dma_wait3A_212] : memref<8x128x16xf32, #tpu.memory_space<vmem>> -> memref<1x128x16xf32, #tpu.memory_space<vmem>>
        %dma_wait3A_214 = tpu.memref_squeeze %dma_wait3A_213 : memref<1x128x16xf32, #tpu.memory_space<vmem>> -> memref<128x16xf32, #tpu.memory_space<vmem>>
        %dma_wait3A_215 = arith.constant 0 : i32
        %dma_wait3A_216 = tpu.memref_slice %arg6[%dma_wait3A, %dma_wait3A_208, %dma_wait3A_215] : memref<2x79x128xi32, #tpu.memory_space<vmem>> -> memref<1x1x128xi32, #tpu.memory_space<vmem>>
        %dma_wait3A_217 = tpu.memref_squeeze %dma_wait3A_216 : memref<1x1x128xi32, #tpu.memory_space<vmem>> -> memref<128xi32, #tpu.memory_space<vmem>>
        %dma_wait3A_218 = arith.constant 0 : i32
        %dma_wait3A_219 = arith.constant 0 : i32
        %dma_wait3A_220 = tpu.memref_slice %arg3[%dma_wait3A_218, %dma_wait3A_219] : memref<10240x16xf32, #tpu.memory_space<hbm>> -> memref<10240x16xf32, #tpu.memory_space<hbm>>
        %dma_wait3A_221 = tpu.memref_slice %arg9[%dma_wait3A_210] : memref<8x!tpu.dma_semaphore, #tpu.memory_space<semaphore_mem>> -> memref<1x!tpu.dma_semaphore, #tpu.memory_space<semaphore_mem>>
        %dma_wait3A_222 = tpu.memref_squeeze %dma_wait3A_221 : memref<1x!tpu.dma_semaphore, #tpu.memory_space<semaphore_mem>> -> memref<!tpu.dma_semaphore, #tpu.memory_space<semaphore_mem>>
        tpu.wait_indirect_dma semaphore(%dma_wait3A_222 : memref<!tpu.dma_semaphore, #tpu.memory_space<semaphore_mem>>) src(%dma_wait3A_220 : memref<10240x16xf32, #tpu.memory_space<hbm>>) dst(%dma_wait3A_214 : memref<128x16xf32, #tpu.memory_space<vmem>>)
        %run_scoped3A_223 = arith.constant 7 : i32
        %run_scoped3A_224 = arith.constant 1 : i32
        "tpu.region"() ({
          %run_scoped3A_231 = tpu.sem_alloc : memref<!tpu.dma_semaphore, #tpu.memory_space<semaphore_mem>>
          %dma_start3A_232 = arith.constant 0 : i32
          %dma_start3A_233 = arith.constant 0 : i32
          %dma_start3A_234 = tpu.memref_slice %arg7[%run_scoped3A_223, %dma_start3A_232, %dma_start3A_233] : memref<8x128x16xf32, #tpu.memory_space<vmem>> -> memref<1x128x16xf32, #tpu.memory_space<vmem>>
          %dma_start3A_235 = tpu.memref_squeeze %dma_start3A_234 : memref<1x128x16xf32, #tpu.memory_space<vmem>> -> memref<128x16xf32, #tpu.memory_space<vmem>>
          %dma_start3A_236 = arith.constant 0 : i32
          %dma_start3A_237 = tpu.memref_slice %arg6[%run_scoped3A_224, %add3A_203, %dma_start3A_236] : memref<2x79x128xi32, #tpu.memory_space<vmem>> -> memref<1x1x128xi32, #tpu.memory_space<vmem>>
          %dma_start3A_238 = tpu.memref_squeeze %dma_start3A_237 : memref<1x1x128xi32, #tpu.memory_space<vmem>> -> memref<128xi32, #tpu.memory_space<vmem>>
          %dma_start3A_239 = arith.constant 0 : i32
          %dma_start3A_240 = arith.constant 0 : i32
          %dma_start3A_241 = tpu.memref_slice %arg8[%dma_start3A_239, %dma_start3A_240] : memref<10240x16xf32, #tpu.memory_space<vmem_shared>> -> memref<10240x16xf32, #tpu.memory_space<vmem_shared>>
          tpu.enqueue_indirect_dma source(%dma_start3A_235 : memref<128x16xf32, #tpu.memory_space<vmem>>) target(%dma_start3A_241 : memref<10240x16xf32, #tpu.memory_space<vmem_shared>>) offsets(%dma_start3A_238 : memref<128xi32, #tpu.memory_space<vmem>>) semaphore(%run_scoped3A_231 : memref<!tpu.dma_semaphore, #tpu.memory_space<semaphore_mem>>) {add = true}
          %dma_wait3A_242 = arith.constant 0 : i32
          %dma_wait3A_243 = arith.constant 0 : i32
          %dma_wait3A_244 = tpu.memref_slice %arg7[%run_scoped3A_223, %dma_wait3A_242, %dma_wait3A_243] : memref<8x128x16xf32, #tpu.memory_space<vmem>> -> memref<1x128x16xf32, #tpu.memory_space<vmem>>
          %dma_wait3A_245 = tpu.memref_squeeze %dma_wait3A_244 : memref<1x128x16xf32, #tpu.memory_space<vmem>> -> memref<128x16xf32, #tpu.memory_space<vmem>>
          %dma_wait3A_246 = arith.constant 0 : i32
          %dma_wait3A_247 = tpu.memref_slice %arg6[%run_scoped3A_224, %add3A_203, %dma_wait3A_246] : memref<2x79x128xi32, #tpu.memory_space<vmem>> -> memref<1x1x128xi32, #tpu.memory_space<vmem>>
          %dma_wait3A_248 = tpu.memref_squeeze %dma_wait3A_247 : memref<1x1x128xi32, #tpu.memory_space<vmem>> -> memref<128xi32, #tpu.memory_space<vmem>>
          %dma_wait3A_249 = arith.constant 0 : i32
          %dma_wait3A_250 = arith.constant 0 : i32
          %dma_wait3A_251 = tpu.memref_slice %arg8[%dma_wait3A_249, %dma_wait3A_250] : memref<10240x16xf32, #tpu.memory_space<vmem_shared>> -> memref<10240x16xf32, #tpu.memory_space<vmem_shared>>
          tpu.wait_indirect_dma semaphore(%run_scoped3A_231 : memref<!tpu.dma_semaphore, #tpu.memory_space<semaphore_mem>>) src(%dma_wait3A_245 : memref<128x16xf32, #tpu.memory_space<vmem>>) dst(%dma_wait3A_251 : memref<10240x16xf32, #tpu.memory_space<vmem_shared>>)
          tpu.yield
        }) : () -> ()
        %add3A_225 = arith.constant 8 : i32
        %add3A_226 = arith.addi %add3A_203, %add3A_225 : i32
        %lt3A_227 = arith.cmpi slt, %add3A_226, %add3A_4 : i32
        %convert_element_type3A_228 = arith.extui %lt3A_227 : i1 to i32
        %cond3A_229 = arith.constant 0 : i32
        %cond3A_230 = arith.cmpi ne, %convert_element_type3A_228, %cond3A_229 : i32
        scf.if %cond3A_230 {
          %add3A_231 = arith.constant 8 : i32
          %add3A_232 = arith.addi %add3A_203, %add3A_231 : i32
          %dma_start3A_233 = arith.constant 0 : i32
          %dma_start3A_234 = arith.constant 7 : i32
          %dma_start3A_235 = arith.constant 7 : i32
          %dma_start3A_236 = arith.constant 0 : i32
          %dma_start3A_237 = arith.constant 0 : i32
          %dma_start3A_238 = tpu.memref_slice %arg7[%dma_start3A_234, %dma_start3A_236, %dma_start3A_237] : memref<8x128x16xf32, #tpu.memory_space<vmem>> -> memref<1x128x16xf32, #tpu.memory_space<vmem>>
          %dma_start3A_239 = tpu.memref_squeeze %dma_start3A_238 : memref<1x128x16xf32, #tpu.memory_space<vmem>> -> memref<128x16xf32, #tpu.memory_space<vmem>>
          %dma_start3A_240 = arith.constant 0 : i32
          %dma_start3A_241 = tpu.memref_slice %arg6[%dma_start3A_233, %add3A_232, %dma_start3A_240] : memref<2x79x128xi32, #tpu.memory_space<vmem>> -> memref<1x1x128xi32, #tpu.memory_space<vmem>>
          %dma_start3A_242 = tpu.memref_squeeze %dma_start3A_241 : memref<1x1x128xi32, #tpu.memory_space<vmem>> -> memref<128xi32, #tpu.memory_space<vmem>>
          %dma_start3A_243 = arith.constant 0 : i32
          %dma_start3A_244 = arith.constant 0 : i32
          %dma_start3A_245 = tpu.memref_slice %arg3[%dma_start3A_243, %dma_start3A_244] : memref<10240x16xf32, #tpu.memory_space<hbm>> -> memref<10240x16xf32, #tpu.memory_space<hbm>>
          %dma_start3A_246 = tpu.memref_slice %arg9[%dma_start3A_235] : memref<8x!tpu.dma_semaphore, #tpu.memory_space<semaphore_mem>> -> memref<1x!tpu.dma_semaphore, #tpu.memory_space<semaphore_mem>>
          %dma_start3A_247 = tpu.memref_squeeze %dma_start3A_246 : memref<1x!tpu.dma_semaphore, #tpu.memory_space<semaphore_mem>> -> memref<!tpu.dma_semaphore, #tpu.memory_space<semaphore_mem>>
          tpu.enqueue_indirect_dma source(%dma_start3A_245 : memref<10240x16xf32, #tpu.memory_space<hbm>>) target(%dma_start3A_239 : memref<128x16xf32, #tpu.memory_space<vmem>>) offsets(%dma_start3A_242 : memref<128xi32, #tpu.memory_space<vmem>>) semaphore(%dma_start3A_247 : memref<!tpu.dma_semaphore, #tpu.memory_space<semaphore_mem>>)
        } else {
        }
      } else {
      }
    }
    %scan3A_149 = arith.constant 10 : i32
    %barrier3A_150 = arith.constant 0 : index
    tpu.barrier barrier_id(%barrier3A_150)
    %mul3A_151 = arith.constant 640 : i32
    %mul3A_152 = arith.muli %arg1, %mul3A_151 : i32
    %mul3A_153 = arith.constant 640 : i32
    %mul3A_154 = arith.muli %arg1, %mul3A_153 : i32
    "tpu.region"() ({
      %run_scoped3A_155 = tpu.sem_alloc : memref<!tpu.dma_semaphore, #tpu.memory_space<semaphore_mem>>
      %dma_start3A_156 = arith.constant 0 : i32
      %dma_start3A_157 = tpu.memref_slice %arg5[%arg0, %mul3A_154, %dma_start3A_156] : memref<2x10240x16xf32, #tpu.memory_space<hbm>> -> memref<1x640x16xf32, #tpu.memory_space<hbm>>
      %dma_start3A_158 = tpu.memref_squeeze %dma_start3A_157 : memref<1x640x16xf32, #tpu.memory_space<hbm>> -> memref<640x16xf32, #tpu.memory_space<hbm>>
      %dma_start3A_159 = arith.constant 0 : i32
      %dma_start3A_160 = tpu.memref_slice %arg8[%mul3A_152, %dma_start3A_159] : memref<10240x16xf32, #tpu.memory_space<vmem_shared>> -> memref<640x16xf32, #tpu.memory_space<vmem_shared>>
      tpu.enqueue_dma source(%dma_start3A_160 : memref<640x16xf32, #tpu.memory_space<vmem_shared>>) target(%dma_start3A_158 : memref<640x16xf32, #tpu.memory_space<hbm>>) target_semaphore(%run_scoped3A_155 : memref<!tpu.dma_semaphore, #tpu.memory_space<semaphore_mem>>)
      %dma_wait3A = arith.constant 0 : i32
      %dma_wait3A_161 = tpu.memref_slice %arg5[%arg0, %mul3A_154, %dma_wait3A] : memref<2x10240x16xf32, #tpu.memory_space<hbm>> -> memref<1x640x16xf32, #tpu.memory_space<hbm>>
      %dma_wait3A_162 = tpu.memref_squeeze %dma_wait3A_161 : memref<1x640x16xf32, #tpu.memory_space<hbm>> -> memref<640x16xf32, #tpu.memory_space<hbm>>
      %dma_wait3A_163 = arith.constant 0 : i32
      %dma_wait3A_164 = tpu.memref_slice %arg8[%mul3A_152, %dma_wait3A_163] : memref<10240x16xf32, #tpu.memory_space<vmem_shared>> -> memref<640x16xf32, #tpu.memory_space<vmem_shared>>
      tpu.wait_dma2 semaphore(%run_scoped3A_155 : memref<!tpu.dma_semaphore, #tpu.memory_space<semaphore_mem>>) src(%dma_wait3A_164 : memref<640x16xf32, #tpu.memory_space<vmem_shared>>) dst(%dma_wait3A_162 : memref<640x16xf32, #tpu.memory_space<hbm>>)
      tpu.yield
    }) : () -> ()
    return
  }
}

module attributes {stable_mosaic.version = 14 : i64} {
  func.func @_tc1_body(%arg0: i32, %arg1: memref<2048x128xf32, #tpu.memory_space<vmem>>, %arg2: memref<128x16xf32, #tpu.memory_space<vmem>>, %arg3: memref<2x2048xf32, #tpu.memory_space<vmem>>, %arg4: memref<2048x16xf32, #tpu.memory_space<vmem>>, %arg5: memref<2048xf32, #tpu.memory_space<vmem>>) attributes {dimension_semantics = [#tpu.dimension_semantics<arbitrary>], iteration_bounds = array<i64: 5>, scalar_prefetch = 0 : i64, scratch_operands = 0 : i64, tpu.core_type = #tpu.core_type<tc>, window_params = [{transform_indices = @transform_0, window_bounds = array<i64: 2048, 128>}, {pipeline_mode = #tpu.pipeline_mode<synchronous>, transform_indices = @transform_1, window_bounds = array<i64: 128, 16>}, {transform_indices = @transform_2, window_bounds = array<i64: 2, 2048>}, {transform_indices = @transform_3, window_bounds = array<i64: 2048, 16>}, {transform_indices = @transform_4, window_bounds = array<i64: 2048>}]} {
    %get3A = arith.constant 0 : index
    %get3A_0 = arith.constant 0 : index
    %get3A_1 = vector.load %arg3[%get3A, %get3A_0] : memref<2x2048xf32, #tpu.memory_space<vmem>>, vector<1x2048xf32>
    %get3A_2 = vector.shape_cast %get3A_1 : vector<1x2048xf32> to vector<2048xf32>
    %get3A_3 = arith.constant 1 : index
    %get3A_4 = arith.constant 0 : index
    %get3A_5 = vector.load %arg3[%get3A_3, %get3A_4] : memref<2x2048xf32, #tpu.memory_space<vmem>>, vector<1x2048xf32>
    %get3A_6 = vector.shape_cast %get3A_5 : vector<1x2048xf32> to vector<2048xf32>
    %add3A = arith.addf %get3A_2, %get3A_6 : vector<2048xf32>
    %add3A_7 = arith.constant 1.000000e+00 : f32
    %add3A_8 = vector.broadcast %add3A_7 : f32 to vector<2048xf32>
    %add3A_9 = arith.addf %add3A, %add3A_8 : vector<2048xf32>
    %rsqrt3A = math.rsqrt %add3A_9 : vector<2048xf32>
    %get3A_10 = arith.constant 0 : index
    %get3A_11 = arith.constant 0 : index
    %get3A_12 = vector.load %arg1[%get3A_10, %get3A_11] : memref<2048x128xf32, #tpu.memory_space<vmem>>, vector<2048x128xf32>
    %get3A_13 = arith.constant 0 : index
    %get3A_14 = arith.constant 0 : index
    %get3A_15 = vector.load %arg2[%get3A_13, %get3A_14] : memref<128x16xf32, #tpu.memory_space<vmem>>, vector<128x16xf32>
    %dot_general3A = arith.constant dense<0.000000e+00> : vector<2048x16xf32>
    %dot_general3A_16 = tpu.matmul %get3A_12, %get3A_15, %dot_general3A {dimension_numbers = #tpu.dot_dimension_numbers<[1], [0], [0], [1], [0, 0, 1, 1], [], []>, transpose_lhs_hint = false} : vector<2048x128xf32>, vector<128x16xf32>, vector<2048x16xf32> -> vector<2048x16xf32>
    %broadcast_in_dim3A = vector.shape_cast %rsqrt3A : vector<2048xf32> to vector<2048x1xf32>
    %mul3A = vector.broadcast %broadcast_in_dim3A : vector<2048x1xf32> to vector<2048x16xf32>
    %mul3A_17 = arith.mulf %dot_general3A_16, %mul3A : vector<2048x16xf32>
    %swap3A = arith.constant 0 : index
    %swap3A_18 = arith.constant 0 : index
    %swap3A_19 = vector.load %arg4[%swap3A, %swap3A_18] : memref<2048x16xf32, #tpu.memory_space<vmem>>, vector<2048x16xf32>
    tpu.vector_store %arg4[%swap3A, %swap3A_18], %mul3A_17 {strides = array<i32>} : memref<2048x16xf32, #tpu.memory_space<vmem>>, vector<2048x16xf32>,
    %swap3A_20 = arith.constant 0 : index
    %swap3A_21 = vector.load %arg5[%swap3A_20] : memref<2048xf32, #tpu.memory_space<vmem>>, vector<2048xf32>
    tpu.vector_store %arg5[%swap3A_20], %rsqrt3A {strides = array<i32>} : memref<2048xf32, #tpu.memory_space<vmem>>, vector<2048xf32>,
    return
  }
  func.func @transform_0(%arg0: i32) -> (i32, i32) {
    %c0_i32 = arith.constant 0 : i32
    %c0_i32_0 = arith.constant 0 : i32
    return %arg0, %c0_i32 : i32, i32
  }
  func.func @transform_1(%arg0: i32) -> (i32, i32) {
    %c0_i32 = arith.constant 0 : i32
    %c0_i32_0 = arith.constant 0 : i32
    %c0_i32_1 = arith.constant 0 : i32
    return %c0_i32, %c0_i32_0 : i32, i32
  }
  func.func @transform_2(%arg0: i32) -> (i32, i32) {
    %c0_i32 = arith.constant 0 : i32
    %c0_i32_0 = arith.constant 0 : i32
    return %c0_i32, %arg0 : i32, i32
  }
  func.func @transform_3(%arg0: i32) -> (i32, i32) {
    %c0_i32 = arith.constant 0 : i32
    %c0_i32_0 = arith.constant 0 : i32
    return %arg0, %c0_i32 : i32, i32
  }
  func.func @transform_4(%arg0: i32) -> i32 {
    %c0_i32 = arith.constant 0 : i32
    return %arg0 : i32
  }
}

module attributes {stable_mosaic.version = 14 : i64} {
  func.func @_tc2_body(%arg0: i32, %arg1: memref<2x2048x16xf32, #tpu.memory_space<vmem>>, %arg2: memref<2048x16xf32, #tpu.memory_space<vmem>>, %arg3: memref<2048xf32, #tpu.memory_space<vmem>>, %arg4: memref<16xf32, #tpu.memory_space<vmem>>, %arg5: memref<16x32xf32, #tpu.memory_space<vmem>>, %arg6: memref<2048x32xf32, #tpu.memory_space<vmem>>) attributes {dimension_semantics = [#tpu.dimension_semantics<arbitrary>], iteration_bounds = array<i64: 5>, scalar_prefetch = 0 : i64, scratch_operands = 0 : i64, tpu.core_type = #tpu.core_type<tc>, window_params = [{transform_indices = @transform_0, window_bounds = array<i64: 2, 2048, 16>}, {transform_indices = @transform_1, window_bounds = array<i64: 2048, 16>}, {transform_indices = @transform_2, window_bounds = array<i64: 2048>}, {pipeline_mode = #tpu.pipeline_mode<synchronous>, transform_indices = @transform_3, window_bounds = array<i64: 16>}, {pipeline_mode = #tpu.pipeline_mode<synchronous>, transform_indices = @transform_4, window_bounds = array<i64: 16, 32>}, {transform_indices = @transform_5, window_bounds = array<i64: 2048, 32>}]} {
    %get3A = arith.constant 0 : index
    %get3A_0 = vector.load %arg3[%get3A] : memref<2048xf32, #tpu.memory_space<vmem>>, vector<2048xf32>
    %get3A_1 = arith.constant 0 : index
    %get3A_2 = arith.constant 0 : index
    %get3A_3 = arith.constant 0 : index
    %get3A_4 = vector.load %arg1[%get3A_1, %get3A_2, %get3A_3] : memref<2x2048x16xf32, #tpu.memory_space<vmem>>, vector<1x2048x16xf32>
    %get3A_5 = vector.shape_cast %get3A_4 : vector<1x2048x16xf32> to vector<2048x16xf32>
    %get3A_6 = arith.constant 1 : index
    %get3A_7 = arith.constant 0 : index
    %get3A_8 = arith.constant 0 : index
    %get3A_9 = vector.load %arg1[%get3A_6, %get3A_7, %get3A_8] : memref<2x2048x16xf32, #tpu.memory_space<vmem>>, vector<1x2048x16xf32>
    %get3A_10 = vector.shape_cast %get3A_9 : vector<1x2048x16xf32> to vector<2048x16xf32>
    %add3A = arith.addf %get3A_5, %get3A_10 : vector<2048x16xf32>
    %get3A_11 = arith.constant 0 : index
    %get3A_12 = arith.constant 0 : index
    %get3A_13 = vector.load %arg2[%get3A_11, %get3A_12] : memref<2048x16xf32, #tpu.memory_space<vmem>>, vector<2048x16xf32>
    %add3A_14 = arith.addf %add3A, %get3A_13 : vector<2048x16xf32>
    %broadcast_in_dim3A = vector.shape_cast %get3A_0 : vector<2048xf32> to vector<2048x1xf32>
    %mul3A = vector.broadcast %broadcast_in_dim3A : vector<2048x1xf32> to vector<2048x16xf32>
    %mul3A_15 = arith.mulf %add3A_14, %mul3A : vector<2048x16xf32>
    %get3A_16 = arith.constant 0 : index
    %get3A_17 = vector.load %arg4[%get3A_16] : memref<16xf32, #tpu.memory_space<vmem>>, vector<16xf32>
    %broadcast_in_dim3A_18 = vector.shape_cast %get3A_17 : vector<16xf32> to vector<1x16xf32>
    %add3A_19 = vector.broadcast %broadcast_in_dim3A_18 : vector<1x16xf32> to vector<2048x16xf32>
    %add3A_20 = arith.addf %mul3A_15, %add3A_19 : vector<2048x16xf32>
    %max3A = arith.constant 0.000000e+00 : f32
    %max3A_21 = vector.broadcast %max3A : f32 to vector<2048x16xf32>
    %max3A_22 = arith.maximumf %add3A_20, %max3A_21 : vector<2048x16xf32>
    %get3A_23 = arith.constant 0 : index
    %get3A_24 = arith.constant 0 : index
    %get3A_25 = vector.load %arg5[%get3A_23, %get3A_24] : memref<16x32xf32, #tpu.memory_space<vmem>>, vector<16x32xf32>
    %dot_general3A = arith.constant dense<0.000000e+00> : vector<2048x32xf32>
    %dot_general3A_26 = tpu.matmul %max3A_22, %get3A_25, %dot_general3A {dimension_numbers = #tpu.dot_dimension_numbers<[1], [0], [0], [1], [0, 0, 1, 1], [], []>, transpose_lhs_hint = false} : vector<2048x16xf32>, vector<16x32xf32>, vector<2048x32xf32> -> vector<2048x32xf32>
    %broadcast_in_dim3A_27 = vector.shape_cast %get3A_0 : vector<2048xf32> to vector<2048x1xf32>
    %mul3A_28 = vector.broadcast %broadcast_in_dim3A_27 : vector<2048x1xf32> to vector<2048x32xf32>
    %mul3A_29 = arith.mulf %dot_general3A_26, %mul3A_28 : vector<2048x32xf32>
    %swap3A = arith.constant 0 : index
    %swap3A_30 = arith.constant 0 : index
    %swap3A_31 = vector.load %arg6[%swap3A, %swap3A_30] : memref<2048x32xf32, #tpu.memory_space<vmem>>, vector<2048x32xf32>
    tpu.vector_store %arg6[%swap3A, %swap3A_30], %mul3A_29 {strides = array<i32>} : memref<2048x32xf32, #tpu.memory_space<vmem>>, vector<2048x32xf32>,
    return
  }
  func.func @transform_0(%arg0: i32) -> (i32, i32, i32) {
    %c0_i32 = arith.constant 0 : i32
    %c0_i32_0 = arith.constant 0 : i32
    %c0_i32_1 = arith.constant 0 : i32
    return %c0_i32, %arg0, %c0_i32_0 : i32, i32, i32
  }
  func.func @transform_1(%arg0: i32) -> (i32, i32) {
    %c0_i32 = arith.constant 0 : i32
    %c0_i32_0 = arith.constant 0 : i32
    return %arg0, %c0_i32 : i32, i32
  }
  func.func @transform_2(%arg0: i32) -> i32 {
    %c0_i32 = arith.constant 0 : i32
    return %arg0 : i32
  }
  func.func @transform_3(%arg0: i32) -> i32 {
    %c0_i32 = arith.constant 0 : i32
    %c0_i32_0 = arith.constant 0 : i32
    return %c0_i32 : i32
  }
  func.func @transform_4(%arg0: i32) -> (i32, i32) {
    %c0_i32 = arith.constant 0 : i32
    %c0_i32_0 = arith.constant 0 : i32
    %c0_i32_1 = arith.constant 0 : i32
    return %c0_i32, %c0_i32_0 : i32, i32
  }
  func.func @transform_5(%arg0: i32) -> (i32, i32) {
    %c0_i32 = arith.constant 0 : i32
    %c0_i32_0 = arith.constant 0 : i32
    return %arg0, %c0_i32 : i32, i32
  }
}

module attributes {stable_mosaic.version = 14 : i64} {
  func.func @_tc3_body(%arg0: i32, %arg1: memref<2x2048x32xf32, #tpu.memory_space<vmem>>, %arg2: memref<2048x32xf32, #tpu.memory_space<vmem>>, %arg3: memref<2048xf32, #tpu.memory_space<vmem>>, %arg4: memref<32xf32, #tpu.memory_space<vmem>>, %arg5: memref<32x32xf32, #tpu.memory_space<vmem>>, %arg6: memref<32xf32, #tpu.memory_space<vmem>>, %arg7: memref<32x16xf32, #tpu.memory_space<vmem>>, %arg8: memref<16xf32, #tpu.memory_space<vmem>>, %arg9: memref<2048x16xf32, #tpu.memory_space<vmem>>) attributes {dimension_semantics = [#tpu.dimension_semantics<arbitrary>], iteration_bounds = array<i64: 5>, scalar_prefetch = 0 : i64, scratch_operands = 0 : i64, tpu.core_type = #tpu.core_type<tc>, window_params = [{transform_indices = @transform_0, window_bounds = array<i64: 2, 2048, 32>}, {transform_indices = @transform_1, window_bounds = array<i64: 2048, 32>}, {transform_indices = @transform_2, window_bounds = array<i64: 2048>}, {pipeline_mode = #tpu.pipeline_mode<synchronous>, transform_indices = @transform_3, window_bounds = array<i64: 32>}, {pipeline_mode = #tpu.pipeline_mode<synchronous>, transform_indices = @transform_4, window_bounds = array<i64: 32, 32>}, {pipeline_mode = #tpu.pipeline_mode<synchronous>, transform_indices = @transform_5, window_bounds = array<i64: 32>}, {pipeline_mode = #tpu.pipeline_mode<synchronous>, transform_indices = @transform_6, window_bounds = array<i64: 32, 16>}, {pipeline_mode = #tpu.pipeline_mode<synchronous>, transform_indices = @transform_7, window_bounds = array<i64: 16>}, {transform_indices = @transform_8, window_bounds = array<i64: 2048, 16>}]} {
    %get3A = arith.constant 0 : index
    %get3A_0 = vector.load %arg3[%get3A] : memref<2048xf32, #tpu.memory_space<vmem>>, vector<2048xf32>
    %get3A_1 = arith.constant 0 : index
    %get3A_2 = arith.constant 0 : index
    %get3A_3 = arith.constant 0 : index
    %get3A_4 = vector.load %arg1[%get3A_1, %get3A_2, %get3A_3] : memref<2x2048x32xf32, #tpu.memory_space<vmem>>, vector<1x2048x32xf32>
    %get3A_5 = vector.shape_cast %get3A_4 : vector<1x2048x32xf32> to vector<2048x32xf32>
    %get3A_6 = arith.constant 1 : index
    %get3A_7 = arith.constant 0 : index
    %get3A_8 = arith.constant 0 : index
    %get3A_9 = vector.load %arg1[%get3A_6, %get3A_7, %get3A_8] : memref<2x2048x32xf32, #tpu.memory_space<vmem>>, vector<1x2048x32xf32>
    %get3A_10 = vector.shape_cast %get3A_9 : vector<1x2048x32xf32> to vector<2048x32xf32>
    %add3A = arith.addf %get3A_5, %get3A_10 : vector<2048x32xf32>
    %get3A_11 = arith.constant 0 : index
    %get3A_12 = arith.constant 0 : index
    %get3A_13 = vector.load %arg2[%get3A_11, %get3A_12] : memref<2048x32xf32, #tpu.memory_space<vmem>>, vector<2048x32xf32>
    %add3A_14 = arith.addf %add3A, %get3A_13 : vector<2048x32xf32>
    %broadcast_in_dim3A = vector.shape_cast %get3A_0 : vector<2048xf32> to vector<2048x1xf32>
    %mul3A = vector.broadcast %broadcast_in_dim3A : vector<2048x1xf32> to vector<2048x32xf32>
    %mul3A_15 = arith.mulf %add3A_14, %mul3A : vector<2048x32xf32>
    %get3A_16 = arith.constant 0 : index
    %get3A_17 = vector.load %arg4[%get3A_16] : memref<32xf32, #tpu.memory_space<vmem>>, vector<32xf32>
    %broadcast_in_dim3A_18 = vector.shape_cast %get3A_17 : vector<32xf32> to vector<1x32xf32>
    %add3A_19 = vector.broadcast %broadcast_in_dim3A_18 : vector<1x32xf32> to vector<2048x32xf32>
    %add3A_20 = arith.addf %mul3A_15, %add3A_19 : vector<2048x32xf32>
    %max3A = arith.constant 0.000000e+00 : f32
    %max3A_21 = vector.broadcast %max3A : f32 to vector<2048x32xf32>
    %max3A_22 = arith.maximumf %add3A_20, %max3A_21 : vector<2048x32xf32>
    %get3A_23 = arith.constant 0 : index
    %get3A_24 = arith.constant 0 : index
    %get3A_25 = vector.load %arg5[%get3A_23, %get3A_24] : memref<32x32xf32, #tpu.memory_space<vmem>>, vector<32x32xf32>
    %dot_general3A = arith.constant dense<0.000000e+00> : vector<2048x32xf32>
    %dot_general3A_26 = tpu.matmul %max3A_22, %get3A_25, %dot_general3A {dimension_numbers = #tpu.dot_dimension_numbers<[1], [0], [0], [1], [0, 0, 1, 1], [], []>, transpose_lhs_hint = false} : vector<2048x32xf32>, vector<32x32xf32>, vector<2048x32xf32> -> vector<2048x32xf32>
    %get3A_27 = arith.constant 0 : index
    %get3A_28 = vector.load %arg6[%get3A_27] : memref<32xf32, #tpu.memory_space<vmem>>, vector<32xf32>
    %broadcast_in_dim3A_29 = vector.shape_cast %get3A_28 : vector<32xf32> to vector<1x32xf32>
    %add3A_30 = vector.broadcast %broadcast_in_dim3A_29 : vector<1x32xf32> to vector<2048x32xf32>
    %add3A_31 = arith.addf %dot_general3A_26, %add3A_30 : vector<2048x32xf32>
    %max3A_32 = arith.constant 0.000000e+00 : f32
    %max3A_33 = vector.broadcast %max3A_32 : f32 to vector<2048x32xf32>
    %max3A_34 = arith.maximumf %add3A_31, %max3A_33 : vector<2048x32xf32>
    %get3A_35 = arith.constant 0 : index
    %get3A_36 = arith.constant 0 : index
    %get3A_37 = vector.load %arg7[%get3A_35, %get3A_36] : memref<32x16xf32, #tpu.memory_space<vmem>>, vector<32x16xf32>
    %dot_general3A_38 = arith.constant dense<0.000000e+00> : vector<2048x16xf32>
    %dot_general3A_39 = tpu.matmul %max3A_34, %get3A_37, %dot_general3A_38 {dimension_numbers = #tpu.dot_dimension_numbers<[1], [0], [0], [1], [0, 0, 1, 1], [], []>, transpose_lhs_hint = false} : vector<2048x32xf32>, vector<32x16xf32>, vector<2048x16xf32> -> vector<2048x16xf32>
    %get3A_40 = arith.constant 0 : index
    %get3A_41 = vector.load %arg8[%get3A_40] : memref<16xf32, #tpu.memory_space<vmem>>, vector<16xf32>
    %broadcast_in_dim3A_42 = vector.shape_cast %get3A_41 : vector<16xf32> to vector<1x16xf32>
    %add3A_43 = vector.broadcast %broadcast_in_dim3A_42 : vector<1x16xf32> to vector<2048x16xf32>
    %add3A_44 = arith.addf %dot_general3A_39, %add3A_43 : vector<2048x16xf32>
    %swap3A = arith.constant 0 : index
    %swap3A_45 = arith.constant 0 : index
    %swap3A_46 = vector.load %arg9[%swap3A, %swap3A_45] : memref<2048x16xf32, #tpu.memory_space<vmem>>, vector<2048x16xf32>
    tpu.vector_store %arg9[%swap3A, %swap3A_45], %add3A_44 {strides = array<i32>} : memref<2048x16xf32, #tpu.memory_space<vmem>>, vector<2048x16xf32>,
    return
  }
  func.func @transform_0(%arg0: i32) -> (i32, i32, i32) {
    %c0_i32 = arith.constant 0 : i32
    %c0_i32_0 = arith.constant 0 : i32
    %c0_i32_1 = arith.constant 0 : i32
    return %c0_i32, %arg0, %c0_i32_0 : i32, i32, i32
  }
  func.func @transform_1(%arg0: i32) -> (i32, i32) {
    %c0_i32 = arith.constant 0 : i32
    %c0_i32_0 = arith.constant 0 : i32
    return %arg0, %c0_i32 : i32, i32
  }
  func.func @transform_2(%arg0: i32) -> i32 {
    %c0_i32 = arith.constant 0 : i32
    return %arg0 : i32
  }
  func.func @transform_3(%arg0: i32) -> i32 {
    %c0_i32 = arith.constant 0 : i32
    %c0_i32_0 = arith.constant 0 : i32
    return %c0_i32 : i32
  }
  func.func @transform_4(%arg0: i32) -> (i32, i32) {
    %c0_i32 = arith.constant 0 : i32
    %c0_i32_0 = arith.constant 0 : i32
    %c0_i32_1 = arith.constant 0 : i32
    return %c0_i32, %c0_i32_0 : i32, i32
  }
  func.func @transform_5(%arg0: i32) -> i32 {
    %c0_i32 = arith.constant 0 : i32
    %c0_i32_0 = arith.constant 0 : i32
    return %c0_i32 : i32
  }
  func.func @transform_6(%arg0: i32) -> (i32, i32) {
    %c0_i32 = arith.constant 0 : i32
    %c0_i32_0 = arith.constant 0 : i32
    %c0_i32_1 = arith.constant 0 : i32
    return %c0_i32, %c0_i32_0 : i32, i32
  }
  func.func @transform_7(%arg0: i32) -> i32 {
    %c0_i32 = arith.constant 0 : i32
    %c0_i32_0 = arith.constant 0 : i32
    return %c0_i32 : i32
  }
  func.func @transform_8(%arg0: i32) -> (i32, i32) {
    %c0_i32 = arith.constant 0 : i32
    %c0_i32_0 = arith.constant 0 : i32
    return %arg0, %c0_i32 : i32, i32
  }
}

</mosaic_0001>

<sc_bundles>
// kernel: kernel.11.cloned.1.call-start
scs
__scs_entry_jumppad:
0x0: {  	(pc) =	sbr.rel $0x88, $3  }
0x1: {  	(tag) =	ssettag $0x0;
	lr =	simm.s32 $0x1  }
0x2: {  	[smem:$0x3F97] =	sst lr;
	_ =	strace $0xD0000000  }
0x3: {  	_ = 	snop  }
0x4: {  	_ = 	snop  }
0x5: {  	_ = 	snop  }
0x6: {  	_ = 	snop  }
0x7: {  	_ = 	snop  }
__scs_overlays_trampoline_lowered:
0x8: {  	[smem:$0x3FA6] =	sst s0  }
0x9: {  	[smem:$0x3FA7] =	sst s1  }
0xa: {  	[smem:$0x3FA8] =	sst s2  }
0xb: {  	[smem:$0x3FA9] =	sst s3  }
0xc: {  	[smem:$0x3FAA] =	sst s4  }
0xd: {  	[smem:$0x3FAB] =	sst s5  }
0xe: {  	[smem:$0x3FAC] =	sst s6  }
0xf: {  	[smem:$0x3FAD] =	sst s7  }
0x10: {  	[smem:$0x3FAE] =	sst s8  }
0x11: {  	[smem:$0x3FAF] =	sst s9;
	s0 =	simm.s32 @!p0 $0x0  }
0x12: {  	s1 =	sld [smem:$0x3F95];
	s0 =	simm.s32 @p0 $0x1  }
0x13: {  	[smem:$0x3FB0] =	sst s0;
	s0 =	simm.s32 @!p1 $0x0  }
0x14: {  	s2 =	sld [smem:$0x3F94];
	s0 =	simm.s32 @p1 $0x1  }
0x15: {  	[smem:$0x3FB1] =	sst s0;
	s0 =	simm.s32 @!p2 $0x0  }
0x16: {  	s3 =	sld [smem:$0x3FDB];
	s0 =	simm.s32 @p2 $0x1  }
0x17: {  	s4 =	simm.s32 $0x1BF5;
	[smem:$0x3FB3] =	sst s0  }
0x18: {  	s0 =	sld [smem:$0x3F96];
	_ =	swait.ge [sflag:s4], $0x0  }
0x19: {  	s7 =	sld [smem:$0x3F97]  }
0x1a: {  	s8 =	sadd.s32 $0xFFFFE003, lr  }
0x1b: {  	s9 =	sadd.s32 $0xFFFFFEF7, lr;
	s5 =	simm.s32 $0xFFFFFFFF;
	p2 =	slt.u32 s8, $0xFFFFF086  }
0x1c: {  	p1 =	slt.u32 s9, $0xF7A;
	s5 =	simm.s32 @!p2 $0x0  }
0x1d: {  	s5 =	simm.s32 @p1 $0x1;
	p0 =	seq.s32 s7, s2  }
0x1e: {  	s7 =	smul.u32 @!p0 $0xF7A, s2;
	p2 =	seq.s32 @!p0 s5, $0x0  }
0x1f: {  	s9 =	smul.u32 $0xF7A, s1;
	s8 =	simm.s32 @!p0 $0x1BF5;
	p2 =	por !p2, p0  }
0x20: {  	[sflag:s8] =	ssyncset.s32 @!p0 $0xFFFFF086;
	s6 =	sadd.s32 @!p0 s3, s7;
	s7 =	simm.s32 @!p0 $0x108  }
0x21: {  	s3 =	sadd.s32 s3, s9;
	s6 =	sadd.s32 @!p0 $0x88, s6;
	s7 =	simm.s32 @p2 $0x1082  }
0x22: {  	[simem:s7], [sflag:s8] =	dma.local @!p0 [hbm:s6], $0xF7A  }
0x23: {  	s9 =	sor.u32 $0xD0000000, s2;
	s6 =	simm.s32 $0x108;
	_ =	swait.ge @!p0 [sflag:s8], $0x0  }
0x24: {  	s3 =	sadd.s32 $0x88, s3;
	s6 =	simm.s32 @!p1 $0x1082;
	[sflag:s4] =	ssyncset.s32 $0xFFFFF086  }
0x25: {  	[simem:s6], [sflag:s4] =	dma.local [hbm:s3], $0xF7A  }
0x26: {  	[smem:$0x3F97] =	sst s1;
	(tag) =	ssettag s2;
	_ =	strace s9  }
0x27: {  	s1 =	sld [smem:$0x3FA7]  }
0x28: {  	s2 =	sld [smem:$0x3FA8]  }
0x29: {  	s4 =	sld [smem:$0x3FAA]  }
0x2a: {  	p0 =	seq.s32 s5, $0x0;
	s5 =	sld [smem:$0x3FAB]  }
0x2b: {  	s6 =	sld [smem:$0x3FAC]  }
0x2c: {  	s7 =	sld [smem:$0x3FAD]  }
0x2d: {  	s3 =	simm.s32 $0x108;
	s8 =	sld [smem:$0x3FAE]  }
0x2e: {  	s3 =	simm.s32 @!p0 $0x1082;
	s9 =	sld [smem:$0x3FAF]  }
0x2f: {  	lr =	sadd.s32 s0, s3;
	s0 =	sld [smem:$0x3FA6]  }
0x30: {  	s3 =	sld [smem:$0x3FA9]  }
0x31: {  	[smem:$0x3FB2] =	sst s10  }
0x32: {  	s10 =	sld [smem:$0x3FB0];
	_ =	sdelay $0x3  }
0x33: {  	p0 =	seq.s32 s10, $0x1;
	s10 =	sld [smem:$0x3FB2];
	_ =	sdelay $0x3  }
0x34: {  	[smem:$0x3FB2] =	sst s10  }
0x35: {  	s10 =	sld [smem:$0x3FB1];
	_ =	sdelay $0x3  }
0x36: {  	p1 =	seq.s32 s10, $0x1;
	s10 =	sld [smem:$0x3FB2];
	_ =	sdelay $0x3  }
0x37: {  	[smem:$0x3FB2] =	sst s10  }
0x38: {  	s10 =	sld [smem:$0x3FB3]  }
0x39: {  	_ = 	snop;
	(pc) =	sbr.ind lr, $3  }
0x3a: {  	_ = 	snop  }
0x3b: {  	_ = 	snop  }
0x3c: {  	p2 =	seq.s32 s10, $0x1;
	s10 =	sld [smem:$0x3FB2]  }
0x3d: {  	_ =	shalt  }
0x3e: {  	_ =	shalt  }
0x3f: {  	_ =	shalt  }
0x40: {  	_ =	shalt  }
0x41: {  	_ =	shalt  }
0x42: {  	_ =	shalt  }
0x43: {  	_ =	shalt  }
0x44: {  	_ =	shalt  }
0x45: {  	_ =	shalt  }
0x46: {  	_ =	shalt  }
0x47: {  	_ =	shalt  }
0x48: {  	_ =	shalt  }
0x49: {  	_ =	shalt  }
0x4a: {  	_ =	shalt  }
0x4b: {  	_ =	shalt  }
0x4c: {  	_ =	shalt  }
0x4d: {  	_ =	shalt  }
0x4e: {  	_ =	shalt  }
0x4f: {  	_ =	shalt  }
0x50: {  	_ =	shalt  }
0x51: {  	_ =	shalt  }
0x52: {  	_ =	shalt  }
0x53: {  	_ =	shalt  }
0x54: {  	_ =	shalt  }
0x55: {  	_ =	shalt  }
0x56: {  	_ =	shalt  }
0x57: {  	_ =	shalt  }
0x58: {  	_ =	shalt  }
0x59: {  	_ =	shalt  }
0x5a: {  	_ =	shalt  }
0x5b: {  	_ =	shalt  }
0x5c: {  	_ =	shalt  }
0x5d: {  	_ =	shalt  }
0x5e: {  	_ =	shalt  }
0x5f: {  	_ =	shalt  }
0x60: {  	_ =	shalt  }
0x61: {  	_ =	shalt  }
0x62: {  	_ =	shalt  }
0x63: {  	_ =	shalt  }
0x64: {  	_ =	shalt  }
0x65: {  	_ =	shalt  }
0x66: {  	_ =	shalt  }
0x67: {  	_ =	shalt  }
0x68: {  	_ =	shalt  }
0x69: {  	_ =	shalt  }
0x6a: {  	_ =	shalt  }
0x6b: {  	_ =	shalt  }
0x6c: {  	_ =	shalt  }
0x6d: {  	_ =	shalt  }
0x6e: {  	_ =	shalt  }
0x6f: {  	_ =	shalt  }
0x70: {  	_ =	shalt  }
0x71: {  	_ =	shalt  }
0x72: {  	_ =	shalt  }
0x73: {  	_ =	shalt  }
0x74: {  	_ =	shalt  }
0x75: {  	_ =	shalt  }
0x76: {  	_ =	shalt  }
0x77: {  	_ =	shalt  }
0x78: {  	_ =	shalt  }
0x79: {  	_ =	shalt  }
0x7a: {  	_ =	shalt  }
0x7b: {  	_ =	shalt  }
0x7c: {  	_ =	shalt  }
0x7d: {  	_ =	shalt  }
0x7e: {  	_ =	shalt  }
0x7f: {  	_ =	shalt  }
0x80: {  	_ =	shalt  }
0x81: {  	_ =	shalt  }
0x82: {  	_ =	shalt  }
0x83: {  	_ =	shalt  }
0x84: {  	_ =	shalt  }
0x85: {  	_ =	shalt  }
0x86: {  	_ =	shalt  }
0x87: {  	_ =	shalt  }
.Lfunc_end0:
.L_simem_size_0:
called_computation.1_lowered:
.L_overlay_start_0:
0x88: {  	s2 =	sld [smem:$0x3FD9]  }
0x89: {  	s3 =	sld [smem:$0x3FFE];
	_ =	sdelay $0x1  }
0x8a: {  	s1 =	srdreg.scid  }
0x8b: {  	s0 =	sand.u32 $0x1, s1  }
0x8c: {  	s16 =	sshll.u32 s0, $0xA;
	s2 =	sadd.s32 s3, s2  }
0x8d: {  	s2 =	sadd.s32 s2, s16  }
0x8e: {  	[smem:$0x3FBE] =	sst s2  }
0x8f: {  	_ = 	snop  }
0x90: {  	(tm) =	ssettm $0x1  }
0x91: {  	s17 =	sld [smem:$0x3FFB];
	_ =	sdelay $0x3  }
0x92: {  	_ =	strace s17  }
0x93: {  	s2 =	sld [smem:$0x3FFC];
	_ =	sdelay $0x3  }
0x94: {  	_ =	strace s2  }
0x95: {  	s2 =	sld [smem:$0x3FFD];
	_ =	sdelay $0x3  }
0x96: {  	_ =	strace s2  }
0x97: {  	_ =	strace $0x8FFFFFFF  }
0x98: {  	s18 =	sld [smem:$0x3FDB];
	_ =	sdelay $0x1  }
0x99: {  	s19 =	simm.s32 $_scs_section_size  }
0x9a: {  	s4 =	simm.s32 $_size__tile_overlayer_lowered;
	s5 =	simm.s32 $_tile_overlayer_lowered  }
0x9b: {  	s22 =	simm.s32 $0x1BFF;
	s21 =	sshll.u32 s5, $0x1;
	s2 =	sadd.s32 s19, s18  }
0x9c: {  	s6 =	simm.s32 $0x0;
	s20 =	sshll.u32 s4, $0x1;
	s4 =	sadd.s32 s21, s2  }
0x9d: {  	[timem:s6], [sflag:s22] =	dma.local [hbm:s4], s20  }
0x9e: {  	_ =	swait.ge [sflag:s22], s20  }
0x9f: {  	s3 =	ssub.s32 $0x0, s20;
	[sflag:s22] =	ssyncset.done $0x0  }
0xa0: {  	[sflag:s22] =	ssyncadd.s32 s3;
	_ =	sdelay $0x1  }
0xa1: {  	s23 =	simm.s32 $0x1B8B  }
0xa2: {  	_ =	swait.ge [sflag:s23], $0x1  }
0xa3: {  	[sflag:s23] =	ssyncset.done $0x0  }
0xa4: {  	s25 =	simm.s32 $0x1B8E;
	s24 =	sld [smem:$0x3FFE];
	[sflag:s23] =	ssyncadd.s32 $0xFFFFFFFF  }
0xa5: {  	s26 =	simm.s32 $execute0_lowered;
	[smem:$0x3FD2] =	sst s25  }
0xa6: {  	s4 =	sshll.u32 s26, $0x1;
	_ =	strace $0x80000049;
	[dreg:$0x1] =	wrdreg $0xFFFFFFFF  }
0xa7: {  	s28 =	simm.s32 $_size_execute0_lowered;
	s2 =	sadd.s32 s2, s4;
	[dreg:$0x0] =	wrdreg $0x0  }
0xa8: {  	s4 =	sshll.u32 s28, $0x1;
	[dreg:$0x2] =	wrdreg s2  }
0xa9: {  	[dreg:$0x3] =	wrdreg s4  }
0xaa: {  	[dreg:$0x4] =	wrdreg $0xC0  }
0xab: {  	_ =	task [dreg:s6], $0x5FFFF  }
0xac: {  	[dreg:$0x1] =	wrdreg $0xFFFFFFFF  }
0xad: {  	[dreg:$0x0] =	wrdreg $0x60  }
0xae: {  	[dreg:$0x2] =	wrdreg s24  }
0xaf: {  	[dreg:$0x3] =	wrdreg $0x8F000  }
0xb0: {  	[dreg:$0x4] =	wrdreg $0x9  }
0xb1: {  	_ =	task.clear_ibuf [dreg:s6], $0x5FFFF;
	_ =	strace $0x90000049  }
0xb2: {  	s29 =	simm.s32 $0x9;
	_ =	strace $0x8000004B  }
0xb3: {  	_ =	swait.ge [sflag:s29], $0x1  }
0xb4: {  	[sflag:s29] =	ssyncadd.s32 $0xFFFFFFFF  }
0xb5: {  	_ =	strace $0x9000004B  }
0xb6: {  	_ =	sfence  }
0xb7: {  	s30 =	sld [smem:$0x0];
	_ =	sdelay $0x2  }
0xb8: {  	s31 =	sshll.u32 s1, $0xD;
	s1 =	sshrl.u32 s1, $0x2  }
0xb9: {  	s3 =	sand.u32 $0x4000, s31;
	s1 =	sadd.s32 s1, s30  }
0xba: {  	s0 =	sor.u32 s3, s0;
	s1 =	sshll.u32 s1, $0x11  }
0xbb: {  	s0 =	sor.u32 s1, s0  }
0xbc: {  	s0 =	sadd.s32 $0x8F2B, s0  }
0xbd: {  	[sflag:s0] =	ssyncadd.remote.s32 $0x1  }
0xbe: {  	_ =	sfence.sel $0xFFFF  }
0xbf: {  	[dreg:$0x0] =	wrdreg $0xFFFFFFFF;
	(pc) =	sbr.abs _section_cstart, $3  }
0xc0: {  	[dreg:$0x1] =	wrdreg $0xFFFFFFFF  }
0xc1: {  	_ =	task.clear_ibuf [dreg:s6], $0x2FFFF;
	_ =	strace $0x9FFFFFFF  }
0xc2: {  	(tm) =	ssettm $0x7FFFFFFF  }
0xc3: {  	_ =	shalt  }
tec
execute0_lowered:
.L_overlay_start_1:
0x0: {  	(tag) =	ssettag $0x1  }
0x1: {  	s0 =	srdreg.scid;
	s6 =	rddreg [dreg:$0x0]  }
0x2: {  	s12 =	stileid.u32;
	s2 =	rddreg [dreg:$0x1];
	s3 =	simm.s32 $0x0  }
0x3: {  	s15 =	simm.s32 $0x9;
	s17 =	simm.s32 $0x80;
	s18 =	simm.s32 $0x4F00  }
0x4: {  	s19 =	simm.s32 $0x5700;
	s21 =	simm.s32 $0x5F00;
	s28 =	simm.s32 $0x7700  }
0x5: {  	s16 =	simm.s32 $0x2;
	s20 =	simm.s32 $0x3;
	s29 =	simm.s32 $0x0  }
0x6: {  	s0 =	sand.u32 $0x1, s0;
	s7 =	smul.u32 $0x2800, s12;
	[smem:$0x7FF] =	sst s3  }
0x7: {  	s24 =	sshll.u32 s12, $0x6;
	s1 =	sshll.u32 s0, $0x4;
	s22 =	smul.u32 $0x28000, s0  }
0x8: {  	_ =	strace $0x8000004A;
	s0 =	ssub.s32 $0x2, s0;
	s1 =	sor.u32 s12, s1  }
0x9: {  	s8 =	sshrl.u32 s7, $0x3;
	s10 =	sshrl.u32 s0, $0x1;
	s14 =	sadd.s32 s7, s2  }
0xa: {  	s4 =	smul.u32 $0x4E, s1;
	s5 =	smin.u32 s1, $0x4;
	s8 =	sadd.s32 s8, s6  }
0xb: {  	p0 =	slt.u32 s1, $0x4;
	s0 =	ssub.s32 s0, s10;
	s14 =	sshrl.u32 s14, $0x3  }
0xc: {  	s23 =	sadd.s32 $0x1A600, s8;
	s13 =	smax.u32 s0, $0x1;
	s0 =	simm.s32 $0x1  }
0xd: {  	s4 =	sadd.s32 s5, s4;
	s5 =	sadd.s32 s7, s22;
	[dreg:$0x3] =	wrdreg s23  }
0xe: {  	s7 =	sor.u32 $0x1C09, s24;
	s23 =	simm.s32 $0x6700;
	s4 =	sshll.u32 s4, $0x4  }
0xf: {  	s22 =	simm.s32 $0x4;
	s24 =	simm.s32 $0x5;
	s11 =	sadd.s32 s4, s6  }
0x10: {  	s9 =	sshrl.u32 s5, $0x3;
	s5 =	simm.s32 $0x4F;
	s25 =	sadd.s32 $0x1C00, s11  }
0x11: {  	s4 =	sadd.s32 $0x15600, s6;
	s26 =	sadd.s32 $0xB840, s11;
	[dreg:$0x4] =	wrdreg s25  }
0x12: {  	s6 =	sadd.s32 s9, s6;
	s30 =	sadd.s32 $0x20E0, s11;
	[dreg:$0x5] =	wrdreg s26  }
0x13: {  	s5 =	simm.s32 @!p0 $0x4E;
	s31 =	sadd.s32 $0xBD20, s11;
	[dreg:$0x6] =	wrdreg s30  }
0x14: {  	p0 =	sgt.u32 s1, $0x3;
	s6 =	sadd.s32 $0x1F600, s6;
	[dreg:$0x7] =	wrdreg s31  }
0x15: {  	[dreg:$0x8] =	wrdreg s6;
	s25 =	simm.s32 $0x6F00;
	s26 =	simm.s32 $0x6  }
.LBB2_1:
0x16: {  	s1 =	rddreg [dreg:$0x3]  }
0x17: {  	[spmem:s14], [sflag:s7] =	dma.local [hbm:s1], $0x500  }
0x18: {  	_ =	swait.ge [sflag:s15], $0x500  }
0x19: {  	[sflag:s15] =	ssyncset.done $0x0  }
0x1a: {  	s9 =	rddreg [dreg:$0x4];
	[sflag:s15] =	ssyncadd.s32 $0xFFFFFB00  }
0x1b: {  	[tilespmem:s3], [sflag:$0x9] =	stream.linear.gather [hbm4b:s9+s3], $0x2700, $0x38;
	[tilespmem:$0xB700] =	vst v63  }
0x1c: {  	_ =	swait.ge [sflag:s15], $0x2700  }
0x1d: {  	[sflag:s15] =	ssyncset.done $0x0  }
0x1e: {  	s6 =	simm.s32 $0x2780;
	s10 =	rddreg [dreg:$0x5];
	[sflag:s15] =	ssyncadd.s32 $0xFFFFD900  }
0x1f: {  	[tilespmem:s6], [sflag:$0x9] =	stream.linear.gather [hbm4b:s10+s3], $0x2700, $0x38;
	[tilespmem:$0xB700] =	vst v63  }
0x20: {  	_ =	swait.ge [sflag:s15], $0x2700  }
0x21: {  	s1 =	simm.s32 @!p0 $0x0;
	[sflag:s15] =	ssyncset.done $0x0  }
0x22: {  	s6 =	simm.s32 @!p0 $0x2700;
	s8 =	rddreg [dreg:$0x6];
	[sflag:s15] =	ssyncadd.s32 $0xFFFFD900  }
0x23: {  	[tilespmem:s6], [sflag:$0x9] =	stream.linear.gather @!p0 [hbm4b:s8+s1], $0x80, $0x38;
	[tilespmem:$0xB700] =	vst v63  }
0x24: {  	s6 =	simm.s32 @!p0 $0x9  }
0x25: {  	_ =	swait.ge @!p0 [sflag:s6], $0x80  }
0x26: {  	[sflag:s6] =	ssyncset.done @!p0 $0x0  }
0x27: {  	s30 =	simm.s32 @!p0 $0x4E80;
	s8 =	rddreg [dreg:$0x7];
	[sflag:s6] =	ssyncadd.s32 @!p0 $0xFFFFFF80  }
0x28: {  	[tilespmem:s30], [sflag:$0x9] =	stream.linear.gather @!p0 [hbm4b:s8+s1], $0x80, $0x38;
	[tilespmem:$0xB700] =	vst v63  }
0x29: {  	_ =	swait.ge @!p0 [sflag:s6], $0x80  }
0x2a: {  	[sflag:s6] =	ssyncset.done @!p0 $0x0  }
0x2b: {  	[sflag:s6] =	ssyncadd.s32 @!p0 $0xFFFFFF80  }
0x2c: {  	[bflag:$0x0] =	sbarrier.arrive $0xFFFF  }
0x2d: {  	[tilespmem:s18], [sflag:$0x1] =	stream.indirect.gather [hbm4b:s4+s17], $0x10, s3, s17, $0xb8;
	[tilespmem:$0xB700] =	vst v63  }
0x2e: {  	_ = 	snop  }
0x2f: {  	[tilespmem:s19], [sflag:$0x2] =	stream.indirect.gather [hbm4b:s4+s17], $0x10, s17, s17, $0xb8;
	[tilespmem:$0xB700] =	vst v63  }
0x30: {  	s11 =	simm.s32 $0x100  }
0x31: {  	[tilespmem:s21], [sflag:$0x3] =	stream.indirect.gather [hbm4b:s4+s17], $0x10, s11, s17, $0xb8;
	[tilespmem:$0xB700] =	vst v63  }
0x32: {  	s12 =	simm.s32 $0x180  }
0x33: {  	[tilespmem:s23], [sflag:$0x4] =	stream.indirect.gather [hbm4b:s4+s17], $0x10, s12, s17, $0xb8;
	[tilespmem:$0xB700] =	vst v63  }
0x34: {  	s6 =	simm.s32 $0x200  }
0x35: {  	[tilespmem:s25], [sflag:$0x5] =	stream.indirect.gather [hbm4b:s4+s17], $0x10, s6, s17, $0xb8;
	[tilespmem:$0xB700] =	vst v63  }
0x36: {  	s8 =	simm.s32 $0x280  }
0x37: {  	[tilespmem:s28], [sflag:$0x6] =	stream.indirect.gather [hbm4b:s4+s17], $0x10, s8, s17, $0xb8;
	[tilespmem:$0xB700] =	vst v63  }
0x38: {  	s9 =	simm.s32 $0x300;
	s10 =	simm.s32 $0x7F00  }
0x39: {  	[tilespmem:s10], [sflag:$0x7] =	stream.indirect.gather [hbm4b:s4+s17], $0x10, s9, s17, $0xb8;
	[tilespmem:$0xB700] =	vst v63  }
0x3a: {  	s11 =	simm.s32 $0x380;
	s12 =	simm.s32 $0x8700  }
0x3b: {  	[tilespmem:s12], [sflag:$0x8] =	stream.indirect.gather [hbm4b:s4+s17], $0x10, s11, s17, $0xb8;
	[tilespmem:$0xB700] =	vst v63  }
0x3c: {  	_ =	swait.ge [sflag:s0], $0x800  }
0x3d: {  	[sflag:s0] =	ssyncset.done $0x0  }
0x3e: {  	s6 =	simm.s32 $0x2780;
	[sflag:s0] =	ssyncadd.s32 $0xFFFFF800  }
0x3f: {  	[spmem:s2] =	stream.indirect.scatter.add.f32 [tilespmem:s18], [sflag:$0x9], $0x10, s6, s17, $0xb8;
	[tilespmem:$0xB700] =	vst v63  }
0x40: {  	p1 =	sle.u32 s5, $0x8;
	_ =	swait.ge [sflag:s15], $0x800  }
0x41: {  	s1 =	simm.s32 @!p1 $0x4F00;
	[sflag:s15] =	ssyncset.done $0x0  }
0x42: {  	s30 =	simm.s32 @!p1 $0x80;
	s6 =	simm.s32 @!p1 $0x400;
	[sflag:s15] =	ssyncadd.s32 $0xFFFFF800  }
0x43: {  	[tilespmem:s1], [sflag:$0x1] =	stream.indirect.gather @!p1 [hbm4b:s4+s30], $0x10, s6, s30, $0xb8;
	[tilespmem:$0xB700] =	vst v63  }
0x44: {  	_ =	swait.ge [sflag:s16], $0x800  }
0x45: {  	[sflag:s16] =	ssyncset.done $0x0  }
0x46: {  	s8 =	simm.s32 $0x2800;
	[sflag:s16] =	ssyncadd.s32 $0xFFFFF800  }
0x47: {  	[spmem:s2] =	stream.indirect.scatter.add.f32 [tilespmem:s19], [sflag:$0x9], $0x10, s8, s17, $0xb8;
	[tilespmem:$0xB700] =	vst v63  }
0x48: {  	p1 =	sle.u32 s5, $0x9;
	_ =	swait.ge [sflag:s15], $0x800  }
0x49: {  	s1 =	simm.s32 @!p1 $0x5700;
	[sflag:s15] =	ssyncset.done $0x0  }
0x4a: {  	s6 =	simm.s32 @!p1 $0x480;
	s30 =	simm.s32 @!p1 $0x80;
	[sflag:s15] =	ssyncadd.s32 $0xFFFFF800  }
0x4b: {  	[tilespmem:s1], [sflag:$0x2] =	stream.indirect.gather @!p1 [hbm4b:s4+s30], $0x10, s6, s30, $0xb8;
	[tilespmem:$0xB700] =	vst v63  }
0x4c: {  	_ =	swait.ge [sflag:s20], $0x800  }
0x4d: {  	[sflag:s20] =	ssyncset.done $0x0  }
0x4e: {  	s9 =	simm.s32 $0x2880;
	[sflag:s20] =	ssyncadd.s32 $0xFFFFF800  }
0x4f: {  	[spmem:s2] =	stream.indirect.scatter.add.f32 [tilespmem:s21], [sflag:$0x9], $0x10, s9, s17, $0xb8;
	[tilespmem:$0xB700] =	vst v63  }
0x50: {  	p1 =	sle.u32 s5, $0xA;
	_ =	swait.ge [sflag:s15], $0x800  }
0x51: {  	s1 =	simm.s32 @!p1 $0x5F00;
	[sflag:s15] =	ssyncset.done $0x0  }
0x52: {  	s6 =	simm.s32 @!p1 $0x500;
	s30 =	simm.s32 @!p1 $0x80;
	[sflag:s15] =	ssyncadd.s32 $0xFFFFF800  }
0x53: {  	[tilespmem:s1], [sflag:$0x3] =	stream.indirect.gather @!p1 [hbm4b:s4+s30], $0x10, s6, s30, $0xb8;
	[tilespmem:$0xB700] =	vst v63  }
0x54: {  	_ =	swait.ge [sflag:s22], $0x800  }
0x55: {  	[sflag:s22] =	ssyncset.done $0x0  }
0x56: {  	s10 =	simm.s32 $0x2900;
	[sflag:s22] =	ssyncadd.s32 $0xFFFFF800  }
0x57: {  	[spmem:s2] =	stream.indirect.scatter.add.f32 [tilespmem:s23], [sflag:$0x9], $0x10, s10, s17, $0xb8;
	[tilespmem:$0xB700] =	vst v63  }
0x58: {  	p1 =	sle.u32 s5, $0xB;
	_ =	swait.ge [sflag:s15], $0x800  }
0x59: {  	s1 =	simm.s32 @!p1 $0x6700;
	[sflag:s15] =	ssyncset.done $0x0  }
0x5a: {  	s6 =	simm.s32 @!p1 $0x580;
	s30 =	simm.s32 @!p1 $0x80;
	[sflag:s15] =	ssyncadd.s32 $0xFFFFF800  }
0x5b: {  	[tilespmem:s1], [sflag:$0x4] =	stream.indirect.gather @!p1 [hbm4b:s4+s30], $0x10, s6, s30, $0xb8;
	[tilespmem:$0xB700] =	vst v63  }
0x5c: {  	_ =	swait.ge [sflag:s24], $0x800  }
0x5d: {  	[sflag:s24] =	ssyncset.done $0x0  }
0x5e: {  	s11 =	simm.s32 $0x2980;
	[sflag:s24] =	ssyncadd.s32 $0xFFFFF800  }
0x5f: {  	[spmem:s2] =	stream.indirect.scatter.add.f32 [tilespmem:s25], [sflag:$0x9], $0x10, s11, s17, $0xb8;
	[tilespmem:$0xB700] =	vst v63  }
0x60: {  	p1 =	sle.u32 s5, $0xC;
	_ =	swait.ge [sflag:s15], $0x800  }
0x61: {  	s1 =	simm.s32 @!p1 $0x6F00;
	[sflag:s15] =	ssyncset.done $0x0  }
0x62: {  	s6 =	simm.s32 @!p1 $0x600;
	s30 =	simm.s32 @!p1 $0x80;
	[sflag:s15] =	ssyncadd.s32 $0xFFFFF800  }
0x63: {  	[tilespmem:s1], [sflag:$0x5] =	stream.indirect.gather @!p1 [hbm4b:s4+s30], $0x10, s6, s30, $0xb8;
	[tilespmem:$0xB700] =	vst v63  }
0x64: {  	_ =	swait.ge [sflag:s26], $0x800  }
0x65: {  	[sflag:s26] =	ssyncset.done $0x0  }
0x66: {  	s12 =	simm.s32 $0x2A00;
	[sflag:s26] =	ssyncadd.s32 $0xFFFFF800  }
0x67: {  	[spmem:s2] =	stream.indirect.scatter.add.f32 [tilespmem:s28], [sflag:$0x9], $0x10, s12, s17, $0xb8;
	[tilespmem:$0xB700] =	vst v63  }
0x68: {  	p2 =	sle.u32 s5, $0xD;
	_ =	swait.ge [sflag:s15], $0x800  }
0x69: {  	s1 =	simm.s32 @!p2 $0x7700;
	s6 =	simm.s32 @!p2 $0x680;
	[sflag:s15] =	ssyncset.done $0x0  }
0x6a: {  	p1 =	sle.u32 s5, $0x6;
	s30 =	simm.s32 @!p2 $0x80;
	[sflag:s15] =	ssyncadd.s32 $0xFFFFF800  }
0x6b: {  	[tilespmem:s1], [sflag:$0x6] =	stream.indirect.gather @!p2 [hbm4b:s4+s30], $0x10, s6, s30, $0xb8;
	[tilespmem:$0xB700] =	vst v63  }
0x6c: {  	s31 =	simm.s32 @!p1 $0x7;
	s1 =	simm.s32 @!p1 $0x2A80  }
0x6d: {  	s6 =	simm.s32 @!p1 $0x80;
	p2 =	sle.u32 @!p1 s5, $0xE;
	_ =	swait.ge @!p1 [sflag:s31], $0x800  }
0x6e: {  	s30 =	simm.s32 @!p1 $0x7F00;
	p3 =	por p2, p1;
	[sflag:s31] =	ssyncset.done @!p1 $0x0  }
0x6f: {  	p2 =	sle.u32 s5, $0x7;
	[sflag:s31] =	ssyncadd.s32 @!p1 $0xFFFFF800;
	s31 =	simm.s32 @!p1 $0x9  }
0x70: {  	[spmem:s2] =	stream.indirect.scatter.add.f32 @!p1 [tilespmem:s30], [sflag:$0x9], $0x10, s1, s6, $0xb8;
	[tilespmem:$0xB700] =	vst v63  }
0x71: {  	s8 =	simm.s32 @!p2 $0x80;
	_ =	swait.ge @!p1 [sflag:s31], $0x800  }
0x72: {  	s1 =	simm.s32 @!p3 $0x7F00;
	s6 =	simm.s32 @!p3 $0x700;
	[sflag:s31] =	ssyncset.done @!p1 $0x0  }
0x73: {  	s30 =	simm.s32 @!p3 $0x80;
	[sflag:s31] =	ssyncadd.s32 @!p1 $0xFFFFF800;
	s31 =	simm.s32 @!p2 $0x8  }
0x74: {  	[tilespmem:s1], [sflag:$0x7] =	stream.indirect.gather @!p3 [hbm4b:s4+s30], $0x10, s6, s30, $0xb8;
	[tilespmem:$0xB700] =	vst v63  }
0x75: {  	p1 =	sle.u32 @!p2 s5, $0xF;
	s1 =	simm.s32 @!p2 $0x8700;
	_ =	swait.ge @!p2 [sflag:s31], $0x800  }
0x76: {  	s30 =	simm.s32 @!p2 $0x2B00;
	s6 =	simm.s32 @!p2 $0x9;
	[sflag:s31] =	ssyncset.done @!p2 $0x0  }
0x77: {  	p3 =	por p1, p2;
	[sflag:s31] =	ssyncadd.s32 @!p2 $0xFFFFF800;
	s31 =	simm.s32 $0x17  }
0x78: {  	[spmem:s2] =	stream.indirect.scatter.add.f32 @!p2 [tilespmem:s1], [sflag:$0x9], $0x10, s30, s8, $0xb8;
	[tilespmem:$0xB700] =	vst v63  }
0x79: {  	s30 =	simm.s32 $0x1000;
	s1 =	simm.s32 $0x0;
	_ =	swait.ge @!p2 [sflag:s6], $0x800  }
.LBB2_2:
0x7a: {  	[sflag:s6] =	ssyncset.done @!p2 $0x0  }
0x7b: {  	s8 =	sshra.s32 @!p3 s1, $0x2;
	s9 =	simm.s32 @!p3 $0x8700;
	s1 =	smov.u32 s30  }
0x7c: {  	[sflag:s6] =	ssyncadd.s32 @!p2 $0xFFFFF800;
	s6 =	sadd.s32 @!p3 $0x780, s8;
	s8 =	simm.s32 @!p3 $0x80  }
0x7d: {  	[tilespmem:s9], [sflag:$0x8] =	stream.indirect.gather @!p3 [hbm4b:s4+s8], $0x10, s6, s8, $0xb8;
	[tilespmem:$0xB700] =	vst v63  }
0x7e: {  	s30 =	sadd.s32 $0x1000, s30;
	s6 =	sshra.s32 s1, $0x2;
	_ =	swait.ge [sflag:s0], $0x800  }
0x7f: {  	s9 =	sadd.s32 $0xFFFFFFF9, s31;
	s8 =	sadd.s32 $0x2780, s6;
	[sflag:s0] =	ssyncset.done $0x0  }
0x80: {  	p1 =	sne.s32 s30, $0xA000;
	p2 =	sge.u32 s9, s5;
	[sflag:s0] =	ssyncadd.s32 $0xFFFFF800  }
0x81: {  	[spmem:s2] =	stream.indirect.scatter.add.f32 [tilespmem:s18], [sflag:$0x9], $0x10, s8, s17, $0xb8;
	[tilespmem:$0xB700] =	vst v63  }
0x82: {  	s9 =	simm.s32 @!p2 $0x4F00;
	s8 =	sshra.s32 @!p2 s1, $0x2;
	_ =	swait.ge [sflag:s15], $0x800  }
0x83: {  	s10 =	simm.s32 @!p2 $0x80;
	s8 =	sadd.s32 @!p2 $0x400, s8;
	[sflag:s15] =	ssyncset.done $0x0  }
0x84: {  	[sflag:s15] =	ssyncadd.s32 $0xFFFFF800  }
0x85: {  	[tilespmem:s9], [sflag:$0x1] =	stream.indirect.gather @!p2 [hbm4b:s4+s10], $0x10, s8, s10, $0xb8;
	[tilespmem:$0xB700] =	vst v63  }
0x86: {  	_ =	swait.ge [sflag:s16], $0x800  }
0x87: {  	s8 =	sadd.s32 $0x2800, s6;
	s9 =	sadd.s32 $0xFFFFFFFA, s31;
	[sflag:s16] =	ssyncset.done $0x0  }
0x88: {  	p2 =	sge.u32 s9, s5;
	[sflag:s16] =	ssyncadd.s32 $0xFFFFF800  }
0x89: {  	[spmem:s2] =	stream.indirect.scatter.add.f32 [tilespmem:s19], [sflag:$0x9], $0x10, s8, s17, $0xb8;
	[tilespmem:$0xB700] =	vst v63  }
0x8a: {  	s9 =	simm.s32 @!p2 $0x5700;
	s8 =	sshra.s32 @!p2 s1, $0x2;
	_ =	swait.ge [sflag:s15], $0x800  }
0x8b: {  	s10 =	simm.s32 @!p2 $0x80;
	s8 =	sadd.s32 @!p2 $0x480, s8;
	[sflag:s15] =	ssyncset.done $0x0  }
0x8c: {  	[sflag:s15] =	ssyncadd.s32 $0xFFFFF800  }
0x8d: {  	[tilespmem:s9], [sflag:$0x2] =	stream.indirect.gather @!p2 [hbm4b:s4+s10], $0x10, s8, s10, $0xb8;
	[tilespmem:$0xB700] =	vst v63  }
0x8e: {  	_ =	swait.ge [sflag:s20], $0x800  }
0x8f: {  	s8 =	sadd.s32 $0x2880, s6;
	s9 =	sadd.s32 $0xFFFFFFFB, s31;
	[sflag:s20] =	ssyncset.done $0x0  }
0x90: {  	p2 =	sge.u32 s9, s5;
	[sflag:s20] =	ssyncadd.s32 $0xFFFFF800  }
0x91: {  	[spmem:s2] =	stream.indirect.scatter.add.f32 [tilespmem:s21], [sflag:$0x9], $0x10, s8, s17, $0xb8;
	[tilespmem:$0xB700] =	vst v63  }
0x92: {  	s9 =	simm.s32 @!p2 $0x5F00;
	s8 =	sshra.s32 @!p2 s1, $0x2;
	_ =	swait.ge [sflag:s15], $0x800  }
0x93: {  	s10 =	simm.s32 @!p2 $0x80;
	s8 =	sadd.s32 @!p2 $0x500, s8;
	[sflag:s15] =	ssyncset.done $0x0  }
0x94: {  	[sflag:s15] =	ssyncadd.s32 $0xFFFFF800  }
0x95: {  	[tilespmem:s9], [sflag:$0x3] =	stream.indirect.gather @!p2 [hbm4b:s4+s10], $0x10, s8, s10, $0xb8;
	[tilespmem:$0xB700] =	vst v63  }
0x96: {  	_ =	swait.ge [sflag:s22], $0x800  }
0x97: {  	s8 =	sadd.s32 $0x2900, s6;
	s9 =	sadd.s32 $0xFFFFFFFC, s31;
	[sflag:s22] =	ssyncset.done $0x0  }
0x98: {  	p2 =	sge.u32 s9, s5;
	[sflag:s22] =	ssyncadd.s32 $0xFFFFF800  }
0x99: {  	[spmem:s2] =	stream.indirect.scatter.add.f32 [tilespmem:s23], [sflag:$0x9], $0x10, s8, s17, $0xb8;
	[tilespmem:$0xB700] =	vst v63  }
0x9a: {  	s9 =	simm.s32 @!p2 $0x6700;
	s8 =	sshra.s32 @!p2 s1, $0x2;
	_ =	swait.ge [sflag:s15], $0x800  }
0x9b: {  	s10 =	simm.s32 @!p2 $0x80;
	s8 =	sadd.s32 @!p2 $0x580, s8;
	[sflag:s15] =	ssyncset.done $0x0  }
0x9c: {  	[sflag:s15] =	ssyncadd.s32 $0xFFFFF800  }
0x9d: {  	[tilespmem:s9], [sflag:$0x4] =	stream.indirect.gather @!p2 [hbm4b:s4+s10], $0x10, s8, s10, $0xb8;
	[tilespmem:$0xB700] =	vst v63  }
0x9e: {  	_ =	swait.ge [sflag:s24], $0x800  }
0x9f: {  	s8 =	sadd.s32 $0x2980, s6;
	s9 =	sadd.s32 $0xFFFFFFFD, s31;
	[sflag:s24] =	ssyncset.done $0x0  }
0xa0: {  	p2 =	sge.u32 s9, s5;
	[sflag:s24] =	ssyncadd.s32 $0xFFFFF800  }
0xa1: {  	[spmem:s2] =	stream.indirect.scatter.add.f32 [tilespmem:s25], [sflag:$0x9], $0x10, s8, s17, $0xb8;
	[tilespmem:$0xB700] =	vst v63  }
0xa2: {  	s9 =	simm.s32 @!p2 $0x6F00;
	s8 =	sshra.s32 @!p2 s1, $0x2;
	_ =	swait.ge [sflag:s15], $0x800  }
0xa3: {  	s10 =	simm.s32 @!p2 $0x80;
	s8 =	sadd.s32 @!p2 $0x600, s8;
	[sflag:s15] =	ssyncset.done $0x0  }
0xa4: {  	[sflag:s15] =	ssyncadd.s32 $0xFFFFF800  }
0xa5: {  	[tilespmem:s9], [sflag:$0x5] =	stream.indirect.gather @!p2 [hbm4b:s4+s10], $0x10, s8, s10, $0xb8;
	[tilespmem:$0xB700] =	vst v63  }
0xa6: {  	_ =	swait.ge [sflag:s26], $0x800  }
0xa7: {  	s6 =	sadd.s32 $0x2A00, s6;
	s8 =	sadd.s32 $0xFFFFFFFE, s31;
	[sflag:s26] =	ssyncset.done $0x0  }
0xa8: {  	p2 =	sge.u32 s8, s5;
	s8 =	sadd.s32 $0xFFFFFFF7, s31;
	[sflag:s26] =	ssyncadd.s32 $0xFFFFF800  }
0xa9: {  	[spmem:s2] =	stream.indirect.scatter.add.f32 [tilespmem:s28], [sflag:$0x9], $0x10, s6, s17, $0xb8;
	[tilespmem:$0xB700] =	vst v63  }
0xaa: {  	s9 =	simm.s32 @!p2 $0x7700;
	s6 =	sshra.s32 @!p2 s1, $0x2;
	_ =	swait.ge [sflag:s15], $0x800  }
0xab: {  	p3 =	sge.u32 s8, s5;
	s6 =	sadd.s32 @!p2 $0x680, s6;
	[sflag:s15] =	ssyncset.done $0x0  }
0xac: {  	s8 =	simm.s32 @!p2 $0x80;
	s10 =	simm.s32 @!p3 $0x7;
	s11 =	sshra.s32 @!p3 s1, $0x2  }
0xad: {  	s12 =	sadd.s32 @!p3 $0xFFFFFFFF, s31;
	s11 =	sadd.s32 @!p3 $0x2A80, s11;
	[sflag:s15] =	ssyncadd.s32 $0xFFFFF800  }
0xae: {  	[tilespmem:s9], [sflag:$0x6] =	stream.indirect.gather @!p2 [hbm4b:s4+s8], $0x10, s6, s8, $0xb8;
	[tilespmem:$0xB700] =	vst v63  }
0xaf: {  	s6 =	simm.s32 @!p3 $0x80;
	s8 =	simm.s32 @!p3 $0x7F00;
	_ =	swait.ge @!p3 [sflag:s10], $0x800  }
0xb0: {  	s9 =	simm.s32 @!p3 $0x9;
	p2 =	sge.u32 @!p3 s12, s5;
	[sflag:s10] =	ssyncset.done @!p3 $0x0  }
0xb1: {  	p4 =	por p2, p3;
	[sflag:s10] =	ssyncadd.s32 @!p3 $0xFFFFF800;
	s10 =	sadd.s32 $0xFFFFFFF8, s31  }
0xb2: {  	[spmem:s2] =	stream.indirect.scatter.add.f32 @!p3 [tilespmem:s8], [sflag:$0x9], $0x10, s11, s6, $0xb8;
	[tilespmem:$0xB700] =	vst v63  }
0xb3: {  	s6 =	sshra.s32 @!p4 s1, $0x2;
	s8 =	simm.s32 @!p4 $0x7F00;
	_ =	swait.ge @!p3 [sflag:s9], $0x800  }
0xb4: {  	p2 =	sge.u32 s10, s5;
	s6 =	sadd.s32 @!p4 $0x700, s6;
	[sflag:s9] =	ssyncset.done @!p3 $0x0  }
0xb5: {  	s10 =	simm.s32 @!p2 $0x8;
	[sflag:s9] =	ssyncadd.s32 @!p3 $0xFFFFF800;
	s9 =	simm.s32 @!p4 $0x80  }
0xb6: {  	[tilespmem:s8], [sflag:$0x7] =	stream.indirect.gather @!p4 [hbm4b:s4+s9], $0x10, s6, s9, $0xb8;
	[tilespmem:$0xB700] =	vst v63  }
0xb7: {  	s6 =	sshra.s32 @!p2 s1, $0x2  }
.Ltmp0:
0xb8: {  	s8 =	simm.s32 @!p2 $0x8700;
	_ =	swait.ge @!p2 [sflag:s10], $0x800;
	(pc) =	sbr.rel @p1 .LBB2_2-.Ltmp0, $4  }
0xb9: {  	s11 =	simm.s32 @!p2 $0x80;
	s9 =	sadd.s32 @!p2 $0x2B00, s6;
	[sflag:s10] =	ssyncset.done @!p2 $0x0  }
0xba: {  	p3 =	sge.u32 @!p2 s31, s5;
	s6 =	simm.s32 @!p2 $0x9;
	[sflag:s10] =	ssyncadd.s32 @!p2 $0xFFFFF800  }
0xbb: {  	[spmem:s2] =	stream.indirect.scatter.add.f32 @!p2 [tilespmem:s8], [sflag:$0x9], $0x10, s9, s11, $0xb8;
	[tilespmem:$0xB700] =	vst v63  }
0xbc: {  	s31 =	sadd.s32 $0x8, s31;
	p3 =	por p3, p2;
	_ =	swait.ge @!p2 [sflag:s6], $0x800  }
0xbd: {  	[sflag:s6] =	ssyncset.done @!p2 $0x0  }
0xbe: {  	s1 =	sshra.s32 @!p3 s1, $0x2;
	s8 =	simm.s32 @!p3 $0x8700;
	s29 =	sadd.s32 $0x1, s29  }
0xbf: {  	[sflag:s6] =	ssyncadd.s32 @!p2 $0xFFFFF800;
	s1 =	sadd.s32 @!p3 $0x780, s1;
	s6 =	simm.s32 @!p3 $0x80  }
0xc0: {  	[tilespmem:s8], [sflag:$0x8] =	stream.indirect.gather @!p3 [hbm4b:s4+s6], $0x10, s1, s6, $0xb8;
	[tilespmem:$0xB700] =	vst v63  }
0xc1: {  	p1 =	sne.s32 s29, s13;
	[bflag:$0x0] =	sbarrier.arrive $0xFFFF  }
.Ltmp1:
0xc2: {  	s31 =	rddreg [dreg:$0x8];
	(pc) =	sbr.rel @p1 .LBB2_1-.Ltmp1, $4  }
0xc3: {  	[hbm:s31], [sflag:s7] =	dma.local [spmem:s14], $0x500  }
0xc4: {  	_ =	swait.ge [sflag:s15], $0x500  }
0xc5: {  	[sflag:s15] =	ssyncset.done $0x0  }
0xc6: {  	[sflag:s15] =	ssyncadd.s32 $0xFFFFFB00  }
0xc7: {  	_ =	sfence.sel $0x180000  }
0xc8: {  	[bflag:$0x0] =	sbarrier.arrive $0xFFFF  }
0xc9: {  	_ =	strace $0x9000004A  }
0xca: {  	s0 =	stileid.u32;
	[bflag:$0x2] =	sbarrier.arrive $0xFFFF  }
0xcb: {  	p0 =	sne.s32 s0, $0x0;
	s0 =	rddreg [dreg:$0x2]  }
0xcc: {  	s0 =	sadd.s32 @!p0 $0x100000, s0  }
0xcd: {  	[sflag:s0] =	ssyncadd.tile.s32 @!p0 $0x1;
	_ =	shalt  }
.Lfunc_end2:
_tile_overlayer_lowered:
.L_overlay_start_2:
0xce: {  	(tag) =	ssettag $0x2  }
0xcf: {  	s0 =	rddreg [dreg:$0x0];
	s2 =	stileid.u32  }
0xd0: {  	s1 =	rddreg [dreg:$0x1];
	p0 =	sne.s32 s2, $0x0  }
0xd1: {  	s3 =	rddreg [dreg:$0x2];
	[bflag:$0x3] =	sbarrier.arrive $0xFFFF;
	s2 =	simm.s32 @!p0 $0x1C09  }
0xd2: {  	[timem:s3], [sflag:s2] =	dma.local @!p0 [hbm:s0], s1  }
0xd3: {  	s0 =	simm.s32 @!p0 $0x9  }
0xd4: {  	_ =	swait.ge @!p0 [sflag:s0], s1  }
0xd5: {  	s1 =	ssub.s32 @!p0 $0x0, s1;
	[sflag:s0] =	ssyncset.done @!p0 $0x0  }
0xd6: {  	[sflag:s0] =	ssyncadd.s32 @!p0 s1  }
0xd7: {  	[bflag:$0x3] =	sbarrier.arrive $0xFFFF  }
0xd8: {  	_ =	shalt  }

// kernel: kernel.14.cloned.1.call-start
scs
__scs_entry_jumppad:
0x0: {  	(pc) =	sbr.rel $0x88, $3  }
0x1: {  	(tag) =	ssettag $0x0;
	lr =	simm.s32 $0x1  }
0x2: {  	[smem:$0x3F97] =	sst lr;
	_ =	strace $0xD0000000  }
0x3: {  	_ = 	snop  }
0x4: {  	_ = 	snop  }
0x5: {  	_ = 	snop  }
0x6: {  	_ = 	snop  }
0x7: {  	_ = 	snop  }
__scs_overlays_trampoline_lowered:
0x8: {  	[smem:$0x3FA6] =	sst s0  }
0x9: {  	[smem:$0x3FA7] =	sst s1  }
0xa: {  	[smem:$0x3FA8] =	sst s2  }
0xb: {  	[smem:$0x3FA9] =	sst s3  }
0xc: {  	[smem:$0x3FAA] =	sst s4  }
0xd: {  	[smem:$0x3FAB] =	sst s5  }
0xe: {  	[smem:$0x3FAC] =	sst s6  }
0xf: {  	[smem:$0x3FAD] =	sst s7  }
0x10: {  	[smem:$0x3FAE] =	sst s8  }
0x11: {  	[smem:$0x3FAF] =	sst s9;
	s0 =	simm.s32 @!p0 $0x0  }
0x12: {  	s1 =	sld [smem:$0x3F95];
	s0 =	simm.s32 @p0 $0x1  }
0x13: {  	[smem:$0x3FB0] =	sst s0;
	s0 =	simm.s32 @!p1 $0x0  }
0x14: {  	s2 =	sld [smem:$0x3F94];
	s0 =	simm.s32 @p1 $0x1  }
0x15: {  	[smem:$0x3FB1] =	sst s0;
	s0 =	simm.s32 @!p2 $0x0  }
0x16: {  	s3 =	sld [smem:$0x3FDB];
	s0 =	simm.s32 @p2 $0x1  }
0x17: {  	s4 =	simm.s32 $0x1BF5;
	[smem:$0x3FB3] =	sst s0  }
0x18: {  	s0 =	sld [smem:$0x3F96];
	_ =	swait.ge [sflag:s4], $0x0  }
0x19: {  	s7 =	sld [smem:$0x3F97]  }
0x1a: {  	s8 =	sadd.s32 $0xFFFFE003, lr  }
0x1b: {  	s9 =	sadd.s32 $0xFFFFFEF7, lr;
	s5 =	simm.s32 $0xFFFFFFFF;
	p2 =	slt.u32 s8, $0xFFFFF086  }
0x1c: {  	p1 =	slt.u32 s9, $0xF7A;
	s5 =	simm.s32 @!p2 $0x0  }
0x1d: {  	s5 =	simm.s32 @p1 $0x1;
	p0 =	seq.s32 s7, s2  }
0x1e: {  	s7 =	smul.u32 @!p0 $0xF7A, s2;
	p2 =	seq.s32 @!p0 s5, $0x0  }
0x1f: {  	s9 =	smul.u32 $0xF7A, s1;
	s8 =	simm.s32 @!p0 $0x1BF5;
	p2 =	por !p2, p0  }
0x20: {  	[sflag:s8] =	ssyncset.s32 @!p0 $0xFFFFF086;
	s6 =	sadd.s32 @!p0 s3, s7;
	s7 =	simm.s32 @!p0 $0x108  }
0x21: {  	s3 =	sadd.s32 s3, s9;
	s6 =	sadd.s32 @!p0 $0x88, s6;
	s7 =	simm.s32 @p2 $0x1082  }
0x22: {  	[simem:s7], [sflag:s8] =	dma.local @!p0 [hbm:s6], $0xF7A  }
0x23: {  	s9 =	sor.u32 $0xD0000000, s2;
	s6 =	simm.s32 $0x108;
	_ =	swait.ge @!p0 [sflag:s8], $0x0  }
0x24: {  	s3 =	sadd.s32 $0x88, s3;
	s6 =	simm.s32 @!p1 $0x1082;
	[sflag:s4] =	ssyncset.s32 $0xFFFFF086  }
0x25: {  	[simem:s6], [sflag:s4] =	dma.local [hbm:s3], $0xF7A  }
0x26: {  	[smem:$0x3F97] =	sst s1;
	(tag) =	ssettag s2;
	_ =	strace s9  }
0x27: {  	s1 =	sld [smem:$0x3FA7]  }
0x28: {  	s2 =	sld [smem:$0x3FA8]  }
0x29: {  	s4 =	sld [smem:$0x3FAA]  }
0x2a: {  	p0 =	seq.s32 s5, $0x0;
	s5 =	sld [smem:$0x3FAB]  }
0x2b: {  	s6 =	sld [smem:$0x3FAC]  }
0x2c: {  	s7 =	sld [smem:$0x3FAD]  }
0x2d: {  	s3 =	simm.s32 $0x108;
	s8 =	sld [smem:$0x3FAE]  }
0x2e: {  	s3 =	simm.s32 @!p0 $0x1082;
	s9 =	sld [smem:$0x3FAF]  }
0x2f: {  	lr =	sadd.s32 s0, s3;
	s0 =	sld [smem:$0x3FA6]  }
0x30: {  	s3 =	sld [smem:$0x3FA9]  }
0x31: {  	[smem:$0x3FB2] =	sst s10  }
0x32: {  	s10 =	sld [smem:$0x3FB0];
	_ =	sdelay $0x3  }
0x33: {  	p0 =	seq.s32 s10, $0x1;
	s10 =	sld [smem:$0x3FB2];
	_ =	sdelay $0x3  }
0x34: {  	[smem:$0x3FB2] =	sst s10  }
0x35: {  	s10 =	sld [smem:$0x3FB1];
	_ =	sdelay $0x3  }
0x36: {  	p1 =	seq.s32 s10, $0x1;
	s10 =	sld [smem:$0x3FB2];
	_ =	sdelay $0x3  }
0x37: {  	[smem:$0x3FB2] =	sst s10  }
0x38: {  	s10 =	sld [smem:$0x3FB3]  }
0x39: {  	_ = 	snop;
	(pc) =	sbr.ind lr, $3  }
0x3a: {  	_ = 	snop  }
0x3b: {  	_ = 	snop  }
0x3c: {  	p2 =	seq.s32 s10, $0x1;
	s10 =	sld [smem:$0x3FB2]  }
0x3d: {  	_ =	shalt  }
0x3e: {  	_ =	shalt  }
0x3f: {  	_ =	shalt  }
0x40: {  	_ =	shalt  }
0x41: {  	_ =	shalt  }
0x42: {  	_ =	shalt  }
0x43: {  	_ =	shalt  }
0x44: {  	_ =	shalt  }
0x45: {  	_ =	shalt  }
0x46: {  	_ =	shalt  }
0x47: {  	_ =	shalt  }
0x48: {  	_ =	shalt  }
0x49: {  	_ =	shalt  }
0x4a: {  	_ =	shalt  }
0x4b: {  	_ =	shalt  }
0x4c: {  	_ =	shalt  }
0x4d: {  	_ =	shalt  }
0x4e: {  	_ =	shalt  }
0x4f: {  	_ =	shalt  }
0x50: {  	_ =	shalt  }
0x51: {  	_ =	shalt  }
0x52: {  	_ =	shalt  }
0x53: {  	_ =	shalt  }
0x54: {  	_ =	shalt  }
0x55: {  	_ =	shalt  }
0x56: {  	_ =	shalt  }
0x57: {  	_ =	shalt  }
0x58: {  	_ =	shalt  }
0x59: {  	_ =	shalt  }
0x5a: {  	_ =	shalt  }
0x5b: {  	_ =	shalt  }
0x5c: {  	_ =	shalt  }
0x5d: {  	_ =	shalt  }
0x5e: {  	_ =	shalt  }
0x5f: {  	_ =	shalt  }
0x60: {  	_ =	shalt  }
0x61: {  	_ =	shalt  }
0x62: {  	_ =	shalt  }
0x63: {  	_ =	shalt  }
0x64: {  	_ =	shalt  }
0x65: {  	_ =	shalt  }
0x66: {  	_ =	shalt  }
0x67: {  	_ =	shalt  }
0x68: {  	_ =	shalt  }
0x69: {  	_ =	shalt  }
0x6a: {  	_ =	shalt  }
0x6b: {  	_ =	shalt  }
0x6c: {  	_ =	shalt  }
0x6d: {  	_ =	shalt  }
0x6e: {  	_ =	shalt  }
0x6f: {  	_ =	shalt  }
0x70: {  	_ =	shalt  }
0x71: {  	_ =	shalt  }
0x72: {  	_ =	shalt  }
0x73: {  	_ =	shalt  }
0x74: {  	_ =	shalt  }
0x75: {  	_ =	shalt  }
0x76: {  	_ =	shalt  }
0x77: {  	_ =	shalt  }
0x78: {  	_ =	shalt  }
0x79: {  	_ =	shalt  }
0x7a: {  	_ =	shalt  }
0x7b: {  	_ =	shalt  }
0x7c: {  	_ =	shalt  }
0x7d: {  	_ =	shalt  }
0x7e: {  	_ =	shalt  }
0x7f: {  	_ =	shalt  }
0x80: {  	_ =	shalt  }
0x81: {  	_ =	shalt  }
0x82: {  	_ =	shalt  }
0x83: {  	_ =	shalt  }
0x84: {  	_ =	shalt  }
0x85: {  	_ =	shalt  }
0x86: {  	_ =	shalt  }
0x87: {  	_ =	shalt  }
.Lfunc_end0:
.L_simem_size_0:
called_computation.2_lowered:
.L_overlay_start_0:
0x88: {  	s2 =	sld [smem:$0x3FD9]  }
0x89: {  	s3 =	sld [smem:$0x3FFE];
	_ =	sdelay $0x1  }
0x8a: {  	s1 =	srdreg.scid  }
0x8b: {  	s0 =	sand.u32 $0x1, s1  }
0x8c: {  	s16 =	sshll.u32 s0, $0xA;
	s2 =	sadd.s32 s3, s2  }
0x8d: {  	s2 =	sadd.s32 s2, s16  }
0x8e: {  	[smem:$0x3FBE] =	sst s2  }
0x8f: {  	_ = 	snop  }
0x90: {  	(tm) =	ssettm $0x1  }
0x91: {  	s17 =	sld [smem:$0x3FFB];
	_ =	sdelay $0x3  }
0x92: {  	_ =	strace s17  }
0x93: {  	s2 =	sld [smem:$0x3FFC];
	_ =	sdelay $0x3  }
0x94: {  	_ =	strace s2  }
0x95: {  	s2 =	sld [smem:$0x3FFD];
	_ =	sdelay $0x3  }
0x96: {  	_ =	strace s2  }
0x97: {  	_ =	strace $0x8FFFFFFF  }
0x98: {  	s18 =	sld [smem:$0x3FDB];
	_ =	sdelay $0x1  }
0x99: {  	s19 =	simm.s32 $_scs_section_size  }
0x9a: {  	s4 =	simm.s32 $_size__tile_overlayer_lowered;
	s5 =	simm.s32 $_tile_overlayer_lowered  }
0x9b: {  	s22 =	simm.s32 $0x1BFF;
	s21 =	sshll.u32 s5, $0x1;
	s2 =	sadd.s32 s19, s18  }
0x9c: {  	s6 =	simm.s32 $0x0;
	s20 =	sshll.u32 s4, $0x1;
	s4 =	sadd.s32 s21, s2  }
0x9d: {  	[timem:s6], [sflag:s22] =	dma.local [hbm:s4], s20  }
0x9e: {  	_ =	swait.ge [sflag:s22], s20  }
0x9f: {  	s3 =	ssub.s32 $0x0, s20;
	[sflag:s22] =	ssyncset.done $0x0  }
0xa0: {  	[sflag:s22] =	ssyncadd.s32 s3;
	_ =	sdelay $0x1  }
0xa1: {  	s23 =	simm.s32 $0x1B8B  }
0xa2: {  	_ =	swait.ge [sflag:s23], $0x1  }
0xa3: {  	[sflag:s23] =	ssyncset.done $0x0  }
0xa4: {  	s25 =	simm.s32 $0x1B8E;
	s24 =	sld [smem:$0x3FFE];
	[sflag:s23] =	ssyncadd.s32 $0xFFFFFFFF  }
0xa5: {  	s26 =	simm.s32 $execute0_lowered;
	[smem:$0x3FD2] =	sst s25  }
0xa6: {  	s4 =	sshll.u32 s26, $0x1;
	_ =	strace $0x8000004C;
	[dreg:$0x1] =	wrdreg $0xFFFFFFFF  }
0xa7: {  	s28 =	simm.s32 $_size_execute0_lowered;
	s2 =	sadd.s32 s2, s4;
	[dreg:$0x0] =	wrdreg $0x0  }
0xa8: {  	s4 =	sshll.u32 s28, $0x1;
	[dreg:$0x2] =	wrdreg s2  }
0xa9: {  	[dreg:$0x3] =	wrdreg s4  }
0xaa: {  	[dreg:$0x4] =	wrdreg $0xC0  }
0xab: {  	_ =	task [dreg:s6], $0x5FFFF  }
0xac: {  	[dreg:$0x1] =	wrdreg $0xFFFFFFFF  }
0xad: {  	[dreg:$0x0] =	wrdreg $0x60  }
0xae: {  	[dreg:$0x2] =	wrdreg s24  }
0xaf: {  	[dreg:$0x3] =	wrdreg $0xCF000  }
0xb0: {  	[dreg:$0x4] =	wrdreg $0x9  }
0xb1: {  	_ =	task.clear_ibuf [dreg:s6], $0x5FFFF;
	_ =	strace $0x9000004C  }
0xb2: {  	s29 =	simm.s32 $0x9;
	_ =	strace $0x8000004E  }
0xb3: {  	_ =	swait.ge [sflag:s29], $0x1  }
0xb4: {  	[sflag:s29] =	ssyncadd.s32 $0xFFFFFFFF  }
0xb5: {  	_ =	strace $0x9000004E  }
0xb6: {  	_ =	sfence  }
0xb7: {  	s30 =	sld [smem:$0x0];
	_ =	sdelay $0x2  }
0xb8: {  	s31 =	sshll.u32 s1, $0xD;
	s1 =	sshrl.u32 s1, $0x2  }
0xb9: {  	s3 =	sand.u32 $0x4000, s31;
	s1 =	sadd.s32 s1, s30  }
0xba: {  	s0 =	sor.u32 s3, s0;
	s1 =	sshll.u32 s1, $0x11  }
0xbb: {  	s0 =	sor.u32 s1, s0  }
0xbc: {  	s0 =	sadd.s32 $0x8F2B, s0  }
0xbd: {  	[sflag:s0] =	ssyncadd.remote.s32 $0x1  }
0xbe: {  	_ =	sfence.sel $0xFFFF  }
0xbf: {  	[dreg:$0x0] =	wrdreg $0xFFFFFFFF;
	(pc) =	sbr.abs _section_cstart, $3  }
0xc0: {  	[dreg:$0x1] =	wrdreg $0xFFFFFFFF  }
0xc1: {  	_ =	task.clear_ibuf [dreg:s6], $0x2FFFF;
	_ =	strace $0x9FFFFFFF  }
0xc2: {  	(tm) =	ssettm $0x7FFFFFFF  }
0xc3: {  	_ =	shalt  }
tec
execute0_lowered:
.L_overlay_start_1:
0x0: {  	(tag) =	ssettag $0x1  }
0x1: {  	s0 =	srdreg.scid;
	s6 =	rddreg [dreg:$0x0]  }
0x2: {  	s12 =	stileid.u32;
	s2 =	rddreg [dreg:$0x1];
	s3 =	simm.s32 $0x0  }
0x3: {  	s15 =	simm.s32 $0x9;
	s17 =	simm.s32 $0x80;
	s18 =	simm.s32 $0x4F00  }
0x4: {  	s19 =	simm.s32 $0x5F00;
	s21 =	simm.s32 $0x6F00;
	s28 =	simm.s32 $0x9F00  }
0x5: {  	s16 =	simm.s32 $0x2;
	s20 =	simm.s32 $0x3;
	s29 =	simm.s32 $0x0  }
0x6: {  	s0 =	sand.u32 $0x1, s0;
	s7 =	smul.u32 $0x5000, s12;
	[smem:$0x7FF] =	sst s3  }
0x7: {  	s24 =	sshll.u32 s12, $0x6;
	s1 =	sshll.u32 s0, $0x4;
	s22 =	smul.u32 $0x50000, s0  }
0x8: {  	_ =	strace $0x8000004D;
	s0 =	ssub.s32 $0x2, s0;
	s1 =	sor.u32 s12, s1  }
0x9: {  	s8 =	sshrl.u32 s7, $0x3;
	s10 =	sshrl.u32 s0, $0x1;
	s14 =	sadd.s32 s7, s2  }
0xa: {  	s4 =	smul.u32 $0x4E, s1;
	s5 =	smin.u32 s1, $0x4;
	s8 =	sadd.s32 s8, s6  }
0xb: {  	p0 =	slt.u32 s1, $0x4;
	s0 =	ssub.s32 s0, s10;
	s14 =	sshrl.u32 s14, $0x3  }
0xc: {  	s23 =	sadd.s32 $0x1F600, s8;
	s13 =	smax.u32 s0, $0x1;
	s0 =	simm.s32 $0x1  }
0xd: {  	s4 =	sadd.s32 s5, s4;
	s5 =	sadd.s32 s7, s22;
	[dreg:$0x3] =	wrdreg s23  }
0xe: {  	s7 =	sor.u32 $0x1C09, s24;
	s23 =	simm.s32 $0x7F00;
	s4 =	sshll.u32 s4, $0x4  }
0xf: {  	s22 =	simm.s32 $0x4;
	s24 =	simm.s32 $0x5;
	s11 =	sadd.s32 s4, s6  }
0x10: {  	s9 =	sshrl.u32 s5, $0x3;
	s5 =	simm.s32 $0x4F;
	s25 =	sadd.s32 $0x1C00, s11  }
0x11: {  	s4 =	sadd.s32 $0x15600, s6;
	s26 =	sadd.s32 $0xB840, s11;
	[dreg:$0x4] =	wrdreg s25  }
0x12: {  	s6 =	sadd.s32 s9, s6;
	s30 =	sadd.s32 $0x20E0, s11;
	[dreg:$0x5] =	wrdreg s26  }
0x13: {  	s5 =	simm.s32 @!p0 $0x4E;
	s31 =	sadd.s32 $0xBD20, s11;
	[dreg:$0x6] =	wrdreg s30  }
0x14: {  	p0 =	sgt.u32 s1, $0x3;
	s6 =	sadd.s32 $0x29600, s6;
	[dreg:$0x7] =	wrdreg s31  }
0x15: {  	[dreg:$0x8] =	wrdreg s6;
	s25 =	simm.s32 $0x8F00;
	s26 =	simm.s32 $0x6  }
.LBB2_1:
0x16: {  	s1 =	rddreg [dreg:$0x3]  }
0x17: {  	[spmem:s14], [sflag:s7] =	dma.local [hbm:s1], $0xA00  }
0x18: {  	_ =	swait.ge [sflag:s15], $0xA00  }
0x19: {  	[sflag:s15] =	ssyncset.done $0x0  }
0x1a: {  	s9 =	rddreg [dreg:$0x4];
	[sflag:s15] =	ssyncadd.s32 $0xFFFFF600  }
0x1b: {  	[tilespmem:s3], [sflag:$0x9] =	stream.linear.gather [hbm4b:s9+s3], $0x2700, $0x38;
	[tilespmem:$0x11F00] =	vst v63  }
0x1c: {  	_ =	swait.ge [sflag:s15], $0x2700  }
0x1d: {  	[sflag:s15] =	ssyncset.done $0x0  }
0x1e: {  	s6 =	simm.s32 $0x2780;
	s10 =	rddreg [dreg:$0x5];
	[sflag:s15] =	ssyncadd.s32 $0xFFFFD900  }
0x1f: {  	[tilespmem:s6], [sflag:$0x9] =	stream.linear.gather [hbm4b:s10+s3], $0x2700, $0x38;
	[tilespmem:$0x11F00] =	vst v63  }
0x20: {  	_ =	swait.ge [sflag:s15], $0x2700  }
0x21: {  	s1 =	simm.s32 @!p0 $0x0;
	[sflag:s15] =	ssyncset.done $0x0  }
0x22: {  	s6 =	simm.s32 @!p0 $0x2700;
	s8 =	rddreg [dreg:$0x6];
	[sflag:s15] =	ssyncadd.s32 $0xFFFFD900  }
0x23: {  	[tilespmem:s6], [sflag:$0x9] =	stream.linear.gather @!p0 [hbm4b:s8+s1], $0x80, $0x38;
	[tilespmem:$0x11F00] =	vst v63  }
0x24: {  	s6 =	simm.s32 @!p0 $0x9  }
0x25: {  	_ =	swait.ge @!p0 [sflag:s6], $0x80  }
0x26: {  	[sflag:s6] =	ssyncset.done @!p0 $0x0  }
0x27: {  	s30 =	simm.s32 @!p0 $0x4E80;
	s8 =	rddreg [dreg:$0x7];
	[sflag:s6] =	ssyncadd.s32 @!p0 $0xFFFFFF80  }
0x28: {  	[tilespmem:s30], [sflag:$0x9] =	stream.linear.gather @!p0 [hbm4b:s8+s1], $0x80, $0x38;
	[tilespmem:$0x11F00] =	vst v63  }
0x29: {  	_ =	swait.ge @!p0 [sflag:s6], $0x80  }
0x2a: {  	[sflag:s6] =	ssyncset.done @!p0 $0x0  }
0x2b: {  	[sflag:s6] =	ssyncadd.s32 @!p0 $0xFFFFFF80  }
0x2c: {  	[bflag:$0x0] =	sbarrier.arrive $0xFFFF  }
0x2d: {  	[tilespmem:s18], [sflag:$0x1] =	stream.indirect.gather [hbm4b:s4+s17], $0x20, s3, s17, $0xb8;
	[tilespmem:$0x11F00] =	vst v63  }
0x2e: {  	_ = 	snop  }
0x2f: {  	[tilespmem:s19], [sflag:$0x2] =	stream.indirect.gather [hbm4b:s4+s17], $0x20, s17, s17, $0xb8;
	[tilespmem:$0x11F00] =	vst v63  }
0x30: {  	s11 =	simm.s32 $0x100  }
0x31: {  	[tilespmem:s21], [sflag:$0x3] =	stream.indirect.gather [hbm4b:s4+s17], $0x20, s11, s17, $0xb8;
	[tilespmem:$0x11F00] =	vst v63  }
0x32: {  	s12 =	simm.s32 $0x180  }
0x33: {  	[tilespmem:s23], [sflag:$0x4] =	stream.indirect.gather [hbm4b:s4+s17], $0x20, s12, s17, $0xb8;
	[tilespmem:$0x11F00] =	vst v63  }
0x34: {  	s6 =	simm.s32 $0x200  }
0x35: {  	[tilespmem:s25], [sflag:$0x5] =	stream.indirect.gather [hbm4b:s4+s17], $0x20, s6, s17, $0xb8;
	[tilespmem:$0x11F00] =	vst v63  }
0x36: {  	s8 =	simm.s32 $0x280  }
0x37: {  	[tilespmem:s28], [sflag:$0x6] =	stream.indirect.gather [hbm4b:s4+s17], $0x20, s8, s17, $0xb8;
	[tilespmem:$0x11F00] =	vst v63  }
0x38: {  	s9 =	simm.s32 $0x300;
	s10 =	simm.s32 $0xAF00  }
0x39: {  	[tilespmem:s10], [sflag:$0x7] =	stream.indirect.gather [hbm4b:s4+s17], $0x20, s9, s17, $0xb8;
	[tilespmem:$0x11F00] =	vst v63  }
0x3a: {  	s11 =	simm.s32 $0x380;
	s12 =	simm.s32 $0xBF00  }
0x3b: {  	[tilespmem:s12], [sflag:$0x8] =	stream.indirect.gather [hbm4b:s4+s17], $0x20, s11, s17, $0xb8;
	[tilespmem:$0x11F00] =	vst v63  }
0x3c: {  	_ =	swait.ge [sflag:s0], $0x1000  }
0x3d: {  	[sflag:s0] =	ssyncset.done $0x0  }
0x3e: {  	s6 =	simm.s32 $0x2780;
	[sflag:s0] =	ssyncadd.s32 $0xFFFFF000  }
0x3f: {  	[spmem:s2] =	stream.indirect.scatter.add.f32 [tilespmem:s18], [sflag:$0x9], $0x20, s6, s17, $0xb8;
	[tilespmem:$0x11F00] =	vst v63  }
0x40: {  	p1 =	sle.u32 s5, $0x8;
	_ =	swait.ge [sflag:s15], $0x1000  }
0x41: {  	s1 =	simm.s32 @!p1 $0x4F00;
	[sflag:s15] =	ssyncset.done $0x0  }
0x42: {  	s30 =	simm.s32 @!p1 $0x80;
	s6 =	simm.s32 @!p1 $0x400;
	[sflag:s15] =	ssyncadd.s32 $0xFFFFF000  }
0x43: {  	[tilespmem:s1], [sflag:$0x1] =	stream.indirect.gather @!p1 [hbm4b:s4+s30], $0x20, s6, s30, $0xb8;
	[tilespmem:$0x11F00] =	vst v63  }
0x44: {  	_ =	swait.ge [sflag:s16], $0x1000  }
0x45: {  	[sflag:s16] =	ssyncset.done $0x0  }
0x46: {  	s8 =	simm.s32 $0x2800;
	[sflag:s16] =	ssyncadd.s32 $0xFFFFF000  }
0x47: {  	[spmem:s2] =	stream.indirect.scatter.add.f32 [tilespmem:s19], [sflag:$0x9], $0x20, s8, s17, $0xb8;
	[tilespmem:$0x11F00] =	vst v63  }
0x48: {  	p1 =	sle.u32 s5, $0x9;
	_ =	swait.ge [sflag:s15], $0x1000  }
0x49: {  	s1 =	simm.s32 @!p1 $0x5F00;
	[sflag:s15] =	ssyncset.done $0x0  }
0x4a: {  	s6 =	simm.s32 @!p1 $0x480;
	s30 =	simm.s32 @!p1 $0x80;
	[sflag:s15] =	ssyncadd.s32 $0xFFFFF000  }
0x4b: {  	[tilespmem:s1], [sflag:$0x2] =	stream.indirect.gather @!p1 [hbm4b:s4+s30], $0x20, s6, s30, $0xb8;
	[tilespmem:$0x11F00] =	vst v63  }
0x4c: {  	_ =	swait.ge [sflag:s20], $0x1000  }
0x4d: {  	[sflag:s20] =	ssyncset.done $0x0  }
0x4e: {  	s9 =	simm.s32 $0x2880;
	[sflag:s20] =	ssyncadd.s32 $0xFFFFF000  }
0x4f: {  	[spmem:s2] =	stream.indirect.scatter.add.f32 [tilespmem:s21], [sflag:$0x9], $0x20, s9, s17, $0xb8;
	[tilespmem:$0x11F00] =	vst v63  }
0x50: {  	p1 =	sle.u32 s5, $0xA;
	_ =	swait.ge [sflag:s15], $0x1000  }
0x51: {  	s1 =	simm.s32 @!p1 $0x6F00;
	[sflag:s15] =	ssyncset.done $0x0  }
0x52: {  	s6 =	simm.s32 @!p1 $0x500;
	s30 =	simm.s32 @!p1 $0x80;
	[sflag:s15] =	ssyncadd.s32 $0xFFFFF000  }
0x53: {  	[tilespmem:s1], [sflag:$0x3] =	stream.indirect.gather @!p1 [hbm4b:s4+s30], $0x20, s6, s30, $0xb8;
	[tilespmem:$0x11F00] =	vst v63  }
0x54: {  	_ =	swait.ge [sflag:s22], $0x1000  }
0x55: {  	[sflag:s22] =	ssyncset.done $0x0  }
0x56: {  	s10 =	simm.s32 $0x2900;
	[sflag:s22] =	ssyncadd.s32 $0xFFFFF000  }
0x57: {  	[spmem:s2] =	stream.indirect.scatter.add.f32 [tilespmem:s23], [sflag:$0x9], $0x20, s10, s17, $0xb8;
	[tilespmem:$0x11F00] =	vst v63  }
0x58: {  	p1 =	sle.u32 s5, $0xB;
	_ =	swait.ge [sflag:s15], $0x1000  }
0x59: {  	s1 =	simm.s32 @!p1 $0x7F00;
	[sflag:s15] =	ssyncset.done $0x0  }
0x5a: {  	s6 =	simm.s32 @!p1 $0x580;
	s30 =	simm.s32 @!p1 $0x80;
	[sflag:s15] =	ssyncadd.s32 $0xFFFFF000  }
0x5b: {  	[tilespmem:s1], [sflag:$0x4] =	stream.indirect.gather @!p1 [hbm4b:s4+s30], $0x20, s6, s30, $0xb8;
	[tilespmem:$0x11F00] =	vst v63  }
0x5c: {  	_ =	swait.ge [sflag:s24], $0x1000  }
0x5d: {  	[sflag:s24] =	ssyncset.done $0x0  }
0x5e: {  	s11 =	simm.s32 $0x2980;
	[sflag:s24] =	ssyncadd.s32 $0xFFFFF000  }
0x5f: {  	[spmem:s2] =	stream.indirect.scatter.add.f32 [tilespmem:s25], [sflag:$0x9], $0x20, s11, s17, $0xb8;
	[tilespmem:$0x11F00] =	vst v63  }
0x60: {  	p1 =	sle.u32 s5, $0xC;
	_ =	swait.ge [sflag:s15], $0x1000  }
0x61: {  	s1 =	simm.s32 @!p1 $0x8F00;
	[sflag:s15] =	ssyncset.done $0x0  }
0x62: {  	s6 =	simm.s32 @!p1 $0x600;
	s30 =	simm.s32 @!p1 $0x80;
	[sflag:s15] =	ssyncadd.s32 $0xFFFFF000  }
0x63: {  	[tilespmem:s1], [sflag:$0x5] =	stream.indirect.gather @!p1 [hbm4b:s4+s30], $0x20, s6, s30, $0xb8;
	[tilespmem:$0x11F00] =	vst v63  }
0x64: {  	_ =	swait.ge [sflag:s26], $0x1000  }
0x65: {  	[sflag:s26] =	ssyncset.done $0x0  }
0x66: {  	s12 =	simm.s32 $0x2A00;
	[sflag:s26] =	ssyncadd.s32 $0xFFFFF000  }
0x67: {  	[spmem:s2] =	stream.indirect.scatter.add.f32 [tilespmem:s28], [sflag:$0x9], $0x20, s12, s17, $0xb8;
	[tilespmem:$0x11F00] =	vst v63  }
0x68: {  	p2 =	sle.u32 s5, $0xD;
	_ =	swait.ge [sflag:s15], $0x1000  }
0x69: {  	s1 =	simm.s32 @!p2 $0x9F00;
	s6 =	simm.s32 @!p2 $0x680;
	[sflag:s15] =	ssyncset.done $0x0  }
0x6a: {  	p1 =	sle.u32 s5, $0x6;
	s30 =	simm.s32 @!p2 $0x80;
	[sflag:s15] =	ssyncadd.s32 $0xFFFFF000  }
0x6b: {  	[tilespmem:s1], [sflag:$0x6] =	stream.indirect.gather @!p2 [hbm4b:s4+s30], $0x20, s6, s30, $0xb8;
	[tilespmem:$0x11F00] =	vst v63  }
0x6c: {  	s31 =	simm.s32 @!p1 $0x7;
	s1 =	simm.s32 @!p1 $0x2A80  }
0x6d: {  	s6 =	simm.s32 @!p1 $0x80;
	p2 =	sle.u32 @!p1 s5, $0xE;
	_ =	swait.ge @!p1 [sflag:s31], $0x1000  }
0x6e: {  	s30 =	simm.s32 @!p1 $0xAF00;
	p3 =	por p2, p1;
	[sflag:s31] =	ssyncset.done @!p1 $0x0  }
0x6f: {  	p2 =	sle.u32 s5, $0x7;
	[sflag:s31] =	ssyncadd.s32 @!p1 $0xFFFFF000;
	s31 =	simm.s32 @!p1 $0x9  }
0x70: {  	[spmem:s2] =	stream.indirect.scatter.add.f32 @!p1 [tilespmem:s30], [sflag:$0x9], $0x20, s1, s6, $0xb8;
	[tilespmem:$0x11F00] =	vst v63  }
0x71: {  	s8 =	simm.s32 @!p2 $0x80;
	_ =	swait.ge @!p1 [sflag:s31], $0x1000  }
0x72: {  	s1 =	simm.s32 @!p3 $0xAF00;
	s6 =	simm.s32 @!p3 $0x700;
	[sflag:s31] =	ssyncset.done @!p1 $0x0  }
0x73: {  	s30 =	simm.s32 @!p3 $0x80;
	[sflag:s31] =	ssyncadd.s32 @!p1 $0xFFFFF000;
	s31 =	simm.s32 @!p2 $0x8  }
0x74: {  	[tilespmem:s1], [sflag:$0x7] =	stream.indirect.gather @!p3 [hbm4b:s4+s30], $0x20, s6, s30, $0xb8;
	[tilespmem:$0x11F00] =	vst v63  }
0x75: {  	p1 =	sle.u32 @!p2 s5, $0xF;
	s1 =	simm.s32 @!p2 $0xBF00;
	_ =	swait.ge @!p2 [sflag:s31], $0x1000  }
0x76: {  	s30 =	simm.s32 @!p2 $0x2B00;
	s6 =	simm.s32 @!p2 $0x9;
	[sflag:s31] =	ssyncset.done @!p2 $0x0  }
0x77: {  	p3 =	por p1, p2;
	[sflag:s31] =	ssyncadd.s32 @!p2 $0xFFFFF000;
	s31 =	simm.s32 $0x17  }
0x78: {  	[spmem:s2] =	stream.indirect.scatter.add.f32 @!p2 [tilespmem:s1], [sflag:$0x9], $0x20, s30, s8, $0xb8;
	[tilespmem:$0x11F00] =	vst v63  }
0x79: {  	s30 =	simm.s32 $0x1000;
	s1 =	simm.s32 $0x0;
	_ =	swait.ge @!p2 [sflag:s6], $0x1000  }
.LBB2_2:
0x7a: {  	[sflag:s6] =	ssyncset.done @!p2 $0x0  }
0x7b: {  	s8 =	sshra.s32 @!p3 s1, $0x2;
	s9 =	simm.s32 @!p3 $0xBF00;
	s1 =	smov.u32 s30  }
0x7c: {  	[sflag:s6] =	ssyncadd.s32 @!p2 $0xFFFFF000;
	s6 =	sadd.s32 @!p3 $0x780, s8;
	s8 =	simm.s32 @!p3 $0x80  }
0x7d: {  	[tilespmem:s9], [sflag:$0x8] =	stream.indirect.gather @!p3 [hbm4b:s4+s8], $0x20, s6, s8, $0xb8;
	[tilespmem:$0x11F00] =	vst v63  }
0x7e: {  	s30 =	sadd.s32 $0x1000, s30;
	s6 =	sshra.s32 s1, $0x2;
	_ =	swait.ge [sflag:s0], $0x1000  }
0x7f: {  	s9 =	sadd.s32 $0xFFFFFFF9, s31;
	s8 =	sadd.s32 $0x2780, s6;
	[sflag:s0] =	ssyncset.done $0x0  }
0x80: {  	p1 =	sne.s32 s30, $0xA000;
	p2 =	sge.u32 s9, s5;
	[sflag:s0] =	ssyncadd.s32 $0xFFFFF000  }
0x81: {  	[spmem:s2] =	stream.indirect.scatter.add.f32 [tilespmem:s18], [sflag:$0x9], $0x20, s8, s17, $0xb8;
	[tilespmem:$0x11F00] =	vst v63  }
0x82: {  	s9 =	simm.s32 @!p2 $0x4F00;
	s8 =	sshra.s32 @!p2 s1, $0x2;
	_ =	swait.ge [sflag:s15], $0x1000  }
0x83: {  	s10 =	simm.s32 @!p2 $0x80;
	s8 =	sadd.s32 @!p2 $0x400, s8;
	[sflag:s15] =	ssyncset.done $0x0  }
0x84: {  	[sflag:s15] =	ssyncadd.s32 $0xFFFFF000  }
0x85: {  	[tilespmem:s9], [sflag:$0x1] =	stream.indirect.gather @!p2 [hbm4b:s4+s10], $0x20, s8, s10, $0xb8;
	[tilespmem:$0x11F00] =	vst v63  }
0x86: {  	_ =	swait.ge [sflag:s16], $0x1000  }
0x87: {  	s8 =	sadd.s32 $0x2800, s6;
	s9 =	sadd.s32 $0xFFFFFFFA, s31;
	[sflag:s16] =	ssyncset.done $0x0  }
0x88: {  	p2 =	sge.u32 s9, s5;
	[sflag:s16] =	ssyncadd.s32 $0xFFFFF000  }
0x89: {  	[spmem:s2] =	stream.indirect.scatter.add.f32 [tilespmem:s19], [sflag:$0x9], $0x20, s8, s17, $0xb8;
	[tilespmem:$0x11F00] =	vst v63  }
0x8a: {  	s9 =	simm.s32 @!p2 $0x5F00;
	s8 =	sshra.s32 @!p2 s1, $0x2;
	_ =	swait.ge [sflag:s15], $0x1000  }
0x8b: {  	s10 =	simm.s32 @!p2 $0x80;
	s8 =	sadd.s32 @!p2 $0x480, s8;
	[sflag:s15] =	ssyncset.done $0x0  }
0x8c: {  	[sflag:s15] =	ssyncadd.s32 $0xFFFFF000  }
0x8d: {  	[tilespmem:s9], [sflag:$0x2] =	stream.indirect.gather @!p2 [hbm4b:s4+s10], $0x20, s8, s10, $0xb8;
	[tilespmem:$0x11F00] =	vst v63  }
0x8e: {  	_ =	swait.ge [sflag:s20], $0x1000  }
0x8f: {  	s8 =	sadd.s32 $0x2880, s6;
	s9 =	sadd.s32 $0xFFFFFFFB, s31;
	[sflag:s20] =	ssyncset.done $0x0  }
0x90: {  	p2 =	sge.u32 s9, s5;
	[sflag:s20] =	ssyncadd.s32 $0xFFFFF000  }
0x91: {  	[spmem:s2] =	stream.indirect.scatter.add.f32 [tilespmem:s21], [sflag:$0x9], $0x20, s8, s17, $0xb8;
	[tilespmem:$0x11F00] =	vst v63  }
0x92: {  	s9 =	simm.s32 @!p2 $0x6F00;
	s8 =	sshra.s32 @!p2 s1, $0x2;
	_ =	swait.ge [sflag:s15], $0x1000  }
0x93: {  	s10 =	simm.s32 @!p2 $0x80;
	s8 =	sadd.s32 @!p2 $0x500, s8;
	[sflag:s15] =	ssyncset.done $0x0  }
0x94: {  	[sflag:s15] =	ssyncadd.s32 $0xFFFFF000  }
0x95: {  	[tilespmem:s9], [sflag:$0x3] =	stream.indirect.gather @!p2 [hbm4b:s4+s10], $0x20, s8, s10, $0xb8;
	[tilespmem:$0x11F00] =	vst v63  }
0x96: {  	_ =	swait.ge [sflag:s22], $0x1000  }
0x97: {  	s8 =	sadd.s32 $0x2900, s6;
	s9 =	sadd.s32 $0xFFFFFFFC, s31;
	[sflag:s22] =	ssyncset.done $0x0  }
0x98: {  	p2 =	sge.u32 s9, s5;
	[sflag:s22] =	ssyncadd.s32 $0xFFFFF000  }
0x99: {  	[spmem:s2] =	stream.indirect.scatter.add.f32 [tilespmem:s23], [sflag:$0x9], $0x20, s8, s17, $0xb8;
	[tilespmem:$0x11F00] =	vst v63  }
0x9a: {  	s9 =	simm.s32 @!p2 $0x7F00;
	s8 =	sshra.s32 @!p2 s1, $0x2;
	_ =	swait.ge [sflag:s15], $0x1000  }
0x9b: {  	s10 =	simm.s32 @!p2 $0x80;
	s8 =	sadd.s32 @!p2 $0x580, s8;
	[sflag:s15] =	ssyncset.done $0x0  }
0x9c: {  	[sflag:s15] =	ssyncadd.s32 $0xFFFFF000  }
0x9d: {  	[tilespmem:s9], [sflag:$0x4] =	stream.indirect.gather @!p2 [hbm4b:s4+s10], $0x20, s8, s10, $0xb8;
	[tilespmem:$0x11F00] =	vst v63  }
0x9e: {  	_ =	swait.ge [sflag:s24], $0x1000  }
0x9f: {  	s8 =	sadd.s32 $0x2980, s6;
	s9 =	sadd.s32 $0xFFFFFFFD, s31;
	[sflag:s24] =	ssyncset.done $0x0  }
0xa0: {  	p2 =	sge.u32 s9, s5;
	[sflag:s24] =	ssyncadd.s32 $0xFFFFF000  }
0xa1: {  	[spmem:s2] =	stream.indirect.scatter.add.f32 [tilespmem:s25], [sflag:$0x9], $0x20, s8, s17, $0xb8;
	[tilespmem:$0x11F00] =	vst v63  }
0xa2: {  	s9 =	simm.s32 @!p2 $0x8F00;
	s8 =	sshra.s32 @!p2 s1, $0x2;
	_ =	swait.ge [sflag:s15], $0x1000  }
0xa3: {  	s10 =	simm.s32 @!p2 $0x80;
	s8 =	sadd.s32 @!p2 $0x600, s8;
	[sflag:s15] =	ssyncset.done $0x0  }
0xa4: {  	[sflag:s15] =	ssyncadd.s32 $0xFFFFF000  }
0xa5: {  	[tilespmem:s9], [sflag:$0x5] =	stream.indirect.gather @!p2 [hbm4b:s4+s10], $0x20, s8, s10, $0xb8;
	[tilespmem:$0x11F00] =	vst v63  }
0xa6: {  	_ =	swait.ge [sflag:s26], $0x1000  }
0xa7: {  	s6 =	sadd.s32 $0x2A00, s6;
	s8 =	sadd.s32 $0xFFFFFFFE, s31;
	[sflag:s26] =	ssyncset.done $0x0  }
0xa8: {  	p2 =	sge.u32 s8, s5;
	s8 =	sadd.s32 $0xFFFFFFF7, s31;
	[sflag:s26] =	ssyncadd.s32 $0xFFFFF000  }
0xa9: {  	[spmem:s2] =	stream.indirect.scatter.add.f32 [tilespmem:s28], [sflag:$0x9], $0x20, s6, s17, $0xb8;
	[tilespmem:$0x11F00] =	vst v63  }
0xaa: {  	s9 =	simm.s32 @!p2 $0x9F00;
	s6 =	sshra.s32 @!p2 s1, $0x2;
	_ =	swait.ge [sflag:s15], $0x1000  }
0xab: {  	p3 =	sge.u32 s8, s5;
	s6 =	sadd.s32 @!p2 $0x680, s6;
	[sflag:s15] =	ssyncset.done $0x0  }
0xac: {  	s8 =	simm.s32 @!p2 $0x80;
	s10 =	simm.s32 @!p3 $0x7;
	s11 =	sshra.s32 @!p3 s1, $0x2  }
0xad: {  	s12 =	sadd.s32 @!p3 $0xFFFFFFFF, s31;
	s11 =	sadd.s32 @!p3 $0x2A80, s11;
	[sflag:s15] =	ssyncadd.s32 $0xFFFFF000  }
0xae: {  	[tilespmem:s9], [sflag:$0x6] =	stream.indirect.gather @!p2 [hbm4b:s4+s8], $0x20, s6, s8, $0xb8;
	[tilespmem:$0x11F00] =	vst v63  }
0xaf: {  	s6 =	simm.s32 @!p3 $0x80;
	s8 =	simm.s32 @!p3 $0xAF00;
	_ =	swait.ge @!p3 [sflag:s10], $0x1000  }
0xb0: {  	s9 =	simm.s32 @!p3 $0x9;
	p2 =	sge.u32 @!p3 s12, s5;
	[sflag:s10] =	ssyncset.done @!p3 $0x0  }
0xb1: {  	p4 =	por p2, p3;
	[sflag:s10] =	ssyncadd.s32 @!p3 $0xFFFFF000;
	s10 =	sadd.s32 $0xFFFFFFF8, s31  }
0xb2: {  	[spmem:s2] =	stream.indirect.scatter.add.f32 @!p3 [tilespmem:s8], [sflag:$0x9], $0x20, s11, s6, $0xb8;
	[tilespmem:$0x11F00] =	vst v63  }
0xb3: {  	s6 =	sshra.s32 @!p4 s1, $0x2;
	s8 =	simm.s32 @!p4 $0xAF00;
	_ =	swait.ge @!p3 [sflag:s9], $0x1000  }
0xb4: {  	p2 =	sge.u32 s10, s5;
	s6 =	sadd.s32 @!p4 $0x700, s6;
	[sflag:s9] =	ssyncset.done @!p3 $0x0  }
0xb5: {  	s10 =	simm.s32 @!p2 $0x8;
	[sflag:s9] =	ssyncadd.s32 @!p3 $0xFFFFF000;
	s9 =	simm.s32 @!p4 $0x80  }
0xb6: {  	[tilespmem:s8], [sflag:$0x7] =	stream.indirect.gather @!p4 [hbm4b:s4+s9], $0x20, s6, s9, $0xb8;
	[tilespmem:$0x11F00] =	vst v63  }
0xb7: {  	s6 =	sshra.s32 @!p2 s1, $0x2  }
.Ltmp0:
0xb8: {  	s8 =	simm.s32 @!p2 $0xBF00;
	_ =	swait.ge @!p2 [sflag:s10], $0x1000;
	(pc) =	sbr.rel @p1 .LBB2_2-.Ltmp0, $4  }
0xb9: {  	s11 =	simm.s32 @!p2 $0x80;
	s9 =	sadd.s32 @!p2 $0x2B00, s6;
	[sflag:s10] =	ssyncset.done @!p2 $0x0  }
0xba: {  	p3 =	sge.u32 @!p2 s31, s5;
	s6 =	simm.s32 @!p2 $0x9;
	[sflag:s10] =	ssyncadd.s32 @!p2 $0xFFFFF000  }
0xbb: {  	[spmem:s2] =	stream.indirect.scatter.add.f32 @!p2 [tilespmem:s8], [sflag:$0x9], $0x20, s9, s11, $0xb8;
	[tilespmem:$0x11F00] =	vst v63  }
0xbc: {  	s31 =	sadd.s32 $0x8, s31;
	p3 =	por p3, p2;
	_ =	swait.ge @!p2 [sflag:s6], $0x1000  }
0xbd: {  	[sflag:s6] =	ssyncset.done @!p2 $0x0  }
0xbe: {  	s1 =	sshra.s32 @!p3 s1, $0x2;
	s8 =	simm.s32 @!p3 $0xBF00;
	s29 =	sadd.s32 $0x1, s29  }
0xbf: {  	[sflag:s6] =	ssyncadd.s32 @!p2 $0xFFFFF000;
	s1 =	sadd.s32 @!p3 $0x780, s1;
	s6 =	simm.s32 @!p3 $0x80  }
0xc0: {  	[tilespmem:s8], [sflag:$0x8] =	stream.indirect.gather @!p3 [hbm4b:s4+s6], $0x20, s1, s6, $0xb8;
	[tilespmem:$0x11F00] =	vst v63  }
0xc1: {  	p1 =	sne.s32 s29, s13;
	[bflag:$0x0] =	sbarrier.arrive $0xFFFF  }
.Ltmp1:
0xc2: {  	s31 =	rddreg [dreg:$0x8];
	(pc) =	sbr.rel @p1 .LBB2_1-.Ltmp1, $4  }
0xc3: {  	[hbm:s31], [sflag:s7] =	dma.local [spmem:s14], $0xA00  }
0xc4: {  	_ =	swait.ge [sflag:s15], $0xA00  }
0xc5: {  	[sflag:s15] =	ssyncset.done $0x0  }
0xc6: {  	[sflag:s15] =	ssyncadd.s32 $0xFFFFF600  }
0xc7: {  	_ =	sfence.sel $0x180000  }
0xc8: {  	[bflag:$0x0] =	sbarrier.arrive $0xFFFF  }
0xc9: {  	_ =	strace $0x9000004D  }
0xca: {  	s0 =	stileid.u32;
	[bflag:$0x2] =	sbarrier.arrive $0xFFFF  }
0xcb: {  	p0 =	sne.s32 s0, $0x0;
	s0 =	rddreg [dreg:$0x2]  }
0xcc: {  	s0 =	sadd.s32 @!p0 $0x100000, s0  }
0xcd: {  	[sflag:s0] =	ssyncadd.tile.s32 @!p0 $0x1;
	_ =	shalt  }
.Lfunc_end2:
_tile_overlayer_lowered:
.L_overlay_start_2:
0xce: {  	(tag) =	ssettag $0x2  }
0xcf: {  	s0 =	rddreg [dreg:$0x0];
	s2 =	stileid.u32  }
0xd0: {  	s1 =	rddreg [dreg:$0x1];
	p0 =	sne.s32 s2, $0x0  }
0xd1: {  	s3 =	rddreg [dreg:$0x2];
	[bflag:$0x3] =	sbarrier.arrive $0xFFFF;
	s2 =	simm.s32 @!p0 $0x1C09  }
0xd2: {  	[timem:s3], [sflag:s2] =	dma.local @!p0 [hbm:s0], s1  }
0xd3: {  	s0 =	simm.s32 @!p0 $0x9  }
0xd4: {  	_ =	swait.ge @!p0 [sflag:s0], s1  }
0xd5: {  	s1 =	ssub.s32 @!p0 $0x0, s1;
	[sflag:s0] =	ssyncset.done @!p0 $0x0  }
0xd6: {  	[sflag:s0] =	ssyncadd.s32 @!p0 s1  }
0xd7: {  	[bflag:$0x3] =	sbarrier.arrive $0xFFFF  }
0xd8: {  	_ =	shalt  }

// kernel: kernel.8.cloned.1.call-start
scs
__scs_entry_jumppad:
0x0: {  	(pc) =	sbr.rel $0x88, $3  }
0x1: {  	(tag) =	ssettag $0x0;
	lr =	simm.s32 $0x1  }
0x2: {  	[smem:$0x3F97] =	sst lr;
	_ =	strace $0xD0000000  }
0x3: {  	_ = 	snop  }
0x4: {  	_ = 	snop  }
0x5: {  	_ = 	snop  }
0x6: {  	_ = 	snop  }
0x7: {  	_ = 	snop  }
__scs_overlays_trampoline_lowered:
0x8: {  	[smem:$0x3FA6] =	sst s0  }
0x9: {  	[smem:$0x3FA7] =	sst s1  }
0xa: {  	[smem:$0x3FA8] =	sst s2  }
0xb: {  	[smem:$0x3FA9] =	sst s3  }
0xc: {  	[smem:$0x3FAA] =	sst s4  }
0xd: {  	[smem:$0x3FAB] =	sst s5  }
0xe: {  	[smem:$0x3FAC] =	sst s6  }
0xf: {  	[smem:$0x3FAD] =	sst s7  }
0x10: {  	[smem:$0x3FAE] =	sst s8  }
0x11: {  	[smem:$0x3FAF] =	sst s9;
	s0 =	simm.s32 @!p0 $0x0  }
0x12: {  	s1 =	sld [smem:$0x3F95];
	s0 =	simm.s32 @p0 $0x1  }
0x13: {  	[smem:$0x3FB0] =	sst s0;
	s0 =	simm.s32 @!p1 $0x0  }
0x14: {  	s2 =	sld [smem:$0x3F94];
	s0 =	simm.s32 @p1 $0x1  }
0x15: {  	[smem:$0x3FB1] =	sst s0;
	s0 =	simm.s32 @!p2 $0x0  }
0x16: {  	s3 =	sld [smem:$0x3FDB];
	s0 =	simm.s32 @p2 $0x1  }
0x17: {  	s4 =	simm.s32 $0x1BF5;
	[smem:$0x3FB3] =	sst s0  }
0x18: {  	s0 =	sld [smem:$0x3F96];
	_ =	swait.ge [sflag:s4], $0x0  }
0x19: {  	s7 =	sld [smem:$0x3F97]  }
0x1a: {  	s8 =	sadd.s32 $0xFFFFE003, lr  }
0x1b: {  	s9 =	sadd.s32 $0xFFFFFEF7, lr;
	s5 =	simm.s32 $0xFFFFFFFF;
	p2 =	slt.u32 s8, $0xFFFFF086  }
0x1c: {  	p1 =	slt.u32 s9, $0xF7A;
	s5 =	simm.s32 @!p2 $0x0  }
0x1d: {  	s5 =	simm.s32 @p1 $0x1;
	p0 =	seq.s32 s7, s2  }
0x1e: {  	s7 =	smul.u32 @!p0 $0xF7A, s2;
	p2 =	seq.s32 @!p0 s5, $0x0  }
0x1f: {  	s9 =	smul.u32 $0xF7A, s1;
	s8 =	simm.s32 @!p0 $0x1BF5;
	p2 =	por !p2, p0  }
0x20: {  	[sflag:s8] =	ssyncset.s32 @!p0 $0xFFFFF086;
	s6 =	sadd.s32 @!p0 s3, s7;
	s7 =	simm.s32 @!p0 $0x108  }
0x21: {  	s3 =	sadd.s32 s3, s9;
	s6 =	sadd.s32 @!p0 $0x88, s6;
	s7 =	simm.s32 @p2 $0x1082  }
0x22: {  	[simem:s7], [sflag:s8] =	dma.local @!p0 [hbm:s6], $0xF7A  }
0x23: {  	s9 =	sor.u32 $0xD0000000, s2;
	s6 =	simm.s32 $0x108;
	_ =	swait.ge @!p0 [sflag:s8], $0x0  }
0x24: {  	s3 =	sadd.s32 $0x88, s3;
	s6 =	simm.s32 @!p1 $0x1082;
	[sflag:s4] =	ssyncset.s32 $0xFFFFF086  }
0x25: {  	[simem:s6], [sflag:s4] =	dma.local [hbm:s3], $0xF7A  }
0x26: {  	[smem:$0x3F97] =	sst s1;
	(tag) =	ssettag s2;
	_ =	strace s9  }
0x27: {  	s1 =	sld [smem:$0x3FA7]  }
0x28: {  	s2 =	sld [smem:$0x3FA8]  }
0x29: {  	s4 =	sld [smem:$0x3FAA]  }
0x2a: {  	p0 =	seq.s32 s5, $0x0;
	s5 =	sld [smem:$0x3FAB]  }
0x2b: {  	s6 =	sld [smem:$0x3FAC]  }
0x2c: {  	s7 =	sld [smem:$0x3FAD]  }
0x2d: {  	s3 =	simm.s32 $0x108;
	s8 =	sld [smem:$0x3FAE]  }
0x2e: {  	s3 =	simm.s32 @!p0 $0x1082;
	s9 =	sld [smem:$0x3FAF]  }
0x2f: {  	lr =	sadd.s32 s0, s3;
	s0 =	sld [smem:$0x3FA6]  }
0x30: {  	s3 =	sld [smem:$0x3FA9]  }
0x31: {  	[smem:$0x3FB2] =	sst s10  }
0x32: {  	s10 =	sld [smem:$0x3FB0];
	_ =	sdelay $0x3  }
0x33: {  	p0 =	seq.s32 s10, $0x1;
	s10 =	sld [smem:$0x3FB2];
	_ =	sdelay $0x3  }
0x34: {  	[smem:$0x3FB2] =	sst s10  }
0x35: {  	s10 =	sld [smem:$0x3FB1];
	_ =	sdelay $0x3  }
0x36: {  	p1 =	seq.s32 s10, $0x1;
	s10 =	sld [smem:$0x3FB2];
	_ =	sdelay $0x3  }
0x37: {  	[smem:$0x3FB2] =	sst s10  }
0x38: {  	s10 =	sld [smem:$0x3FB3]  }
0x39: {  	_ = 	snop;
	(pc) =	sbr.ind lr, $3  }
0x3a: {  	_ = 	snop  }
0x3b: {  	_ = 	snop  }
0x3c: {  	p2 =	seq.s32 s10, $0x1;
	s10 =	sld [smem:$0x3FB2]  }
0x3d: {  	_ =	shalt  }
0x3e: {  	_ =	shalt  }
0x3f: {  	_ =	shalt  }
0x40: {  	_ =	shalt  }
0x41: {  	_ =	shalt  }
0x42: {  	_ =	shalt  }
0x43: {  	_ =	shalt  }
0x44: {  	_ =	shalt  }
0x45: {  	_ =	shalt  }
0x46: {  	_ =	shalt  }
0x47: {  	_ =	shalt  }
0x48: {  	_ =	shalt  }
0x49: {  	_ =	shalt  }
0x4a: {  	_ =	shalt  }
0x4b: {  	_ =	shalt  }
0x4c: {  	_ =	shalt  }
0x4d: {  	_ =	shalt  }
0x4e: {  	_ =	shalt  }
0x4f: {  	_ =	shalt  }
0x50: {  	_ =	shalt  }
0x51: {  	_ =	shalt  }
0x52: {  	_ =	shalt  }
0x53: {  	_ =	shalt  }
0x54: {  	_ =	shalt  }
0x55: {  	_ =	shalt  }
0x56: {  	_ =	shalt  }
0x57: {  	_ =	shalt  }
0x58: {  	_ =	shalt  }
0x59: {  	_ =	shalt  }
0x5a: {  	_ =	shalt  }
0x5b: {  	_ =	shalt  }
0x5c: {  	_ =	shalt  }
0x5d: {  	_ =	shalt  }
0x5e: {  	_ =	shalt  }
0x5f: {  	_ =	shalt  }
0x60: {  	_ =	shalt  }
0x61: {  	_ =	shalt  }
0x62: {  	_ =	shalt  }
0x63: {  	_ =	shalt  }
0x64: {  	_ =	shalt  }
0x65: {  	_ =	shalt  }
0x66: {  	_ =	shalt  }
0x67: {  	_ =	shalt  }
0x68: {  	_ =	shalt  }
0x69: {  	_ =	shalt  }
0x6a: {  	_ =	shalt  }
0x6b: {  	_ =	shalt  }
0x6c: {  	_ =	shalt  }
0x6d: {  	_ =	shalt  }
0x6e: {  	_ =	shalt  }
0x6f: {  	_ =	shalt  }
0x70: {  	_ =	shalt  }
0x71: {  	_ =	shalt  }
0x72: {  	_ =	shalt  }
0x73: {  	_ =	shalt  }
0x74: {  	_ =	shalt  }
0x75: {  	_ =	shalt  }
0x76: {  	_ =	shalt  }
0x77: {  	_ =	shalt  }
0x78: {  	_ =	shalt  }
0x79: {  	_ =	shalt  }
0x7a: {  	_ =	shalt  }
0x7b: {  	_ =	shalt  }
0x7c: {  	_ =	shalt  }
0x7d: {  	_ =	shalt  }
0x7e: {  	_ =	shalt  }
0x7f: {  	_ =	shalt  }
0x80: {  	_ =	shalt  }
0x81: {  	_ =	shalt  }
0x82: {  	_ =	shalt  }
0x83: {  	_ =	shalt  }
0x84: {  	_ =	shalt  }
0x85: {  	_ =	shalt  }
0x86: {  	_ =	shalt  }
0x87: {  	_ =	shalt  }
.Lfunc_end0:
.L_simem_size_0:
called_computation_lowered:
.L_overlay_start_0:
0x88: {  	s2 =	sld [smem:$0x3FD9]  }
0x89: {  	s3 =	sld [smem:$0x3FFE];
	_ =	sdelay $0x1  }
0x8a: {  	s1 =	srdreg.scid  }
0x8b: {  	s0 =	sand.u32 $0x1, s1  }
0x8c: {  	s17 =	sshll.u32 s0, $0xA;
	s2 =	sadd.s32 s3, s2  }
0x8d: {  	s2 =	sadd.s32 s2, s17  }
0x8e: {  	[smem:$0x3FBE] =	sst s2  }
0x8f: {  	_ = 	snop  }
0x90: {  	s2 =	sld [smem:$0x3FD0];
	(tm) =	ssettm $0x1  }
0x91: {  	s18 =	sld [smem:$0x3FFB];
	_ =	sdelay $0x3  }
0x92: {  	_ =	strace s18  }
0x93: {  	s3 =	sld [smem:$0x3FFC];
	_ =	sdelay $0x3  }
0x94: {  	_ =	strace s3  }
0x95: {  	s3 =	sld [smem:$0x3FFD];
	_ =	sdelay $0x3  }
0x96: {  	_ =	strace s3  }
0x97: {  	_ =	strace $0x8FFFFFFF  }
0x98: {  	s19 =	sld [smem:$0x3FDB];
	_ =	sdelay $0x1  }
0x99: {  	s4 =	simm.s32 $_scs_section_size  }
0x9a: {  	s5 =	simm.s32 $_size__tile_overlayer_lowered;
	s6 =	simm.s32 $_tile_overlayer_lowered  }
0x9b: {  	s22 =	simm.s32 $0x1BFF;
	s21 =	sshll.u32 s6, $0x1;
	s3 =	sadd.s32 s4, s19  }
0x9c: {  	s7 =	simm.s32 $0x0;
	s20 =	sshll.u32 s5, $0x1;
	s5 =	sadd.s32 s21, s3  }
0x9d: {  	[timem:s7], [sflag:s22] =	dma.local [hbm:s5], s20  }
0x9e: {  	_ =	swait.ge [sflag:s22], s20  }
0x9f: {  	s4 =	ssub.s32 $0x0, s20;
	[sflag:s22] =	ssyncset.done $0x0  }
0xa0: {  	[sflag:s22] =	ssyncadd.s32 s4;
	_ =	sdelay $0x1  }
0xa1: {  	s23 =	simm.s32 $0x1B8B  }
0xa2: {  	_ =	swait.ge [sflag:s23], $0x1  }
0xa3: {  	[sflag:s23] =	ssyncset.done $0x0  }
0xa4: {  	s25 =	simm.s32 $0x1B8E;
	s24 =	sld [smem:$0x3FFE];
	[sflag:s23] =	ssyncadd.s32 $0xFFFFFFFF  }
0xa5: {  	s26 =	simm.s32 $execute0_lowered;
	[smem:$0x3FD2] =	sst s25  }
0xa6: {  	s5 =	sshll.u32 s26, $0x1;
	_ =	strace $0x80000046;
	[dreg:$0x1] =	wrdreg $0xFFFFFFFF  }
0xa7: {  	s28 =	simm.s32 $_size_execute0_lowered;
	s3 =	sadd.s32 s3, s5;
	[dreg:$0x0] =	wrdreg $0x0  }
0xa8: {  	s5 =	sshll.u32 s28, $0x1;
	[dreg:$0x2] =	wrdreg s3  }
0xa9: {  	[dreg:$0x3] =	wrdreg s5  }
0xaa: {  	[dreg:$0x4] =	wrdreg $0xC0  }
0xab: {  	_ =	task [dreg:s7], $0x5FFFF  }
0xac: {  	[dreg:$0x1] =	wrdreg $0xFFFFFFFF  }
0xad: {  	[dreg:$0x0] =	wrdreg $0x60  }
0xae: {  	[dreg:$0x2] =	wrdreg s24  }
0xaf: {  	[dreg:$0x3] =	wrdreg s2  }
0xb0: {  	[dreg:$0x4] =	wrdreg $0x28000  }
0xb1: {  	[dreg:$0x5] =	wrdreg $0x9  }
0xb2: {  	_ =	task.clear_ibuf [dreg:s7], $0x6FFFF;
	_ =	strace $0x90000046  }
0xb3: {  	s29 =	simm.s32 $0x9;
	_ =	strace $0x80000048  }
0xb4: {  	_ =	swait.ge [sflag:s29], $0x1  }
0xb5: {  	[sflag:s29] =	ssyncadd.s32 $0xFFFFFFFF  }
0xb6: {  	_ =	strace $0x90000048  }
0xb7: {  	_ =	sfence  }
0xb8: {  	s30 =	sld [smem:$0x0];
	_ =	sdelay $0x2  }
0xb9: {  	s31 =	sshll.u32 s1, $0xD;
	s1 =	sshrl.u32 s1, $0x2  }
0xba: {  	s3 =	sand.u32 $0x4000, s31;
	s1 =	sadd.s32 s1, s30  }
0xbb: {  	s0 =	sor.u32 s3, s0;
	s1 =	sshll.u32 s1, $0x11  }
0xbc: {  	s0 =	sor.u32 s1, s0  }
0xbd: {  	s0 =	sadd.s32 $0x8F2B, s0  }
0xbe: {  	[sflag:s0] =	ssyncadd.remote.s32 $0x1  }
0xbf: {  	_ =	sfence.sel $0xFFFF  }
0xc0: {  	[dreg:$0x0] =	wrdreg $0xFFFFFFFF;
	(pc) =	sbr.abs _section_cstart, $3  }
0xc1: {  	[dreg:$0x1] =	wrdreg $0xFFFFFFFF  }
0xc2: {  	_ =	task.clear_ibuf [dreg:s7], $0x2FFFF;
	_ =	strace $0x9FFFFFFF  }
0xc3: {  	(tm) =	ssettm $0x7FFFFFFF  }
tec
execute0_lowered:
.L_overlay_start_1:
0x0: {  	(tag) =	ssettag $0x1  }
0x1: {  	s0 =	srdreg.scid;
	s6 =	rddreg [dreg:$0x0]  }
0x2: {  	s13 =	stileid.u32;
	s10 =	rddreg [dreg:$0x1]  }
0x3: {  	s2 =	rddreg [dreg:$0x2];
	s3 =	simm.s32 $0x0;
	s14 =	simm.s32 $0x2780  }
0x4: {  	s15 =	simm.s32 $0x80;
	s22 =	simm.s32 $0x1;
	s28 =	simm.s32 $0x6  }
0x5: {  	s29 =	simm.s32 $0x7;
	s30 =	simm.s32 $0x8;
	s31 =	simm.s32 $0x0  }
0x6: {  	s0 =	sand.u32 $0x1, s0;
	[smem:$0x7FF] =	sst s3;
	s7 =	smul.u32 $0x280, s13  }
0x7: {  	s23 =	sadd.s32 $0x15C00, s6;
	s26 =	sshll.u32 s13, $0x6;
	s1 =	sshll.u32 s0, $0x4  }
0x8: {  	_ =	strace $0x80000047;
	s8 =	ssub.s32 $0x2, s0;
	[dreg:$0x4] =	wrdreg s23  }
0x9: {  	s0 =	smul.u32 $0x2800, s0;
	s23 =	simm.s32 $0x2;
	s1 =	sor.u32 s13, s1  }
0xa: {  	s11 =	sshrl.u32 s7, $0x3;
	s12 =	sshrl.u32 s8, $0x1;
	s25 =	sadd.s32 s7, s2  }
0xb: {  	s13 =	simm.s32 $0x9;
	s4 =	smul.u32 $0x4E, s1;
	s5 =	smin.u32 s1, $0x4  }
0xc: {  	p0 =	slt.u32 s1, $0x4;
	s24 =	ssub.s32 s8, s12;
	s0 =	sadd.s32 s7, s0  }
0xd: {  	s7 =	sor.u32 $0x1C09, s26;
	s12 =	sshrl.u32 s25, $0x3;
	s25 =	simm.s32 $0x4  }
0xe: {  	s26 =	simm.s32 $0x5;
	s0 =	sshrl.u32 s0, $0x3;
	s4 =	sadd.s32 s5, s4  }
0xf: {  	s5 =	simm.s32 $0x4F;
	s10 =	sadd.s32 s10, s0;
	s4 =	sshll.u32 s4, $0x4  }
0x10: {  	s5 =	simm.s32 @!p0 $0x4E;
	p0 =	sgt.u32 s1, $0x3;
	s9 =	sadd.s32 s4, s6  }
0x11: {  	s6 =	sadd.s32 s11, s6;
	s11 =	smax.u32 s24, $0x1;
	s24 =	simm.s32 $0x3  }
0x12: {  	s6 =	sadd.s32 $0x15600, s6;
	s8 =	sadd.s32 $0xB840, s9;
	s9 =	sadd.s32 $0xBD20, s9  }
.LBB2_1:
0x13: {  	[spmem:s12], [sflag:s7] =	dma.local [hbm:s6], $0x50  }
0x14: {  	_ =	swait.ge [sflag:s13], $0x50  }
0x15: {  	[sflag:s13] =	ssyncset.done $0x0  }
0x16: {  	s0 =	rddreg [dreg:$0x4];
	[sflag:s13] =	ssyncadd.s32 $0xFFFFFFB0  }
0x17: {  	[tilespmem:s14], [sflag:$0x9] =	stream.linear.gather [hbm4b:s0+s3], $0x80, $0x38;
	[tilespmem:$0x2A80] =	vst v63  }
0x18: {  	_ =	swait.ge [sflag:s13], $0x80  }
0x19: {  	[sflag:s13] =	ssyncset.done $0x0  }
0x1a: {  	[sflag:s13] =	ssyncadd.s32 $0xFFFFFF80  }
0x1b: {  	[tilespmem:s3], [sflag:$0x9] =	stream.linear.gather [hbm4b:s8+s3], $0x2700, $0x38;
	[tilespmem:$0x2A80] =	vst v63  }
0x1c: {  	_ =	swait.ge [sflag:s13], $0x2700  }
0x1d: {  	[sflag:s13] =	ssyncset.done $0x0  }
0x1e: {  	s1 =	simm.s32 @!p0 $0x2700;
	s0 =	simm.s32 @!p0 $0x0;
	[sflag:s13] =	ssyncadd.s32 $0xFFFFD900  }
0x1f: {  	[tilespmem:s1], [sflag:$0x9] =	stream.linear.gather @!p0 [hbm4b:s9+s0], $0x80, $0x38;
	[tilespmem:$0x2A80] =	vst v63  }
0x20: {  	s0 =	simm.s32 @!p0 $0x9  }
0x21: {  	_ =	swait.ge @!p0 [sflag:s0], $0x80  }
0x22: {  	[sflag:s0] =	ssyncset.done @!p0 $0x0  }
0x23: {  	[sflag:s0] =	ssyncadd.s32 @!p0 $0xFFFFFF80  }
0x24: {  	[bflag:$0x0] =	sbarrier.arrive $0xFFFF  }
0x25: {  	[spmem:s2] =	stream.indirect.scatter.add.f32 [tilespmem:s14], [sflag:$0x1], $0x1, s3, s15, $0xb8;
	[tilespmem:$0x2A80] =	vst v63  }
0x26: {  	_ = 	snop  }
0x27: {  	[spmem:s2] =	stream.indirect.scatter.add.f32 [tilespmem:s14], [sflag:$0x2], $0x1, s15, s15, $0xb8;
	[tilespmem:$0x2A80] =	vst v63  }
0x28: {  	s16 =	simm.s32 $0x100  }
0x29: {  	[spmem:s2] =	stream.indirect.scatter.add.f32 [tilespmem:s14], [sflag:$0x3], $0x1, s16, s15, $0xb8;
	[tilespmem:$0x2A80] =	vst v63  }
0x2a: {  	s17 =	simm.s32 $0x180  }
0x2b: {  	[spmem:s2] =	stream.indirect.scatter.add.f32 [tilespmem:s14], [sflag:$0x4], $0x1, s17, s15, $0xb8;
	[tilespmem:$0x2A80] =	vst v63  }
0x2c: {  	s18 =	simm.s32 $0x200  }
0x2d: {  	[spmem:s2] =	stream.indirect.scatter.add.f32 [tilespmem:s14], [sflag:$0x5], $0x1, s18, s15, $0xb8;
	[tilespmem:$0x2A80] =	vst v63  }
0x2e: {  	s19 =	simm.s32 $0x280  }
0x2f: {  	[spmem:s2] =	stream.indirect.scatter.add.f32 [tilespmem:s14], [sflag:$0x6], $0x1, s19, s15, $0xb8;
	[tilespmem:$0x2A80] =	vst v63  }
0x30: {  	s20 =	simm.s32 $0x300;
	p1 =	sle.u32 s5, $0x8  }
0x31: {  	[spmem:s2] =	stream.indirect.scatter.add.f32 [tilespmem:s14], [sflag:$0x7], $0x1, s20, s15, $0xb8;
	[tilespmem:$0x2A80] =	vst v63  }
0x32: {  	s21 =	simm.s32 $0x380;
	s1 =	simm.s32 @!p1 $0x1  }
0x33: {  	[spmem:s2] =	stream.indirect.scatter.add.f32 [tilespmem:s14], [sflag:$0x8], $0x1, s21, s15, $0xb8;
	[tilespmem:$0x2A80] =	vst v63  }
0x34: {  	p2 =	sle.u32 s5, $0x9;
	_ =	swait.ge @!p1 [sflag:s1], $0x80  }
0x35: {  	s0 =	simm.s32 $0x400;
	s16 =	simm.s32 @!p1 $0x80;
	[sflag:s1] =	ssyncset.done @!p1 $0x0  }
0x36: {  	s17 =	simm.s32 @!p2 $0x2;
	[sflag:s1] =	ssyncadd.s32 @!p1 $0xFFFFFF80;
	s1 =	simm.s32 @!p1 $0x2780  }
0x37: {  	[spmem:s2] =	stream.indirect.scatter.add.f32 @!p1 [tilespmem:s1], [sflag:$0x1], $0x1, s0, s16, $0xb8;
	[tilespmem:$0x2A80] =	vst v63  }
0x38: {  	s1 =	simm.s32 @!p2 $0x2780;
	_ =	swait.ge @!p2 [sflag:s17], $0x80  }
0x39: {  	s16 =	simm.s32 @!p2 $0x480;
	p1 =	sle.u32 s5, $0xA;
	[sflag:s17] =	ssyncset.done @!p2 $0x0  }
0x3a: {  	s18 =	simm.s32 @!p1 $0x3;
	[sflag:s17] =	ssyncadd.s32 @!p2 $0xFFFFFF80;
	s17 =	simm.s32 @!p2 $0x80  }
0x3b: {  	[spmem:s2] =	stream.indirect.scatter.add.f32 @!p2 [tilespmem:s1], [sflag:$0x2], $0x1, s16, s17, $0xb8;
	[tilespmem:$0x2A80] =	vst v63  }
0x3c: {  	s1 =	simm.s32 @!p1 $0x2780;
	_ =	swait.ge @!p1 [sflag:s18], $0x80  }
0x3d: {  	s16 =	simm.s32 @!p1 $0x500;
	p2 =	sle.u32 s5, $0xB;
	[sflag:s18] =	ssyncset.done @!p1 $0x0  }
0x3e: {  	s17 =	simm.s32 @!p1 $0x80;
	[sflag:s18] =	ssyncadd.s32 @!p1 $0xFFFFFF80;
	s18 =	simm.s32 @!p2 $0x4  }
0x3f: {  	[spmem:s2] =	stream.indirect.scatter.add.f32 @!p1 [tilespmem:s1], [sflag:$0x3], $0x1, s16, s17, $0xb8;
	[tilespmem:$0x2A80] =	vst v63  }
0x40: {  	s1 =	simm.s32 @!p2 $0x2780;
	_ =	swait.ge @!p2 [sflag:s18], $0x80  }
0x41: {  	s16 =	simm.s32 @!p2 $0x580;
	p1 =	sle.u32 s5, $0xC;
	[sflag:s18] =	ssyncset.done @!p2 $0x0  }
0x42: {  	s17 =	simm.s32 @!p2 $0x80;
	[sflag:s18] =	ssyncadd.s32 @!p2 $0xFFFFFF80;
	s18 =	simm.s32 @!p1 $0x5  }
0x43: {  	[spmem:s2] =	stream.indirect.scatter.add.f32 @!p2 [tilespmem:s1], [sflag:$0x4], $0x1, s16, s17, $0xb8;
	[tilespmem:$0x2A80] =	vst v63  }
0x44: {  	s1 =	simm.s32 @!p1 $0x2780;
	_ =	swait.ge @!p1 [sflag:s18], $0x80  }
0x45: {  	s16 =	simm.s32 @!p1 $0x600;
	p2 =	sle.u32 s5, $0xD;
	[sflag:s18] =	ssyncset.done @!p1 $0x0  }
0x46: {  	s17 =	simm.s32 @!p1 $0x80;
	[sflag:s18] =	ssyncadd.s32 @!p1 $0xFFFFFF80;
	s18 =	simm.s32 @!p2 $0x6  }
0x47: {  	[spmem:s2] =	stream.indirect.scatter.add.f32 @!p1 [tilespmem:s1], [sflag:$0x5], $0x1, s16, s17, $0xb8;
	[tilespmem:$0x2A80] =	vst v63  }
0x48: {  	s1 =	simm.s32 @!p2 $0x2780;
	_ =	swait.ge @!p2 [sflag:s18], $0x80  }
0x49: {  	s16 =	simm.s32 @!p2 $0x680;
	p1 =	sle.u32 s5, $0xE;
	[sflag:s18] =	ssyncset.done @!p2 $0x0  }
0x4a: {  	s17 =	simm.s32 @!p2 $0x80;
	[sflag:s18] =	ssyncadd.s32 @!p2 $0xFFFFFF80;
	s18 =	simm.s32 @!p1 $0x7  }
0x4b: {  	[spmem:s2] =	stream.indirect.scatter.add.f32 @!p2 [tilespmem:s1], [sflag:$0x6], $0x1, s16, s17, $0xb8;
	[tilespmem:$0x2A80] =	vst v63  }
0x4c: {  	s1 =	simm.s32 @!p1 $0x2780;
	_ =	swait.ge @!p1 [sflag:s18], $0x80  }
0x4d: {  	p2 =	sle.u32 s5, $0xF;
	s16 =	simm.s32 @!p1 $0x700;
	[sflag:s18] =	ssyncset.done @!p1 $0x0  }
0x4e: {  	s17 =	simm.s32 @!p1 $0x80;
	s20 =	simm.s32 @!p2 $0x8;
	[sflag:s18] =	ssyncadd.s32 @!p1 $0xFFFFFF80  }
0x4f: {  	[spmem:s2] =	stream.indirect.scatter.add.f32 @!p1 [tilespmem:s1], [sflag:$0x7], $0x1, s16, s17, $0xb8;
	[tilespmem:$0x2A80] =	vst v63  }
0x50: {  	s19 =	simm.s32 @!p2 $0x2780;
	s16 =	simm.s32 $0x17;
	_ =	swait.ge @!p2 [sflag:s20], $0x80  }
0x51: {  	s17 =	simm.s32 $0x1F;
	s1 =	simm.s32 $0x800;
	[sflag:s20] =	ssyncset.done @!p2 $0x0  }
.LBB2_2:
0x52: {  	s21 =	sadd.s32 $0xFFFFFFF9, s16  }
0x53: {  	[sflag:s20] =	ssyncadd.s32 @!p2 $0xFFFFFF80;
	s18 =	smov.u32 s17;
	s17 =	sadd.s32 $0x8, s17  }
0x54: {  	s20 =	sadd.s32 @!p2 $0x380, s0;
	p3 =	sge.u32 s21, s5;
	s21 =	simm.s32 @!p2 $0x80  }
0x55: {  	s0 =	smov.u32 s1;
	p1 =	sne.s32 s17, $0x5F;
	s4 =	simm.s32 @!p3 $0x1  }
0x56: {  	[spmem:s2] =	stream.indirect.scatter.add.f32 @!p2 [tilespmem:s19], [sflag:$0x8], $0x1, s20, s21, $0xb8;
	[tilespmem:$0x2A80] =	vst v63  }
0x57: {  	s19 =	sadd.s32 $0xFFFFFFFA, s16;
	_ =	swait.ge @!p3 [sflag:s4], $0x80  }
0x58: {  	s20 =	simm.s32 @!p3 $0x80;
	p2 =	sge.u32 s19, s5;
	[sflag:s4] =	ssyncset.done @!p3 $0x0  }
0x59: {  	s19 =	simm.s32 @!p2 $0x2;
	[sflag:s4] =	ssyncadd.s32 @!p3 $0xFFFFFF80;
	s4 =	simm.s32 @!p3 $0x2780  }
0x5a: {  	[spmem:s2] =	stream.indirect.scatter.add.f32 @!p3 [tilespmem:s4], [sflag:$0x1], $0x1, s1, s20, $0xb8;
	[tilespmem:$0x2A80] =	vst v63  }
0x5b: {  	s4 =	simm.s32 @!p2 $0x2780;
	s20 =	sadd.s32 $0xFFFFFFFB, s16;
	_ =	swait.ge @!p2 [sflag:s19], $0x80  }
0x5c: {  	s21 =	sadd.s32 @!p2 $0x80, s1;
	p3 =	sge.u32 s20, s5;
	[sflag:s19] =	ssyncset.done @!p2 $0x0  }
0x5d: {  	s20 =	simm.s32 @!p3 $0x3;
	[sflag:s19] =	ssyncadd.s32 @!p2 $0xFFFFFF80;
	s19 =	simm.s32 @!p2 $0x80  }
0x5e: {  	[spmem:s2] =	stream.indirect.scatter.add.f32 @!p2 [tilespmem:s4], [sflag:$0x2], $0x1, s21, s19, $0xb8;
	[tilespmem:$0x2A80] =	vst v63  }
0x5f: {  	s4 =	simm.s32 @!p3 $0x2780;
	s19 =	sadd.s32 $0xFFFFFFFC, s16;
	_ =	swait.ge @!p3 [sflag:s20], $0x80  }
0x60: {  	s21 =	sadd.s32 @!p3 $0x100, s1;
	p2 =	sge.u32 s19, s5;
	[sflag:s20] =	ssyncset.done @!p3 $0x0  }
0x61: {  	s19 =	simm.s32 @!p3 $0x80;
	[sflag:s20] =	ssyncadd.s32 @!p3 $0xFFFFFF80;
	s20 =	simm.s32 @!p2 $0x4  }
0x62: {  	[spmem:s2] =	stream.indirect.scatter.add.f32 @!p3 [tilespmem:s4], [sflag:$0x3], $0x1, s21, s19, $0xb8;
	[tilespmem:$0x2A80] =	vst v63  }
0x63: {  	s4 =	simm.s32 @!p2 $0x2780;
	s19 =	sadd.s32 $0xFFFFFFFD, s16;
	_ =	swait.ge @!p2 [sflag:s20], $0x80  }
0x64: {  	s21 =	sadd.s32 @!p2 $0x180, s1;
	p3 =	sge.u32 s19, s5;
	[sflag:s20] =	ssyncset.done @!p2 $0x0  }
0x65: {  	s19 =	simm.s32 @!p2 $0x80;
	[sflag:s20] =	ssyncadd.s32 @!p2 $0xFFFFFF80;
	s20 =	simm.s32 @!p3 $0x5  }
0x66: {  	[spmem:s2] =	stream.indirect.scatter.add.f32 @!p2 [tilespmem:s4], [sflag:$0x4], $0x1, s21, s19, $0xb8;
	[tilespmem:$0x2A80] =	vst v63  }
0x67: {  	s4 =	simm.s32 @!p3 $0x2780;
	s19 =	sadd.s32 $0xFFFFFFFE, s16;
	_ =	swait.ge @!p3 [sflag:s20], $0x80  }
0x68: {  	s21 =	sadd.s32 @!p3 $0x200, s1;
	p2 =	sge.u32 s19, s5;
	[sflag:s20] =	ssyncset.done @!p3 $0x0  }
0x69: {  	s19 =	simm.s32 @!p3 $0x80;
	[sflag:s20] =	ssyncadd.s32 @!p3 $0xFFFFFF80;
	s20 =	simm.s32 @!p2 $0x6  }
0x6a: {  	[spmem:s2] =	stream.indirect.scatter.add.f32 @!p3 [tilespmem:s4], [sflag:$0x5], $0x1, s21, s19, $0xb8;
	[tilespmem:$0x2A80] =	vst v63  }
0x6b: {  	s4 =	simm.s32 @!p2 $0x2780;
	s19 =	sadd.s32 $0xFFFFFFFF, s16;
	_ =	swait.ge @!p2 [sflag:s20], $0x80  }
0x6c: {  	s21 =	sadd.s32 @!p2 $0x280, s1;
	p3 =	sge.u32 s19, s5;
	[sflag:s20] =	ssyncset.done @!p2 $0x0  }
0x6d: {  	s19 =	simm.s32 @!p2 $0x80;
	[sflag:s20] =	ssyncadd.s32 @!p2 $0xFFFFFF80;
	s20 =	simm.s32 @!p3 $0x7  }
0x6e: {  	[spmem:s2] =	stream.indirect.scatter.add.f32 @!p2 [tilespmem:s4], [sflag:$0x6], $0x1, s21, s19, $0xb8;
	[tilespmem:$0x2A80] =	vst v63  }
0x6f: {  	s4 =	simm.s32 @!p3 $0x2780  }
0x70: {  	p2 =	sge.u32 s16, s5;
	s19 =	sadd.s32 @!p3 $0x300, s1;
	_ =	swait.ge @!p3 [sflag:s20], $0x80  }
.Ltmp0:
0x71: {  	s21 =	simm.s32 @!p3 $0x80;
	[sflag:s20] =	ssyncset.done @!p3 $0x0;
	(pc) =	sbr.rel @p1 .LBB2_2-.Ltmp0, $4  }
0x72: {  	s16 =	smov.u32 s18;
	[sflag:s20] =	ssyncadd.s32 @!p3 $0xFFFFFF80;
	s20 =	simm.s32 @!p2 $0x8  }
0x73: {  	[spmem:s2] =	stream.indirect.scatter.add.f32 @!p3 [tilespmem:s4], [sflag:$0x7], $0x1, s19, s21, $0xb8;
	[tilespmem:$0x2A80] =	vst v63  }
0x74: {  	_ =	swait.ge @!p2 [sflag:s20], $0x80  }
0x75: {  	s1 =	sadd.s32 $0x400, s1;
	s19 =	simm.s32 @!p2 $0x2780;
	[sflag:s20] =	ssyncset.done @!p2 $0x0  }
0x76: {  	s4 =	sadd.s32 $0xFFFFFFF9, s16  }
0x77: {  	[sflag:s20] =	ssyncadd.s32 @!p2 $0xFFFFFF80;
	p1 =	sge.u32 s4, s5  }
0x78: {  	s0 =	sadd.s32 @!p2 $0x380, s0;
	s4 =	simm.s32 @!p2 $0x80;
	s17 =	simm.s32 @!p1 $0x1  }
0x79: {  	[spmem:s2] =	stream.indirect.scatter.add.f32 @!p2 [tilespmem:s19], [sflag:$0x8], $0x1, s0, s4, $0xb8;
	[tilespmem:$0x2A80] =	vst v63  }
0x7a: {  	s19 =	sadd.s32 $0xFFFFFFFA, s16;
	_ =	swait.ge @!p1 [sflag:s17], $0x80  }
0x7b: {  	s4 =	simm.s32 @!p1 $0x80;
	p2 =	sge.u32 s19, s5;
	[sflag:s17] =	ssyncset.done @!p1 $0x0  }
0x7c: {  	s0 =	simm.s32 @!p1 $0x2780;
	[sflag:s17] =	ssyncadd.s32 @!p1 $0xFFFFFF80;
	s17 =	simm.s32 @!p2 $0x2  }
0x7d: {  	[spmem:s2] =	stream.indirect.scatter.add.f32 @!p1 [tilespmem:s0], [sflag:$0x1], $0x1, s1, s4, $0xb8;
	[tilespmem:$0x2A80] =	vst v63  }
0x7e: {  	s20 =	sadd.s32 $0xFFFFFFFB, s16;
	s18 =	sadd.s32 @!p2 $0x80, s1;
	_ =	swait.ge @!p2 [sflag:s17], $0x80  }
0x7f: {  	s0 =	simm.s32 @!p2 $0x2780;
	p1 =	sge.u32 s20, s5;
	[sflag:s17] =	ssyncset.done @!p2 $0x0  }
0x80: {  	s4 =	simm.s32 @!p2 $0x80;
	[sflag:s17] =	ssyncadd.s32 @!p2 $0xFFFFFF80;
	s17 =	simm.s32 @!p1 $0x3  }
0x81: {  	[spmem:s2] =	stream.indirect.scatter.add.f32 @!p2 [tilespmem:s0], [sflag:$0x2], $0x1, s18, s4, $0xb8;
	[tilespmem:$0x2A80] =	vst v63  }
0x82: {  	s21 =	sadd.s32 $0xFFFFFFFC, s16;
	s0 =	simm.s32 @!p1 $0x2780;
	_ =	swait.ge @!p1 [sflag:s17], $0x80  }
0x83: {  	s18 =	sadd.s32 @!p1 $0x100, s1;
	p2 =	sge.u32 s21, s5;
	[sflag:s17] =	ssyncset.done @!p1 $0x0  }
0x84: {  	s4 =	simm.s32 @!p1 $0x80;
	[sflag:s17] =	ssyncadd.s32 @!p1 $0xFFFFFF80;
	s17 =	simm.s32 @!p2 $0x4  }
0x85: {  	[spmem:s2] =	stream.indirect.scatter.add.f32 @!p1 [tilespmem:s0], [sflag:$0x3], $0x1, s18, s4, $0xb8;
	[tilespmem:$0x2A80] =	vst v63  }
0x86: {  	s19 =	sadd.s32 $0xFFFFFFFD, s16;
	s0 =	simm.s32 @!p2 $0x2780;
	_ =	swait.ge @!p2 [sflag:s17], $0x80  }
0x87: {  	s18 =	sadd.s32 @!p2 $0x180, s1;
	p1 =	sge.u32 s19, s5;
	[sflag:s17] =	ssyncset.done @!p2 $0x0  }
0x88: {  	s4 =	simm.s32 @!p2 $0x80;
	[sflag:s17] =	ssyncadd.s32 @!p2 $0xFFFFFF80;
	s17 =	simm.s32 @!p1 $0x5  }
0x89: {  	[spmem:s2] =	stream.indirect.scatter.add.f32 @!p2 [tilespmem:s0], [sflag:$0x4], $0x1, s18, s4, $0xb8;
	[tilespmem:$0x2A80] =	vst v63  }
0x8a: {  	s20 =	sadd.s32 $0xFFFFFFFE, s16;
	s0 =	simm.s32 @!p1 $0x2780;
	_ =	swait.ge @!p1 [sflag:s17], $0x80  }
0x8b: {  	s18 =	sadd.s32 @!p1 $0x200, s1;
	p2 =	sge.u32 s20, s5;
	[sflag:s17] =	ssyncset.done @!p1 $0x0  }
0x8c: {  	s4 =	simm.s32 @!p1 $0x80;
	[sflag:s17] =	ssyncadd.s32 @!p1 $0xFFFFFF80;
	s17 =	simm.s32 @!p2 $0x6  }
0x8d: {  	[spmem:s2] =	stream.indirect.scatter.add.f32 @!p1 [tilespmem:s0], [sflag:$0x5], $0x1, s18, s4, $0xb8;
	[tilespmem:$0x2A80] =	vst v63  }
0x8e: {  	s21 =	sadd.s32 $0xFFFFFFFF, s16;
	s0 =	simm.s32 @!p2 $0x2780;
	_ =	swait.ge @!p2 [sflag:s17], $0x80  }
0x8f: {  	s18 =	sadd.s32 @!p2 $0x280, s1;
	p1 =	sge.u32 s21, s5;
	[sflag:s17] =	ssyncset.done @!p2 $0x0  }
0x90: {  	s4 =	simm.s32 @!p2 $0x80;
	[sflag:s17] =	ssyncadd.s32 @!p2 $0xFFFFFF80;
	s17 =	simm.s32 @!p1 $0x7  }
0x91: {  	[spmem:s2] =	stream.indirect.scatter.add.f32 @!p2 [tilespmem:s0], [sflag:$0x6], $0x1, s18, s4, $0xb8;
	[tilespmem:$0x2A80] =	vst v63  }
0x92: {  	s0 =	simm.s32 @!p1 $0x2780;
	_ =	swait.ge @!p1 [sflag:s17], $0x80  }
0x93: {  	p2 =	sge.u32 s16, s5;
	s4 =	sadd.s32 @!p1 $0x300, s1;
	[sflag:s17] =	ssyncset.done @!p1 $0x0  }
0x94: {  	s16 =	simm.s32 @!p1 $0x80;
	[sflag:s17] =	ssyncadd.s32 @!p1 $0xFFFFFF80;
	s17 =	simm.s32 @!p2 $0x8  }
0x95: {  	[spmem:s2] =	stream.indirect.scatter.add.f32 @!p1 [tilespmem:s0], [sflag:$0x7], $0x1, s4, s16, $0xb8;
	[tilespmem:$0x2A80] =	vst v63  }
0x96: {  	_ =	swait.ge @!p2 [sflag:s17], $0x80  }
0x97: {  	s1 =	sadd.s32 @!p2 $0x380, s1;
	[sflag:s17] =	ssyncset.done @!p2 $0x0  }
0x98: {  	s0 =	simm.s32 @!p2 $0x2780;
	s4 =	simm.s32 @!p2 $0x80;
	[sflag:s17] =	ssyncadd.s32 @!p2 $0xFFFFFF80  }
0x99: {  	[spmem:s2] =	stream.indirect.scatter.add.f32 @!p2 [tilespmem:s0], [sflag:$0x8], $0x1, s1, s4, $0xb8;
	[tilespmem:$0x2A80] =	vst v63  }
0x9a: {  	_ =	swait.ge [sflag:s22], $0x80  }
0x9b: {  	[sflag:s22] =	ssyncset.done $0x0  }
0x9c: {  	[sflag:s22] =	ssyncadd.s32 $0xFFFFFF80  }
0x9d: {  	_ =	swait.ge [sflag:s23], $0x80  }
0x9e: {  	[sflag:s23] =	ssyncset.done $0x0  }
0x9f: {  	[sflag:s23] =	ssyncadd.s32 $0xFFFFFF80  }
0xa0: {  	_ =	swait.ge [sflag:s24], $0x80  }
0xa1: {  	[sflag:s24] =	ssyncset.done $0x0  }
0xa2: {  	[sflag:s24] =	ssyncadd.s32 $0xFFFFFF80  }
0xa3: {  	_ =	swait.ge [sflag:s25], $0x80  }
0xa4: {  	[sflag:s25] =	ssyncset.done $0x0  }
0xa5: {  	[sflag:s25] =	ssyncadd.s32 $0xFFFFFF80  }
0xa6: {  	_ =	swait.ge [sflag:s26], $0x80  }
0xa7: {  	[sflag:s26] =	ssyncset.done $0x0  }
0xa8: {  	[sflag:s26] =	ssyncadd.s32 $0xFFFFFF80  }
0xa9: {  	_ =	swait.ge [sflag:s28], $0x80  }
0xaa: {  	[sflag:s28] =	ssyncset.done $0x0  }
0xab: {  	[sflag:s28] =	ssyncadd.s32 $0xFFFFFF80  }
0xac: {  	_ =	swait.ge [sflag:s29], $0x80  }
0xad: {  	[sflag:s29] =	ssyncset.done $0x0  }
0xae: {  	[sflag:s29] =	ssyncadd.s32 $0xFFFFFF80  }
0xaf: {  	_ =	swait.ge [sflag:s30], $0x80  }
0xb0: {  	s31 =	sadd.s32 $0x1, s31;
	[sflag:s30] =	ssyncset.done $0x0  }
0xb1: {  	p1 =	sne.s32 s31, s11;
	[sflag:s30] =	ssyncadd.s32 $0xFFFFFF80  }
.Ltmp1:
0xb2: {  	[bflag:$0x0] =	sbarrier.arrive $0xFFFF;
	(pc) =	sbr.rel @p1 .LBB2_1-.Ltmp1, $4  }
0xb3: {  	[hbm:s10], [sflag:s7] =	dma.local [spmem:s12], $0x50  }
0xb4: {  	_ =	swait.ge [sflag:s13], $0x50  }
0xb5: {  	[sflag:s13] =	ssyncset.done $0x0  }
0xb6: {  	[sflag:s13] =	ssyncadd.s32 $0xFFFFFFB0  }
0xb7: {  	_ =	sfence.sel $0x180000  }
0xb8: {  	[bflag:$0x0] =	sbarrier.arrive $0xFFFF  }
0xb9: {  	_ =	strace $0x90000047  }
0xba: {  	s0 =	stileid.u32;
	[bflag:$0x2] =	sbarrier.arrive $0xFFFF  }
0xbb: {  	p0 =	sne.s32 s0, $0x0;
	s0 =	rddreg [dreg:$0x3]  }
0xbc: {  	s0 =	sadd.s32 @!p0 $0x100000, s0  }
0xbd: {  	[sflag:s0] =	ssyncadd.tile.s32 @!p0 $0x1;
	_ =	shalt  }
.Lfunc_end2:
_tile_overlayer_lowered:
.L_overlay_start_2:
0xbe: {  	(tag) =	ssettag $0x2  }
0xbf: {  	s0 =	rddreg [dreg:$0x0];
	s2 =	stileid.u32  }
0xc0: {  	s1 =	rddreg [dreg:$0x1];
	p0 =	sne.s32 s2, $0x0  }
0xc1: {  	s3 =	rddreg [dreg:$0x2];
	[bflag:$0x3] =	sbarrier.arrive $0xFFFF;
	s2 =	simm.s32 @!p0 $0x1C09  }
0xc2: {  	[timem:s3], [sflag:s2] =	dma.local @!p0 [hbm:s0], s1  }
0xc3: {  	s0 =	simm.s32 @!p0 $0x9  }
0xc4: {  	_ =	swait.ge @!p0 [sflag:s0], s1  }
0xc5: {  	s1 =	ssub.s32 @!p0 $0x0, s1;
	[sflag:s0] =	ssyncset.done @!p0 $0x0  }
0xc6: {  	[sflag:s0] =	ssyncadd.s32 @!p0 s1  }
0xc7: {  	[bflag:$0x3] =	sbarrier.arrive $0xFFFF  }
0xc8: {  	_ =	shalt  }

</sc_bundles>
